<compile_context>
chip_gen: v7x
topology: tpu7x:2x2x1
jax: 0.10.2.dev20260603
libtpu: 0.0.44.dev20260713+nightly
codegen_flags: <defaults>
</compile_context>

<pallas_src>
import dataclasses

import jax
import jax.numpy as jnp
from jax import lax
from jax.experimental import pallas as pl
from jax.experimental.pallas import tpu as pltpu
from jax.experimental.pallas import tpu_sc as plsc

_NC = 2
_NS = 16
_NW = _NC * _NS
_K = 128
_L = 16
_W = 8192


def _repack(table_t, vocab, dim):
    pack = 128 // dim
    w4 = _W // pack
    nblk = pl.cdiv(vocab, _W)

    def body(in_ref, out_ref):
        y = in_ref[...].T
        out_ref[...] = jnp.concatenate(
            [y[a * w4:(a + 1) * w4, :] for a in range(pack)], axis=1
        )

    return pl.pallas_call(
        body,
        grid=(nblk,),
        in_specs=[pl.BlockSpec((dim, _W), lambda i: (0, i))],
        out_specs=pl.BlockSpec((w4, dim * pack), lambda i: (i, 0)),
        out_shape=jax.ShapeDtypeStruct((nblk * w4, dim * pack),
                                       jnp.float32),
    )(table_t)


def kernel(indexes, table):
    num_indices = indexes.shape[0]
    vocab, dim = table.shape
    pack = 128 // dim
    b_per_w = num_indices // _NW
    nchunk = b_per_w // _K

    w4 = _W // pack
    idx = indexes.astype(jnp.int32)
    p = idx % _W
    idx4 = ((idx // _W) * w4 + p % w4).reshape(_NW * nchunk, _K)
    colb = ((p // w4) * dim).reshape(_NW, b_per_w)

    mesh = plsc.VectorSubcoreMesh(core_axis_name="c", subcore_axis_name="s")
    cp = pltpu.CompilerParams()
    if "needs_layout_passes" in pltpu.CompilerParams.__dataclass_fields__:
        cp = dataclasses.replace(cp, needs_layout_passes=False)

    @jax.jit
    def run(table_arr, idx4_arr, colb_arr):
        table2 = _repack(table_arr.T, vocab, dim)

        @pl.kernel(
            out_type=jax.ShapeDtypeStruct((num_indices, dim), table.dtype),
            mesh=mesh,
            compiler_params=cp,
            scratch_types=[
                pltpu.VMEM((nchunk, _K), jnp.int32),
                pltpu.VMEM((b_per_w,), jnp.int32),
                pltpu.VMEM((2, _K, dim * pack), jnp.float32),
                pltpu.VMEM((2, _K, dim), jnp.float32),
                pltpu.SemaphoreType.DMA,
                pltpu.SemaphoreType.DMA,
                pltpu.SemaphoreType.DMA,
                pltpu.SemaphoreType.DMA,
                pltpu.SemaphoreType.DMA,
            ],
        )
        def gather_kernel(
            table_hbm, idx4_hbm, colb_hbm, out_hbm,
            idx4_v, colb_v, rows_v, out_v, isem, gsem0, gsem1, wsem0, wsem1,
        ):
            wid = lax.axis_index("s") * _NC + lax.axis_index("c")
            pltpu.async_copy(
                idx4_hbm.at[pl.ds(wid * nchunk, nchunk)], idx4_v, isem
            )
            pltpu.async_copy(colb_hbm.at[wid], colb_v, isem)
            pltpu.make_async_copy(
                idx4_hbm.at[pl.ds(0, nchunk)], idx4_v, isem
            ).wait()
            pltpu.make_async_copy(colb_hbm.at[0], colb_v, isem).wait()

            gsems = (gsem0, gsem1)
            wsems = (wsem0, wsem1)
            iota = lax.iota(jnp.int32, _L)

            def fire_gather(j):
                return pltpu.async_copy(
                    table_hbm.at[idx4_v.at[j]],
                    rows_v.at[j % 2],
                    gsems[j % 2],
                )

            def select(j):
                rows_j = rows_v.at[j % 2]
                out_j = out_v.at[j % 2]

                @pl.loop(0, _K // _L)
                def _(b):
                    base = b * _L
                    rowv = iota + base
                    rem16 = colb_v[pl.ds(j * _K + base, _L)]
                    for c in range(dim):
                        vals = plsc.load_gather(rows_j, [rowv, rem16 + c])
                        plsc.store_scatter(
                            out_j,
                            [rowv, jnp.full((_L,), c, jnp.int32)],
                            vals,
                        )

            gathers = [fire_gather(0), fire_gather(1)]
            writes = []
            for j in range(nchunk):
                if j >= 2:
                    writes[j - 2].wait()
                gathers[j].wait()
                select(j)
                if j + 2 < nchunk:
                    gathers.append(fire_gather(j + 2))
                writes.append(
                    pltpu.async_copy(
                        out_v.at[j % 2],
                        out_hbm.at[pl.ds(wid * b_per_w + j * _K, _K)],
                        wsems[j % 2],
                    )
                )
            writes[-2].wait()
            writes[-1].wait()

        return gather_kernel(table2, idx4_arr, colb_arr)

    return run(table, idx4, colb)

# --- scband reference (transcript-rebuilt; emitter-appended) ---
"""Pipeline reference for scband-sentence2-mat-54657753808905 (READ-ONLY COPY).

The authoritative reference and input builder live on the scoring server;
editing this copy changes nothing except your own understanding.
"""

import jax, jax.numpy as jnp
import numpy as np

VOCAB = 1000000
DIM = 32
NUM_TOKENS = 16384


def setup_inputs(seed: int = 0) -> dict:
    key = jax.random.key(seed)
    k1, k2 = jax.random.split(key)
    # The original forward maps words -> indices via a python dict; the numeric
    # work is the LongTensor of indexes feeding nn.Embedding. We materialize
    # the indexes directly.
    indexes = jax.random.randint(k1, (NUM_TOKENS,), 0, VOCAB, dtype=jnp.int64)
    # nn.Embedding weight (len(word2index), word_vec_size)
    table = jax.random.normal(k2, (VOCAB, DIM), dtype=jnp.float32)
    return {"indexes": indexes, "table": table}


def reference(indexes, table):
    # self.index2vec(indexes) -> gather rows of the embedding table
    return jnp.take(table, indexes, axis=0)

if __name__ == "__main__":
    import jax
    _d = setup_inputs()
    print(jax.jit(kernel)(*tuple(_d.values())))

</pallas_src>

<mosaic_0001>
#map = affine_map<(d0, d1) -> (0, 0)>
module attributes {stable_mosaic.version = 14 : i64} {
  func.func @gather_kernel(%arg0: i32, %arg1: i32, %arg2: memref<251904x128xf32, #tpu.memory_space<hbm>>, %arg3: memref<128x128xi32, #tpu.memory_space<hbm>>, %arg4: memref<32x512xi32, #tpu.memory_space<hbm>>, %arg5: memref<16384x32xf32, #tpu.memory_space<hbm>>, %arg6: memref<4x128xi32, #tpu.memory_space<vmem>>, %arg7: memref<512xi32, #tpu.memory_space<vmem>>, %arg8: memref<2x128x128xf32, #tpu.memory_space<vmem>>, %arg9: memref<2x128x32xf32, #tpu.memory_space<vmem>>, %arg10: memref<!tpu.dma_semaphore, #tpu.memory_space<semaphore_mem>>, %arg11: memref<!tpu.dma_semaphore, #tpu.memory_space<semaphore_mem>>, %arg12: memref<!tpu.dma_semaphore, #tpu.memory_space<semaphore_mem>>, %arg13: memref<!tpu.dma_semaphore, #tpu.memory_space<semaphore_mem>>, %arg14: memref<!tpu.dma_semaphore, #tpu.memory_space<semaphore_mem>>) attributes {dimension_semantics = [#tpu.dimension_semantics<core_parallel>, #tpu.dimension_semantics<subcore_parallel>], iteration_bounds = array<i64: 2, 16>, scalar_prefetch = 0 : i64, scratch_operands = 9 : i64, tpu.core_type = #tpu.core_type<sc_vector_subcore>, window_params = [{transform_indices = #map}, {transform_indices = #map}, {transform_indices = #map}, {transform_indices = #map}]} {
    %mul3A = arith.constant 2 : i32
    %mul3A_0 = arith.muli %arg1, %mul3A : i32
    %add3A = arith.addi %mul3A_0, %arg0 : i32
    %mul3A_1 = arith.constant 4 : i32
    %mul3A_2 = arith.muli %add3A, %mul3A_1 : i32
    %dma_start3A = arith.constant 0 : i32
    %dma_start3A_3 = tpu.memref_slice %arg3[%mul3A_2, %dma_start3A] : memref<128x128xi32, #tpu.memory_space<hbm>> -> memref<4x128xi32, #tpu.memory_space<hbm>>
    %dma_start3A_4 = arith.constant 0 : i32
    %dma_start3A_5 = tpu.memref_slice %arg3[%mul3A_2, %dma_start3A_4] : memref<128x128xi32, #tpu.memory_space<hbm>> -> memref<4x128xi32, #tpu.memory_space<hbm>>
    tpu.enqueue_dma source(%dma_start3A_5 : memref<4x128xi32, #tpu.memory_space<hbm>>) target(%arg6 : memref<4x128xi32, #tpu.memory_space<vmem>>) target_semaphore(%arg10 : memref<!tpu.dma_semaphore, #tpu.memory_space<semaphore_mem>>)
    %dma_start3A_6 = arith.constant 0 : i32
    %dma_start3A_7 = tpu.memref_slice %arg4[%add3A, %dma_start3A_6] : memref<32x512xi32, #tpu.memory_space<hbm>> -> memref<1x512xi32, #tpu.memory_space<hbm>>
    %dma_start3A_8 = tpu.memref_squeeze %dma_start3A_7 : memref<1x512xi32, #tpu.memory_space<hbm>> -> memref<512xi32, #tpu.memory_space<hbm>>
    %dma_start3A_9 = arith.constant 0 : i32
    %dma_start3A_10 = tpu.memref_slice %arg4[%add3A, %dma_start3A_9] : memref<32x512xi32, #tpu.memory_space<hbm>> -> memref<1x512xi32, #tpu.memory_space<hbm>>
    %dma_start3A_11 = tpu.memref_squeeze %dma_start3A_10 : memref<1x512xi32, #tpu.memory_space<hbm>> -> memref<512xi32, #tpu.memory_space<hbm>>
    tpu.enqueue_dma source(%dma_start3A_11 : memref<512xi32, #tpu.memory_space<hbm>>) target(%arg7 : memref<512xi32, #tpu.memory_space<vmem>>) target_semaphore(%arg10 : memref<!tpu.dma_semaphore, #tpu.memory_space<semaphore_mem>>)
    %dma_wait3A = arith.constant 0 : i32
    %dma_wait3A_12 = arith.constant 0 : i32
    %dma_wait3A_13 = tpu.memref_slice %arg3[%dma_wait3A, %dma_wait3A_12] : memref<128x128xi32, #tpu.memory_space<hbm>> -> memref<4x128xi32, #tpu.memory_space<hbm>>
    %dma_wait3A_14 = arith.constant 0 : i32
    %dma_wait3A_15 = arith.constant 0 : i32
    %dma_wait3A_16 = tpu.memref_slice %arg3[%dma_wait3A_14, %dma_wait3A_15] : memref<128x128xi32, #tpu.memory_space<hbm>> -> memref<4x128xi32, #tpu.memory_space<hbm>>
    tpu.wait_dma2 semaphore(%arg10 : memref<!tpu.dma_semaphore, #tpu.memory_space<semaphore_mem>>) src(%dma_wait3A_16 : memref<4x128xi32, #tpu.memory_space<hbm>>) dst(%arg6 : memref<4x128xi32, #tpu.memory_space<vmem>>)
    %dma_wait3A_17 = arith.constant 0 : i32
    %dma_wait3A_18 = arith.constant 0 : i32
    %dma_wait3A_19 = tpu.memref_slice %arg4[%dma_wait3A_17, %dma_wait3A_18] : memref<32x512xi32, #tpu.memory_space<hbm>> -> memref<1x512xi32, #tpu.memory_space<hbm>>
    %dma_wait3A_20 = tpu.memref_squeeze %dma_wait3A_19 : memref<1x512xi32, #tpu.memory_space<hbm>> -> memref<512xi32, #tpu.memory_space<hbm>>
    %dma_wait3A_21 = arith.constant 0 : i32
    %dma_wait3A_22 = tpu.memref_slice %arg4[%dma_wait3A_17, %dma_wait3A_21] : memref<32x512xi32, #tpu.memory_space<hbm>> -> memref<1x512xi32, #tpu.memory_space<hbm>>
    %dma_wait3A_23 = tpu.memref_squeeze %dma_wait3A_22 : memref<1x512xi32, #tpu.memory_space<hbm>> -> memref<512xi32, #tpu.memory_space<hbm>>
    tpu.wait_dma2 semaphore(%arg10 : memref<!tpu.dma_semaphore, #tpu.memory_space<semaphore_mem>>) src(%dma_wait3A_23 : memref<512xi32, #tpu.memory_space<hbm>>) dst(%arg7 : memref<512xi32, #tpu.memory_space<vmem>>)
    %iota3A = tpu.iota {dimensions = array<i32: 0>} : vector<16xi32>
    %dma_start3A_24 = arith.constant 0 : i32
    %dma_start3A_25 = arith.constant 0 : i32
    %dma_start3A_26 = arith.constant 0 : i32
    %dma_start3A_27 = arith.constant 0 : i32
    %dma_start3A_28 = tpu.memref_slice %arg8[%dma_start3A_25, %dma_start3A_26, %dma_start3A_27] : memref<2x128x128xf32, #tpu.memory_space<vmem>> -> memref<1x128x128xf32, #tpu.memory_space<vmem>>
    %dma_start3A_29 = tpu.memref_squeeze %dma_start3A_28 : memref<1x128x128xf32, #tpu.memory_space<vmem>> -> memref<128x128xf32, #tpu.memory_space<vmem>>
    %dma_start3A_30 = arith.constant 0 : i32
    %dma_start3A_31 = tpu.memref_slice %arg6[%dma_start3A_24, %dma_start3A_30] : memref<4x128xi32, #tpu.memory_space<vmem>> -> memref<1x128xi32, #tpu.memory_space<vmem>>
    %dma_start3A_32 = tpu.memref_squeeze %dma_start3A_31 : memref<1x128xi32, #tpu.memory_space<vmem>> -> memref<128xi32, #tpu.memory_space<vmem>>
    %dma_start3A_33 = arith.constant 0 : i32
    %dma_start3A_34 = arith.constant 0 : i32
    %dma_start3A_35 = tpu.memref_slice %arg2[%dma_start3A_33, %dma_start3A_34] : memref<251904x128xf32, #tpu.memory_space<hbm>> -> memref<251904x128xf32, #tpu.memory_space<hbm>>
    tpu.enqueue_indirect_dma source(%dma_start3A_35 : memref<251904x128xf32, #tpu.memory_space<hbm>>) target(%dma_start3A_29 : memref<128x128xf32, #tpu.memory_space<vmem>>) offsets(%dma_start3A_32 : memref<128xi32, #tpu.memory_space<vmem>>) semaphore(%arg11 : memref<!tpu.dma_semaphore, #tpu.memory_space<semaphore_mem>>)
    %dma_start3A_36 = arith.constant 1 : i32
    %dma_start3A_37 = arith.constant 1 : i32
    %dma_start3A_38 = arith.constant 0 : i32
    %dma_start3A_39 = arith.constant 0 : i32
    %dma_start3A_40 = tpu.memref_slice %arg8[%dma_start3A_37, %dma_start3A_38, %dma_start3A_39] : memref<2x128x128xf32, #tpu.memory_space<vmem>> -> memref<1x128x128xf32, #tpu.memory_space<vmem>>
    %dma_start3A_41 = tpu.memref_squeeze %dma_start3A_40 : memref<1x128x128xf32, #tpu.memory_space<vmem>> -> memref<128x128xf32, #tpu.memory_space<vmem>>
    %dma_start3A_42 = arith.constant 0 : i32
    %dma_start3A_43 = tpu.memref_slice %arg6[%dma_start3A_36, %dma_start3A_42] : memref<4x128xi32, #tpu.memory_space<vmem>> -> memref<1x128xi32, #tpu.memory_space<vmem>>
    %dma_start3A_44 = tpu.memref_squeeze %dma_start3A_43 : memref<1x128xi32, #tpu.memory_space<vmem>> -> memref<128xi32, #tpu.memory_space<vmem>>
    %dma_start3A_45 = arith.constant 0 : i32
    %dma_start3A_46 = arith.constant 0 : i32
    %dma_start3A_47 = tpu.memref_slice %arg2[%dma_start3A_45, %dma_start3A_46] : memref<251904x128xf32, #tpu.memory_space<hbm>> -> memref<251904x128xf32, #tpu.memory_space<hbm>>
    tpu.enqueue_indirect_dma source(%dma_start3A_47 : memref<251904x128xf32, #tpu.memory_space<hbm>>) target(%dma_start3A_41 : memref<128x128xf32, #tpu.memory_space<vmem>>) offsets(%dma_start3A_44 : memref<128xi32, #tpu.memory_space<vmem>>) semaphore(%arg12 : memref<!tpu.dma_semaphore, #tpu.memory_space<semaphore_mem>>)
    %dma_wait3A_48 = arith.constant 0 : i32
    %dma_wait3A_49 = arith.constant 0 : i32
    %dma_wait3A_50 = arith.constant 0 : i32
    %dma_wait3A_51 = arith.constant 0 : i32
    %dma_wait3A_52 = tpu.memref_slice %arg8[%dma_wait3A_49, %dma_wait3A_50, %dma_wait3A_51] : memref<2x128x128xf32, #tpu.memory_space<vmem>> -> memref<1x128x128xf32, #tpu.memory_space<vmem>>
    %dma_wait3A_53 = tpu.memref_squeeze %dma_wait3A_52 : memref<1x128x128xf32, #tpu.memory_space<vmem>> -> memref<128x128xf32, #tpu.memory_space<vmem>>
    %dma_wait3A_54 = arith.constant 0 : i32
    %dma_wait3A_55 = tpu.memref_slice %arg6[%dma_wait3A_48, %dma_wait3A_54] : memref<4x128xi32, #tpu.memory_space<vmem>> -> memref<1x128xi32, #tpu.memory_space<vmem>>
    %dma_wait3A_56 = tpu.memref_squeeze %dma_wait3A_55 : memref<1x128xi32, #tpu.memory_space<vmem>> -> memref<128xi32, #tpu.memory_space<vmem>>
    %dma_wait3A_57 = arith.constant 0 : i32
    %dma_wait3A_58 = arith.constant 0 : i32
    %dma_wait3A_59 = tpu.memref_slice %arg2[%dma_wait3A_57, %dma_wait3A_58] : memref<251904x128xf32, #tpu.memory_space<hbm>> -> memref<251904x128xf32, #tpu.memory_space<hbm>>
    tpu.wait_indirect_dma semaphore(%arg11 : memref<!tpu.dma_semaphore, #tpu.memory_space<semaphore_mem>>) src(%dma_wait3A_59 : memref<251904x128xf32, #tpu.memory_space<hbm>>) dst(%dma_wait3A_53 : memref<128x128xf32, #tpu.memory_space<vmem>>)
    %scan3A = arith.constant 0 : i32
    %scan3A_60 = arith.constant 0 : i32
    %scan3A_61 = arith.constant 0 : i32
    %scan3A_62 = arith.constant 8 : i32
    %scan3A_63 = arith.addi %scan3A_61, %scan3A_62 : i32
    %scan3A_64 = arith.constant 1 : i32
    scf.for %scan3A_267 = %scan3A_61 to %scan3A_63 step %scan3A_64  : i32 {
      %mul3A_268 = arith.constant 1 : i32
      %mul3A_269 = arith.muli %scan3A_267, %mul3A_268 : i32
      %add3A_270 = arith.constant 0 : i32
      %add3A_271 = arith.addi %add3A_270, %mul3A_269 : i32
      %mul3A_272 = arith.constant 16 : i32
      %mul3A_273 = arith.muli %add3A_271, %mul3A_272 : i32
      %add3A_274 = vector.broadcast %mul3A_273 : i32 to vector<16xi32>
      %add3A_275 = arith.addi %iota3A, %add3A_274 : vector<16xi32>
      %add3A_276 = arith.constant 0 : i32
      %add3A_277 = arith.addi %add3A_276, %mul3A_273 : i32
      %get3A = arith.index_cast %add3A_277 : i32 to index
      %get3A_278 = tpu.vector_load %arg7[%get3A] {strides = array<i32>} : memref<512xi32, #tpu.memory_space<vmem>>, vector<16xi32>,
      %add3A_279 = arith.constant 0 : i32
      %add3A_280 = vector.broadcast %add3A_279 : i32 to vector<16xi32>
      %add3A_281 = arith.addi %get3A_278, %add3A_280 : vector<16xi32>
      %gather3A = arith.constant 0 : i32
      %gather3A_282 = arith.constant 0 : i32
      %gather3A_283 = tpu.memref_slice %arg8[%scan3A, %gather3A, %gather3A_282] : memref<2x128x128xf32, #tpu.memory_space<vmem>> -> memref<1x128x128xf32, #tpu.memory_space<vmem>>
      %gather3A_284 = tpu.memref_squeeze %gather3A_283 : memref<1x128x128xf32, #tpu.memory_space<vmem>> -> memref<128x128xf32, #tpu.memory_space<vmem>>
      %gather3A_285 = tpu.vector_load_idx %gather3A_284[%add3A_275, %add3A_281] : memref<128x128xf32, #tpu.memory_space<vmem>>[vector<16xi32>, vector<16xi32>], vector<16xf32>,
      %broadcast_in_dim3A = arith.constant 0 : i32
      %broadcast_in_dim3A_286 = vector.broadcast %broadcast_in_dim3A : i32 to vector<16xi32>
      %scatter3A = arith.constant 0 : i32
      %scatter3A_287 = arith.constant 0 : i32
      %scatter3A_288 = tpu.memref_slice %arg9[%scan3A_60, %scatter3A, %scatter3A_287] : memref<2x128x32xf32, #tpu.memory_space<vmem>> -> memref<1x128x32xf32, #tpu.memory_space<vmem>>
      %scatter3A_289 = tpu.memref_squeeze %scatter3A_288 : memref<1x128x32xf32, #tpu.memory_space<vmem>> -> memref<128x32xf32, #tpu.memory_space<vmem>>
      tpu.vector_store_idx %scatter3A_289[%add3A_275, %broadcast_in_dim3A_286], %gather3A_285 : memref<128x32xf32, #tpu.memory_space<vmem>>[vector<16xi32>, vector<16xi32>], vector<16xf32>,
      %add3A_290 = arith.constant 1 : i32
      %add3A_291 = vector.broadcast %add3A_290 : i32 to vector<16xi32>
      %add3A_292 = arith.addi %get3A_278, %add3A_291 : vector<16xi32>
      %gather3A_293 = arith.constant 0 : i32
      %gather3A_294 = arith.constant 0 : i32
      %gather3A_295 = tpu.memref_slice %arg8[%scan3A, %gather3A_293, %gather3A_294] : memref<2x128x128xf32, #tpu.memory_space<vmem>> -> memref<1x128x128xf32, #tpu.memory_space<vmem>>
      %gather3A_296 = tpu.memref_squeeze %gather3A_295 : memref<1x128x128xf32, #tpu.memory_space<vmem>> -> memref<128x128xf32, #tpu.memory_space<vmem>>
      %gather3A_297 = tpu.vector_load_idx %gather3A_296[%add3A_275, %add3A_292] : memref<128x128xf32, #tpu.memory_space<vmem>>[vector<16xi32>, vector<16xi32>], vector<16xf32>,
      %broadcast_in_dim3A_298 = arith.constant 1 : i32
      %broadcast_in_dim3A_299 = vector.broadcast %broadcast_in_dim3A_298 : i32 to vector<16xi32>
      %scatter3A_300 = arith.constant 0 : i32
      %scatter3A_301 = arith.constant 0 : i32
      %scatter3A_302 = tpu.memref_slice %arg9[%scan3A_60, %scatter3A_300, %scatter3A_301] : memref<2x128x32xf32, #tpu.memory_space<vmem>> -> memref<1x128x32xf32, #tpu.memory_space<vmem>>
      %scatter3A_303 = tpu.memref_squeeze %scatter3A_302 : memref<1x128x32xf32, #tpu.memory_space<vmem>> -> memref<128x32xf32, #tpu.memory_space<vmem>>
      tpu.vector_store_idx %scatter3A_303[%add3A_275, %broadcast_in_dim3A_299], %gather3A_297 : memref<128x32xf32, #tpu.memory_space<vmem>>[vector<16xi32>, vector<16xi32>], vector<16xf32>,
      %add3A_304 = arith.constant 2 : i32
      %add3A_305 = vector.broadcast %add3A_304 : i32 to vector<16xi32>
      %add3A_306 = arith.addi %get3A_278, %add3A_305 : vector<16xi32>
      %gather3A_307 = arith.constant 0 : i32
      %gather3A_308 = arith.constant 0 : i32
      %gather3A_309 = tpu.memref_slice %arg8[%scan3A, %gather3A_307, %gather3A_308] : memref<2x128x128xf32, #tpu.memory_space<vmem>> -> memref<1x128x128xf32, #tpu.memory_space<vmem>>
      %gather3A_310 = tpu.memref_squeeze %gather3A_309 : memref<1x128x128xf32, #tpu.memory_space<vmem>> -> memref<128x128xf32, #tpu.memory_space<vmem>>
      %gather3A_311 = tpu.vector_load_idx %gather3A_310[%add3A_275, %add3A_306] : memref<128x128xf32, #tpu.memory_space<vmem>>[vector<16xi32>, vector<16xi32>], vector<16xf32>,
      %broadcast_in_dim3A_312 = arith.constant 2 : i32
      %broadcast_in_dim3A_313 = vector.broadcast %broadcast_in_dim3A_312 : i32 to vector<16xi32>
      %scatter3A_314 = arith.constant 0 : i32
      %scatter3A_315 = arith.constant 0 : i32
      %scatter3A_316 = tpu.memref_slice %arg9[%scan3A_60, %scatter3A_314, %scatter3A_315] : memref<2x128x32xf32, #tpu.memory_space<vmem>> -> memref<1x128x32xf32, #tpu.memory_space<vmem>>
      %scatter3A_317 = tpu.memref_squeeze %scatter3A_316 : memref<1x128x32xf32, #tpu.memory_space<vmem>> -> memref<128x32xf32, #tpu.memory_space<vmem>>
      tpu.vector_store_idx %scatter3A_317[%add3A_275, %broadcast_in_dim3A_313], %gather3A_311 : memref<128x32xf32, #tpu.memory_space<vmem>>[vector<16xi32>, vector<16xi32>], vector<16xf32>,
      %add3A_318 = arith.constant 3 : i32
      %add3A_319 = vector.broadcast %add3A_318 : i32 to vector<16xi32>
      %add3A_320 = arith.addi %get3A_278, %add3A_319 : vector<16xi32>
      %gather3A_321 = arith.constant 0 : i32
      %gather3A_322 = arith.constant 0 : i32
      %gather3A_323 = tpu.memref_slice %arg8[%scan3A, %gather3A_321, %gather3A_322] : memref<2x128x128xf32, #tpu.memory_space<vmem>> -> memref<1x128x128xf32, #tpu.memory_space<vmem>>
      %gather3A_324 = tpu.memref_squeeze %gather3A_323 : memref<1x128x128xf32, #tpu.memory_space<vmem>> -> memref<128x128xf32, #tpu.memory_space<vmem>>
      %gather3A_325 = tpu.vector_load_idx %gather3A_324[%add3A_275, %add3A_320] : memref<128x128xf32, #tpu.memory_space<vmem>>[vector<16xi32>, vector<16xi32>], vector<16xf32>,
      %broadcast_in_dim3A_326 = arith.constant 3 : i32
      %broadcast_in_dim3A_327 = vector.broadcast %broadcast_in_dim3A_326 : i32 to vector<16xi32>
      %scatter3A_328 = arith.constant 0 : i32
      %scatter3A_329 = arith.constant 0 : i32
      %scatter3A_330 = tpu.memref_slice %arg9[%scan3A_60, %scatter3A_328, %scatter3A_329] : memref<2x128x32xf32, #tpu.memory_space<vmem>> -> memref<1x128x32xf32, #tpu.memory_space<vmem>>
      %scatter3A_331 = tpu.memref_squeeze %scatter3A_330 : memref<1x128x32xf32, #tpu.memory_space<vmem>> -> memref<128x32xf32, #tpu.memory_space<vmem>>
      tpu.vector_store_idx %scatter3A_331[%add3A_275, %broadcast_in_dim3A_327], %gather3A_325 : memref<128x32xf32, #tpu.memory_space<vmem>>[vector<16xi32>, vector<16xi32>], vector<16xf32>,
      %add3A_332 = arith.constant 4 : i32
      %add3A_333 = vector.broadcast %add3A_332 : i32 to vector<16xi32>
      %add3A_334 = arith.addi %get3A_278, %add3A_333 : vector<16xi32>
      %gather3A_335 = arith.constant 0 : i32
      %gather3A_336 = arith.constant 0 : i32
      %gather3A_337 = tpu.memref_slice %arg8[%scan3A, %gather3A_335, %gather3A_336] : memref<2x128x128xf32, #tpu.memory_space<vmem>> -> memref<1x128x128xf32, #tpu.memory_space<vmem>>
      %gather3A_338 = tpu.memref_squeeze %gather3A_337 : memref<1x128x128xf32, #tpu.memory_space<vmem>> -> memref<128x128xf32, #tpu.memory_space<vmem>>
      %gather3A_339 = tpu.vector_load_idx %gather3A_338[%add3A_275, %add3A_334] : memref<128x128xf32, #tpu.memory_space<vmem>>[vector<16xi32>, vector<16xi32>], vector<16xf32>,
      %broadcast_in_dim3A_340 = arith.constant 4 : i32
      %broadcast_in_dim3A_341 = vector.broadcast %broadcast_in_dim3A_340 : i32 to vector<16xi32>
      %scatter3A_342 = arith.constant 0 : i32
      %scatter3A_343 = arith.constant 0 : i32
      %scatter3A_344 = tpu.memref_slice %arg9[%scan3A_60, %scatter3A_342, %scatter3A_343] : memref<2x128x32xf32, #tpu.memory_space<vmem>> -> memref<1x128x32xf32, #tpu.memory_space<vmem>>
      %scatter3A_345 = tpu.memref_squeeze %scatter3A_344 : memref<1x128x32xf32, #tpu.memory_space<vmem>> -> memref<128x32xf32, #tpu.memory_space<vmem>>
      tpu.vector_store_idx %scatter3A_345[%add3A_275, %broadcast_in_dim3A_341], %gather3A_339 : memref<128x32xf32, #tpu.memory_space<vmem>>[vector<16xi32>, vector<16xi32>], vector<16xf32>,
      %add3A_346 = arith.constant 5 : i32
      %add3A_347 = vector.broadcast %add3A_346 : i32 to vector<16xi32>
      %add3A_348 = arith.addi %get3A_278, %add3A_347 : vector<16xi32>
      %gather3A_349 = arith.constant 0 : i32
      %gather3A_350 = arith.constant 0 : i32
      %gather3A_351 = tpu.memref_slice %arg8[%scan3A, %gather3A_349, %gather3A_350] : memref<2x128x128xf32, #tpu.memory_space<vmem>> -> memref<1x128x128xf32, #tpu.memory_space<vmem>>
      %gather3A_352 = tpu.memref_squeeze %gather3A_351 : memref<1x128x128xf32, #tpu.memory_space<vmem>> -> memref<128x128xf32, #tpu.memory_space<vmem>>
      %gather3A_353 = tpu.vector_load_idx %gather3A_352[%add3A_275, %add3A_348] : memref<128x128xf32, #tpu.memory_space<vmem>>[vector<16xi32>, vector<16xi32>], vector<16xf32>,
      %broadcast_in_dim3A_354 = arith.constant 5 : i32
      %broadcast_in_dim3A_355 = vector.broadcast %broadcast_in_dim3A_354 : i32 to vector<16xi32>
      %scatter3A_356 = arith.constant 0 : i32
      %scatter3A_357 = arith.constant 0 : i32
      %scatter3A_358 = tpu.memref_slice %arg9[%scan3A_60, %scatter3A_356, %scatter3A_357] : memref<2x128x32xf32, #tpu.memory_space<vmem>> -> memref<1x128x32xf32, #tpu.memory_space<vmem>>
      %scatter3A_359 = tpu.memref_squeeze %scatter3A_358 : memref<1x128x32xf32, #tpu.memory_space<vmem>> -> memref<128x32xf32, #tpu.memory_space<vmem>>
      tpu.vector_store_idx %scatter3A_359[%add3A_275, %broadcast_in_dim3A_355], %gather3A_353 : memref<128x32xf32, #tpu.memory_space<vmem>>[vector<16xi32>, vector<16xi32>], vector<16xf32>,
      %add3A_360 = arith.constant 6 : i32
      %add3A_361 = vector.broadcast %add3A_360 : i32 to vector<16xi32>
      %add3A_362 = arith.addi %get3A_278, %add3A_361 : vector<16xi32>
      %gather3A_363 = arith.constant 0 : i32
      %gather3A_364 = arith.constant 0 : i32
      %gather3A_365 = tpu.memref_slice %arg8[%scan3A, %gather3A_363, %gather3A_364] : memref<2x128x128xf32, #tpu.memory_space<vmem>> -> memref<1x128x128xf32, #tpu.memory_space<vmem>>
      %gather3A_366 = tpu.memref_squeeze %gather3A_365 : memref<1x128x128xf32, #tpu.memory_space<vmem>> -> memref<128x128xf32, #tpu.memory_space<vmem>>
      %gather3A_367 = tpu.vector_load_idx %gather3A_366[%add3A_275, %add3A_362] : memref<128x128xf32, #tpu.memory_space<vmem>>[vector<16xi32>, vector<16xi32>], vector<16xf32>,
      %broadcast_in_dim3A_368 = arith.constant 6 : i32
      %broadcast_in_dim3A_369 = vector.broadcast %broadcast_in_dim3A_368 : i32 to vector<16xi32>
      %scatter3A_370 = arith.constant 0 : i32
      %scatter3A_371 = arith.constant 0 : i32
      %scatter3A_372 = tpu.memref_slice %arg9[%scan3A_60, %scatter3A_370, %scatter3A_371] : memref<2x128x32xf32, #tpu.memory_space<vmem>> -> memref<1x128x32xf32, #tpu.memory_space<vmem>>
      %scatter3A_373 = tpu.memref_squeeze %scatter3A_372 : memref<1x128x32xf32, #tpu.memory_space<vmem>> -> memref<128x32xf32, #tpu.memory_space<vmem>>
      tpu.vector_store_idx %scatter3A_373[%add3A_275, %broadcast_in_dim3A_369], %gather3A_367 : memref<128x32xf32, #tpu.memory_space<vmem>>[vector<16xi32>, vector<16xi32>], vector<16xf32>,
      %add3A_374 = arith.constant 7 : i32
      %add3A_375 = vector.broadcast %add3A_374 : i32 to vector<16xi32>
      %add3A_376 = arith.addi %get3A_278, %add3A_375 : vector<16xi32>
      %gather3A_377 = arith.constant 0 : i32
      %gather3A_378 = arith.constant 0 : i32
      %gather3A_379 = tpu.memref_slice %arg8[%scan3A, %gather3A_377, %gather3A_378] : memref<2x128x128xf32, #tpu.memory_space<vmem>> -> memref<1x128x128xf32, #tpu.memory_space<vmem>>
      %gather3A_380 = tpu.memref_squeeze %gather3A_379 : memref<1x128x128xf32, #tpu.memory_space<vmem>> -> memref<128x128xf32, #tpu.memory_space<vmem>>
      %gather3A_381 = tpu.vector_load_idx %gather3A_380[%add3A_275, %add3A_376] : memref<128x128xf32, #tpu.memory_space<vmem>>[vector<16xi32>, vector<16xi32>], vector<16xf32>,
      %broadcast_in_dim3A_382 = arith.constant 7 : i32
      %broadcast_in_dim3A_383 = vector.broadcast %broadcast_in_dim3A_382 : i32 to vector<16xi32>
      %scatter3A_384 = arith.constant 0 : i32
      %scatter3A_385 = arith.constant 0 : i32
      %scatter3A_386 = tpu.memref_slice %arg9[%scan3A_60, %scatter3A_384, %scatter3A_385] : memref<2x128x32xf32, #tpu.memory_space<vmem>> -> memref<1x128x32xf32, #tpu.memory_space<vmem>>
      %scatter3A_387 = tpu.memref_squeeze %scatter3A_386 : memref<1x128x32xf32, #tpu.memory_space<vmem>> -> memref<128x32xf32, #tpu.memory_space<vmem>>
      tpu.vector_store_idx %scatter3A_387[%add3A_275, %broadcast_in_dim3A_383], %gather3A_381 : memref<128x32xf32, #tpu.memory_space<vmem>>[vector<16xi32>, vector<16xi32>], vector<16xf32>,
      %add3A_388 = arith.constant 8 : i32
      %add3A_389 = vector.broadcast %add3A_388 : i32 to vector<16xi32>
      %add3A_390 = arith.addi %get3A_278, %add3A_389 : vector<16xi32>
      %gather3A_391 = arith.constant 0 : i32
      %gather3A_392 = arith.constant 0 : i32
      %gather3A_393 = tpu.memref_slice %arg8[%scan3A, %gather3A_391, %gather3A_392] : memref<2x128x128xf32, #tpu.memory_space<vmem>> -> memref<1x128x128xf32, #tpu.memory_space<vmem>>
      %gather3A_394 = tpu.memref_squeeze %gather3A_393 : memref<1x128x128xf32, #tpu.memory_space<vmem>> -> memref<128x128xf32, #tpu.memory_space<vmem>>
      %gather3A_395 = tpu.vector_load_idx %gather3A_394[%add3A_275, %add3A_390] : memref<128x128xf32, #tpu.memory_space<vmem>>[vector<16xi32>, vector<16xi32>], vector<16xf32>,
      %broadcast_in_dim3A_396 = arith.constant 8 : i32
      %broadcast_in_dim3A_397 = vector.broadcast %broadcast_in_dim3A_396 : i32 to vector<16xi32>
      %scatter3A_398 = arith.constant 0 : i32
      %scatter3A_399 = arith.constant 0 : i32
      %scatter3A_400 = tpu.memref_slice %arg9[%scan3A_60, %scatter3A_398, %scatter3A_399] : memref<2x128x32xf32, #tpu.memory_space<vmem>> -> memref<1x128x32xf32, #tpu.memory_space<vmem>>
      %scatter3A_401 = tpu.memref_squeeze %scatter3A_400 : memref<1x128x32xf32, #tpu.memory_space<vmem>> -> memref<128x32xf32, #tpu.memory_space<vmem>>
      tpu.vector_store_idx %scatter3A_401[%add3A_275, %broadcast_in_dim3A_397], %gather3A_395 : memref<128x32xf32, #tpu.memory_space<vmem>>[vector<16xi32>, vector<16xi32>], vector<16xf32>,
      %add3A_402 = arith.constant 9 : i32
      %add3A_403 = vector.broadcast %add3A_402 : i32 to vector<16xi32>
      %add3A_404 = arith.addi %get3A_278, %add3A_403 : vector<16xi32>
      %gather3A_405 = arith.constant 0 : i32
      %gather3A_406 = arith.constant 0 : i32
      %gather3A_407 = tpu.memref_slice %arg8[%scan3A, %gather3A_405, %gather3A_406] : memref<2x128x128xf32, #tpu.memory_space<vmem>> -> memref<1x128x128xf32, #tpu.memory_space<vmem>>
      %gather3A_408 = tpu.memref_squeeze %gather3A_407 : memref<1x128x128xf32, #tpu.memory_space<vmem>> -> memref<128x128xf32, #tpu.memory_space<vmem>>
      %gather3A_409 = tpu.vector_load_idx %gather3A_408[%add3A_275, %add3A_404] : memref<128x128xf32, #tpu.memory_space<vmem>>[vector<16xi32>, vector<16xi32>], vector<16xf32>,
      %broadcast_in_dim3A_410 = arith.constant 9 : i32
      %broadcast_in_dim3A_411 = vector.broadcast %broadcast_in_dim3A_410 : i32 to vector<16xi32>
      %scatter3A_412 = arith.constant 0 : i32
      %scatter3A_413 = arith.constant 0 : i32
      %scatter3A_414 = tpu.memref_slice %arg9[%scan3A_60, %scatter3A_412, %scatter3A_413] : memref<2x128x32xf32, #tpu.memory_space<vmem>> -> memref<1x128x32xf32, #tpu.memory_space<vmem>>
      %scatter3A_415 = tpu.memref_squeeze %scatter3A_414 : memref<1x128x32xf32, #tpu.memory_space<vmem>> -> memref<128x32xf32, #tpu.memory_space<vmem>>
      tpu.vector_store_idx %scatter3A_415[%add3A_275, %broadcast_in_dim3A_411], %gather3A_409 : memref<128x32xf32, #tpu.memory_space<vmem>>[vector<16xi32>, vector<16xi32>], vector<16xf32>,
      %add3A_416 = arith.constant 10 : i32
      %add3A_417 = vector.broadcast %add3A_416 : i32 to vector<16xi32>
      %add3A_418 = arith.addi %get3A_278, %add3A_417 : vector<16xi32>
      %gather3A_419 = arith.constant 0 : i32
      %gather3A_420 = arith.constant 0 : i32
      %gather3A_421 = tpu.memref_slice %arg8[%scan3A, %gather3A_419, %gather3A_420] : memref<2x128x128xf32, #tpu.memory_space<vmem>> -> memref<1x128x128xf32, #tpu.memory_space<vmem>>
      %gather3A_422 = tpu.memref_squeeze %gather3A_421 : memref<1x128x128xf32, #tpu.memory_space<vmem>> -> memref<128x128xf32, #tpu.memory_space<vmem>>
      %gather3A_423 = tpu.vector_load_idx %gather3A_422[%add3A_275, %add3A_418] : memref<128x128xf32, #tpu.memory_space<vmem>>[vector<16xi32>, vector<16xi32>], vector<16xf32>,
      %broadcast_in_dim3A_424 = arith.constant 10 : i32
      %broadcast_in_dim3A_425 = vector.broadcast %broadcast_in_dim3A_424 : i32 to vector<16xi32>
      %scatter3A_426 = arith.constant 0 : i32
      %scatter3A_427 = arith.constant 0 : i32
      %scatter3A_428 = tpu.memref_slice %arg9[%scan3A_60, %scatter3A_426, %scatter3A_427] : memref<2x128x32xf32, #tpu.memory_space<vmem>> -> memref<1x128x32xf32, #tpu.memory_space<vmem>>
      %scatter3A_429 = tpu.memref_squeeze %scatter3A_428 : memref<1x128x32xf32, #tpu.memory_space<vmem>> -> memref<128x32xf32, #tpu.memory_space<vmem>>
      tpu.vector_store_idx %scatter3A_429[%add3A_275, %broadcast_in_dim3A_425], %gather3A_423 : memref<128x32xf32, #tpu.memory_space<vmem>>[vector<16xi32>, vector<16xi32>], vector<16xf32>,
      %add3A_430 = arith.constant 11 : i32
      %add3A_431 = vector.broadcast %add3A_430 : i32 to vector<16xi32>
      %add3A_432 = arith.addi %get3A_278, %add3A_431 : vector<16xi32>
      %gather3A_433 = arith.constant 0 : i32
      %gather3A_434 = arith.constant 0 : i32
      %gather3A_435 = tpu.memref_slice %arg8[%scan3A, %gather3A_433, %gather3A_434] : memref<2x128x128xf32, #tpu.memory_space<vmem>> -> memref<1x128x128xf32, #tpu.memory_space<vmem>>
      %gather3A_436 = tpu.memref_squeeze %gather3A_435 : memref<1x128x128xf32, #tpu.memory_space<vmem>> -> memref<128x128xf32, #tpu.memory_space<vmem>>
      %gather3A_437 = tpu.vector_load_idx %gather3A_436[%add3A_275, %add3A_432] : memref<128x128xf32, #tpu.memory_space<vmem>>[vector<16xi32>, vector<16xi32>], vector<16xf32>,
      %broadcast_in_dim3A_438 = arith.constant 11 : i32
      %broadcast_in_dim3A_439 = vector.broadcast %broadcast_in_dim3A_438 : i32 to vector<16xi32>
      %scatter3A_440 = arith.constant 0 : i32
      %scatter3A_441 = arith.constant 0 : i32
      %scatter3A_442 = tpu.memref_slice %arg9[%scan3A_60, %scatter3A_440, %scatter3A_441] : memref<2x128x32xf32, #tpu.memory_space<vmem>> -> memref<1x128x32xf32, #tpu.memory_space<vmem>>
      %scatter3A_443 = tpu.memref_squeeze %scatter3A_442 : memref<1x128x32xf32, #tpu.memory_space<vmem>> -> memref<128x32xf32, #tpu.memory_space<vmem>>
      tpu.vector_store_idx %scatter3A_443[%add3A_275, %broadcast_in_dim3A_439], %gather3A_437 : memref<128x32xf32, #tpu.memory_space<vmem>>[vector<16xi32>, vector<16xi32>], vector<16xf32>,
      %add3A_444 = arith.constant 12 : i32
      %add3A_445 = vector.broadcast %add3A_444 : i32 to vector<16xi32>
      %add3A_446 = arith.addi %get3A_278, %add3A_445 : vector<16xi32>
      %gather3A_447 = arith.constant 0 : i32
      %gather3A_448 = arith.constant 0 : i32
      %gather3A_449 = tpu.memref_slice %arg8[%scan3A, %gather3A_447, %gather3A_448] : memref<2x128x128xf32, #tpu.memory_space<vmem>> -> memref<1x128x128xf32, #tpu.memory_space<vmem>>
      %gather3A_450 = tpu.memref_squeeze %gather3A_449 : memref<1x128x128xf32, #tpu.memory_space<vmem>> -> memref<128x128xf32, #tpu.memory_space<vmem>>
      %gather3A_451 = tpu.vector_load_idx %gather3A_450[%add3A_275, %add3A_446] : memref<128x128xf32, #tpu.memory_space<vmem>>[vector<16xi32>, vector<16xi32>], vector<16xf32>,
      %broadcast_in_dim3A_452 = arith.constant 12 : i32
      %broadcast_in_dim3A_453 = vector.broadcast %broadcast_in_dim3A_452 : i32 to vector<16xi32>
      %scatter3A_454 = arith.constant 0 : i32
      %scatter3A_455 = arith.constant 0 : i32
      %scatter3A_456 = tpu.memref_slice %arg9[%scan3A_60, %scatter3A_454, %scatter3A_455] : memref<2x128x32xf32, #tpu.memory_space<vmem>> -> memref<1x128x32xf32, #tpu.memory_space<vmem>>
      %scatter3A_457 = tpu.memref_squeeze %scatter3A_456 : memref<1x128x32xf32, #tpu.memory_space<vmem>> -> memref<128x32xf32, #tpu.memory_space<vmem>>
      tpu.vector_store_idx %scatter3A_457[%add3A_275, %broadcast_in_dim3A_453], %gather3A_451 : memref<128x32xf32, #tpu.memory_space<vmem>>[vector<16xi32>, vector<16xi32>], vector<16xf32>,
      %add3A_458 = arith.constant 13 : i32
      %add3A_459 = vector.broadcast %add3A_458 : i32 to vector<16xi32>
      %add3A_460 = arith.addi %get3A_278, %add3A_459 : vector<16xi32>
      %gather3A_461 = arith.constant 0 : i32
      %gather3A_462 = arith.constant 0 : i32
      %gather3A_463 = tpu.memref_slice %arg8[%scan3A, %gather3A_461, %gather3A_462] : memref<2x128x128xf32, #tpu.memory_space<vmem>> -> memref<1x128x128xf32, #tpu.memory_space<vmem>>
      %gather3A_464 = tpu.memref_squeeze %gather3A_463 : memref<1x128x128xf32, #tpu.memory_space<vmem>> -> memref<128x128xf32, #tpu.memory_space<vmem>>
      %gather3A_465 = tpu.vector_load_idx %gather3A_464[%add3A_275, %add3A_460] : memref<128x128xf32, #tpu.memory_space<vmem>>[vector<16xi32>, vector<16xi32>], vector<16xf32>,
      %broadcast_in_dim3A_466 = arith.constant 13 : i32
      %broadcast_in_dim3A_467 = vector.broadcast %broadcast_in_dim3A_466 : i32 to vector<16xi32>
      %scatter3A_468 = arith.constant 0 : i32
      %scatter3A_469 = arith.constant 0 : i32
      %scatter3A_470 = tpu.memref_slice %arg9[%scan3A_60, %scatter3A_468, %scatter3A_469] : memref<2x128x32xf32, #tpu.memory_space<vmem>> -> memref<1x128x32xf32, #tpu.memory_space<vmem>>
      %scatter3A_471 = tpu.memref_squeeze %scatter3A_470 : memref<1x128x32xf32, #tpu.memory_space<vmem>> -> memref<128x32xf32, #tpu.memory_space<vmem>>
      tpu.vector_store_idx %scatter3A_471[%add3A_275, %broadcast_in_dim3A_467], %gather3A_465 : memref<128x32xf32, #tpu.memory_space<vmem>>[vector<16xi32>, vector<16xi32>], vector<16xf32>,
      %add3A_472 = arith.constant 14 : i32
      %add3A_473 = vector.broadcast %add3A_472 : i32 to vector<16xi32>
      %add3A_474 = arith.addi %get3A_278, %add3A_473 : vector<16xi32>
      %gather3A_475 = arith.constant 0 : i32
      %gather3A_476 = arith.constant 0 : i32
      %gather3A_477 = tpu.memref_slice %arg8[%scan3A, %gather3A_475, %gather3A_476] : memref<2x128x128xf32, #tpu.memory_space<vmem>> -> memref<1x128x128xf32, #tpu.memory_space<vmem>>
      %gather3A_478 = tpu.memref_squeeze %gather3A_477 : memref<1x128x128xf32, #tpu.memory_space<vmem>> -> memref<128x128xf32, #tpu.memory_space<vmem>>
      %gather3A_479 = tpu.vector_load_idx %gather3A_478[%add3A_275, %add3A_474] : memref<128x128xf32, #tpu.memory_space<vmem>>[vector<16xi32>, vector<16xi32>], vector<16xf32>,
      %broadcast_in_dim3A_480 = arith.constant 14 : i32
      %broadcast_in_dim3A_481 = vector.broadcast %broadcast_in_dim3A_480 : i32 to vector<16xi32>
      %scatter3A_482 = arith.constant 0 : i32
      %scatter3A_483 = arith.constant 0 : i32
      %scatter3A_484 = tpu.memref_slice %arg9[%scan3A_60, %scatter3A_482, %scatter3A_483] : memref<2x128x32xf32, #tpu.memory_space<vmem>> -> memref<1x128x32xf32, #tpu.memory_space<vmem>>
      %scatter3A_485 = tpu.memref_squeeze %scatter3A_484 : memref<1x128x32xf32, #tpu.memory_space<vmem>> -> memref<128x32xf32, #tpu.memory_space<vmem>>
      tpu.vector_store_idx %scatter3A_485[%add3A_275, %broadcast_in_dim3A_481], %gather3A_479 : memref<128x32xf32, #tpu.memory_space<vmem>>[vector<16xi32>, vector<16xi32>], vector<16xf32>,
      %add3A_486 = arith.constant 15 : i32
      %add3A_487 = vector.broadcast %add3A_486 : i32 to vector<16xi32>
      %add3A_488 = arith.addi %get3A_278, %add3A_487 : vector<16xi32>
      %gather3A_489 = arith.constant 0 : i32
      %gather3A_490 = arith.constant 0 : i32
      %gather3A_491 = tpu.memref_slice %arg8[%scan3A, %gather3A_489, %gather3A_490] : memref<2x128x128xf32, #tpu.memory_space<vmem>> -> memref<1x128x128xf32, #tpu.memory_space<vmem>>
      %gather3A_492 = tpu.memref_squeeze %gather3A_491 : memref<1x128x128xf32, #tpu.memory_space<vmem>> -> memref<128x128xf32, #tpu.memory_space<vmem>>
      %gather3A_493 = tpu.vector_load_idx %gather3A_492[%add3A_275, %add3A_488] : memref<128x128xf32, #tpu.memory_space<vmem>>[vector<16xi32>, vector<16xi32>], vector<16xf32>,
      %broadcast_in_dim3A_494 = arith.constant 15 : i32
      %broadcast_in_dim3A_495 = vector.broadcast %broadcast_in_dim3A_494 : i32 to vector<16xi32>
      %scatter3A_496 = arith.constant 0 : i32
      %scatter3A_497 = arith.constant 0 : i32
      %scatter3A_498 = tpu.memref_slice %arg9[%scan3A_60, %scatter3A_496, %scatter3A_497] : memref<2x128x32xf32, #tpu.memory_space<vmem>> -> memref<1x128x32xf32, #tpu.memory_space<vmem>>
      %scatter3A_499 = tpu.memref_squeeze %scatter3A_498 : memref<1x128x32xf32, #tpu.memory_space<vmem>> -> memref<128x32xf32, #tpu.memory_space<vmem>>
      tpu.vector_store_idx %scatter3A_499[%add3A_275, %broadcast_in_dim3A_495], %gather3A_493 : memref<128x32xf32, #tpu.memory_space<vmem>>[vector<16xi32>, vector<16xi32>], vector<16xf32>,
      %add3A_500 = arith.constant 16 : i32
      %add3A_501 = vector.broadcast %add3A_500 : i32 to vector<16xi32>
      %add3A_502 = arith.addi %get3A_278, %add3A_501 : vector<16xi32>
      %gather3A_503 = arith.constant 0 : i32
      %gather3A_504 = arith.constant 0 : i32
      %gather3A_505 = tpu.memref_slice %arg8[%scan3A, %gather3A_503, %gather3A_504] : memref<2x128x128xf32, #tpu.memory_space<vmem>> -> memref<1x128x128xf32, #tpu.memory_space<vmem>>
      %gather3A_506 = tpu.memref_squeeze %gather3A_505 : memref<1x128x128xf32, #tpu.memory_space<vmem>> -> memref<128x128xf32, #tpu.memory_space<vmem>>
      %gather3A_507 = tpu.vector_load_idx %gather3A_506[%add3A_275, %add3A_502] : memref<128x128xf32, #tpu.memory_space<vmem>>[vector<16xi32>, vector<16xi32>], vector<16xf32>,
      %broadcast_in_dim3A_508 = arith.constant 16 : i32
      %broadcast_in_dim3A_509 = vector.broadcast %broadcast_in_dim3A_508 : i32 to vector<16xi32>
      %scatter3A_510 = arith.constant 0 : i32
      %scatter3A_511 = arith.constant 0 : i32
      %scatter3A_512 = tpu.memref_slice %arg9[%scan3A_60, %scatter3A_510, %scatter3A_511] : memref<2x128x32xf32, #tpu.memory_space<vmem>> -> memref<1x128x32xf32, #tpu.memory_space<vmem>>
      %scatter3A_513 = tpu.memref_squeeze %scatter3A_512 : memref<1x128x32xf32, #tpu.memory_space<vmem>> -> memref<128x32xf32, #tpu.memory_space<vmem>>
      tpu.vector_store_idx %scatter3A_513[%add3A_275, %broadcast_in_dim3A_509], %gather3A_507 : memref<128x32xf32, #tpu.memory_space<vmem>>[vector<16xi32>, vector<16xi32>], vector<16xf32>,
      %add3A_514 = arith.constant 17 : i32
      %add3A_515 = vector.broadcast %add3A_514 : i32 to vector<16xi32>
      %add3A_516 = arith.addi %get3A_278, %add3A_515 : vector<16xi32>
      %gather3A_517 = arith.constant 0 : i32
      %gather3A_518 = arith.constant 0 : i32
      %gather3A_519 = tpu.memref_slice %arg8[%scan3A, %gather3A_517, %gather3A_518] : memref<2x128x128xf32, #tpu.memory_space<vmem>> -> memref<1x128x128xf32, #tpu.memory_space<vmem>>
      %gather3A_520 = tpu.memref_squeeze %gather3A_519 : memref<1x128x128xf32, #tpu.memory_space<vmem>> -> memref<128x128xf32, #tpu.memory_space<vmem>>
      %gather3A_521 = tpu.vector_load_idx %gather3A_520[%add3A_275, %add3A_516] : memref<128x128xf32, #tpu.memory_space<vmem>>[vector<16xi32>, vector<16xi32>], vector<16xf32>,
      %broadcast_in_dim3A_522 = arith.constant 17 : i32
      %broadcast_in_dim3A_523 = vector.broadcast %broadcast_in_dim3A_522 : i32 to vector<16xi32>
      %scatter3A_524 = arith.constant 0 : i32
      %scatter3A_525 = arith.constant 0 : i32
      %scatter3A_526 = tpu.memref_slice %arg9[%scan3A_60, %scatter3A_524, %scatter3A_525] : memref<2x128x32xf32, #tpu.memory_space<vmem>> -> memref<1x128x32xf32, #tpu.memory_space<vmem>>
      %scatter3A_527 = tpu.memref_squeeze %scatter3A_526 : memref<1x128x32xf32, #tpu.memory_space<vmem>> -> memref<128x32xf32, #tpu.memory_space<vmem>>
      tpu.vector_store_idx %scatter3A_527[%add3A_275, %broadcast_in_dim3A_523], %gather3A_521 : memref<128x32xf32, #tpu.memory_space<vmem>>[vector<16xi32>, vector<16xi32>], vector<16xf32>,
      %add3A_528 = arith.constant 18 : i32
      %add3A_529 = vector.broadcast %add3A_528 : i32 to vector<16xi32>
      %add3A_530 = arith.addi %get3A_278, %add3A_529 : vector<16xi32>
      %gather3A_531 = arith.constant 0 : i32
      %gather3A_532 = arith.constant 0 : i32
      %gather3A_533 = tpu.memref_slice %arg8[%scan3A, %gather3A_531, %gather3A_532] : memref<2x128x128xf32, #tpu.memory_space<vmem>> -> memref<1x128x128xf32, #tpu.memory_space<vmem>>
      %gather3A_534 = tpu.memref_squeeze %gather3A_533 : memref<1x128x128xf32, #tpu.memory_space<vmem>> -> memref<128x128xf32, #tpu.memory_space<vmem>>
      %gather3A_535 = tpu.vector_load_idx %gather3A_534[%add3A_275, %add3A_530] : memref<128x128xf32, #tpu.memory_space<vmem>>[vector<16xi32>, vector<16xi32>], vector<16xf32>,
      %broadcast_in_dim3A_536 = arith.constant 18 : i32
      %broadcast_in_dim3A_537 = vector.broadcast %broadcast_in_dim3A_536 : i32 to vector<16xi32>
      %scatter3A_538 = arith.constant 0 : i32
      %scatter3A_539 = arith.constant 0 : i32
      %scatter3A_540 = tpu.memref_slice %arg9[%scan3A_60, %scatter3A_538, %scatter3A_539] : memref<2x128x32xf32, #tpu.memory_space<vmem>> -> memref<1x128x32xf32, #tpu.memory_space<vmem>>
      %scatter3A_541 = tpu.memref_squeeze %scatter3A_540 : memref<1x128x32xf32, #tpu.memory_space<vmem>> -> memref<128x32xf32, #tpu.memory_space<vmem>>
      tpu.vector_store_idx %scatter3A_541[%add3A_275, %broadcast_in_dim3A_537], %gather3A_535 : memref<128x32xf32, #tpu.memory_space<vmem>>[vector<16xi32>, vector<16xi32>], vector<16xf32>,
      %add3A_542 = arith.constant 19 : i32
      %add3A_543 = vector.broadcast %add3A_542 : i32 to vector<16xi32>
      %add3A_544 = arith.addi %get3A_278, %add3A_543 : vector<16xi32>
      %gather3A_545 = arith.constant 0 : i32
      %gather3A_546 = arith.constant 0 : i32
      %gather3A_547 = tpu.memref_slice %arg8[%scan3A, %gather3A_545, %gather3A_546] : memref<2x128x128xf32, #tpu.memory_space<vmem>> -> memref<1x128x128xf32, #tpu.memory_space<vmem>>
      %gather3A_548 = tpu.memref_squeeze %gather3A_547 : memref<1x128x128xf32, #tpu.memory_space<vmem>> -> memref<128x128xf32, #tpu.memory_space<vmem>>
      %gather3A_549 = tpu.vector_load_idx %gather3A_548[%add3A_275, %add3A_544] : memref<128x128xf32, #tpu.memory_space<vmem>>[vector<16xi32>, vector<16xi32>], vector<16xf32>,
      %broadcast_in_dim3A_550 = arith.constant 19 : i32
      %broadcast_in_dim3A_551 = vector.broadcast %broadcast_in_dim3A_550 : i32 to vector<16xi32>
      %scatter3A_552 = arith.constant 0 : i32
      %scatter3A_553 = arith.constant 0 : i32
      %scatter3A_554 = tpu.memref_slice %arg9[%scan3A_60, %scatter3A_552, %scatter3A_553] : memref<2x128x32xf32, #tpu.memory_space<vmem>> -> memref<1x128x32xf32, #tpu.memory_space<vmem>>
      %scatter3A_555 = tpu.memref_squeeze %scatter3A_554 : memref<1x128x32xf32, #tpu.memory_space<vmem>> -> memref<128x32xf32, #tpu.memory_space<vmem>>
      tpu.vector_store_idx %scatter3A_555[%add3A_275, %broadcast_in_dim3A_551], %gather3A_549 : memref<128x32xf32, #tpu.memory_space<vmem>>[vector<16xi32>, vector<16xi32>], vector<16xf32>,
      %add3A_556 = arith.constant 20 : i32
      %add3A_557 = vector.broadcast %add3A_556 : i32 to vector<16xi32>
      %add3A_558 = arith.addi %get3A_278, %add3A_557 : vector<16xi32>
      %gather3A_559 = arith.constant 0 : i32
      %gather3A_560 = arith.constant 0 : i32
      %gather3A_561 = tpu.memref_slice %arg8[%scan3A, %gather3A_559, %gather3A_560] : memref<2x128x128xf32, #tpu.memory_space<vmem>> -> memref<1x128x128xf32, #tpu.memory_space<vmem>>
      %gather3A_562 = tpu.memref_squeeze %gather3A_561 : memref<1x128x128xf32, #tpu.memory_space<vmem>> -> memref<128x128xf32, #tpu.memory_space<vmem>>
      %gather3A_563 = tpu.vector_load_idx %gather3A_562[%add3A_275, %add3A_558] : memref<128x128xf32, #tpu.memory_space<vmem>>[vector<16xi32>, vector<16xi32>], vector<16xf32>,
      %broadcast_in_dim3A_564 = arith.constant 20 : i32
      %broadcast_in_dim3A_565 = vector.broadcast %broadcast_in_dim3A_564 : i32 to vector<16xi32>
      %scatter3A_566 = arith.constant 0 : i32
      %scatter3A_567 = arith.constant 0 : i32
      %scatter3A_568 = tpu.memref_slice %arg9[%scan3A_60, %scatter3A_566, %scatter3A_567] : memref<2x128x32xf32, #tpu.memory_space<vmem>> -> memref<1x128x32xf32, #tpu.memory_space<vmem>>
      %scatter3A_569 = tpu.memref_squeeze %scatter3A_568 : memref<1x128x32xf32, #tpu.memory_space<vmem>> -> memref<128x32xf32, #tpu.memory_space<vmem>>
      tpu.vector_store_idx %scatter3A_569[%add3A_275, %broadcast_in_dim3A_565], %gather3A_563 : memref<128x32xf32, #tpu.memory_space<vmem>>[vector<16xi32>, vector<16xi32>], vector<16xf32>,
      %add3A_570 = arith.constant 21 : i32
      %add3A_571 = vector.broadcast %add3A_570 : i32 to vector<16xi32>
      %add3A_572 = arith.addi %get3A_278, %add3A_571 : vector<16xi32>
      %gather3A_573 = arith.constant 0 : i32
      %gather3A_574 = arith.constant 0 : i32
      %gather3A_575 = tpu.memref_slice %arg8[%scan3A, %gather3A_573, %gather3A_574] : memref<2x128x128xf32, #tpu.memory_space<vmem>> -> memref<1x128x128xf32, #tpu.memory_space<vmem>>
      %gather3A_576 = tpu.memref_squeeze %gather3A_575 : memref<1x128x128xf32, #tpu.memory_space<vmem>> -> memref<128x128xf32, #tpu.memory_space<vmem>>
      %gather3A_577 = tpu.vector_load_idx %gather3A_576[%add3A_275, %add3A_572] : memref<128x128xf32, #tpu.memory_space<vmem>>[vector<16xi32>, vector<16xi32>], vector<16xf32>,
      %broadcast_in_dim3A_578 = arith.constant 21 : i32
      %broadcast_in_dim3A_579 = vector.broadcast %broadcast_in_dim3A_578 : i32 to vector<16xi32>
      %scatter3A_580 = arith.constant 0 : i32
      %scatter3A_581 = arith.constant 0 : i32
      %scatter3A_582 = tpu.memref_slice %arg9[%scan3A_60, %scatter3A_580, %scatter3A_581] : memref<2x128x32xf32, #tpu.memory_space<vmem>> -> memref<1x128x32xf32, #tpu.memory_space<vmem>>
      %scatter3A_583 = tpu.memref_squeeze %scatter3A_582 : memref<1x128x32xf32, #tpu.memory_space<vmem>> -> memref<128x32xf32, #tpu.memory_space<vmem>>
      tpu.vector_store_idx %scatter3A_583[%add3A_275, %broadcast_in_dim3A_579], %gather3A_577 : memref<128x32xf32, #tpu.memory_space<vmem>>[vector<16xi32>, vector<16xi32>], vector<16xf32>,
      %add3A_584 = arith.constant 22 : i32
      %add3A_585 = vector.broadcast %add3A_584 : i32 to vector<16xi32>
      %add3A_586 = arith.addi %get3A_278, %add3A_585 : vector<16xi32>
      %gather3A_587 = arith.constant 0 : i32
      %gather3A_588 = arith.constant 0 : i32
      %gather3A_589 = tpu.memref_slice %arg8[%scan3A, %gather3A_587, %gather3A_588] : memref<2x128x128xf32, #tpu.memory_space<vmem>> -> memref<1x128x128xf32, #tpu.memory_space<vmem>>
      %gather3A_590 = tpu.memref_squeeze %gather3A_589 : memref<1x128x128xf32, #tpu.memory_space<vmem>> -> memref<128x128xf32, #tpu.memory_space<vmem>>
      %gather3A_591 = tpu.vector_load_idx %gather3A_590[%add3A_275, %add3A_586] : memref<128x128xf32, #tpu.memory_space<vmem>>[vector<16xi32>, vector<16xi32>], vector<16xf32>,
      %broadcast_in_dim3A_592 = arith.constant 22 : i32
      %broadcast_in_dim3A_593 = vector.broadcast %broadcast_in_dim3A_592 : i32 to vector<16xi32>
      %scatter3A_594 = arith.constant 0 : i32
      %scatter3A_595 = arith.constant 0 : i32
      %scatter3A_596 = tpu.memref_slice %arg9[%scan3A_60, %scatter3A_594, %scatter3A_595] : memref<2x128x32xf32, #tpu.memory_space<vmem>> -> memref<1x128x32xf32, #tpu.memory_space<vmem>>
      %scatter3A_597 = tpu.memref_squeeze %scatter3A_596 : memref<1x128x32xf32, #tpu.memory_space<vmem>> -> memref<128x32xf32, #tpu.memory_space<vmem>>
      tpu.vector_store_idx %scatter3A_597[%add3A_275, %broadcast_in_dim3A_593], %gather3A_591 : memref<128x32xf32, #tpu.memory_space<vmem>>[vector<16xi32>, vector<16xi32>], vector<16xf32>,
      %add3A_598 = arith.constant 23 : i32
      %add3A_599 = vector.broadcast %add3A_598 : i32 to vector<16xi32>
      %add3A_600 = arith.addi %get3A_278, %add3A_599 : vector<16xi32>
      %gather3A_601 = arith.constant 0 : i32
      %gather3A_602 = arith.constant 0 : i32
      %gather3A_603 = tpu.memref_slice %arg8[%scan3A, %gather3A_601, %gather3A_602] : memref<2x128x128xf32, #tpu.memory_space<vmem>> -> memref<1x128x128xf32, #tpu.memory_space<vmem>>
      %gather3A_604 = tpu.memref_squeeze %gather3A_603 : memref<1x128x128xf32, #tpu.memory_space<vmem>> -> memref<128x128xf32, #tpu.memory_space<vmem>>
      %gather3A_605 = tpu.vector_load_idx %gather3A_604[%add3A_275, %add3A_600] : memref<128x128xf32, #tpu.memory_space<vmem>>[vector<16xi32>, vector<16xi32>], vector<16xf32>,
      %broadcast_in_dim3A_606 = arith.constant 23 : i32
      %broadcast_in_dim3A_607 = vector.broadcast %broadcast_in_dim3A_606 : i32 to vector<16xi32>
      %scatter3A_608 = arith.constant 0 : i32
      %scatter3A_609 = arith.constant 0 : i32
      %scatter3A_610 = tpu.memref_slice %arg9[%scan3A_60, %scatter3A_608, %scatter3A_609] : memref<2x128x32xf32, #tpu.memory_space<vmem>> -> memref<1x128x32xf32, #tpu.memory_space<vmem>>
      %scatter3A_611 = tpu.memref_squeeze %scatter3A_610 : memref<1x128x32xf32, #tpu.memory_space<vmem>> -> memref<128x32xf32, #tpu.memory_space<vmem>>
      tpu.vector_store_idx %scatter3A_611[%add3A_275, %broadcast_in_dim3A_607], %gather3A_605 : memref<128x32xf32, #tpu.memory_space<vmem>>[vector<16xi32>, vector<16xi32>], vector<16xf32>,
      %add3A_612 = arith.constant 24 : i32
      %add3A_613 = vector.broadcast %add3A_612 : i32 to vector<16xi32>
      %add3A_614 = arith.addi %get3A_278, %add3A_613 : vector<16xi32>
      %gather3A_615 = arith.constant 0 : i32
      %gather3A_616 = arith.constant 0 : i32
      %gather3A_617 = tpu.memref_slice %arg8[%scan3A, %gather3A_615, %gather3A_616] : memref<2x128x128xf32, #tpu.memory_space<vmem>> -> memref<1x128x128xf32, #tpu.memory_space<vmem>>
      %gather3A_618 = tpu.memref_squeeze %gather3A_617 : memref<1x128x128xf32, #tpu.memory_space<vmem>> -> memref<128x128xf32, #tpu.memory_space<vmem>>
      %gather3A_619 = tpu.vector_load_idx %gather3A_618[%add3A_275, %add3A_614] : memref<128x128xf32, #tpu.memory_space<vmem>>[vector<16xi32>, vector<16xi32>], vector<16xf32>,
      %broadcast_in_dim3A_620 = arith.constant 24 : i32
      %broadcast_in_dim3A_621 = vector.broadcast %broadcast_in_dim3A_620 : i32 to vector<16xi32>
      %scatter3A_622 = arith.constant 0 : i32
      %scatter3A_623 = arith.constant 0 : i32
      %scatter3A_624 = tpu.memref_slice %arg9[%scan3A_60, %scatter3A_622, %scatter3A_623] : memref<2x128x32xf32, #tpu.memory_space<vmem>> -> memref<1x128x32xf32, #tpu.memory_space<vmem>>
      %scatter3A_625 = tpu.memref_squeeze %scatter3A_624 : memref<1x128x32xf32, #tpu.memory_space<vmem>> -> memref<128x32xf32, #tpu.memory_space<vmem>>
      tpu.vector_store_idx %scatter3A_625[%add3A_275, %broadcast_in_dim3A_621], %gather3A_619 : memref<128x32xf32, #tpu.memory_space<vmem>>[vector<16xi32>, vector<16xi32>], vector<16xf32>,
      %add3A_626 = arith.constant 25 : i32
      %add3A_627 = vector.broadcast %add3A_626 : i32 to vector<16xi32>
      %add3A_628 = arith.addi %get3A_278, %add3A_627 : vector<16xi32>
      %gather3A_629 = arith.constant 0 : i32
      %gather3A_630 = arith.constant 0 : i32
      %gather3A_631 = tpu.memref_slice %arg8[%scan3A, %gather3A_629, %gather3A_630] : memref<2x128x128xf32, #tpu.memory_space<vmem>> -> memref<1x128x128xf32, #tpu.memory_space<vmem>>
      %gather3A_632 = tpu.memref_squeeze %gather3A_631 : memref<1x128x128xf32, #tpu.memory_space<vmem>> -> memref<128x128xf32, #tpu.memory_space<vmem>>
      %gather3A_633 = tpu.vector_load_idx %gather3A_632[%add3A_275, %add3A_628] : memref<128x128xf32, #tpu.memory_space<vmem>>[vector<16xi32>, vector<16xi32>], vector<16xf32>,
      %broadcast_in_dim3A_634 = arith.constant 25 : i32
      %broadcast_in_dim3A_635 = vector.broadcast %broadcast_in_dim3A_634 : i32 to vector<16xi32>
      %scatter3A_636 = arith.constant 0 : i32
      %scatter3A_637 = arith.constant 0 : i32
      %scatter3A_638 = tpu.memref_slice %arg9[%scan3A_60, %scatter3A_636, %scatter3A_637] : memref<2x128x32xf32, #tpu.memory_space<vmem>> -> memref<1x128x32xf32, #tpu.memory_space<vmem>>
      %scatter3A_639 = tpu.memref_squeeze %scatter3A_638 : memref<1x128x32xf32, #tpu.memory_space<vmem>> -> memref<128x32xf32, #tpu.memory_space<vmem>>
      tpu.vector_store_idx %scatter3A_639[%add3A_275, %broadcast_in_dim3A_635], %gather3A_633 : memref<128x32xf32, #tpu.memory_space<vmem>>[vector<16xi32>, vector<16xi32>], vector<16xf32>,
      %add3A_640 = arith.constant 26 : i32
      %add3A_641 = vector.broadcast %add3A_640 : i32 to vector<16xi32>
      %add3A_642 = arith.addi %get3A_278, %add3A_641 : vector<16xi32>
      %gather3A_643 = arith.constant 0 : i32
      %gather3A_644 = arith.constant 0 : i32
      %gather3A_645 = tpu.memref_slice %arg8[%scan3A, %gather3A_643, %gather3A_644] : memref<2x128x128xf32, #tpu.memory_space<vmem>> -> memref<1x128x128xf32, #tpu.memory_space<vmem>>
      %gather3A_646 = tpu.memref_squeeze %gather3A_645 : memref<1x128x128xf32, #tpu.memory_space<vmem>> -> memref<128x128xf32, #tpu.memory_space<vmem>>
      %gather3A_647 = tpu.vector_load_idx %gather3A_646[%add3A_275, %add3A_642] : memref<128x128xf32, #tpu.memory_space<vmem>>[vector<16xi32>, vector<16xi32>], vector<16xf32>,
      %broadcast_in_dim3A_648 = arith.constant 26 : i32
      %broadcast_in_dim3A_649 = vector.broadcast %broadcast_in_dim3A_648 : i32 to vector<16xi32>
      %scatter3A_650 = arith.constant 0 : i32
      %scatter3A_651 = arith.constant 0 : i32
      %scatter3A_652 = tpu.memref_slice %arg9[%scan3A_60, %scatter3A_650, %scatter3A_651] : memref<2x128x32xf32, #tpu.memory_space<vmem>> -> memref<1x128x32xf32, #tpu.memory_space<vmem>>
      %scatter3A_653 = tpu.memref_squeeze %scatter3A_652 : memref<1x128x32xf32, #tpu.memory_space<vmem>> -> memref<128x32xf32, #tpu.memory_space<vmem>>
      tpu.vector_store_idx %scatter3A_653[%add3A_275, %broadcast_in_dim3A_649], %gather3A_647 : memref<128x32xf32, #tpu.memory_space<vmem>>[vector<16xi32>, vector<16xi32>], vector<16xf32>,
      %add3A_654 = arith.constant 27 : i32
      %add3A_655 = vector.broadcast %add3A_654 : i32 to vector<16xi32>
      %add3A_656 = arith.addi %get3A_278, %add3A_655 : vector<16xi32>
      %gather3A_657 = arith.constant 0 : i32
      %gather3A_658 = arith.constant 0 : i32
      %gather3A_659 = tpu.memref_slice %arg8[%scan3A, %gather3A_657, %gather3A_658] : memref<2x128x128xf32, #tpu.memory_space<vmem>> -> memref<1x128x128xf32, #tpu.memory_space<vmem>>
      %gather3A_660 = tpu.memref_squeeze %gather3A_659 : memref<1x128x128xf32, #tpu.memory_space<vmem>> -> memref<128x128xf32, #tpu.memory_space<vmem>>
      %gather3A_661 = tpu.vector_load_idx %gather3A_660[%add3A_275, %add3A_656] : memref<128x128xf32, #tpu.memory_space<vmem>>[vector<16xi32>, vector<16xi32>], vector<16xf32>,
      %broadcast_in_dim3A_662 = arith.constant 27 : i32
      %broadcast_in_dim3A_663 = vector.broadcast %broadcast_in_dim3A_662 : i32 to vector<16xi32>
      %scatter3A_664 = arith.constant 0 : i32
      %scatter3A_665 = arith.constant 0 : i32
      %scatter3A_666 = tpu.memref_slice %arg9[%scan3A_60, %scatter3A_664, %scatter3A_665] : memref<2x128x32xf32, #tpu.memory_space<vmem>> -> memref<1x128x32xf32, #tpu.memory_space<vmem>>
      %scatter3A_667 = tpu.memref_squeeze %scatter3A_666 : memref<1x128x32xf32, #tpu.memory_space<vmem>> -> memref<128x32xf32, #tpu.memory_space<vmem>>
      tpu.vector_store_idx %scatter3A_667[%add3A_275, %broadcast_in_dim3A_663], %gather3A_661 : memref<128x32xf32, #tpu.memory_space<vmem>>[vector<16xi32>, vector<16xi32>], vector<16xf32>,
      %add3A_668 = arith.constant 28 : i32
      %add3A_669 = vector.broadcast %add3A_668 : i32 to vector<16xi32>
      %add3A_670 = arith.addi %get3A_278, %add3A_669 : vector<16xi32>
      %gather3A_671 = arith.constant 0 : i32
      %gather3A_672 = arith.constant 0 : i32
      %gather3A_673 = tpu.memref_slice %arg8[%scan3A, %gather3A_671, %gather3A_672] : memref<2x128x128xf32, #tpu.memory_space<vmem>> -> memref<1x128x128xf32, #tpu.memory_space<vmem>>
      %gather3A_674 = tpu.memref_squeeze %gather3A_673 : memref<1x128x128xf32, #tpu.memory_space<vmem>> -> memref<128x128xf32, #tpu.memory_space<vmem>>
      %gather3A_675 = tpu.vector_load_idx %gather3A_674[%add3A_275, %add3A_670] : memref<128x128xf32, #tpu.memory_space<vmem>>[vector<16xi32>, vector<16xi32>], vector<16xf32>,
      %broadcast_in_dim3A_676 = arith.constant 28 : i32
      %broadcast_in_dim3A_677 = vector.broadcast %broadcast_in_dim3A_676 : i32 to vector<16xi32>
      %scatter3A_678 = arith.constant 0 : i32
      %scatter3A_679 = arith.constant 0 : i32
      %scatter3A_680 = tpu.memref_slice %arg9[%scan3A_60, %scatter3A_678, %scatter3A_679] : memref<2x128x32xf32, #tpu.memory_space<vmem>> -> memref<1x128x32xf32, #tpu.memory_space<vmem>>
      %scatter3A_681 = tpu.memref_squeeze %scatter3A_680 : memref<1x128x32xf32, #tpu.memory_space<vmem>> -> memref<128x32xf32, #tpu.memory_space<vmem>>
      tpu.vector_store_idx %scatter3A_681[%add3A_275, %broadcast_in_dim3A_677], %gather3A_675 : memref<128x32xf32, #tpu.memory_space<vmem>>[vector<16xi32>, vector<16xi32>], vector<16xf32>,
      %add3A_682 = arith.constant 29 : i32
      %add3A_683 = vector.broadcast %add3A_682 : i32 to vector<16xi32>
      %add3A_684 = arith.addi %get3A_278, %add3A_683 : vector<16xi32>
      %gather3A_685 = arith.constant 0 : i32
      %gather3A_686 = arith.constant 0 : i32
      %gather3A_687 = tpu.memref_slice %arg8[%scan3A, %gather3A_685, %gather3A_686] : memref<2x128x128xf32, #tpu.memory_space<vmem>> -> memref<1x128x128xf32, #tpu.memory_space<vmem>>
      %gather3A_688 = tpu.memref_squeeze %gather3A_687 : memref<1x128x128xf32, #tpu.memory_space<vmem>> -> memref<128x128xf32, #tpu.memory_space<vmem>>
      %gather3A_689 = tpu.vector_load_idx %gather3A_688[%add3A_275, %add3A_684] : memref<128x128xf32, #tpu.memory_space<vmem>>[vector<16xi32>, vector<16xi32>], vector<16xf32>,
      %broadcast_in_dim3A_690 = arith.constant 29 : i32
      %broadcast_in_dim3A_691 = vector.broadcast %broadcast_in_dim3A_690 : i32 to vector<16xi32>
      %scatter3A_692 = arith.constant 0 : i32
      %scatter3A_693 = arith.constant 0 : i32
      %scatter3A_694 = tpu.memref_slice %arg9[%scan3A_60, %scatter3A_692, %scatter3A_693] : memref<2x128x32xf32, #tpu.memory_space<vmem>> -> memref<1x128x32xf32, #tpu.memory_space<vmem>>
      %scatter3A_695 = tpu.memref_squeeze %scatter3A_694 : memref<1x128x32xf32, #tpu.memory_space<vmem>> -> memref<128x32xf32, #tpu.memory_space<vmem>>
      tpu.vector_store_idx %scatter3A_695[%add3A_275, %broadcast_in_dim3A_691], %gather3A_689 : memref<128x32xf32, #tpu.memory_space<vmem>>[vector<16xi32>, vector<16xi32>], vector<16xf32>,
      %add3A_696 = arith.constant 30 : i32
      %add3A_697 = vector.broadcast %add3A_696 : i32 to vector<16xi32>
      %add3A_698 = arith.addi %get3A_278, %add3A_697 : vector<16xi32>
      %gather3A_699 = arith.constant 0 : i32
      %gather3A_700 = arith.constant 0 : i32
      %gather3A_701 = tpu.memref_slice %arg8[%scan3A, %gather3A_699, %gather3A_700] : memref<2x128x128xf32, #tpu.memory_space<vmem>> -> memref<1x128x128xf32, #tpu.memory_space<vmem>>
      %gather3A_702 = tpu.memref_squeeze %gather3A_701 : memref<1x128x128xf32, #tpu.memory_space<vmem>> -> memref<128x128xf32, #tpu.memory_space<vmem>>
      %gather3A_703 = tpu.vector_load_idx %gather3A_702[%add3A_275, %add3A_698] : memref<128x128xf32, #tpu.memory_space<vmem>>[vector<16xi32>, vector<16xi32>], vector<16xf32>,
      %broadcast_in_dim3A_704 = arith.constant 30 : i32
      %broadcast_in_dim3A_705 = vector.broadcast %broadcast_in_dim3A_704 : i32 to vector<16xi32>
      %scatter3A_706 = arith.constant 0 : i32
      %scatter3A_707 = arith.constant 0 : i32
      %scatter3A_708 = tpu.memref_slice %arg9[%scan3A_60, %scatter3A_706, %scatter3A_707] : memref<2x128x32xf32, #tpu.memory_space<vmem>> -> memref<1x128x32xf32, #tpu.memory_space<vmem>>
      %scatter3A_709 = tpu.memref_squeeze %scatter3A_708 : memref<1x128x32xf32, #tpu.memory_space<vmem>> -> memref<128x32xf32, #tpu.memory_space<vmem>>
      tpu.vector_store_idx %scatter3A_709[%add3A_275, %broadcast_in_dim3A_705], %gather3A_703 : memref<128x32xf32, #tpu.memory_space<vmem>>[vector<16xi32>, vector<16xi32>], vector<16xf32>,
      %add3A_710 = arith.constant 31 : i32
      %add3A_711 = vector.broadcast %add3A_710 : i32 to vector<16xi32>
      %add3A_712 = arith.addi %get3A_278, %add3A_711 : vector<16xi32>
      %gather3A_713 = arith.constant 0 : i32
      %gather3A_714 = arith.constant 0 : i32
      %gather3A_715 = tpu.memref_slice %arg8[%scan3A, %gather3A_713, %gather3A_714] : memref<2x128x128xf32, #tpu.memory_space<vmem>> -> memref<1x128x128xf32, #tpu.memory_space<vmem>>
      %gather3A_716 = tpu.memref_squeeze %gather3A_715 : memref<1x128x128xf32, #tpu.memory_space<vmem>> -> memref<128x128xf32, #tpu.memory_space<vmem>>
      %gather3A_717 = tpu.vector_load_idx %gather3A_716[%add3A_275, %add3A_712] : memref<128x128xf32, #tpu.memory_space<vmem>>[vector<16xi32>, vector<16xi32>], vector<16xf32>,
      %broadcast_in_dim3A_718 = arith.constant 31 : i32
      %broadcast_in_dim3A_719 = vector.broadcast %broadcast_in_dim3A_718 : i32 to vector<16xi32>
      %scatter3A_720 = arith.constant 0 : i32
      %scatter3A_721 = arith.constant 0 : i32
      %scatter3A_722 = tpu.memref_slice %arg9[%scan3A_60, %scatter3A_720, %scatter3A_721] : memref<2x128x32xf32, #tpu.memory_space<vmem>> -> memref<1x128x32xf32, #tpu.memory_space<vmem>>
      %scatter3A_723 = tpu.memref_squeeze %scatter3A_722 : memref<1x128x32xf32, #tpu.memory_space<vmem>> -> memref<128x32xf32, #tpu.memory_space<vmem>>
      tpu.vector_store_idx %scatter3A_723[%add3A_275, %broadcast_in_dim3A_719], %gather3A_717 : memref<128x32xf32, #tpu.memory_space<vmem>>[vector<16xi32>, vector<16xi32>], vector<16xf32>,
    }
    %scan3A_65 = arith.constant 8 : i32
    %dma_start3A_66 = arith.constant 2 : i32
    %dma_start3A_67 = arith.constant 0 : i32
    %dma_start3A_68 = arith.constant 0 : i32
    %dma_start3A_69 = arith.constant 0 : i32
    %dma_start3A_70 = tpu.memref_slice %arg8[%dma_start3A_67, %dma_start3A_68, %dma_start3A_69] : memref<2x128x128xf32, #tpu.memory_space<vmem>> -> memref<1x128x128xf32, #tpu.memory_space<vmem>>
    %dma_start3A_71 = tpu.memref_squeeze %dma_start3A_70 : memref<1x128x128xf32, #tpu.memory_space<vmem>> -> memref<128x128xf32, #tpu.memory_space<vmem>>
    %dma_start3A_72 = arith.constant 0 : i32
    %dma_start3A_73 = tpu.memref_slice %arg6[%dma_start3A_66, %dma_start3A_72] : memref<4x128xi32, #tpu.memory_space<vmem>> -> memref<1x128xi32, #tpu.memory_space<vmem>>
    %dma_start3A_74 = tpu.memref_squeeze %dma_start3A_73 : memref<1x128xi32, #tpu.memory_space<vmem>> -> memref<128xi32, #tpu.memory_space<vmem>>
    %dma_start3A_75 = arith.constant 0 : i32
    %dma_start3A_76 = arith.constant 0 : i32
    %dma_start3A_77 = tpu.memref_slice %arg2[%dma_start3A_75, %dma_start3A_76] : memref<251904x128xf32, #tpu.memory_space<hbm>> -> memref<251904x128xf32, #tpu.memory_space<hbm>>
    tpu.enqueue_indirect_dma source(%dma_start3A_77 : memref<251904x128xf32, #tpu.memory_space<hbm>>) target(%dma_start3A_71 : memref<128x128xf32, #tpu.memory_space<vmem>>) offsets(%dma_start3A_74 : memref<128xi32, #tpu.memory_space<vmem>>) semaphore(%arg11 : memref<!tpu.dma_semaphore, #tpu.memory_space<semaphore_mem>>)
    %mul3A_78 = arith.constant 512 : i32
    %mul3A_79 = arith.muli %add3A, %mul3A_78 : i32
    %add3A_80 = arith.constant 0 : i32
    %add3A_81 = arith.addi %mul3A_79, %add3A_80 : i32
    %dma_start3A_82 = arith.constant 0 : i32
    %dma_start3A_83 = arith.constant 0 : i32
    %dma_start3A_84 = arith.constant 0 : i32
    %dma_start3A_85 = tpu.memref_slice %arg9[%dma_start3A_82, %dma_start3A_83, %dma_start3A_84] : memref<2x128x32xf32, #tpu.memory_space<vmem>> -> memref<1x128x32xf32, #tpu.memory_space<vmem>>
    %dma_start3A_86 = tpu.memref_squeeze %dma_start3A_85 : memref<1x128x32xf32, #tpu.memory_space<vmem>> -> memref<128x32xf32, #tpu.memory_space<vmem>>
    %dma_start3A_87 = arith.constant 0 : i32
    %dma_start3A_88 = tpu.memref_slice %arg5[%add3A_81, %dma_start3A_87] : memref<16384x32xf32, #tpu.memory_space<hbm>> -> memref<128x32xf32, #tpu.memory_space<hbm>>
    %dma_start3A_89 = arith.constant 0 : i32
    %dma_start3A_90 = tpu.memref_slice %arg5[%add3A_81, %dma_start3A_89] : memref<16384x32xf32, #tpu.memory_space<hbm>> -> memref<128x32xf32, #tpu.memory_space<hbm>>
    %dma_start3A_91 = arith.constant 0 : i32
    %dma_start3A_92 = arith.constant 0 : i32
    %dma_start3A_93 = tpu.memref_slice %arg9[%dma_start3A_82, %dma_start3A_91, %dma_start3A_92] : memref<2x128x32xf32, #tpu.memory_space<vmem>> -> memref<1x128x32xf32, #tpu.memory_space<vmem>>
    %dma_start3A_94 = tpu.memref_squeeze %dma_start3A_93 : memref<1x128x32xf32, #tpu.memory_space<vmem>> -> memref<128x32xf32, #tpu.memory_space<vmem>>
    tpu.enqueue_dma source(%dma_start3A_94 : memref<128x32xf32, #tpu.memory_space<vmem>>) target(%dma_start3A_90 : memref<128x32xf32, #tpu.memory_space<hbm>>) target_semaphore(%arg13 : memref<!tpu.dma_semaphore, #tpu.memory_space<semaphore_mem>>)
    %dma_wait3A_95 = arith.constant 1 : i32
    %dma_wait3A_96 = arith.constant 1 : i32
    %dma_wait3A_97 = arith.constant 0 : i32
    %dma_wait3A_98 = arith.constant 0 : i32
    %dma_wait3A_99 = tpu.memref_slice %arg8[%dma_wait3A_96, %dma_wait3A_97, %dma_wait3A_98] : memref<2x128x128xf32, #tpu.memory_space<vmem>> -> memref<1x128x128xf32, #tpu.memory_space<vmem>>
    %dma_wait3A_100 = tpu.memref_squeeze %dma_wait3A_99 : memref<1x128x128xf32, #tpu.memory_space<vmem>> -> memref<128x128xf32, #tpu.memory_space<vmem>>
    %dma_wait3A_101 = arith.constant 0 : i32
    %dma_wait3A_102 = tpu.memref_slice %arg6[%dma_wait3A_95, %dma_wait3A_101] : memref<4x128xi32, #tpu.memory_space<vmem>> -> memref<1x128xi32, #tpu.memory_space<vmem>>
    %dma_wait3A_103 = tpu.memref_squeeze %dma_wait3A_102 : memref<1x128xi32, #tpu.memory_space<vmem>> -> memref<128xi32, #tpu.memory_space<vmem>>
    %dma_wait3A_104 = arith.constant 0 : i32
    %dma_wait3A_105 = arith.constant 0 : i32
    %dma_wait3A_106 = tpu.memref_slice %arg2[%dma_wait3A_104, %dma_wait3A_105] : memref<251904x128xf32, #tpu.memory_space<hbm>> -> memref<251904x128xf32, #tpu.memory_space<hbm>>
    tpu.wait_indirect_dma semaphore(%arg12 : memref<!tpu.dma_semaphore, #tpu.memory_space<semaphore_mem>>) src(%dma_wait3A_106 : memref<251904x128xf32, #tpu.memory_space<hbm>>) dst(%dma_wait3A_100 : memref<128x128xf32, #tpu.memory_space<vmem>>)
    %scan3A_107 = arith.constant 1 : i32
    %scan3A_108 = arith.constant 1 : i32
    %scan3A_109 = arith.constant 0 : i32
    %scan3A_110 = arith.constant 8 : i32
    %scan3A_111 = arith.addi %scan3A_109, %scan3A_110 : i32
    %scan3A_112 = arith.constant 1 : i32
    scf.for %scan3A_267 = %scan3A_109 to %scan3A_111 step %scan3A_112  : i32 {
      %mul3A_268 = arith.constant 1 : i32
      %mul3A_269 = arith.muli %scan3A_267, %mul3A_268 : i32
      %add3A_270 = arith.constant 0 : i32
      %add3A_271 = arith.addi %add3A_270, %mul3A_269 : i32
      %mul3A_272 = arith.constant 16 : i32
      %mul3A_273 = arith.muli %add3A_271, %mul3A_272 : i32
      %add3A_274 = vector.broadcast %mul3A_273 : i32 to vector<16xi32>
      %add3A_275 = arith.addi %iota3A, %add3A_274 : vector<16xi32>
      %add3A_276 = arith.constant 128 : i32
      %add3A_277 = arith.addi %add3A_276, %mul3A_273 : i32
      %get3A = arith.index_cast %add3A_277 : i32 to index
      %get3A_278 = tpu.vector_load %arg7[%get3A] {strides = array<i32>} : memref<512xi32, #tpu.memory_space<vmem>>, vector<16xi32>,
      %add3A_279 = arith.constant 0 : i32
      %add3A_280 = vector.broadcast %add3A_279 : i32 to vector<16xi32>
      %add3A_281 = arith.addi %get3A_278, %add3A_280 : vector<16xi32>
      %gather3A = arith.constant 0 : i32
      %gather3A_282 = arith.constant 0 : i32
      %gather3A_283 = tpu.memref_slice %arg8[%scan3A_107, %gather3A, %gather3A_282] : memref<2x128x128xf32, #tpu.memory_space<vmem>> -> memref<1x128x128xf32, #tpu.memory_space<vmem>>
      %gather3A_284 = tpu.memref_squeeze %gather3A_283 : memref<1x128x128xf32, #tpu.memory_space<vmem>> -> memref<128x128xf32, #tpu.memory_space<vmem>>
      %gather3A_285 = tpu.vector_load_idx %gather3A_284[%add3A_275, %add3A_281] : memref<128x128xf32, #tpu.memory_space<vmem>>[vector<16xi32>, vector<16xi32>], vector<16xf32>,
      %broadcast_in_dim3A = arith.constant 0 : i32
      %broadcast_in_dim3A_286 = vector.broadcast %broadcast_in_dim3A : i32 to vector<16xi32>
      %scatter3A = arith.constant 0 : i32
      %scatter3A_287 = arith.constant 0 : i32
      %scatter3A_288 = tpu.memref_slice %arg9[%scan3A_108, %scatter3A, %scatter3A_287] : memref<2x128x32xf32, #tpu.memory_space<vmem>> -> memref<1x128x32xf32, #tpu.memory_space<vmem>>
      %scatter3A_289 = tpu.memref_squeeze %scatter3A_288 : memref<1x128x32xf32, #tpu.memory_space<vmem>> -> memref<128x32xf32, #tpu.memory_space<vmem>>
      tpu.vector_store_idx %scatter3A_289[%add3A_275, %broadcast_in_dim3A_286], %gather3A_285 : memref<128x32xf32, #tpu.memory_space<vmem>>[vector<16xi32>, vector<16xi32>], vector<16xf32>,
      %add3A_290 = arith.constant 1 : i32
      %add3A_291 = vector.broadcast %add3A_290 : i32 to vector<16xi32>
      %add3A_292 = arith.addi %get3A_278, %add3A_291 : vector<16xi32>
      %gather3A_293 = arith.constant 0 : i32
      %gather3A_294 = arith.constant 0 : i32
      %gather3A_295 = tpu.memref_slice %arg8[%scan3A_107, %gather3A_293, %gather3A_294] : memref<2x128x128xf32, #tpu.memory_space<vmem>> -> memref<1x128x128xf32, #tpu.memory_space<vmem>>
      %gather3A_296 = tpu.memref_squeeze %gather3A_295 : memref<1x128x128xf32, #tpu.memory_space<vmem>> -> memref<128x128xf32, #tpu.memory_space<vmem>>
      %gather3A_297 = tpu.vector_load_idx %gather3A_296[%add3A_275, %add3A_292] : memref<128x128xf32, #tpu.memory_space<vmem>>[vector<16xi32>, vector<16xi32>], vector<16xf32>,
      %broadcast_in_dim3A_298 = arith.constant 1 : i32
      %broadcast_in_dim3A_299 = vector.broadcast %broadcast_in_dim3A_298 : i32 to vector<16xi32>
      %scatter3A_300 = arith.constant 0 : i32
      %scatter3A_301 = arith.constant 0 : i32
      %scatter3A_302 = tpu.memref_slice %arg9[%scan3A_108, %scatter3A_300, %scatter3A_301] : memref<2x128x32xf32, #tpu.memory_space<vmem>> -> memref<1x128x32xf32, #tpu.memory_space<vmem>>
      %scatter3A_303 = tpu.memref_squeeze %scatter3A_302 : memref<1x128x32xf32, #tpu.memory_space<vmem>> -> memref<128x32xf32, #tpu.memory_space<vmem>>
      tpu.vector_store_idx %scatter3A_303[%add3A_275, %broadcast_in_dim3A_299], %gather3A_297 : memref<128x32xf32, #tpu.memory_space<vmem>>[vector<16xi32>, vector<16xi32>], vector<16xf32>,
      %add3A_304 = arith.constant 2 : i32
      %add3A_305 = vector.broadcast %add3A_304 : i32 to vector<16xi32>
      %add3A_306 = arith.addi %get3A_278, %add3A_305 : vector<16xi32>
      %gather3A_307 = arith.constant 0 : i32
      %gather3A_308 = arith.constant 0 : i32
      %gather3A_309 = tpu.memref_slice %arg8[%scan3A_107, %gather3A_307, %gather3A_308] : memref<2x128x128xf32, #tpu.memory_space<vmem>> -> memref<1x128x128xf32, #tpu.memory_space<vmem>>
      %gather3A_310 = tpu.memref_squeeze %gather3A_309 : memref<1x128x128xf32, #tpu.memory_space<vmem>> -> memref<128x128xf32, #tpu.memory_space<vmem>>
      %gather3A_311 = tpu.vector_load_idx %gather3A_310[%add3A_275, %add3A_306] : memref<128x128xf32, #tpu.memory_space<vmem>>[vector<16xi32>, vector<16xi32>], vector<16xf32>,
      %broadcast_in_dim3A_312 = arith.constant 2 : i32
      %broadcast_in_dim3A_313 = vector.broadcast %broadcast_in_dim3A_312 : i32 to vector<16xi32>
      %scatter3A_314 = arith.constant 0 : i32
      %scatter3A_315 = arith.constant 0 : i32
      %scatter3A_316 = tpu.memref_slice %arg9[%scan3A_108, %scatter3A_314, %scatter3A_315] : memref<2x128x32xf32, #tpu.memory_space<vmem>> -> memref<1x128x32xf32, #tpu.memory_space<vmem>>
      %scatter3A_317 = tpu.memref_squeeze %scatter3A_316 : memref<1x128x32xf32, #tpu.memory_space<vmem>> -> memref<128x32xf32, #tpu.memory_space<vmem>>
      tpu.vector_store_idx %scatter3A_317[%add3A_275, %broadcast_in_dim3A_313], %gather3A_311 : memref<128x32xf32, #tpu.memory_space<vmem>>[vector<16xi32>, vector<16xi32>], vector<16xf32>,
      %add3A_318 = arith.constant 3 : i32
      %add3A_319 = vector.broadcast %add3A_318 : i32 to vector<16xi32>
      %add3A_320 = arith.addi %get3A_278, %add3A_319 : vector<16xi32>
      %gather3A_321 = arith.constant 0 : i32
      %gather3A_322 = arith.constant 0 : i32
      %gather3A_323 = tpu.memref_slice %arg8[%scan3A_107, %gather3A_321, %gather3A_322] : memref<2x128x128xf32, #tpu.memory_space<vmem>> -> memref<1x128x128xf32, #tpu.memory_space<vmem>>
      %gather3A_324 = tpu.memref_squeeze %gather3A_323 : memref<1x128x128xf32, #tpu.memory_space<vmem>> -> memref<128x128xf32, #tpu.memory_space<vmem>>
      %gather3A_325 = tpu.vector_load_idx %gather3A_324[%add3A_275, %add3A_320] : memref<128x128xf32, #tpu.memory_space<vmem>>[vector<16xi32>, vector<16xi32>], vector<16xf32>,
      %broadcast_in_dim3A_326 = arith.constant 3 : i32
      %broadcast_in_dim3A_327 = vector.broadcast %broadcast_in_dim3A_326 : i32 to vector<16xi32>
      %scatter3A_328 = arith.constant 0 : i32
      %scatter3A_329 = arith.constant 0 : i32
      %scatter3A_330 = tpu.memref_slice %arg9[%scan3A_108, %scatter3A_328, %scatter3A_329] : memref<2x128x32xf32, #tpu.memory_space<vmem>> -> memref<1x128x32xf32, #tpu.memory_space<vmem>>
      %scatter3A_331 = tpu.memref_squeeze %scatter3A_330 : memref<1x128x32xf32, #tpu.memory_space<vmem>> -> memref<128x32xf32, #tpu.memory_space<vmem>>
      tpu.vector_store_idx %scatter3A_331[%add3A_275, %broadcast_in_dim3A_327], %gather3A_325 : memref<128x32xf32, #tpu.memory_space<vmem>>[vector<16xi32>, vector<16xi32>], vector<16xf32>,
      %add3A_332 = arith.constant 4 : i32
      %add3A_333 = vector.broadcast %add3A_332 : i32 to vector<16xi32>
      %add3A_334 = arith.addi %get3A_278, %add3A_333 : vector<16xi32>
      %gather3A_335 = arith.constant 0 : i32
      %gather3A_336 = arith.constant 0 : i32
      %gather3A_337 = tpu.memref_slice %arg8[%scan3A_107, %gather3A_335, %gather3A_336] : memref<2x128x128xf32, #tpu.memory_space<vmem>> -> memref<1x128x128xf32, #tpu.memory_space<vmem>>
      %gather3A_338 = tpu.memref_squeeze %gather3A_337 : memref<1x128x128xf32, #tpu.memory_space<vmem>> -> memref<128x128xf32, #tpu.memory_space<vmem>>
      %gather3A_339 = tpu.vector_load_idx %gather3A_338[%add3A_275, %add3A_334] : memref<128x128xf32, #tpu.memory_space<vmem>>[vector<16xi32>, vector<16xi32>], vector<16xf32>,
      %broadcast_in_dim3A_340 = arith.constant 4 : i32
      %broadcast_in_dim3A_341 = vector.broadcast %broadcast_in_dim3A_340 : i32 to vector<16xi32>
      %scatter3A_342 = arith.constant 0 : i32
      %scatter3A_343 = arith.constant 0 : i32
      %scatter3A_344 = tpu.memref_slice %arg9[%scan3A_108, %scatter3A_342, %scatter3A_343] : memref<2x128x32xf32, #tpu.memory_space<vmem>> -> memref<1x128x32xf32, #tpu.memory_space<vmem>>
      %scatter3A_345 = tpu.memref_squeeze %scatter3A_344 : memref<1x128x32xf32, #tpu.memory_space<vmem>> -> memref<128x32xf32, #tpu.memory_space<vmem>>
      tpu.vector_store_idx %scatter3A_345[%add3A_275, %broadcast_in_dim3A_341], %gather3A_339 : memref<128x32xf32, #tpu.memory_space<vmem>>[vector<16xi32>, vector<16xi32>], vector<16xf32>,
      %add3A_346 = arith.constant 5 : i32
      %add3A_347 = vector.broadcast %add3A_346 : i32 to vector<16xi32>
      %add3A_348 = arith.addi %get3A_278, %add3A_347 : vector<16xi32>
      %gather3A_349 = arith.constant 0 : i32
      %gather3A_350 = arith.constant 0 : i32
      %gather3A_351 = tpu.memref_slice %arg8[%scan3A_107, %gather3A_349, %gather3A_350] : memref<2x128x128xf32, #tpu.memory_space<vmem>> -> memref<1x128x128xf32, #tpu.memory_space<vmem>>
      %gather3A_352 = tpu.memref_squeeze %gather3A_351 : memref<1x128x128xf32, #tpu.memory_space<vmem>> -> memref<128x128xf32, #tpu.memory_space<vmem>>
      %gather3A_353 = tpu.vector_load_idx %gather3A_352[%add3A_275, %add3A_348] : memref<128x128xf32, #tpu.memory_space<vmem>>[vector<16xi32>, vector<16xi32>], vector<16xf32>,
      %broadcast_in_dim3A_354 = arith.constant 5 : i32
      %broadcast_in_dim3A_355 = vector.broadcast %broadcast_in_dim3A_354 : i32 to vector<16xi32>
      %scatter3A_356 = arith.constant 0 : i32
      %scatter3A_357 = arith.constant 0 : i32
      %scatter3A_358 = tpu.memref_slice %arg9[%scan3A_108, %scatter3A_356, %scatter3A_357] : memref<2x128x32xf32, #tpu.memory_space<vmem>> -> memref<1x128x32xf32, #tpu.memory_space<vmem>>
      %scatter3A_359 = tpu.memref_squeeze %scatter3A_358 : memref<1x128x32xf32, #tpu.memory_space<vmem>> -> memref<128x32xf32, #tpu.memory_space<vmem>>
      tpu.vector_store_idx %scatter3A_359[%add3A_275, %broadcast_in_dim3A_355], %gather3A_353 : memref<128x32xf32, #tpu.memory_space<vmem>>[vector<16xi32>, vector<16xi32>], vector<16xf32>,
      %add3A_360 = arith.constant 6 : i32
      %add3A_361 = vector.broadcast %add3A_360 : i32 to vector<16xi32>
      %add3A_362 = arith.addi %get3A_278, %add3A_361 : vector<16xi32>
      %gather3A_363 = arith.constant 0 : i32
      %gather3A_364 = arith.constant 0 : i32
      %gather3A_365 = tpu.memref_slice %arg8[%scan3A_107, %gather3A_363, %gather3A_364] : memref<2x128x128xf32, #tpu.memory_space<vmem>> -> memref<1x128x128xf32, #tpu.memory_space<vmem>>
      %gather3A_366 = tpu.memref_squeeze %gather3A_365 : memref<1x128x128xf32, #tpu.memory_space<vmem>> -> memref<128x128xf32, #tpu.memory_space<vmem>>
      %gather3A_367 = tpu.vector_load_idx %gather3A_366[%add3A_275, %add3A_362] : memref<128x128xf32, #tpu.memory_space<vmem>>[vector<16xi32>, vector<16xi32>], vector<16xf32>,
      %broadcast_in_dim3A_368 = arith.constant 6 : i32
      %broadcast_in_dim3A_369 = vector.broadcast %broadcast_in_dim3A_368 : i32 to vector<16xi32>
      %scatter3A_370 = arith.constant 0 : i32
      %scatter3A_371 = arith.constant 0 : i32
      %scatter3A_372 = tpu.memref_slice %arg9[%scan3A_108, %scatter3A_370, %scatter3A_371] : memref<2x128x32xf32, #tpu.memory_space<vmem>> -> memref<1x128x32xf32, #tpu.memory_space<vmem>>
      %scatter3A_373 = tpu.memref_squeeze %scatter3A_372 : memref<1x128x32xf32, #tpu.memory_space<vmem>> -> memref<128x32xf32, #tpu.memory_space<vmem>>
      tpu.vector_store_idx %scatter3A_373[%add3A_275, %broadcast_in_dim3A_369], %gather3A_367 : memref<128x32xf32, #tpu.memory_space<vmem>>[vector<16xi32>, vector<16xi32>], vector<16xf32>,
      %add3A_374 = arith.constant 7 : i32
      %add3A_375 = vector.broadcast %add3A_374 : i32 to vector<16xi32>
      %add3A_376 = arith.addi %get3A_278, %add3A_375 : vector<16xi32>
      %gather3A_377 = arith.constant 0 : i32
      %gather3A_378 = arith.constant 0 : i32
      %gather3A_379 = tpu.memref_slice %arg8[%scan3A_107, %gather3A_377, %gather3A_378] : memref<2x128x128xf32, #tpu.memory_space<vmem>> -> memref<1x128x128xf32, #tpu.memory_space<vmem>>
      %gather3A_380 = tpu.memref_squeeze %gather3A_379 : memref<1x128x128xf32, #tpu.memory_space<vmem>> -> memref<128x128xf32, #tpu.memory_space<vmem>>
      %gather3A_381 = tpu.vector_load_idx %gather3A_380[%add3A_275, %add3A_376] : memref<128x128xf32, #tpu.memory_space<vmem>>[vector<16xi32>, vector<16xi32>], vector<16xf32>,
      %broadcast_in_dim3A_382 = arith.constant 7 : i32
      %broadcast_in_dim3A_383 = vector.broadcast %broadcast_in_dim3A_382 : i32 to vector<16xi32>
      %scatter3A_384 = arith.constant 0 : i32
      %scatter3A_385 = arith.constant 0 : i32
      %scatter3A_386 = tpu.memref_slice %arg9[%scan3A_108, %scatter3A_384, %scatter3A_385] : memref<2x128x32xf32, #tpu.memory_space<vmem>> -> memref<1x128x32xf32, #tpu.memory_space<vmem>>
      %scatter3A_387 = tpu.memref_squeeze %scatter3A_386 : memref<1x128x32xf32, #tpu.memory_space<vmem>> -> memref<128x32xf32, #tpu.memory_space<vmem>>
      tpu.vector_store_idx %scatter3A_387[%add3A_275, %broadcast_in_dim3A_383], %gather3A_381 : memref<128x32xf32, #tpu.memory_space<vmem>>[vector<16xi32>, vector<16xi32>], vector<16xf32>,
      %add3A_388 = arith.constant 8 : i32
      %add3A_389 = vector.broadcast %add3A_388 : i32 to vector<16xi32>
      %add3A_390 = arith.addi %get3A_278, %add3A_389 : vector<16xi32>
      %gather3A_391 = arith.constant 0 : i32
      %gather3A_392 = arith.constant 0 : i32
      %gather3A_393 = tpu.memref_slice %arg8[%scan3A_107, %gather3A_391, %gather3A_392] : memref<2x128x128xf32, #tpu.memory_space<vmem>> -> memref<1x128x128xf32, #tpu.memory_space<vmem>>
      %gather3A_394 = tpu.memref_squeeze %gather3A_393 : memref<1x128x128xf32, #tpu.memory_space<vmem>> -> memref<128x128xf32, #tpu.memory_space<vmem>>
      %gather3A_395 = tpu.vector_load_idx %gather3A_394[%add3A_275, %add3A_390] : memref<128x128xf32, #tpu.memory_space<vmem>>[vector<16xi32>, vector<16xi32>], vector<16xf32>,
      %broadcast_in_dim3A_396 = arith.constant 8 : i32
      %broadcast_in_dim3A_397 = vector.broadcast %broadcast_in_dim3A_396 : i32 to vector<16xi32>
      %scatter3A_398 = arith.constant 0 : i32
      %scatter3A_399 = arith.constant 0 : i32
      %scatter3A_400 = tpu.memref_slice %arg9[%scan3A_108, %scatter3A_398, %scatter3A_399] : memref<2x128x32xf32, #tpu.memory_space<vmem>> -> memref<1x128x32xf32, #tpu.memory_space<vmem>>
      %scatter3A_401 = tpu.memref_squeeze %scatter3A_400 : memref<1x128x32xf32, #tpu.memory_space<vmem>> -> memref<128x32xf32, #tpu.memory_space<vmem>>
      tpu.vector_store_idx %scatter3A_401[%add3A_275, %broadcast_in_dim3A_397], %gather3A_395 : memref<128x32xf32, #tpu.memory_space<vmem>>[vector<16xi32>, vector<16xi32>], vector<16xf32>,
      %add3A_402 = arith.constant 9 : i32
      %add3A_403 = vector.broadcast %add3A_402 : i32 to vector<16xi32>
      %add3A_404 = arith.addi %get3A_278, %add3A_403 : vector<16xi32>
      %gather3A_405 = arith.constant 0 : i32
      %gather3A_406 = arith.constant 0 : i32
      %gather3A_407 = tpu.memref_slice %arg8[%scan3A_107, %gather3A_405, %gather3A_406] : memref<2x128x128xf32, #tpu.memory_space<vmem>> -> memref<1x128x128xf32, #tpu.memory_space<vmem>>
      %gather3A_408 = tpu.memref_squeeze %gather3A_407 : memref<1x128x128xf32, #tpu.memory_space<vmem>> -> memref<128x128xf32, #tpu.memory_space<vmem>>
      %gather3A_409 = tpu.vector_load_idx %gather3A_408[%add3A_275, %add3A_404] : memref<128x128xf32, #tpu.memory_space<vmem>>[vector<16xi32>, vector<16xi32>], vector<16xf32>,
      %broadcast_in_dim3A_410 = arith.constant 9 : i32
      %broadcast_in_dim3A_411 = vector.broadcast %broadcast_in_dim3A_410 : i32 to vector<16xi32>
      %scatter3A_412 = arith.constant 0 : i32
      %scatter3A_413 = arith.constant 0 : i32
      %scatter3A_414 = tpu.memref_slice %arg9[%scan3A_108, %scatter3A_412, %scatter3A_413] : memref<2x128x32xf32, #tpu.memory_space<vmem>> -> memref<1x128x32xf32, #tpu.memory_space<vmem>>
      %scatter3A_415 = tpu.memref_squeeze %scatter3A_414 : memref<1x128x32xf32, #tpu.memory_space<vmem>> -> memref<128x32xf32, #tpu.memory_space<vmem>>
      tpu.vector_store_idx %scatter3A_415[%add3A_275, %broadcast_in_dim3A_411], %gather3A_409 : memref<128x32xf32, #tpu.memory_space<vmem>>[vector<16xi32>, vector<16xi32>], vector<16xf32>,
      %add3A_416 = arith.constant 10 : i32
      %add3A_417 = vector.broadcast %add3A_416 : i32 to vector<16xi32>
      %add3A_418 = arith.addi %get3A_278, %add3A_417 : vector<16xi32>
      %gather3A_419 = arith.constant 0 : i32
      %gather3A_420 = arith.constant 0 : i32
      %gather3A_421 = tpu.memref_slice %arg8[%scan3A_107, %gather3A_419, %gather3A_420] : memref<2x128x128xf32, #tpu.memory_space<vmem>> -> memref<1x128x128xf32, #tpu.memory_space<vmem>>
      %gather3A_422 = tpu.memref_squeeze %gather3A_421 : memref<1x128x128xf32, #tpu.memory_space<vmem>> -> memref<128x128xf32, #tpu.memory_space<vmem>>
      %gather3A_423 = tpu.vector_load_idx %gather3A_422[%add3A_275, %add3A_418] : memref<128x128xf32, #tpu.memory_space<vmem>>[vector<16xi32>, vector<16xi32>], vector<16xf32>,
      %broadcast_in_dim3A_424 = arith.constant 10 : i32
      %broadcast_in_dim3A_425 = vector.broadcast %broadcast_in_dim3A_424 : i32 to vector<16xi32>
      %scatter3A_426 = arith.constant 0 : i32
      %scatter3A_427 = arith.constant 0 : i32
      %scatter3A_428 = tpu.memref_slice %arg9[%scan3A_108, %scatter3A_426, %scatter3A_427] : memref<2x128x32xf32, #tpu.memory_space<vmem>> -> memref<1x128x32xf32, #tpu.memory_space<vmem>>
      %scatter3A_429 = tpu.memref_squeeze %scatter3A_428 : memref<1x128x32xf32, #tpu.memory_space<vmem>> -> memref<128x32xf32, #tpu.memory_space<vmem>>
      tpu.vector_store_idx %scatter3A_429[%add3A_275, %broadcast_in_dim3A_425], %gather3A_423 : memref<128x32xf32, #tpu.memory_space<vmem>>[vector<16xi32>, vector<16xi32>], vector<16xf32>,
      %add3A_430 = arith.constant 11 : i32
      %add3A_431 = vector.broadcast %add3A_430 : i32 to vector<16xi32>
      %add3A_432 = arith.addi %get3A_278, %add3A_431 : vector<16xi32>
      %gather3A_433 = arith.constant 0 : i32
      %gather3A_434 = arith.constant 0 : i32
      %gather3A_435 = tpu.memref_slice %arg8[%scan3A_107, %gather3A_433, %gather3A_434] : memref<2x128x128xf32, #tpu.memory_space<vmem>> -> memref<1x128x128xf32, #tpu.memory_space<vmem>>
      %gather3A_436 = tpu.memref_squeeze %gather3A_435 : memref<1x128x128xf32, #tpu.memory_space<vmem>> -> memref<128x128xf32, #tpu.memory_space<vmem>>
      %gather3A_437 = tpu.vector_load_idx %gather3A_436[%add3A_275, %add3A_432] : memref<128x128xf32, #tpu.memory_space<vmem>>[vector<16xi32>, vector<16xi32>], vector<16xf32>,
      %broadcast_in_dim3A_438 = arith.constant 11 : i32
      %broadcast_in_dim3A_439 = vector.broadcast %broadcast_in_dim3A_438 : i32 to vector<16xi32>
      %scatter3A_440 = arith.constant 0 : i32
      %scatter3A_441 = arith.constant 0 : i32
      %scatter3A_442 = tpu.memref_slice %arg9[%scan3A_108, %scatter3A_440, %scatter3A_441] : memref<2x128x32xf32, #tpu.memory_space<vmem>> -> memref<1x128x32xf32, #tpu.memory_space<vmem>>
      %scatter3A_443 = tpu.memref_squeeze %scatter3A_442 : memref<1x128x32xf32, #tpu.memory_space<vmem>> -> memref<128x32xf32, #tpu.memory_space<vmem>>
      tpu.vector_store_idx %scatter3A_443[%add3A_275, %broadcast_in_dim3A_439], %gather3A_437 : memref<128x32xf32, #tpu.memory_space<vmem>>[vector<16xi32>, vector<16xi32>], vector<16xf32>,
      %add3A_444 = arith.constant 12 : i32
      %add3A_445 = vector.broadcast %add3A_444 : i32 to vector<16xi32>
      %add3A_446 = arith.addi %get3A_278, %add3A_445 : vector<16xi32>
      %gather3A_447 = arith.constant 0 : i32
      %gather3A_448 = arith.constant 0 : i32
      %gather3A_449 = tpu.memref_slice %arg8[%scan3A_107, %gather3A_447, %gather3A_448] : memref<2x128x128xf32, #tpu.memory_space<vmem>> -> memref<1x128x128xf32, #tpu.memory_space<vmem>>
      %gather3A_450 = tpu.memref_squeeze %gather3A_449 : memref<1x128x128xf32, #tpu.memory_space<vmem>> -> memref<128x128xf32, #tpu.memory_space<vmem>>
      %gather3A_451 = tpu.vector_load_idx %gather3A_450[%add3A_275, %add3A_446] : memref<128x128xf32, #tpu.memory_space<vmem>>[vector<16xi32>, vector<16xi32>], vector<16xf32>,
      %broadcast_in_dim3A_452 = arith.constant 12 : i32
      %broadcast_in_dim3A_453 = vector.broadcast %broadcast_in_dim3A_452 : i32 to vector<16xi32>
      %scatter3A_454 = arith.constant 0 : i32
      %scatter3A_455 = arith.constant 0 : i32
      %scatter3A_456 = tpu.memref_slice %arg9[%scan3A_108, %scatter3A_454, %scatter3A_455] : memref<2x128x32xf32, #tpu.memory_space<vmem>> -> memref<1x128x32xf32, #tpu.memory_space<vmem>>
      %scatter3A_457 = tpu.memref_squeeze %scatter3A_456 : memref<1x128x32xf32, #tpu.memory_space<vmem>> -> memref<128x32xf32, #tpu.memory_space<vmem>>
      tpu.vector_store_idx %scatter3A_457[%add3A_275, %broadcast_in_dim3A_453], %gather3A_451 : memref<128x32xf32, #tpu.memory_space<vmem>>[vector<16xi32>, vector<16xi32>], vector<16xf32>,
      %add3A_458 = arith.constant 13 : i32
      %add3A_459 = vector.broadcast %add3A_458 : i32 to vector<16xi32>
      %add3A_460 = arith.addi %get3A_278, %add3A_459 : vector<16xi32>
      %gather3A_461 = arith.constant 0 : i32
      %gather3A_462 = arith.constant 0 : i32
      %gather3A_463 = tpu.memref_slice %arg8[%scan3A_107, %gather3A_461, %gather3A_462] : memref<2x128x128xf32, #tpu.memory_space<vmem>> -> memref<1x128x128xf32, #tpu.memory_space<vmem>>
      %gather3A_464 = tpu.memref_squeeze %gather3A_463 : memref<1x128x128xf32, #tpu.memory_space<vmem>> -> memref<128x128xf32, #tpu.memory_space<vmem>>
      %gather3A_465 = tpu.vector_load_idx %gather3A_464[%add3A_275, %add3A_460] : memref<128x128xf32, #tpu.memory_space<vmem>>[vector<16xi32>, vector<16xi32>], vector<16xf32>,
      %broadcast_in_dim3A_466 = arith.constant 13 : i32
      %broadcast_in_dim3A_467 = vector.broadcast %broadcast_in_dim3A_466 : i32 to vector<16xi32>
      %scatter3A_468 = arith.constant 0 : i32
      %scatter3A_469 = arith.constant 0 : i32
      %scatter3A_470 = tpu.memref_slice %arg9[%scan3A_108, %scatter3A_468, %scatter3A_469] : memref<2x128x32xf32, #tpu.memory_space<vmem>> -> memref<1x128x32xf32, #tpu.memory_space<vmem>>
      %scatter3A_471 = tpu.memref_squeeze %scatter3A_470 : memref<1x128x32xf32, #tpu.memory_space<vmem>> -> memref<128x32xf32, #tpu.memory_space<vmem>>
      tpu.vector_store_idx %scatter3A_471[%add3A_275, %broadcast_in_dim3A_467], %gather3A_465 : memref<128x32xf32, #tpu.memory_space<vmem>>[vector<16xi32>, vector<16xi32>], vector<16xf32>,
      %add3A_472 = arith.constant 14 : i32
      %add3A_473 = vector.broadcast %add3A_472 : i32 to vector<16xi32>
      %add3A_474 = arith.addi %get3A_278, %add3A_473 : vector<16xi32>
      %gather3A_475 = arith.constant 0 : i32
      %gather3A_476 = arith.constant 0 : i32
      %gather3A_477 = tpu.memref_slice %arg8[%scan3A_107, %gather3A_475, %gather3A_476] : memref<2x128x128xf32, #tpu.memory_space<vmem>> -> memref<1x128x128xf32, #tpu.memory_space<vmem>>
      %gather3A_478 = tpu.memref_squeeze %gather3A_477 : memref<1x128x128xf32, #tpu.memory_space<vmem>> -> memref<128x128xf32, #tpu.memory_space<vmem>>
      %gather3A_479 = tpu.vector_load_idx %gather3A_478[%add3A_275, %add3A_474] : memref<128x128xf32, #tpu.memory_space<vmem>>[vector<16xi32>, vector<16xi32>], vector<16xf32>,
      %broadcast_in_dim3A_480 = arith.constant 14 : i32
      %broadcast_in_dim3A_481 = vector.broadcast %broadcast_in_dim3A_480 : i32 to vector<16xi32>
      %scatter3A_482 = arith.constant 0 : i32
      %scatter3A_483 = arith.constant 0 : i32
      %scatter3A_484 = tpu.memref_slice %arg9[%scan3A_108, %scatter3A_482, %scatter3A_483] : memref<2x128x32xf32, #tpu.memory_space<vmem>> -> memref<1x128x32xf32, #tpu.memory_space<vmem>>
      %scatter3A_485 = tpu.memref_squeeze %scatter3A_484 : memref<1x128x32xf32, #tpu.memory_space<vmem>> -> memref<128x32xf32, #tpu.memory_space<vmem>>
      tpu.vector_store_idx %scatter3A_485[%add3A_275, %broadcast_in_dim3A_481], %gather3A_479 : memref<128x32xf32, #tpu.memory_space<vmem>>[vector<16xi32>, vector<16xi32>], vector<16xf32>,
      %add3A_486 = arith.constant 15 : i32
      %add3A_487 = vector.broadcast %add3A_486 : i32 to vector<16xi32>
      %add3A_488 = arith.addi %get3A_278, %add3A_487 : vector<16xi32>
      %gather3A_489 = arith.constant 0 : i32
      %gather3A_490 = arith.constant 0 : i32
      %gather3A_491 = tpu.memref_slice %arg8[%scan3A_107, %gather3A_489, %gather3A_490] : memref<2x128x128xf32, #tpu.memory_space<vmem>> -> memref<1x128x128xf32, #tpu.memory_space<vmem>>
      %gather3A_492 = tpu.memref_squeeze %gather3A_491 : memref<1x128x128xf32, #tpu.memory_space<vmem>> -> memref<128x128xf32, #tpu.memory_space<vmem>>
      %gather3A_493 = tpu.vector_load_idx %gather3A_492[%add3A_275, %add3A_488] : memref<128x128xf32, #tpu.memory_space<vmem>>[vector<16xi32>, vector<16xi32>], vector<16xf32>,
      %broadcast_in_dim3A_494 = arith.constant 15 : i32
      %broadcast_in_dim3A_495 = vector.broadcast %broadcast_in_dim3A_494 : i32 to vector<16xi32>
      %scatter3A_496 = arith.constant 0 : i32
      %scatter3A_497 = arith.constant 0 : i32
      %scatter3A_498 = tpu.memref_slice %arg9[%scan3A_108, %scatter3A_496, %scatter3A_497] : memref<2x128x32xf32, #tpu.memory_space<vmem>> -> memref<1x128x32xf32, #tpu.memory_space<vmem>>
      %scatter3A_499 = tpu.memref_squeeze %scatter3A_498 : memref<1x128x32xf32, #tpu.memory_space<vmem>> -> memref<128x32xf32, #tpu.memory_space<vmem>>
      tpu.vector_store_idx %scatter3A_499[%add3A_275, %broadcast_in_dim3A_495], %gather3A_493 : memref<128x32xf32, #tpu.memory_space<vmem>>[vector<16xi32>, vector<16xi32>], vector<16xf32>,
      %add3A_500 = arith.constant 16 : i32
      %add3A_501 = vector.broadcast %add3A_500 : i32 to vector<16xi32>
      %add3A_502 = arith.addi %get3A_278, %add3A_501 : vector<16xi32>
      %gather3A_503 = arith.constant 0 : i32
      %gather3A_504 = arith.constant 0 : i32
      %gather3A_505 = tpu.memref_slice %arg8[%scan3A_107, %gather3A_503, %gather3A_504] : memref<2x128x128xf32, #tpu.memory_space<vmem>> -> memref<1x128x128xf32, #tpu.memory_space<vmem>>
      %gather3A_506 = tpu.memref_squeeze %gather3A_505 : memref<1x128x128xf32, #tpu.memory_space<vmem>> -> memref<128x128xf32, #tpu.memory_space<vmem>>
      %gather3A_507 = tpu.vector_load_idx %gather3A_506[%add3A_275, %add3A_502] : memref<128x128xf32, #tpu.memory_space<vmem>>[vector<16xi32>, vector<16xi32>], vector<16xf32>,
      %broadcast_in_dim3A_508 = arith.constant 16 : i32
      %broadcast_in_dim3A_509 = vector.broadcast %broadcast_in_dim3A_508 : i32 to vector<16xi32>
      %scatter3A_510 = arith.constant 0 : i32
      %scatter3A_511 = arith.constant 0 : i32
      %scatter3A_512 = tpu.memref_slice %arg9[%scan3A_108, %scatter3A_510, %scatter3A_511] : memref<2x128x32xf32, #tpu.memory_space<vmem>> -> memref<1x128x32xf32, #tpu.memory_space<vmem>>
      %scatter3A_513 = tpu.memref_squeeze %scatter3A_512 : memref<1x128x32xf32, #tpu.memory_space<vmem>> -> memref<128x32xf32, #tpu.memory_space<vmem>>
      tpu.vector_store_idx %scatter3A_513[%add3A_275, %broadcast_in_dim3A_509], %gather3A_507 : memref<128x32xf32, #tpu.memory_space<vmem>>[vector<16xi32>, vector<16xi32>], vector<16xf32>,
      %add3A_514 = arith.constant 17 : i32
      %add3A_515 = vector.broadcast %add3A_514 : i32 to vector<16xi32>
      %add3A_516 = arith.addi %get3A_278, %add3A_515 : vector<16xi32>
      %gather3A_517 = arith.constant 0 : i32
      %gather3A_518 = arith.constant 0 : i32
      %gather3A_519 = tpu.memref_slice %arg8[%scan3A_107, %gather3A_517, %gather3A_518] : memref<2x128x128xf32, #tpu.memory_space<vmem>> -> memref<1x128x128xf32, #tpu.memory_space<vmem>>
      %gather3A_520 = tpu.memref_squeeze %gather3A_519 : memref<1x128x128xf32, #tpu.memory_space<vmem>> -> memref<128x128xf32, #tpu.memory_space<vmem>>
      %gather3A_521 = tpu.vector_load_idx %gather3A_520[%add3A_275, %add3A_516] : memref<128x128xf32, #tpu.memory_space<vmem>>[vector<16xi32>, vector<16xi32>], vector<16xf32>,
      %broadcast_in_dim3A_522 = arith.constant 17 : i32
      %broadcast_in_dim3A_523 = vector.broadcast %broadcast_in_dim3A_522 : i32 to vector<16xi32>
      %scatter3A_524 = arith.constant 0 : i32
      %scatter3A_525 = arith.constant 0 : i32
      %scatter3A_526 = tpu.memref_slice %arg9[%scan3A_108, %scatter3A_524, %scatter3A_525] : memref<2x128x32xf32, #tpu.memory_space<vmem>> -> memref<1x128x32xf32, #tpu.memory_space<vmem>>
      %scatter3A_527 = tpu.memref_squeeze %scatter3A_526 : memref<1x128x32xf32, #tpu.memory_space<vmem>> -> memref<128x32xf32, #tpu.memory_space<vmem>>
      tpu.vector_store_idx %scatter3A_527[%add3A_275, %broadcast_in_dim3A_523], %gather3A_521 : memref<128x32xf32, #tpu.memory_space<vmem>>[vector<16xi32>, vector<16xi32>], vector<16xf32>,
      %add3A_528 = arith.constant 18 : i32
      %add3A_529 = vector.broadcast %add3A_528 : i32 to vector<16xi32>
      %add3A_530 = arith.addi %get3A_278, %add3A_529 : vector<16xi32>
      %gather3A_531 = arith.constant 0 : i32
      %gather3A_532 = arith.constant 0 : i32
      %gather3A_533 = tpu.memref_slice %arg8[%scan3A_107, %gather3A_531, %gather3A_532] : memref<2x128x128xf32, #tpu.memory_space<vmem>> -> memref<1x128x128xf32, #tpu.memory_space<vmem>>
      %gather3A_534 = tpu.memref_squeeze %gather3A_533 : memref<1x128x128xf32, #tpu.memory_space<vmem>> -> memref<128x128xf32, #tpu.memory_space<vmem>>
      %gather3A_535 = tpu.vector_load_idx %gather3A_534[%add3A_275, %add3A_530] : memref<128x128xf32, #tpu.memory_space<vmem>>[vector<16xi32>, vector<16xi32>], vector<16xf32>,
      %broadcast_in_dim3A_536 = arith.constant 18 : i32
      %broadcast_in_dim3A_537 = vector.broadcast %broadcast_in_dim3A_536 : i32 to vector<16xi32>
      %scatter3A_538 = arith.constant 0 : i32
      %scatter3A_539 = arith.constant 0 : i32
      %scatter3A_540 = tpu.memref_slice %arg9[%scan3A_108, %scatter3A_538, %scatter3A_539] : memref<2x128x32xf32, #tpu.memory_space<vmem>> -> memref<1x128x32xf32, #tpu.memory_space<vmem>>
      %scatter3A_541 = tpu.memref_squeeze %scatter3A_540 : memref<1x128x32xf32, #tpu.memory_space<vmem>> -> memref<128x32xf32, #tpu.memory_space<vmem>>
      tpu.vector_store_idx %scatter3A_541[%add3A_275, %broadcast_in_dim3A_537], %gather3A_535 : memref<128x32xf32, #tpu.memory_space<vmem>>[vector<16xi32>, vector<16xi32>], vector<16xf32>,
      %add3A_542 = arith.constant 19 : i32
      %add3A_543 = vector.broadcast %add3A_542 : i32 to vector<16xi32>
      %add3A_544 = arith.addi %get3A_278, %add3A_543 : vector<16xi32>
      %gather3A_545 = arith.constant 0 : i32
      %gather3A_546 = arith.constant 0 : i32
      %gather3A_547 = tpu.memref_slice %arg8[%scan3A_107, %gather3A_545, %gather3A_546] : memref<2x128x128xf32, #tpu.memory_space<vmem>> -> memref<1x128x128xf32, #tpu.memory_space<vmem>>
      %gather3A_548 = tpu.memref_squeeze %gather3A_547 : memref<1x128x128xf32, #tpu.memory_space<vmem>> -> memref<128x128xf32, #tpu.memory_space<vmem>>
      %gather3A_549 = tpu.vector_load_idx %gather3A_548[%add3A_275, %add3A_544] : memref<128x128xf32, #tpu.memory_space<vmem>>[vector<16xi32>, vector<16xi32>], vector<16xf32>,
      %broadcast_in_dim3A_550 = arith.constant 19 : i32
      %broadcast_in_dim3A_551 = vector.broadcast %broadcast_in_dim3A_550 : i32 to vector<16xi32>
      %scatter3A_552 = arith.constant 0 : i32
      %scatter3A_553 = arith.constant 0 : i32
      %scatter3A_554 = tpu.memref_slice %arg9[%scan3A_108, %scatter3A_552, %scatter3A_553] : memref<2x128x32xf32, #tpu.memory_space<vmem>> -> memref<1x128x32xf32, #tpu.memory_space<vmem>>
      %scatter3A_555 = tpu.memref_squeeze %scatter3A_554 : memref<1x128x32xf32, #tpu.memory_space<vmem>> -> memref<128x32xf32, #tpu.memory_space<vmem>>
      tpu.vector_store_idx %scatter3A_555[%add3A_275, %broadcast_in_dim3A_551], %gather3A_549 : memref<128x32xf32, #tpu.memory_space<vmem>>[vector<16xi32>, vector<16xi32>], vector<16xf32>,
      %add3A_556 = arith.constant 20 : i32
      %add3A_557 = vector.broadcast %add3A_556 : i32 to vector<16xi32>
      %add3A_558 = arith.addi %get3A_278, %add3A_557 : vector<16xi32>
      %gather3A_559 = arith.constant 0 : i32
      %gather3A_560 = arith.constant 0 : i32
      %gather3A_561 = tpu.memref_slice %arg8[%scan3A_107, %gather3A_559, %gather3A_560] : memref<2x128x128xf32, #tpu.memory_space<vmem>> -> memref<1x128x128xf32, #tpu.memory_space<vmem>>
      %gather3A_562 = tpu.memref_squeeze %gather3A_561 : memref<1x128x128xf32, #tpu.memory_space<vmem>> -> memref<128x128xf32, #tpu.memory_space<vmem>>
      %gather3A_563 = tpu.vector_load_idx %gather3A_562[%add3A_275, %add3A_558] : memref<128x128xf32, #tpu.memory_space<vmem>>[vector<16xi32>, vector<16xi32>], vector<16xf32>,
      %broadcast_in_dim3A_564 = arith.constant 20 : i32
      %broadcast_in_dim3A_565 = vector.broadcast %broadcast_in_dim3A_564 : i32 to vector<16xi32>
      %scatter3A_566 = arith.constant 0 : i32
      %scatter3A_567 = arith.constant 0 : i32
      %scatter3A_568 = tpu.memref_slice %arg9[%scan3A_108, %scatter3A_566, %scatter3A_567] : memref<2x128x32xf32, #tpu.memory_space<vmem>> -> memref<1x128x32xf32, #tpu.memory_space<vmem>>
      %scatter3A_569 = tpu.memref_squeeze %scatter3A_568 : memref<1x128x32xf32, #tpu.memory_space<vmem>> -> memref<128x32xf32, #tpu.memory_space<vmem>>
      tpu.vector_store_idx %scatter3A_569[%add3A_275, %broadcast_in_dim3A_565], %gather3A_563 : memref<128x32xf32, #tpu.memory_space<vmem>>[vector<16xi32>, vector<16xi32>], vector<16xf32>,
      %add3A_570 = arith.constant 21 : i32
      %add3A_571 = vector.broadcast %add3A_570 : i32 to vector<16xi32>
      %add3A_572 = arith.addi %get3A_278, %add3A_571 : vector<16xi32>
      %gather3A_573 = arith.constant 0 : i32
      %gather3A_574 = arith.constant 0 : i32
      %gather3A_575 = tpu.memref_slice %arg8[%scan3A_107, %gather3A_573, %gather3A_574] : memref<2x128x128xf32, #tpu.memory_space<vmem>> -> memref<1x128x128xf32, #tpu.memory_space<vmem>>
      %gather3A_576 = tpu.memref_squeeze %gather3A_575 : memref<1x128x128xf32, #tpu.memory_space<vmem>> -> memref<128x128xf32, #tpu.memory_space<vmem>>
      %gather3A_577 = tpu.vector_load_idx %gather3A_576[%add3A_275, %add3A_572] : memref<128x128xf32, #tpu.memory_space<vmem>>[vector<16xi32>, vector<16xi32>], vector<16xf32>,
      %broadcast_in_dim3A_578 = arith.constant 21 : i32
      %broadcast_in_dim3A_579 = vector.broadcast %broadcast_in_dim3A_578 : i32 to vector<16xi32>
      %scatter3A_580 = arith.constant 0 : i32
      %scatter3A_581 = arith.constant 0 : i32
      %scatter3A_582 = tpu.memref_slice %arg9[%scan3A_108, %scatter3A_580, %scatter3A_581] : memref<2x128x32xf32, #tpu.memory_space<vmem>> -> memref<1x128x32xf32, #tpu.memory_space<vmem>>
      %scatter3A_583 = tpu.memref_squeeze %scatter3A_582 : memref<1x128x32xf32, #tpu.memory_space<vmem>> -> memref<128x32xf32, #tpu.memory_space<vmem>>
      tpu.vector_store_idx %scatter3A_583[%add3A_275, %broadcast_in_dim3A_579], %gather3A_577 : memref<128x32xf32, #tpu.memory_space<vmem>>[vector<16xi32>, vector<16xi32>], vector<16xf32>,
      %add3A_584 = arith.constant 22 : i32
      %add3A_585 = vector.broadcast %add3A_584 : i32 to vector<16xi32>
      %add3A_586 = arith.addi %get3A_278, %add3A_585 : vector<16xi32>
      %gather3A_587 = arith.constant 0 : i32
      %gather3A_588 = arith.constant 0 : i32
      %gather3A_589 = tpu.memref_slice %arg8[%scan3A_107, %gather3A_587, %gather3A_588] : memref<2x128x128xf32, #tpu.memory_space<vmem>> -> memref<1x128x128xf32, #tpu.memory_space<vmem>>
      %gather3A_590 = tpu.memref_squeeze %gather3A_589 : memref<1x128x128xf32, #tpu.memory_space<vmem>> -> memref<128x128xf32, #tpu.memory_space<vmem>>
      %gather3A_591 = tpu.vector_load_idx %gather3A_590[%add3A_275, %add3A_586] : memref<128x128xf32, #tpu.memory_space<vmem>>[vector<16xi32>, vector<16xi32>], vector<16xf32>,
      %broadcast_in_dim3A_592 = arith.constant 22 : i32
      %broadcast_in_dim3A_593 = vector.broadcast %broadcast_in_dim3A_592 : i32 to vector<16xi32>
      %scatter3A_594 = arith.constant 0 : i32
      %scatter3A_595 = arith.constant 0 : i32
      %scatter3A_596 = tpu.memref_slice %arg9[%scan3A_108, %scatter3A_594, %scatter3A_595] : memref<2x128x32xf32, #tpu.memory_space<vmem>> -> memref<1x128x32xf32, #tpu.memory_space<vmem>>
      %scatter3A_597 = tpu.memref_squeeze %scatter3A_596 : memref<1x128x32xf32, #tpu.memory_space<vmem>> -> memref<128x32xf32, #tpu.memory_space<vmem>>
      tpu.vector_store_idx %scatter3A_597[%add3A_275, %broadcast_in_dim3A_593], %gather3A_591 : memref<128x32xf32, #tpu.memory_space<vmem>>[vector<16xi32>, vector<16xi32>], vector<16xf32>,
      %add3A_598 = arith.constant 23 : i32
      %add3A_599 = vector.broadcast %add3A_598 : i32 to vector<16xi32>
      %add3A_600 = arith.addi %get3A_278, %add3A_599 : vector<16xi32>
      %gather3A_601 = arith.constant 0 : i32
      %gather3A_602 = arith.constant 0 : i32
      %gather3A_603 = tpu.memref_slice %arg8[%scan3A_107, %gather3A_601, %gather3A_602] : memref<2x128x128xf32, #tpu.memory_space<vmem>> -> memref<1x128x128xf32, #tpu.memory_space<vmem>>
      %gather3A_604 = tpu.memref_squeeze %gather3A_603 : memref<1x128x128xf32, #tpu.memory_space<vmem>> -> memref<128x128xf32, #tpu.memory_space<vmem>>
      %gather3A_605 = tpu.vector_load_idx %gather3A_604[%add3A_275, %add3A_600] : memref<128x128xf32, #tpu.memory_space<vmem>>[vector<16xi32>, vector<16xi32>], vector<16xf32>,
      %broadcast_in_dim3A_606 = arith.constant 23 : i32
      %broadcast_in_dim3A_607 = vector.broadcast %broadcast_in_dim3A_606 : i32 to vector<16xi32>
      %scatter3A_608 = arith.constant 0 : i32
      %scatter3A_609 = arith.constant 0 : i32
      %scatter3A_610 = tpu.memref_slice %arg9[%scan3A_108, %scatter3A_608, %scatter3A_609] : memref<2x128x32xf32, #tpu.memory_space<vmem>> -> memref<1x128x32xf32, #tpu.memory_space<vmem>>
      %scatter3A_611 = tpu.memref_squeeze %scatter3A_610 : memref<1x128x32xf32, #tpu.memory_space<vmem>> -> memref<128x32xf32, #tpu.memory_space<vmem>>
      tpu.vector_store_idx %scatter3A_611[%add3A_275, %broadcast_in_dim3A_607], %gather3A_605 : memref<128x32xf32, #tpu.memory_space<vmem>>[vector<16xi32>, vector<16xi32>], vector<16xf32>,
      %add3A_612 = arith.constant 24 : i32
      %add3A_613 = vector.broadcast %add3A_612 : i32 to vector<16xi32>
      %add3A_614 = arith.addi %get3A_278, %add3A_613 : vector<16xi32>
      %gather3A_615 = arith.constant 0 : i32
      %gather3A_616 = arith.constant 0 : i32
      %gather3A_617 = tpu.memref_slice %arg8[%scan3A_107, %gather3A_615, %gather3A_616] : memref<2x128x128xf32, #tpu.memory_space<vmem>> -> memref<1x128x128xf32, #tpu.memory_space<vmem>>
      %gather3A_618 = tpu.memref_squeeze %gather3A_617 : memref<1x128x128xf32, #tpu.memory_space<vmem>> -> memref<128x128xf32, #tpu.memory_space<vmem>>
      %gather3A_619 = tpu.vector_load_idx %gather3A_618[%add3A_275, %add3A_614] : memref<128x128xf32, #tpu.memory_space<vmem>>[vector<16xi32>, vector<16xi32>], vector<16xf32>,
      %broadcast_in_dim3A_620 = arith.constant 24 : i32
      %broadcast_in_dim3A_621 = vector.broadcast %broadcast_in_dim3A_620 : i32 to vector<16xi32>
      %scatter3A_622 = arith.constant 0 : i32
      %scatter3A_623 = arith.constant 0 : i32
      %scatter3A_624 = tpu.memref_slice %arg9[%scan3A_108, %scatter3A_622, %scatter3A_623] : memref<2x128x32xf32, #tpu.memory_space<vmem>> -> memref<1x128x32xf32, #tpu.memory_space<vmem>>
      %scatter3A_625 = tpu.memref_squeeze %scatter3A_624 : memref<1x128x32xf32, #tpu.memory_space<vmem>> -> memref<128x32xf32, #tpu.memory_space<vmem>>
      tpu.vector_store_idx %scatter3A_625[%add3A_275, %broadcast_in_dim3A_621], %gather3A_619 : memref<128x32xf32, #tpu.memory_space<vmem>>[vector<16xi32>, vector<16xi32>], vector<16xf32>,
      %add3A_626 = arith.constant 25 : i32
      %add3A_627 = vector.broadcast %add3A_626 : i32 to vector<16xi32>
      %add3A_628 = arith.addi %get3A_278, %add3A_627 : vector<16xi32>
      %gather3A_629 = arith.constant 0 : i32
      %gather3A_630 = arith.constant 0 : i32
      %gather3A_631 = tpu.memref_slice %arg8[%scan3A_107, %gather3A_629, %gather3A_630] : memref<2x128x128xf32, #tpu.memory_space<vmem>> -> memref<1x128x128xf32, #tpu.memory_space<vmem>>
      %gather3A_632 = tpu.memref_squeeze %gather3A_631 : memref<1x128x128xf32, #tpu.memory_space<vmem>> -> memref<128x128xf32, #tpu.memory_space<vmem>>
      %gather3A_633 = tpu.vector_load_idx %gather3A_632[%add3A_275, %add3A_628] : memref<128x128xf32, #tpu.memory_space<vmem>>[vector<16xi32>, vector<16xi32>], vector<16xf32>,
      %broadcast_in_dim3A_634 = arith.constant 25 : i32
      %broadcast_in_dim3A_635 = vector.broadcast %broadcast_in_dim3A_634 : i32 to vector<16xi32>
      %scatter3A_636 = arith.constant 0 : i32
      %scatter3A_637 = arith.constant 0 : i32
      %scatter3A_638 = tpu.memref_slice %arg9[%scan3A_108, %scatter3A_636, %scatter3A_637] : memref<2x128x32xf32, #tpu.memory_space<vmem>> -> memref<1x128x32xf32, #tpu.memory_space<vmem>>
      %scatter3A_639 = tpu.memref_squeeze %scatter3A_638 : memref<1x128x32xf32, #tpu.memory_space<vmem>> -> memref<128x32xf32, #tpu.memory_space<vmem>>
      tpu.vector_store_idx %scatter3A_639[%add3A_275, %broadcast_in_dim3A_635], %gather3A_633 : memref<128x32xf32, #tpu.memory_space<vmem>>[vector<16xi32>, vector<16xi32>], vector<16xf32>,
      %add3A_640 = arith.constant 26 : i32
      %add3A_641 = vector.broadcast %add3A_640 : i32 to vector<16xi32>
      %add3A_642 = arith.addi %get3A_278, %add3A_641 : vector<16xi32>
      %gather3A_643 = arith.constant 0 : i32
      %gather3A_644 = arith.constant 0 : i32
      %gather3A_645 = tpu.memref_slice %arg8[%scan3A_107, %gather3A_643, %gather3A_644] : memref<2x128x128xf32, #tpu.memory_space<vmem>> -> memref<1x128x128xf32, #tpu.memory_space<vmem>>
      %gather3A_646 = tpu.memref_squeeze %gather3A_645 : memref<1x128x128xf32, #tpu.memory_space<vmem>> -> memref<128x128xf32, #tpu.memory_space<vmem>>
      %gather3A_647 = tpu.vector_load_idx %gather3A_646[%add3A_275, %add3A_642] : memref<128x128xf32, #tpu.memory_space<vmem>>[vector<16xi32>, vector<16xi32>], vector<16xf32>,
      %broadcast_in_dim3A_648 = arith.constant 26 : i32
      %broadcast_in_dim3A_649 = vector.broadcast %broadcast_in_dim3A_648 : i32 to vector<16xi32>
      %scatter3A_650 = arith.constant 0 : i32
      %scatter3A_651 = arith.constant 0 : i32
      %scatter3A_652 = tpu.memref_slice %arg9[%scan3A_108, %scatter3A_650, %scatter3A_651] : memref<2x128x32xf32, #tpu.memory_space<vmem>> -> memref<1x128x32xf32, #tpu.memory_space<vmem>>
      %scatter3A_653 = tpu.memref_squeeze %scatter3A_652 : memref<1x128x32xf32, #tpu.memory_space<vmem>> -> memref<128x32xf32, #tpu.memory_space<vmem>>
      tpu.vector_store_idx %scatter3A_653[%add3A_275, %broadcast_in_dim3A_649], %gather3A_647 : memref<128x32xf32, #tpu.memory_space<vmem>>[vector<16xi32>, vector<16xi32>], vector<16xf32>,
      %add3A_654 = arith.constant 27 : i32
      %add3A_655 = vector.broadcast %add3A_654 : i32 to vector<16xi32>
      %add3A_656 = arith.addi %get3A_278, %add3A_655 : vector<16xi32>
      %gather3A_657 = arith.constant 0 : i32
      %gather3A_658 = arith.constant 0 : i32
      %gather3A_659 = tpu.memref_slice %arg8[%scan3A_107, %gather3A_657, %gather3A_658] : memref<2x128x128xf32, #tpu.memory_space<vmem>> -> memref<1x128x128xf32, #tpu.memory_space<vmem>>
      %gather3A_660 = tpu.memref_squeeze %gather3A_659 : memref<1x128x128xf32, #tpu.memory_space<vmem>> -> memref<128x128xf32, #tpu.memory_space<vmem>>
      %gather3A_661 = tpu.vector_load_idx %gather3A_660[%add3A_275, %add3A_656] : memref<128x128xf32, #tpu.memory_space<vmem>>[vector<16xi32>, vector<16xi32>], vector<16xf32>,
      %broadcast_in_dim3A_662 = arith.constant 27 : i32
      %broadcast_in_dim3A_663 = vector.broadcast %broadcast_in_dim3A_662 : i32 to vector<16xi32>
      %scatter3A_664 = arith.constant 0 : i32
      %scatter3A_665 = arith.constant 0 : i32
      %scatter3A_666 = tpu.memref_slice %arg9[%scan3A_108, %scatter3A_664, %scatter3A_665] : memref<2x128x32xf32, #tpu.memory_space<vmem>> -> memref<1x128x32xf32, #tpu.memory_space<vmem>>
      %scatter3A_667 = tpu.memref_squeeze %scatter3A_666 : memref<1x128x32xf32, #tpu.memory_space<vmem>> -> memref<128x32xf32, #tpu.memory_space<vmem>>
      tpu.vector_store_idx %scatter3A_667[%add3A_275, %broadcast_in_dim3A_663], %gather3A_661 : memref<128x32xf32, #tpu.memory_space<vmem>>[vector<16xi32>, vector<16xi32>], vector<16xf32>,
      %add3A_668 = arith.constant 28 : i32
      %add3A_669 = vector.broadcast %add3A_668 : i32 to vector<16xi32>
      %add3A_670 = arith.addi %get3A_278, %add3A_669 : vector<16xi32>
      %gather3A_671 = arith.constant 0 : i32
      %gather3A_672 = arith.constant 0 : i32
      %gather3A_673 = tpu.memref_slice %arg8[%scan3A_107, %gather3A_671, %gather3A_672] : memref<2x128x128xf32, #tpu.memory_space<vmem>> -> memref<1x128x128xf32, #tpu.memory_space<vmem>>
      %gather3A_674 = tpu.memref_squeeze %gather3A_673 : memref<1x128x128xf32, #tpu.memory_space<vmem>> -> memref<128x128xf32, #tpu.memory_space<vmem>>
      %gather3A_675 = tpu.vector_load_idx %gather3A_674[%add3A_275, %add3A_670] : memref<128x128xf32, #tpu.memory_space<vmem>>[vector<16xi32>, vector<16xi32>], vector<16xf32>,
      %broadcast_in_dim3A_676 = arith.constant 28 : i32
      %broadcast_in_dim3A_677 = vector.broadcast %broadcast_in_dim3A_676 : i32 to vector<16xi32>
      %scatter3A_678 = arith.constant 0 : i32
      %scatter3A_679 = arith.constant 0 : i32
      %scatter3A_680 = tpu.memref_slice %arg9[%scan3A_108, %scatter3A_678, %scatter3A_679] : memref<2x128x32xf32, #tpu.memory_space<vmem>> -> memref<1x128x32xf32, #tpu.memory_space<vmem>>
      %scatter3A_681 = tpu.memref_squeeze %scatter3A_680 : memref<1x128x32xf32, #tpu.memory_space<vmem>> -> memref<128x32xf32, #tpu.memory_space<vmem>>
      tpu.vector_store_idx %scatter3A_681[%add3A_275, %broadcast_in_dim3A_677], %gather3A_675 : memref<128x32xf32, #tpu.memory_space<vmem>>[vector<16xi32>, vector<16xi32>], vector<16xf32>,
      %add3A_682 = arith.constant 29 : i32
      %add3A_683 = vector.broadcast %add3A_682 : i32 to vector<16xi32>
      %add3A_684 = arith.addi %get3A_278, %add3A_683 : vector<16xi32>
      %gather3A_685 = arith.constant 0 : i32
      %gather3A_686 = arith.constant 0 : i32
      %gather3A_687 = tpu.memref_slice %arg8[%scan3A_107, %gather3A_685, %gather3A_686] : memref<2x128x128xf32, #tpu.memory_space<vmem>> -> memref<1x128x128xf32, #tpu.memory_space<vmem>>
      %gather3A_688 = tpu.memref_squeeze %gather3A_687 : memref<1x128x128xf32, #tpu.memory_space<vmem>> -> memref<128x128xf32, #tpu.memory_space<vmem>>
      %gather3A_689 = tpu.vector_load_idx %gather3A_688[%add3A_275, %add3A_684] : memref<128x128xf32, #tpu.memory_space<vmem>>[vector<16xi32>, vector<16xi32>], vector<16xf32>,
      %broadcast_in_dim3A_690 = arith.constant 29 : i32
      %broadcast_in_dim3A_691 = vector.broadcast %broadcast_in_dim3A_690 : i32 to vector<16xi32>
      %scatter3A_692 = arith.constant 0 : i32
      %scatter3A_693 = arith.constant 0 : i32
      %scatter3A_694 = tpu.memref_slice %arg9[%scan3A_108, %scatter3A_692, %scatter3A_693] : memref<2x128x32xf32, #tpu.memory_space<vmem>> -> memref<1x128x32xf32, #tpu.memory_space<vmem>>
      %scatter3A_695 = tpu.memref_squeeze %scatter3A_694 : memref<1x128x32xf32, #tpu.memory_space<vmem>> -> memref<128x32xf32, #tpu.memory_space<vmem>>
      tpu.vector_store_idx %scatter3A_695[%add3A_275, %broadcast_in_dim3A_691], %gather3A_689 : memref<128x32xf32, #tpu.memory_space<vmem>>[vector<16xi32>, vector<16xi32>], vector<16xf32>,
      %add3A_696 = arith.constant 30 : i32
      %add3A_697 = vector.broadcast %add3A_696 : i32 to vector<16xi32>
      %add3A_698 = arith.addi %get3A_278, %add3A_697 : vector<16xi32>
      %gather3A_699 = arith.constant 0 : i32
      %gather3A_700 = arith.constant 0 : i32
      %gather3A_701 = tpu.memref_slice %arg8[%scan3A_107, %gather3A_699, %gather3A_700] : memref<2x128x128xf32, #tpu.memory_space<vmem>> -> memref<1x128x128xf32, #tpu.memory_space<vmem>>
      %gather3A_702 = tpu.memref_squeeze %gather3A_701 : memref<1x128x128xf32, #tpu.memory_space<vmem>> -> memref<128x128xf32, #tpu.memory_space<vmem>>
      %gather3A_703 = tpu.vector_load_idx %gather3A_702[%add3A_275, %add3A_698] : memref<128x128xf32, #tpu.memory_space<vmem>>[vector<16xi32>, vector<16xi32>], vector<16xf32>,
      %broadcast_in_dim3A_704 = arith.constant 30 : i32
      %broadcast_in_dim3A_705 = vector.broadcast %broadcast_in_dim3A_704 : i32 to vector<16xi32>
      %scatter3A_706 = arith.constant 0 : i32
      %scatter3A_707 = arith.constant 0 : i32
      %scatter3A_708 = tpu.memref_slice %arg9[%scan3A_108, %scatter3A_706, %scatter3A_707] : memref<2x128x32xf32, #tpu.memory_space<vmem>> -> memref<1x128x32xf32, #tpu.memory_space<vmem>>
      %scatter3A_709 = tpu.memref_squeeze %scatter3A_708 : memref<1x128x32xf32, #tpu.memory_space<vmem>> -> memref<128x32xf32, #tpu.memory_space<vmem>>
      tpu.vector_store_idx %scatter3A_709[%add3A_275, %broadcast_in_dim3A_705], %gather3A_703 : memref<128x32xf32, #tpu.memory_space<vmem>>[vector<16xi32>, vector<16xi32>], vector<16xf32>,
      %add3A_710 = arith.constant 31 : i32
      %add3A_711 = vector.broadcast %add3A_710 : i32 to vector<16xi32>
      %add3A_712 = arith.addi %get3A_278, %add3A_711 : vector<16xi32>
      %gather3A_713 = arith.constant 0 : i32
      %gather3A_714 = arith.constant 0 : i32
      %gather3A_715 = tpu.memref_slice %arg8[%scan3A_107, %gather3A_713, %gather3A_714] : memref<2x128x128xf32, #tpu.memory_space<vmem>> -> memref<1x128x128xf32, #tpu.memory_space<vmem>>
      %gather3A_716 = tpu.memref_squeeze %gather3A_715 : memref<1x128x128xf32, #tpu.memory_space<vmem>> -> memref<128x128xf32, #tpu.memory_space<vmem>>
      %gather3A_717 = tpu.vector_load_idx %gather3A_716[%add3A_275, %add3A_712] : memref<128x128xf32, #tpu.memory_space<vmem>>[vector<16xi32>, vector<16xi32>], vector<16xf32>,
      %broadcast_in_dim3A_718 = arith.constant 31 : i32
      %broadcast_in_dim3A_719 = vector.broadcast %broadcast_in_dim3A_718 : i32 to vector<16xi32>
      %scatter3A_720 = arith.constant 0 : i32
      %scatter3A_721 = arith.constant 0 : i32
      %scatter3A_722 = tpu.memref_slice %arg9[%scan3A_108, %scatter3A_720, %scatter3A_721] : memref<2x128x32xf32, #tpu.memory_space<vmem>> -> memref<1x128x32xf32, #tpu.memory_space<vmem>>
      %scatter3A_723 = tpu.memref_squeeze %scatter3A_722 : memref<1x128x32xf32, #tpu.memory_space<vmem>> -> memref<128x32xf32, #tpu.memory_space<vmem>>
      tpu.vector_store_idx %scatter3A_723[%add3A_275, %broadcast_in_dim3A_719], %gather3A_717 : memref<128x32xf32, #tpu.memory_space<vmem>>[vector<16xi32>, vector<16xi32>], vector<16xf32>,
    }
    %scan3A_113 = arith.constant 8 : i32
    %dma_start3A_114 = arith.constant 3 : i32
    %dma_start3A_115 = arith.constant 1 : i32
    %dma_start3A_116 = arith.constant 0 : i32
    %dma_start3A_117 = arith.constant 0 : i32
    %dma_start3A_118 = tpu.memref_slice %arg8[%dma_start3A_115, %dma_start3A_116, %dma_start3A_117] : memref<2x128x128xf32, #tpu.memory_space<vmem>> -> memref<1x128x128xf32, #tpu.memory_space<vmem>>
    %dma_start3A_119 = tpu.memref_squeeze %dma_start3A_118 : memref<1x128x128xf32, #tpu.memory_space<vmem>> -> memref<128x128xf32, #tpu.memory_space<vmem>>
    %dma_start3A_120 = arith.constant 0 : i32
    %dma_start3A_121 = tpu.memref_slice %arg6[%dma_start3A_114, %dma_start3A_120] : memref<4x128xi32, #tpu.memory_space<vmem>> -> memref<1x128xi32, #tpu.memory_space<vmem>>
    %dma_start3A_122 = tpu.memref_squeeze %dma_start3A_121 : memref<1x128xi32, #tpu.memory_space<vmem>> -> memref<128xi32, #tpu.memory_space<vmem>>
    %dma_start3A_123 = arith.constant 0 : i32
    %dma_start3A_124 = arith.constant 0 : i32
    %dma_start3A_125 = tpu.memref_slice %arg2[%dma_start3A_123, %dma_start3A_124] : memref<251904x128xf32, #tpu.memory_space<hbm>> -> memref<251904x128xf32, #tpu.memory_space<hbm>>
    tpu.enqueue_indirect_dma source(%dma_start3A_125 : memref<251904x128xf32, #tpu.memory_space<hbm>>) target(%dma_start3A_119 : memref<128x128xf32, #tpu.memory_space<vmem>>) offsets(%dma_start3A_122 : memref<128xi32, #tpu.memory_space<vmem>>) semaphore(%arg12 : memref<!tpu.dma_semaphore, #tpu.memory_space<semaphore_mem>>)
    %mul3A_126 = arith.constant 512 : i32
    %mul3A_127 = arith.muli %add3A, %mul3A_126 : i32
    %add3A_128 = arith.constant 128 : i32
    %add3A_129 = arith.addi %mul3A_127, %add3A_128 : i32
    %dma_start3A_130 = arith.constant 1 : i32
    %dma_start3A_131 = arith.constant 0 : i32
    %dma_start3A_132 = arith.constant 0 : i32
    %dma_start3A_133 = tpu.memref_slice %arg9[%dma_start3A_130, %dma_start3A_131, %dma_start3A_132] : memref<2x128x32xf32, #tpu.memory_space<vmem>> -> memref<1x128x32xf32, #tpu.memory_space<vmem>>
    %dma_start3A_134 = tpu.memref_squeeze %dma_start3A_133 : memref<1x128x32xf32, #tpu.memory_space<vmem>> -> memref<128x32xf32, #tpu.memory_space<vmem>>
    %dma_start3A_135 = arith.constant 0 : i32
    %dma_start3A_136 = tpu.memref_slice %arg5[%add3A_129, %dma_start3A_135] : memref<16384x32xf32, #tpu.memory_space<hbm>> -> memref<128x32xf32, #tpu.memory_space<hbm>>
    %dma_start3A_137 = arith.constant 0 : i32
    %dma_start3A_138 = tpu.memref_slice %arg5[%add3A_129, %dma_start3A_137] : memref<16384x32xf32, #tpu.memory_space<hbm>> -> memref<128x32xf32, #tpu.memory_space<hbm>>
    %dma_start3A_139 = arith.constant 0 : i32
    %dma_start3A_140 = arith.constant 0 : i32
    %dma_start3A_141 = tpu.memref_slice %arg9[%dma_start3A_130, %dma_start3A_139, %dma_start3A_140] : memref<2x128x32xf32, #tpu.memory_space<vmem>> -> memref<1x128x32xf32, #tpu.memory_space<vmem>>
    %dma_start3A_142 = tpu.memref_squeeze %dma_start3A_141 : memref<1x128x32xf32, #tpu.memory_space<vmem>> -> memref<128x32xf32, #tpu.memory_space<vmem>>
    tpu.enqueue_dma source(%dma_start3A_142 : memref<128x32xf32, #tpu.memory_space<vmem>>) target(%dma_start3A_138 : memref<128x32xf32, #tpu.memory_space<hbm>>) target_semaphore(%arg14 : memref<!tpu.dma_semaphore, #tpu.memory_space<semaphore_mem>>)
    %dma_wait3A_143 = arith.constant 0 : i32
    %dma_wait3A_144 = arith.constant 0 : i32
    %dma_wait3A_145 = arith.constant 0 : i32
    %dma_wait3A_146 = tpu.memref_slice %arg9[%dma_wait3A_143, %dma_wait3A_144, %dma_wait3A_145] : memref<2x128x32xf32, #tpu.memory_space<vmem>> -> memref<1x128x32xf32, #tpu.memory_space<vmem>>
    %dma_wait3A_147 = tpu.memref_squeeze %dma_wait3A_146 : memref<1x128x32xf32, #tpu.memory_space<vmem>> -> memref<128x32xf32, #tpu.memory_space<vmem>>
    %dma_wait3A_148 = arith.constant 0 : i32
    %dma_wait3A_149 = tpu.memref_slice %arg5[%add3A_81, %dma_wait3A_148] : memref<16384x32xf32, #tpu.memory_space<hbm>> -> memref<128x32xf32, #tpu.memory_space<hbm>>
    %dma_wait3A_150 = arith.constant 0 : i32
    %dma_wait3A_151 = tpu.memref_slice %arg5[%add3A_81, %dma_wait3A_150] : memref<16384x32xf32, #tpu.memory_space<hbm>> -> memref<128x32xf32, #tpu.memory_space<hbm>>
    %dma_wait3A_152 = arith.constant 0 : i32
    %dma_wait3A_153 = arith.constant 0 : i32
    %dma_wait3A_154 = tpu.memref_slice %arg9[%dma_wait3A_143, %dma_wait3A_152, %dma_wait3A_153] : memref<2x128x32xf32, #tpu.memory_space<vmem>> -> memref<1x128x32xf32, #tpu.memory_space<vmem>>
    %dma_wait3A_155 = tpu.memref_squeeze %dma_wait3A_154 : memref<1x128x32xf32, #tpu.memory_space<vmem>> -> memref<128x32xf32, #tpu.memory_space<vmem>>
    tpu.wait_dma2 semaphore(%arg13 : memref<!tpu.dma_semaphore, #tpu.memory_space<semaphore_mem>>) src(%dma_wait3A_155 : memref<128x32xf32, #tpu.memory_space<vmem>>) dst(%dma_wait3A_151 : memref<128x32xf32, #tpu.memory_space<hbm>>)
    %dma_wait3A_156 = arith.constant 2 : i32
    %dma_wait3A_157 = arith.constant 0 : i32
    %dma_wait3A_158 = arith.constant 0 : i32
    %dma_wait3A_159 = arith.constant 0 : i32
    %dma_wait3A_160 = tpu.memref_slice %arg8[%dma_wait3A_157, %dma_wait3A_158, %dma_wait3A_159] : memref<2x128x128xf32, #tpu.memory_space<vmem>> -> memref<1x128x128xf32, #tpu.memory_space<vmem>>
    %dma_wait3A_161 = tpu.memref_squeeze %dma_wait3A_160 : memref<1x128x128xf32, #tpu.memory_space<vmem>> -> memref<128x128xf32, #tpu.memory_space<vmem>>
    %dma_wait3A_162 = arith.constant 0 : i32
    %dma_wait3A_163 = tpu.memref_slice %arg6[%dma_wait3A_156, %dma_wait3A_162] : memref<4x128xi32, #tpu.memory_space<vmem>> -> memref<1x128xi32, #tpu.memory_space<vmem>>
    %dma_wait3A_164 = tpu.memref_squeeze %dma_wait3A_163 : memref<1x128xi32, #tpu.memory_space<vmem>> -> memref<128xi32, #tpu.memory_space<vmem>>
    %dma_wait3A_165 = arith.constant 0 : i32
    %dma_wait3A_166 = arith.constant 0 : i32
    %dma_wait3A_167 = tpu.memref_slice %arg2[%dma_wait3A_165, %dma_wait3A_166] : memref<251904x128xf32, #tpu.memory_space<hbm>> -> memref<251904x128xf32, #tpu.memory_space<hbm>>
    tpu.wait_indirect_dma semaphore(%arg11 : memref<!tpu.dma_semaphore, #tpu.memory_space<semaphore_mem>>) src(%dma_wait3A_167 : memref<251904x128xf32, #tpu.memory_space<hbm>>) dst(%dma_wait3A_161 : memref<128x128xf32, #tpu.memory_space<vmem>>)
    %scan3A_168 = arith.constant 0 : i32
    %scan3A_169 = arith.constant 0 : i32
    %scan3A_170 = arith.constant 0 : i32
    %scan3A_171 = arith.constant 8 : i32
    %scan3A_172 = arith.addi %scan3A_170, %scan3A_171 : i32
    %scan3A_173 = arith.constant 1 : i32
    scf.for %scan3A_267 = %scan3A_170 to %scan3A_172 step %scan3A_173  : i32 {
      %mul3A_268 = arith.constant 1 : i32
      %mul3A_269 = arith.muli %scan3A_267, %mul3A_268 : i32
      %add3A_270 = arith.constant 0 : i32
      %add3A_271 = arith.addi %add3A_270, %mul3A_269 : i32
      %mul3A_272 = arith.constant 16 : i32
      %mul3A_273 = arith.muli %add3A_271, %mul3A_272 : i32
      %add3A_274 = vector.broadcast %mul3A_273 : i32 to vector<16xi32>
      %add3A_275 = arith.addi %iota3A, %add3A_274 : vector<16xi32>
      %add3A_276 = arith.constant 256 : i32
      %add3A_277 = arith.addi %add3A_276, %mul3A_273 : i32
      %get3A = arith.index_cast %add3A_277 : i32 to index
      %get3A_278 = tpu.vector_load %arg7[%get3A] {strides = array<i32>} : memref<512xi32, #tpu.memory_space<vmem>>, vector<16xi32>,
      %add3A_279 = arith.constant 0 : i32
      %add3A_280 = vector.broadcast %add3A_279 : i32 to vector<16xi32>
      %add3A_281 = arith.addi %get3A_278, %add3A_280 : vector<16xi32>
      %gather3A = arith.constant 0 : i32
      %gather3A_282 = arith.constant 0 : i32
      %gather3A_283 = tpu.memref_slice %arg8[%scan3A_168, %gather3A, %gather3A_282] : memref<2x128x128xf32, #tpu.memory_space<vmem>> -> memref<1x128x128xf32, #tpu.memory_space<vmem>>
      %gather3A_284 = tpu.memref_squeeze %gather3A_283 : memref<1x128x128xf32, #tpu.memory_space<vmem>> -> memref<128x128xf32, #tpu.memory_space<vmem>>
      %gather3A_285 = tpu.vector_load_idx %gather3A_284[%add3A_275, %add3A_281] : memref<128x128xf32, #tpu.memory_space<vmem>>[vector<16xi32>, vector<16xi32>], vector<16xf32>,
      %broadcast_in_dim3A = arith.constant 0 : i32
      %broadcast_in_dim3A_286 = vector.broadcast %broadcast_in_dim3A : i32 to vector<16xi32>
      %scatter3A = arith.constant 0 : i32
      %scatter3A_287 = arith.constant 0 : i32
      %scatter3A_288 = tpu.memref_slice %arg9[%scan3A_169, %scatter3A, %scatter3A_287] : memref<2x128x32xf32, #tpu.memory_space<vmem>> -> memref<1x128x32xf32, #tpu.memory_space<vmem>>
      %scatter3A_289 = tpu.memref_squeeze %scatter3A_288 : memref<1x128x32xf32, #tpu.memory_space<vmem>> -> memref<128x32xf32, #tpu.memory_space<vmem>>
      tpu.vector_store_idx %scatter3A_289[%add3A_275, %broadcast_in_dim3A_286], %gather3A_285 : memref<128x32xf32, #tpu.memory_space<vmem>>[vector<16xi32>, vector<16xi32>], vector<16xf32>,
      %add3A_290 = arith.constant 1 : i32
      %add3A_291 = vector.broadcast %add3A_290 : i32 to vector<16xi32>
      %add3A_292 = arith.addi %get3A_278, %add3A_291 : vector<16xi32>
      %gather3A_293 = arith.constant 0 : i32
      %gather3A_294 = arith.constant 0 : i32
      %gather3A_295 = tpu.memref_slice %arg8[%scan3A_168, %gather3A_293, %gather3A_294] : memref<2x128x128xf32, #tpu.memory_space<vmem>> -> memref<1x128x128xf32, #tpu.memory_space<vmem>>
      %gather3A_296 = tpu.memref_squeeze %gather3A_295 : memref<1x128x128xf32, #tpu.memory_space<vmem>> -> memref<128x128xf32, #tpu.memory_space<vmem>>
      %gather3A_297 = tpu.vector_load_idx %gather3A_296[%add3A_275, %add3A_292] : memref<128x128xf32, #tpu.memory_space<vmem>>[vector<16xi32>, vector<16xi32>], vector<16xf32>,
      %broadcast_in_dim3A_298 = arith.constant 1 : i32
      %broadcast_in_dim3A_299 = vector.broadcast %broadcast_in_dim3A_298 : i32 to vector<16xi32>
      %scatter3A_300 = arith.constant 0 : i32
      %scatter3A_301 = arith.constant 0 : i32
      %scatter3A_302 = tpu.memref_slice %arg9[%scan3A_169, %scatter3A_300, %scatter3A_301] : memref<2x128x32xf32, #tpu.memory_space<vmem>> -> memref<1x128x32xf32, #tpu.memory_space<vmem>>
      %scatter3A_303 = tpu.memref_squeeze %scatter3A_302 : memref<1x128x32xf32, #tpu.memory_space<vmem>> -> memref<128x32xf32, #tpu.memory_space<vmem>>
      tpu.vector_store_idx %scatter3A_303[%add3A_275, %broadcast_in_dim3A_299], %gather3A_297 : memref<128x32xf32, #tpu.memory_space<vmem>>[vector<16xi32>, vector<16xi32>], vector<16xf32>,
      %add3A_304 = arith.constant 2 : i32
      %add3A_305 = vector.broadcast %add3A_304 : i32 to vector<16xi32>
      %add3A_306 = arith.addi %get3A_278, %add3A_305 : vector<16xi32>
      %gather3A_307 = arith.constant 0 : i32
      %gather3A_308 = arith.constant 0 : i32
      %gather3A_309 = tpu.memref_slice %arg8[%scan3A_168, %gather3A_307, %gather3A_308] : memref<2x128x128xf32, #tpu.memory_space<vmem>> -> memref<1x128x128xf32, #tpu.memory_space<vmem>>
      %gather3A_310 = tpu.memref_squeeze %gather3A_309 : memref<1x128x128xf32, #tpu.memory_space<vmem>> -> memref<128x128xf32, #tpu.memory_space<vmem>>
      %gather3A_311 = tpu.vector_load_idx %gather3A_310[%add3A_275, %add3A_306] : memref<128x128xf32, #tpu.memory_space<vmem>>[vector<16xi32>, vector<16xi32>], vector<16xf32>,
      %broadcast_in_dim3A_312 = arith.constant 2 : i32
      %broadcast_in_dim3A_313 = vector.broadcast %broadcast_in_dim3A_312 : i32 to vector<16xi32>
      %scatter3A_314 = arith.constant 0 : i32
      %scatter3A_315 = arith.constant 0 : i32
      %scatter3A_316 = tpu.memref_slice %arg9[%scan3A_169, %scatter3A_314, %scatter3A_315] : memref<2x128x32xf32, #tpu.memory_space<vmem>> -> memref<1x128x32xf32, #tpu.memory_space<vmem>>
      %scatter3A_317 = tpu.memref_squeeze %scatter3A_316 : memref<1x128x32xf32, #tpu.memory_space<vmem>> -> memref<128x32xf32, #tpu.memory_space<vmem>>
      tpu.vector_store_idx %scatter3A_317[%add3A_275, %broadcast_in_dim3A_313], %gather3A_311 : memref<128x32xf32, #tpu.memory_space<vmem>>[vector<16xi32>, vector<16xi32>], vector<16xf32>,
      %add3A_318 = arith.constant 3 : i32
      %add3A_319 = vector.broadcast %add3A_318 : i32 to vector<16xi32>
      %add3A_320 = arith.addi %get3A_278, %add3A_319 : vector<16xi32>
      %gather3A_321 = arith.constant 0 : i32
      %gather3A_322 = arith.constant 0 : i32
      %gather3A_323 = tpu.memref_slice %arg8[%scan3A_168, %gather3A_321, %gather3A_322] : memref<2x128x128xf32, #tpu.memory_space<vmem>> -> memref<1x128x128xf32, #tpu.memory_space<vmem>>
      %gather3A_324 = tpu.memref_squeeze %gather3A_323 : memref<1x128x128xf32, #tpu.memory_space<vmem>> -> memref<128x128xf32, #tpu.memory_space<vmem>>
      %gather3A_325 = tpu.vector_load_idx %gather3A_324[%add3A_275, %add3A_320] : memref<128x128xf32, #tpu.memory_space<vmem>>[vector<16xi32>, vector<16xi32>], vector<16xf32>,
      %broadcast_in_dim3A_326 = arith.constant 3 : i32
      %broadcast_in_dim3A_327 = vector.broadcast %broadcast_in_dim3A_326 : i32 to vector<16xi32>
      %scatter3A_328 = arith.constant 0 : i32
      %scatter3A_329 = arith.constant 0 : i32
      %scatter3A_330 = tpu.memref_slice %arg9[%scan3A_169, %scatter3A_328, %scatter3A_329] : memref<2x128x32xf32, #tpu.memory_space<vmem>> -> memref<1x128x32xf32, #tpu.memory_space<vmem>>
      %scatter3A_331 = tpu.memref_squeeze %scatter3A_330 : memref<1x128x32xf32, #tpu.memory_space<vmem>> -> memref<128x32xf32, #tpu.memory_space<vmem>>
      tpu.vector_store_idx %scatter3A_331[%add3A_275, %broadcast_in_dim3A_327], %gather3A_325 : memref<128x32xf32, #tpu.memory_space<vmem>>[vector<16xi32>, vector<16xi32>], vector<16xf32>,
      %add3A_332 = arith.constant 4 : i32
      %add3A_333 = vector.broadcast %add3A_332 : i32 to vector<16xi32>
      %add3A_334 = arith.addi %get3A_278, %add3A_333 : vector<16xi32>
      %gather3A_335 = arith.constant 0 : i32
      %gather3A_336 = arith.constant 0 : i32
      %gather3A_337 = tpu.memref_slice %arg8[%scan3A_168, %gather3A_335, %gather3A_336] : memref<2x128x128xf32, #tpu.memory_space<vmem>> -> memref<1x128x128xf32, #tpu.memory_space<vmem>>
      %gather3A_338 = tpu.memref_squeeze %gather3A_337 : memref<1x128x128xf32, #tpu.memory_space<vmem>> -> memref<128x128xf32, #tpu.memory_space<vmem>>
      %gather3A_339 = tpu.vector_load_idx %gather3A_338[%add3A_275, %add3A_334] : memref<128x128xf32, #tpu.memory_space<vmem>>[vector<16xi32>, vector<16xi32>], vector<16xf32>,
      %broadcast_in_dim3A_340 = arith.constant 4 : i32
      %broadcast_in_dim3A_341 = vector.broadcast %broadcast_in_dim3A_340 : i32 to vector<16xi32>
      %scatter3A_342 = arith.constant 0 : i32
      %scatter3A_343 = arith.constant 0 : i32
      %scatter3A_344 = tpu.memref_slice %arg9[%scan3A_169, %scatter3A_342, %scatter3A_343] : memref<2x128x32xf32, #tpu.memory_space<vmem>> -> memref<1x128x32xf32, #tpu.memory_space<vmem>>
      %scatter3A_345 = tpu.memref_squeeze %scatter3A_344 : memref<1x128x32xf32, #tpu.memory_space<vmem>> -> memref<128x32xf32, #tpu.memory_space<vmem>>
      tpu.vector_store_idx %scatter3A_345[%add3A_275, %broadcast_in_dim3A_341], %gather3A_339 : memref<128x32xf32, #tpu.memory_space<vmem>>[vector<16xi32>, vector<16xi32>], vector<16xf32>,
      %add3A_346 = arith.constant 5 : i32
      %add3A_347 = vector.broadcast %add3A_346 : i32 to vector<16xi32>
      %add3A_348 = arith.addi %get3A_278, %add3A_347 : vector<16xi32>
      %gather3A_349 = arith.constant 0 : i32
      %gather3A_350 = arith.constant 0 : i32
      %gather3A_351 = tpu.memref_slice %arg8[%scan3A_168, %gather3A_349, %gather3A_350] : memref<2x128x128xf32, #tpu.memory_space<vmem>> -> memref<1x128x128xf32, #tpu.memory_space<vmem>>
      %gather3A_352 = tpu.memref_squeeze %gather3A_351 : memref<1x128x128xf32, #tpu.memory_space<vmem>> -> memref<128x128xf32, #tpu.memory_space<vmem>>
      %gather3A_353 = tpu.vector_load_idx %gather3A_352[%add3A_275, %add3A_348] : memref<128x128xf32, #tpu.memory_space<vmem>>[vector<16xi32>, vector<16xi32>], vector<16xf32>,
      %broadcast_in_dim3A_354 = arith.constant 5 : i32
      %broadcast_in_dim3A_355 = vector.broadcast %broadcast_in_dim3A_354 : i32 to vector<16xi32>
      %scatter3A_356 = arith.constant 0 : i32
      %scatter3A_357 = arith.constant 0 : i32
      %scatter3A_358 = tpu.memref_slice %arg9[%scan3A_169, %scatter3A_356, %scatter3A_357] : memref<2x128x32xf32, #tpu.memory_space<vmem>> -> memref<1x128x32xf32, #tpu.memory_space<vmem>>
      %scatter3A_359 = tpu.memref_squeeze %scatter3A_358 : memref<1x128x32xf32, #tpu.memory_space<vmem>> -> memref<128x32xf32, #tpu.memory_space<vmem>>
      tpu.vector_store_idx %scatter3A_359[%add3A_275, %broadcast_in_dim3A_355], %gather3A_353 : memref<128x32xf32, #tpu.memory_space<vmem>>[vector<16xi32>, vector<16xi32>], vector<16xf32>,
      %add3A_360 = arith.constant 6 : i32
      %add3A_361 = vector.broadcast %add3A_360 : i32 to vector<16xi32>
      %add3A_362 = arith.addi %get3A_278, %add3A_361 : vector<16xi32>
      %gather3A_363 = arith.constant 0 : i32
      %gather3A_364 = arith.constant 0 : i32
      %gather3A_365 = tpu.memref_slice %arg8[%scan3A_168, %gather3A_363, %gather3A_364] : memref<2x128x128xf32, #tpu.memory_space<vmem>> -> memref<1x128x128xf32, #tpu.memory_space<vmem>>
      %gather3A_366 = tpu.memref_squeeze %gather3A_365 : memref<1x128x128xf32, #tpu.memory_space<vmem>> -> memref<128x128xf32, #tpu.memory_space<vmem>>
      %gather3A_367 = tpu.vector_load_idx %gather3A_366[%add3A_275, %add3A_362] : memref<128x128xf32, #tpu.memory_space<vmem>>[vector<16xi32>, vector<16xi32>], vector<16xf32>,
      %broadcast_in_dim3A_368 = arith.constant 6 : i32
      %broadcast_in_dim3A_369 = vector.broadcast %broadcast_in_dim3A_368 : i32 to vector<16xi32>
      %scatter3A_370 = arith.constant 0 : i32
      %scatter3A_371 = arith.constant 0 : i32
      %scatter3A_372 = tpu.memref_slice %arg9[%scan3A_169, %scatter3A_370, %scatter3A_371] : memref<2x128x32xf32, #tpu.memory_space<vmem>> -> memref<1x128x32xf32, #tpu.memory_space<vmem>>
      %scatter3A_373 = tpu.memref_squeeze %scatter3A_372 : memref<1x128x32xf32, #tpu.memory_space<vmem>> -> memref<128x32xf32, #tpu.memory_space<vmem>>
      tpu.vector_store_idx %scatter3A_373[%add3A_275, %broadcast_in_dim3A_369], %gather3A_367 : memref<128x32xf32, #tpu.memory_space<vmem>>[vector<16xi32>, vector<16xi32>], vector<16xf32>,
      %add3A_374 = arith.constant 7 : i32
      %add3A_375 = vector.broadcast %add3A_374 : i32 to vector<16xi32>
      %add3A_376 = arith.addi %get3A_278, %add3A_375 : vector<16xi32>
      %gather3A_377 = arith.constant 0 : i32
      %gather3A_378 = arith.constant 0 : i32
      %gather3A_379 = tpu.memref_slice %arg8[%scan3A_168, %gather3A_377, %gather3A_378] : memref<2x128x128xf32, #tpu.memory_space<vmem>> -> memref<1x128x128xf32, #tpu.memory_space<vmem>>
      %gather3A_380 = tpu.memref_squeeze %gather3A_379 : memref<1x128x128xf32, #tpu.memory_space<vmem>> -> memref<128x128xf32, #tpu.memory_space<vmem>>
      %gather3A_381 = tpu.vector_load_idx %gather3A_380[%add3A_275, %add3A_376] : memref<128x128xf32, #tpu.memory_space<vmem>>[vector<16xi32>, vector<16xi32>], vector<16xf32>,
      %broadcast_in_dim3A_382 = arith.constant 7 : i32
      %broadcast_in_dim3A_383 = vector.broadcast %broadcast_in_dim3A_382 : i32 to vector<16xi32>
      %scatter3A_384 = arith.constant 0 : i32
      %scatter3A_385 = arith.constant 0 : i32
      %scatter3A_386 = tpu.memref_slice %arg9[%scan3A_169, %scatter3A_384, %scatter3A_385] : memref<2x128x32xf32, #tpu.memory_space<vmem>> -> memref<1x128x32xf32, #tpu.memory_space<vmem>>
      %scatter3A_387 = tpu.memref_squeeze %scatter3A_386 : memref<1x128x32xf32, #tpu.memory_space<vmem>> -> memref<128x32xf32, #tpu.memory_space<vmem>>
      tpu.vector_store_idx %scatter3A_387[%add3A_275, %broadcast_in_dim3A_383], %gather3A_381 : memref<128x32xf32, #tpu.memory_space<vmem>>[vector<16xi32>, vector<16xi32>], vector<16xf32>,
      %add3A_388 = arith.constant 8 : i32
      %add3A_389 = vector.broadcast %add3A_388 : i32 to vector<16xi32>
      %add3A_390 = arith.addi %get3A_278, %add3A_389 : vector<16xi32>
      %gather3A_391 = arith.constant 0 : i32
      %gather3A_392 = arith.constant 0 : i32
      %gather3A_393 = tpu.memref_slice %arg8[%scan3A_168, %gather3A_391, %gather3A_392] : memref<2x128x128xf32, #tpu.memory_space<vmem>> -> memref<1x128x128xf32, #tpu.memory_space<vmem>>
      %gather3A_394 = tpu.memref_squeeze %gather3A_393 : memref<1x128x128xf32, #tpu.memory_space<vmem>> -> memref<128x128xf32, #tpu.memory_space<vmem>>
      %gather3A_395 = tpu.vector_load_idx %gather3A_394[%add3A_275, %add3A_390] : memref<128x128xf32, #tpu.memory_space<vmem>>[vector<16xi32>, vector<16xi32>], vector<16xf32>,
      %broadcast_in_dim3A_396 = arith.constant 8 : i32
      %broadcast_in_dim3A_397 = vector.broadcast %broadcast_in_dim3A_396 : i32 to vector<16xi32>
      %scatter3A_398 = arith.constant 0 : i32
      %scatter3A_399 = arith.constant 0 : i32
      %scatter3A_400 = tpu.memref_slice %arg9[%scan3A_169, %scatter3A_398, %scatter3A_399] : memref<2x128x32xf32, #tpu.memory_space<vmem>> -> memref<1x128x32xf32, #tpu.memory_space<vmem>>
      %scatter3A_401 = tpu.memref_squeeze %scatter3A_400 : memref<1x128x32xf32, #tpu.memory_space<vmem>> -> memref<128x32xf32, #tpu.memory_space<vmem>>
      tpu.vector_store_idx %scatter3A_401[%add3A_275, %broadcast_in_dim3A_397], %gather3A_395 : memref<128x32xf32, #tpu.memory_space<vmem>>[vector<16xi32>, vector<16xi32>], vector<16xf32>,
      %add3A_402 = arith.constant 9 : i32
      %add3A_403 = vector.broadcast %add3A_402 : i32 to vector<16xi32>
      %add3A_404 = arith.addi %get3A_278, %add3A_403 : vector<16xi32>
      %gather3A_405 = arith.constant 0 : i32
      %gather3A_406 = arith.constant 0 : i32
      %gather3A_407 = tpu.memref_slice %arg8[%scan3A_168, %gather3A_405, %gather3A_406] : memref<2x128x128xf32, #tpu.memory_space<vmem>> -> memref<1x128x128xf32, #tpu.memory_space<vmem>>
      %gather3A_408 = tpu.memref_squeeze %gather3A_407 : memref<1x128x128xf32, #tpu.memory_space<vmem>> -> memref<128x128xf32, #tpu.memory_space<vmem>>
      %gather3A_409 = tpu.vector_load_idx %gather3A_408[%add3A_275, %add3A_404] : memref<128x128xf32, #tpu.memory_space<vmem>>[vector<16xi32>, vector<16xi32>], vector<16xf32>,
      %broadcast_in_dim3A_410 = arith.constant 9 : i32
      %broadcast_in_dim3A_411 = vector.broadcast %broadcast_in_dim3A_410 : i32 to vector<16xi32>
      %scatter3A_412 = arith.constant 0 : i32
      %scatter3A_413 = arith.constant 0 : i32
      %scatter3A_414 = tpu.memref_slice %arg9[%scan3A_169, %scatter3A_412, %scatter3A_413] : memref<2x128x32xf32, #tpu.memory_space<vmem>> -> memref<1x128x32xf32, #tpu.memory_space<vmem>>
      %scatter3A_415 = tpu.memref_squeeze %scatter3A_414 : memref<1x128x32xf32, #tpu.memory_space<vmem>> -> memref<128x32xf32, #tpu.memory_space<vmem>>
      tpu.vector_store_idx %scatter3A_415[%add3A_275, %broadcast_in_dim3A_411], %gather3A_409 : memref<128x32xf32, #tpu.memory_space<vmem>>[vector<16xi32>, vector<16xi32>], vector<16xf32>,
      %add3A_416 = arith.constant 10 : i32
      %add3A_417 = vector.broadcast %add3A_416 : i32 to vector<16xi32>
      %add3A_418 = arith.addi %get3A_278, %add3A_417 : vector<16xi32>
      %gather3A_419 = arith.constant 0 : i32
      %gather3A_420 = arith.constant 0 : i32
      %gather3A_421 = tpu.memref_slice %arg8[%scan3A_168, %gather3A_419, %gather3A_420] : memref<2x128x128xf32, #tpu.memory_space<vmem>> -> memref<1x128x128xf32, #tpu.memory_space<vmem>>
      %gather3A_422 = tpu.memref_squeeze %gather3A_421 : memref<1x128x128xf32, #tpu.memory_space<vmem>> -> memref<128x128xf32, #tpu.memory_space<vmem>>
      %gather3A_423 = tpu.vector_load_idx %gather3A_422[%add3A_275, %add3A_418] : memref<128x128xf32, #tpu.memory_space<vmem>>[vector<16xi32>, vector<16xi32>], vector<16xf32>,
      %broadcast_in_dim3A_424 = arith.constant 10 : i32
      %broadcast_in_dim3A_425 = vector.broadcast %broadcast_in_dim3A_424 : i32 to vector<16xi32>
      %scatter3A_426 = arith.constant 0 : i32
      %scatter3A_427 = arith.constant 0 : i32
      %scatter3A_428 = tpu.memref_slice %arg9[%scan3A_169, %scatter3A_426, %scatter3A_427] : memref<2x128x32xf32, #tpu.memory_space<vmem>> -> memref<1x128x32xf32, #tpu.memory_space<vmem>>
      %scatter3A_429 = tpu.memref_squeeze %scatter3A_428 : memref<1x128x32xf32, #tpu.memory_space<vmem>> -> memref<128x32xf32, #tpu.memory_space<vmem>>
      tpu.vector_store_idx %scatter3A_429[%add3A_275, %broadcast_in_dim3A_425], %gather3A_423 : memref<128x32xf32, #tpu.memory_space<vmem>>[vector<16xi32>, vector<16xi32>], vector<16xf32>,
      %add3A_430 = arith.constant 11 : i32
      %add3A_431 = vector.broadcast %add3A_430 : i32 to vector<16xi32>
      %add3A_432 = arith.addi %get3A_278, %add3A_431 : vector<16xi32>
      %gather3A_433 = arith.constant 0 : i32
      %gather3A_434 = arith.constant 0 : i32
      %gather3A_435 = tpu.memref_slice %arg8[%scan3A_168, %gather3A_433, %gather3A_434] : memref<2x128x128xf32, #tpu.memory_space<vmem>> -> memref<1x128x128xf32, #tpu.memory_space<vmem>>
      %gather3A_436 = tpu.memref_squeeze %gather3A_435 : memref<1x128x128xf32, #tpu.memory_space<vmem>> -> memref<128x128xf32, #tpu.memory_space<vmem>>
      %gather3A_437 = tpu.vector_load_idx %gather3A_436[%add3A_275, %add3A_432] : memref<128x128xf32, #tpu.memory_space<vmem>>[vector<16xi32>, vector<16xi32>], vector<16xf32>,
      %broadcast_in_dim3A_438 = arith.constant 11 : i32
      %broadcast_in_dim3A_439 = vector.broadcast %broadcast_in_dim3A_438 : i32 to vector<16xi32>
      %scatter3A_440 = arith.constant 0 : i32
      %scatter3A_441 = arith.constant 0 : i32
      %scatter3A_442 = tpu.memref_slice %arg9[%scan3A_169, %scatter3A_440, %scatter3A_441] : memref<2x128x32xf32, #tpu.memory_space<vmem>> -> memref<1x128x32xf32, #tpu.memory_space<vmem>>
      %scatter3A_443 = tpu.memref_squeeze %scatter3A_442 : memref<1x128x32xf32, #tpu.memory_space<vmem>> -> memref<128x32xf32, #tpu.memory_space<vmem>>
      tpu.vector_store_idx %scatter3A_443[%add3A_275, %broadcast_in_dim3A_439], %gather3A_437 : memref<128x32xf32, #tpu.memory_space<vmem>>[vector<16xi32>, vector<16xi32>], vector<16xf32>,
      %add3A_444 = arith.constant 12 : i32
      %add3A_445 = vector.broadcast %add3A_444 : i32 to vector<16xi32>
      %add3A_446 = arith.addi %get3A_278, %add3A_445 : vector<16xi32>
      %gather3A_447 = arith.constant 0 : i32
      %gather3A_448 = arith.constant 0 : i32
      %gather3A_449 = tpu.memref_slice %arg8[%scan3A_168, %gather3A_447, %gather3A_448] : memref<2x128x128xf32, #tpu.memory_space<vmem>> -> memref<1x128x128xf32, #tpu.memory_space<vmem>>
      %gather3A_450 = tpu.memref_squeeze %gather3A_449 : memref<1x128x128xf32, #tpu.memory_space<vmem>> -> memref<128x128xf32, #tpu.memory_space<vmem>>
      %gather3A_451 = tpu.vector_load_idx %gather3A_450[%add3A_275, %add3A_446] : memref<128x128xf32, #tpu.memory_space<vmem>>[vector<16xi32>, vector<16xi32>], vector<16xf32>,
      %broadcast_in_dim3A_452 = arith.constant 12 : i32
      %broadcast_in_dim3A_453 = vector.broadcast %broadcast_in_dim3A_452 : i32 to vector<16xi32>
      %scatter3A_454 = arith.constant 0 : i32
      %scatter3A_455 = arith.constant 0 : i32
      %scatter3A_456 = tpu.memref_slice %arg9[%scan3A_169, %scatter3A_454, %scatter3A_455] : memref<2x128x32xf32, #tpu.memory_space<vmem>> -> memref<1x128x32xf32, #tpu.memory_space<vmem>>
      %scatter3A_457 = tpu.memref_squeeze %scatter3A_456 : memref<1x128x32xf32, #tpu.memory_space<vmem>> -> memref<128x32xf32, #tpu.memory_space<vmem>>
      tpu.vector_store_idx %scatter3A_457[%add3A_275, %broadcast_in_dim3A_453], %gather3A_451 : memref<128x32xf32, #tpu.memory_space<vmem>>[vector<16xi32>, vector<16xi32>], vector<16xf32>,
      %add3A_458 = arith.constant 13 : i32
      %add3A_459 = vector.broadcast %add3A_458 : i32 to vector<16xi32>
      %add3A_460 = arith.addi %get3A_278, %add3A_459 : vector<16xi32>
      %gather3A_461 = arith.constant 0 : i32
      %gather3A_462 = arith.constant 0 : i32
      %gather3A_463 = tpu.memref_slice %arg8[%scan3A_168, %gather3A_461, %gather3A_462] : memref<2x128x128xf32, #tpu.memory_space<vmem>> -> memref<1x128x128xf32, #tpu.memory_space<vmem>>
      %gather3A_464 = tpu.memref_squeeze %gather3A_463 : memref<1x128x128xf32, #tpu.memory_space<vmem>> -> memref<128x128xf32, #tpu.memory_space<vmem>>
      %gather3A_465 = tpu.vector_load_idx %gather3A_464[%add3A_275, %add3A_460] : memref<128x128xf32, #tpu.memory_space<vmem>>[vector<16xi32>, vector<16xi32>], vector<16xf32>,
      %broadcast_in_dim3A_466 = arith.constant 13 : i32
      %broadcast_in_dim3A_467 = vector.broadcast %broadcast_in_dim3A_466 : i32 to vector<16xi32>
      %scatter3A_468 = arith.constant 0 : i32
      %scatter3A_469 = arith.constant 0 : i32
      %scatter3A_470 = tpu.memref_slice %arg9[%scan3A_169, %scatter3A_468, %scatter3A_469] : memref<2x128x32xf32, #tpu.memory_space<vmem>> -> memref<1x128x32xf32, #tpu.memory_space<vmem>>
      %scatter3A_471 = tpu.memref_squeeze %scatter3A_470 : memref<1x128x32xf32, #tpu.memory_space<vmem>> -> memref<128x32xf32, #tpu.memory_space<vmem>>
      tpu.vector_store_idx %scatter3A_471[%add3A_275, %broadcast_in_dim3A_467], %gather3A_465 : memref<128x32xf32, #tpu.memory_space<vmem>>[vector<16xi32>, vector<16xi32>], vector<16xf32>,
      %add3A_472 = arith.constant 14 : i32
      %add3A_473 = vector.broadcast %add3A_472 : i32 to vector<16xi32>
      %add3A_474 = arith.addi %get3A_278, %add3A_473 : vector<16xi32>
      %gather3A_475 = arith.constant 0 : i32
      %gather3A_476 = arith.constant 0 : i32
      %gather3A_477 = tpu.memref_slice %arg8[%scan3A_168, %gather3A_475, %gather3A_476] : memref<2x128x128xf32, #tpu.memory_space<vmem>> -> memref<1x128x128xf32, #tpu.memory_space<vmem>>
      %gather3A_478 = tpu.memref_squeeze %gather3A_477 : memref<1x128x128xf32, #tpu.memory_space<vmem>> -> memref<128x128xf32, #tpu.memory_space<vmem>>
      %gather3A_479 = tpu.vector_load_idx %gather3A_478[%add3A_275, %add3A_474] : memref<128x128xf32, #tpu.memory_space<vmem>>[vector<16xi32>, vector<16xi32>], vector<16xf32>,
      %broadcast_in_dim3A_480 = arith.constant 14 : i32
      %broadcast_in_dim3A_481 = vector.broadcast %broadcast_in_dim3A_480 : i32 to vector<16xi32>
      %scatter3A_482 = arith.constant 0 : i32
      %scatter3A_483 = arith.constant 0 : i32
      %scatter3A_484 = tpu.memref_slice %arg9[%scan3A_169, %scatter3A_482, %scatter3A_483] : memref<2x128x32xf32, #tpu.memory_space<vmem>> -> memref<1x128x32xf32, #tpu.memory_space<vmem>>
      %scatter3A_485 = tpu.memref_squeeze %scatter3A_484 : memref<1x128x32xf32, #tpu.memory_space<vmem>> -> memref<128x32xf32, #tpu.memory_space<vmem>>
      tpu.vector_store_idx %scatter3A_485[%add3A_275, %broadcast_in_dim3A_481], %gather3A_479 : memref<128x32xf32, #tpu.memory_space<vmem>>[vector<16xi32>, vector<16xi32>], vector<16xf32>,
      %add3A_486 = arith.constant 15 : i32
      %add3A_487 = vector.broadcast %add3A_486 : i32 to vector<16xi32>
      %add3A_488 = arith.addi %get3A_278, %add3A_487 : vector<16xi32>
      %gather3A_489 = arith.constant 0 : i32
      %gather3A_490 = arith.constant 0 : i32
      %gather3A_491 = tpu.memref_slice %arg8[%scan3A_168, %gather3A_489, %gather3A_490] : memref<2x128x128xf32, #tpu.memory_space<vmem>> -> memref<1x128x128xf32, #tpu.memory_space<vmem>>
      %gather3A_492 = tpu.memref_squeeze %gather3A_491 : memref<1x128x128xf32, #tpu.memory_space<vmem>> -> memref<128x128xf32, #tpu.memory_space<vmem>>
      %gather3A_493 = tpu.vector_load_idx %gather3A_492[%add3A_275, %add3A_488] : memref<128x128xf32, #tpu.memory_space<vmem>>[vector<16xi32>, vector<16xi32>], vector<16xf32>,
      %broadcast_in_dim3A_494 = arith.constant 15 : i32
      %broadcast_in_dim3A_495 = vector.broadcast %broadcast_in_dim3A_494 : i32 to vector<16xi32>
      %scatter3A_496 = arith.constant 0 : i32
      %scatter3A_497 = arith.constant 0 : i32
      %scatter3A_498 = tpu.memref_slice %arg9[%scan3A_169, %scatter3A_496, %scatter3A_497] : memref<2x128x32xf32, #tpu.memory_space<vmem>> -> memref<1x128x32xf32, #tpu.memory_space<vmem>>
      %scatter3A_499 = tpu.memref_squeeze %scatter3A_498 : memref<1x128x32xf32, #tpu.memory_space<vmem>> -> memref<128x32xf32, #tpu.memory_space<vmem>>
      tpu.vector_store_idx %scatter3A_499[%add3A_275, %broadcast_in_dim3A_495], %gather3A_493 : memref<128x32xf32, #tpu.memory_space<vmem>>[vector<16xi32>, vector<16xi32>], vector<16xf32>,
      %add3A_500 = arith.constant 16 : i32
      %add3A_501 = vector.broadcast %add3A_500 : i32 to vector<16xi32>
      %add3A_502 = arith.addi %get3A_278, %add3A_501 : vector<16xi32>
      %gather3A_503 = arith.constant 0 : i32
      %gather3A_504 = arith.constant 0 : i32
      %gather3A_505 = tpu.memref_slice %arg8[%scan3A_168, %gather3A_503, %gather3A_504] : memref<2x128x128xf32, #tpu.memory_space<vmem>> -> memref<1x128x128xf32, #tpu.memory_space<vmem>>
      %gather3A_506 = tpu.memref_squeeze %gather3A_505 : memref<1x128x128xf32, #tpu.memory_space<vmem>> -> memref<128x128xf32, #tpu.memory_space<vmem>>
      %gather3A_507 = tpu.vector_load_idx %gather3A_506[%add3A_275, %add3A_502] : memref<128x128xf32, #tpu.memory_space<vmem>>[vector<16xi32>, vector<16xi32>], vector<16xf32>,
      %broadcast_in_dim3A_508 = arith.constant 16 : i32
      %broadcast_in_dim3A_509 = vector.broadcast %broadcast_in_dim3A_508 : i32 to vector<16xi32>
      %scatter3A_510 = arith.constant 0 : i32
      %scatter3A_511 = arith.constant 0 : i32
      %scatter3A_512 = tpu.memref_slice %arg9[%scan3A_169, %scatter3A_510, %scatter3A_511] : memref<2x128x32xf32, #tpu.memory_space<vmem>> -> memref<1x128x32xf32, #tpu.memory_space<vmem>>
      %scatter3A_513 = tpu.memref_squeeze %scatter3A_512 : memref<1x128x32xf32, #tpu.memory_space<vmem>> -> memref<128x32xf32, #tpu.memory_space<vmem>>
      tpu.vector_store_idx %scatter3A_513[%add3A_275, %broadcast_in_dim3A_509], %gather3A_507 : memref<128x32xf32, #tpu.memory_space<vmem>>[vector<16xi32>, vector<16xi32>], vector<16xf32>,
      %add3A_514 = arith.constant 17 : i32
      %add3A_515 = vector.broadcast %add3A_514 : i32 to vector<16xi32>
      %add3A_516 = arith.addi %get3A_278, %add3A_515 : vector<16xi32>
      %gather3A_517 = arith.constant 0 : i32
      %gather3A_518 = arith.constant 0 : i32
      %gather3A_519 = tpu.memref_slice %arg8[%scan3A_168, %gather3A_517, %gather3A_518] : memref<2x128x128xf32, #tpu.memory_space<vmem>> -> memref<1x128x128xf32, #tpu.memory_space<vmem>>
      %gather3A_520 = tpu.memref_squeeze %gather3A_519 : memref<1x128x128xf32, #tpu.memory_space<vmem>> -> memref<128x128xf32, #tpu.memory_space<vmem>>
      %gather3A_521 = tpu.vector_load_idx %gather3A_520[%add3A_275, %add3A_516] : memref<128x128xf32, #tpu.memory_space<vmem>>[vector<16xi32>, vector<16xi32>], vector<16xf32>,
      %broadcast_in_dim3A_522 = arith.constant 17 : i32
      %broadcast_in_dim3A_523 = vector.broadcast %broadcast_in_dim3A_522 : i32 to vector<16xi32>
      %scatter3A_524 = arith.constant 0 : i32
      %scatter3A_525 = arith.constant 0 : i32
      %scatter3A_526 = tpu.memref_slice %arg9[%scan3A_169, %scatter3A_524, %scatter3A_525] : memref<2x128x32xf32, #tpu.memory_space<vmem>> -> memref<1x128x32xf32, #tpu.memory_space<vmem>>
      %scatter3A_527 = tpu.memref_squeeze %scatter3A_526 : memref<1x128x32xf32, #tpu.memory_space<vmem>> -> memref<128x32xf32, #tpu.memory_space<vmem>>
      tpu.vector_store_idx %scatter3A_527[%add3A_275, %broadcast_in_dim3A_523], %gather3A_521 : memref<128x32xf32, #tpu.memory_space<vmem>>[vector<16xi32>, vector<16xi32>], vector<16xf32>,
      %add3A_528 = arith.constant 18 : i32
      %add3A_529 = vector.broadcast %add3A_528 : i32 to vector<16xi32>
      %add3A_530 = arith.addi %get3A_278, %add3A_529 : vector<16xi32>
      %gather3A_531 = arith.constant 0 : i32
      %gather3A_532 = arith.constant 0 : i32
      %gather3A_533 = tpu.memref_slice %arg8[%scan3A_168, %gather3A_531, %gather3A_532] : memref<2x128x128xf32, #tpu.memory_space<vmem>> -> memref<1x128x128xf32, #tpu.memory_space<vmem>>
      %gather3A_534 = tpu.memref_squeeze %gather3A_533 : memref<1x128x128xf32, #tpu.memory_space<vmem>> -> memref<128x128xf32, #tpu.memory_space<vmem>>
      %gather3A_535 = tpu.vector_load_idx %gather3A_534[%add3A_275, %add3A_530] : memref<128x128xf32, #tpu.memory_space<vmem>>[vector<16xi32>, vector<16xi32>], vector<16xf32>,
      %broadcast_in_dim3A_536 = arith.constant 18 : i32
      %broadcast_in_dim3A_537 = vector.broadcast %broadcast_in_dim3A_536 : i32 to vector<16xi32>
      %scatter3A_538 = arith.constant 0 : i32
      %scatter3A_539 = arith.constant 0 : i32
      %scatter3A_540 = tpu.memref_slice %arg9[%scan3A_169, %scatter3A_538, %scatter3A_539] : memref<2x128x32xf32, #tpu.memory_space<vmem>> -> memref<1x128x32xf32, #tpu.memory_space<vmem>>
      %scatter3A_541 = tpu.memref_squeeze %scatter3A_540 : memref<1x128x32xf32, #tpu.memory_space<vmem>> -> memref<128x32xf32, #tpu.memory_space<vmem>>
      tpu.vector_store_idx %scatter3A_541[%add3A_275, %broadcast_in_dim3A_537], %gather3A_535 : memref<128x32xf32, #tpu.memory_space<vmem>>[vector<16xi32>, vector<16xi32>], vector<16xf32>,
      %add3A_542 = arith.constant 19 : i32
      %add3A_543 = vector.broadcast %add3A_542 : i32 to vector<16xi32>
      %add3A_544 = arith.addi %get3A_278, %add3A_543 : vector<16xi32>
      %gather3A_545 = arith.constant 0 : i32
      %gather3A_546 = arith.constant 0 : i32
      %gather3A_547 = tpu.memref_slice %arg8[%scan3A_168, %gather3A_545, %gather3A_546] : memref<2x128x128xf32, #tpu.memory_space<vmem>> -> memref<1x128x128xf32, #tpu.memory_space<vmem>>
      %gather3A_548 = tpu.memref_squeeze %gather3A_547 : memref<1x128x128xf32, #tpu.memory_space<vmem>> -> memref<128x128xf32, #tpu.memory_space<vmem>>
      %gather3A_549 = tpu.vector_load_idx %gather3A_548[%add3A_275, %add3A_544] : memref<128x128xf32, #tpu.memory_space<vmem>>[vector<16xi32>, vector<16xi32>], vector<16xf32>,
      %broadcast_in_dim3A_550 = arith.constant 19 : i32
      %broadcast_in_dim3A_551 = vector.broadcast %broadcast_in_dim3A_550 : i32 to vector<16xi32>
      %scatter3A_552 = arith.constant 0 : i32
      %scatter3A_553 = arith.constant 0 : i32
      %scatter3A_554 = tpu.memref_slice %arg9[%scan3A_169, %scatter3A_552, %scatter3A_553] : memref<2x128x32xf32, #tpu.memory_space<vmem>> -> memref<1x128x32xf32, #tpu.memory_space<vmem>>
      %scatter3A_555 = tpu.memref_squeeze %scatter3A_554 : memref<1x128x32xf32, #tpu.memory_space<vmem>> -> memref<128x32xf32, #tpu.memory_space<vmem>>
      tpu.vector_store_idx %scatter3A_555[%add3A_275, %broadcast_in_dim3A_551], %gather3A_549 : memref<128x32xf32, #tpu.memory_space<vmem>>[vector<16xi32>, vector<16xi32>], vector<16xf32>,
      %add3A_556 = arith.constant 20 : i32
      %add3A_557 = vector.broadcast %add3A_556 : i32 to vector<16xi32>
      %add3A_558 = arith.addi %get3A_278, %add3A_557 : vector<16xi32>
      %gather3A_559 = arith.constant 0 : i32
      %gather3A_560 = arith.constant 0 : i32
      %gather3A_561 = tpu.memref_slice %arg8[%scan3A_168, %gather3A_559, %gather3A_560] : memref<2x128x128xf32, #tpu.memory_space<vmem>> -> memref<1x128x128xf32, #tpu.memory_space<vmem>>
      %gather3A_562 = tpu.memref_squeeze %gather3A_561 : memref<1x128x128xf32, #tpu.memory_space<vmem>> -> memref<128x128xf32, #tpu.memory_space<vmem>>
      %gather3A_563 = tpu.vector_load_idx %gather3A_562[%add3A_275, %add3A_558] : memref<128x128xf32, #tpu.memory_space<vmem>>[vector<16xi32>, vector<16xi32>], vector<16xf32>,
      %broadcast_in_dim3A_564 = arith.constant 20 : i32
      %broadcast_in_dim3A_565 = vector.broadcast %broadcast_in_dim3A_564 : i32 to vector<16xi32>
      %scatter3A_566 = arith.constant 0 : i32
      %scatter3A_567 = arith.constant 0 : i32
      %scatter3A_568 = tpu.memref_slice %arg9[%scan3A_169, %scatter3A_566, %scatter3A_567] : memref<2x128x32xf32, #tpu.memory_space<vmem>> -> memref<1x128x32xf32, #tpu.memory_space<vmem>>
      %scatter3A_569 = tpu.memref_squeeze %scatter3A_568 : memref<1x128x32xf32, #tpu.memory_space<vmem>> -> memref<128x32xf32, #tpu.memory_space<vmem>>
      tpu.vector_store_idx %scatter3A_569[%add3A_275, %broadcast_in_dim3A_565], %gather3A_563 : memref<128x32xf32, #tpu.memory_space<vmem>>[vector<16xi32>, vector<16xi32>], vector<16xf32>,
      %add3A_570 = arith.constant 21 : i32
      %add3A_571 = vector.broadcast %add3A_570 : i32 to vector<16xi32>
      %add3A_572 = arith.addi %get3A_278, %add3A_571 : vector<16xi32>
      %gather3A_573 = arith.constant 0 : i32
      %gather3A_574 = arith.constant 0 : i32
      %gather3A_575 = tpu.memref_slice %arg8[%scan3A_168, %gather3A_573, %gather3A_574] : memref<2x128x128xf32, #tpu.memory_space<vmem>> -> memref<1x128x128xf32, #tpu.memory_space<vmem>>
      %gather3A_576 = tpu.memref_squeeze %gather3A_575 : memref<1x128x128xf32, #tpu.memory_space<vmem>> -> memref<128x128xf32, #tpu.memory_space<vmem>>
      %gather3A_577 = tpu.vector_load_idx %gather3A_576[%add3A_275, %add3A_572] : memref<128x128xf32, #tpu.memory_space<vmem>>[vector<16xi32>, vector<16xi32>], vector<16xf32>,
      %broadcast_in_dim3A_578 = arith.constant 21 : i32
      %broadcast_in_dim3A_579 = vector.broadcast %broadcast_in_dim3A_578 : i32 to vector<16xi32>
      %scatter3A_580 = arith.constant 0 : i32
      %scatter3A_581 = arith.constant 0 : i32
      %scatter3A_582 = tpu.memref_slice %arg9[%scan3A_169, %scatter3A_580, %scatter3A_581] : memref<2x128x32xf32, #tpu.memory_space<vmem>> -> memref<1x128x32xf32, #tpu.memory_space<vmem>>
      %scatter3A_583 = tpu.memref_squeeze %scatter3A_582 : memref<1x128x32xf32, #tpu.memory_space<vmem>> -> memref<128x32xf32, #tpu.memory_space<vmem>>
      tpu.vector_store_idx %scatter3A_583[%add3A_275, %broadcast_in_dim3A_579], %gather3A_577 : memref<128x32xf32, #tpu.memory_space<vmem>>[vector<16xi32>, vector<16xi32>], vector<16xf32>,
      %add3A_584 = arith.constant 22 : i32
      %add3A_585 = vector.broadcast %add3A_584 : i32 to vector<16xi32>
      %add3A_586 = arith.addi %get3A_278, %add3A_585 : vector<16xi32>
      %gather3A_587 = arith.constant 0 : i32
      %gather3A_588 = arith.constant 0 : i32
      %gather3A_589 = tpu.memref_slice %arg8[%scan3A_168, %gather3A_587, %gather3A_588] : memref<2x128x128xf32, #tpu.memory_space<vmem>> -> memref<1x128x128xf32, #tpu.memory_space<vmem>>
      %gather3A_590 = tpu.memref_squeeze %gather3A_589 : memref<1x128x128xf32, #tpu.memory_space<vmem>> -> memref<128x128xf32, #tpu.memory_space<vmem>>
      %gather3A_591 = tpu.vector_load_idx %gather3A_590[%add3A_275, %add3A_586] : memref<128x128xf32, #tpu.memory_space<vmem>>[vector<16xi32>, vector<16xi32>], vector<16xf32>,
      %broadcast_in_dim3A_592 = arith.constant 22 : i32
      %broadcast_in_dim3A_593 = vector.broadcast %broadcast_in_dim3A_592 : i32 to vector<16xi32>
      %scatter3A_594 = arith.constant 0 : i32
      %scatter3A_595 = arith.constant 0 : i32
      %scatter3A_596 = tpu.memref_slice %arg9[%scan3A_169, %scatter3A_594, %scatter3A_595] : memref<2x128x32xf32, #tpu.memory_space<vmem>> -> memref<1x128x32xf32, #tpu.memory_space<vmem>>
      %scatter3A_597 = tpu.memref_squeeze %scatter3A_596 : memref<1x128x32xf32, #tpu.memory_space<vmem>> -> memref<128x32xf32, #tpu.memory_space<vmem>>
      tpu.vector_store_idx %scatter3A_597[%add3A_275, %broadcast_in_dim3A_593], %gather3A_591 : memref<128x32xf32, #tpu.memory_space<vmem>>[vector<16xi32>, vector<16xi32>], vector<16xf32>,
      %add3A_598 = arith.constant 23 : i32
      %add3A_599 = vector.broadcast %add3A_598 : i32 to vector<16xi32>
      %add3A_600 = arith.addi %get3A_278, %add3A_599 : vector<16xi32>
      %gather3A_601 = arith.constant 0 : i32
      %gather3A_602 = arith.constant 0 : i32
      %gather3A_603 = tpu.memref_slice %arg8[%scan3A_168, %gather3A_601, %gather3A_602] : memref<2x128x128xf32, #tpu.memory_space<vmem>> -> memref<1x128x128xf32, #tpu.memory_space<vmem>>
      %gather3A_604 = tpu.memref_squeeze %gather3A_603 : memref<1x128x128xf32, #tpu.memory_space<vmem>> -> memref<128x128xf32, #tpu.memory_space<vmem>>
      %gather3A_605 = tpu.vector_load_idx %gather3A_604[%add3A_275, %add3A_600] : memref<128x128xf32, #tpu.memory_space<vmem>>[vector<16xi32>, vector<16xi32>], vector<16xf32>,
      %broadcast_in_dim3A_606 = arith.constant 23 : i32
      %broadcast_in_dim3A_607 = vector.broadcast %broadcast_in_dim3A_606 : i32 to vector<16xi32>
      %scatter3A_608 = arith.constant 0 : i32
      %scatter3A_609 = arith.constant 0 : i32
      %scatter3A_610 = tpu.memref_slice %arg9[%scan3A_169, %scatter3A_608, %scatter3A_609] : memref<2x128x32xf32, #tpu.memory_space<vmem>> -> memref<1x128x32xf32, #tpu.memory_space<vmem>>
      %scatter3A_611 = tpu.memref_squeeze %scatter3A_610 : memref<1x128x32xf32, #tpu.memory_space<vmem>> -> memref<128x32xf32, #tpu.memory_space<vmem>>
      tpu.vector_store_idx %scatter3A_611[%add3A_275, %broadcast_in_dim3A_607], %gather3A_605 : memref<128x32xf32, #tpu.memory_space<vmem>>[vector<16xi32>, vector<16xi32>], vector<16xf32>,
      %add3A_612 = arith.constant 24 : i32
      %add3A_613 = vector.broadcast %add3A_612 : i32 to vector<16xi32>
      %add3A_614 = arith.addi %get3A_278, %add3A_613 : vector<16xi32>
      %gather3A_615 = arith.constant 0 : i32
      %gather3A_616 = arith.constant 0 : i32
      %gather3A_617 = tpu.memref_slice %arg8[%scan3A_168, %gather3A_615, %gather3A_616] : memref<2x128x128xf32, #tpu.memory_space<vmem>> -> memref<1x128x128xf32, #tpu.memory_space<vmem>>
      %gather3A_618 = tpu.memref_squeeze %gather3A_617 : memref<1x128x128xf32, #tpu.memory_space<vmem>> -> memref<128x128xf32, #tpu.memory_space<vmem>>
      %gather3A_619 = tpu.vector_load_idx %gather3A_618[%add3A_275, %add3A_614] : memref<128x128xf32, #tpu.memory_space<vmem>>[vector<16xi32>, vector<16xi32>], vector<16xf32>,
      %broadcast_in_dim3A_620 = arith.constant 24 : i32
      %broadcast_in_dim3A_621 = vector.broadcast %broadcast_in_dim3A_620 : i32 to vector<16xi32>
      %scatter3A_622 = arith.constant 0 : i32
      %scatter3A_623 = arith.constant 0 : i32
      %scatter3A_624 = tpu.memref_slice %arg9[%scan3A_169, %scatter3A_622, %scatter3A_623] : memref<2x128x32xf32, #tpu.memory_space<vmem>> -> memref<1x128x32xf32, #tpu.memory_space<vmem>>
      %scatter3A_625 = tpu.memref_squeeze %scatter3A_624 : memref<1x128x32xf32, #tpu.memory_space<vmem>> -> memref<128x32xf32, #tpu.memory_space<vmem>>
      tpu.vector_store_idx %scatter3A_625[%add3A_275, %broadcast_in_dim3A_621], %gather3A_619 : memref<128x32xf32, #tpu.memory_space<vmem>>[vector<16xi32>, vector<16xi32>], vector<16xf32>,
      %add3A_626 = arith.constant 25 : i32
      %add3A_627 = vector.broadcast %add3A_626 : i32 to vector<16xi32>
      %add3A_628 = arith.addi %get3A_278, %add3A_627 : vector<16xi32>
      %gather3A_629 = arith.constant 0 : i32
      %gather3A_630 = arith.constant 0 : i32
      %gather3A_631 = tpu.memref_slice %arg8[%scan3A_168, %gather3A_629, %gather3A_630] : memref<2x128x128xf32, #tpu.memory_space<vmem>> -> memref<1x128x128xf32, #tpu.memory_space<vmem>>
      %gather3A_632 = tpu.memref_squeeze %gather3A_631 : memref<1x128x128xf32, #tpu.memory_space<vmem>> -> memref<128x128xf32, #tpu.memory_space<vmem>>
      %gather3A_633 = tpu.vector_load_idx %gather3A_632[%add3A_275, %add3A_628] : memref<128x128xf32, #tpu.memory_space<vmem>>[vector<16xi32>, vector<16xi32>], vector<16xf32>,
      %broadcast_in_dim3A_634 = arith.constant 25 : i32
      %broadcast_in_dim3A_635 = vector.broadcast %broadcast_in_dim3A_634 : i32 to vector<16xi32>
      %scatter3A_636 = arith.constant 0 : i32
      %scatter3A_637 = arith.constant 0 : i32
      %scatter3A_638 = tpu.memref_slice %arg9[%scan3A_169, %scatter3A_636, %scatter3A_637] : memref<2x128x32xf32, #tpu.memory_space<vmem>> -> memref<1x128x32xf32, #tpu.memory_space<vmem>>
      %scatter3A_639 = tpu.memref_squeeze %scatter3A_638 : memref<1x128x32xf32, #tpu.memory_space<vmem>> -> memref<128x32xf32, #tpu.memory_space<vmem>>
      tpu.vector_store_idx %scatter3A_639[%add3A_275, %broadcast_in_dim3A_635], %gather3A_633 : memref<128x32xf32, #tpu.memory_space<vmem>>[vector<16xi32>, vector<16xi32>], vector<16xf32>,
      %add3A_640 = arith.constant 26 : i32
      %add3A_641 = vector.broadcast %add3A_640 : i32 to vector<16xi32>
      %add3A_642 = arith.addi %get3A_278, %add3A_641 : vector<16xi32>
      %gather3A_643 = arith.constant 0 : i32
      %gather3A_644 = arith.constant 0 : i32
      %gather3A_645 = tpu.memref_slice %arg8[%scan3A_168, %gather3A_643, %gather3A_644] : memref<2x128x128xf32, #tpu.memory_space<vmem>> -> memref<1x128x128xf32, #tpu.memory_space<vmem>>
      %gather3A_646 = tpu.memref_squeeze %gather3A_645 : memref<1x128x128xf32, #tpu.memory_space<vmem>> -> memref<128x128xf32, #tpu.memory_space<vmem>>
      %gather3A_647 = tpu.vector_load_idx %gather3A_646[%add3A_275, %add3A_642] : memref<128x128xf32, #tpu.memory_space<vmem>>[vector<16xi32>, vector<16xi32>], vector<16xf32>,
      %broadcast_in_dim3A_648 = arith.constant 26 : i32
      %broadcast_in_dim3A_649 = vector.broadcast %broadcast_in_dim3A_648 : i32 to vector<16xi32>
      %scatter3A_650 = arith.constant 0 : i32
      %scatter3A_651 = arith.constant 0 : i32
      %scatter3A_652 = tpu.memref_slice %arg9[%scan3A_169, %scatter3A_650, %scatter3A_651] : memref<2x128x32xf32, #tpu.memory_space<vmem>> -> memref<1x128x32xf32, #tpu.memory_space<vmem>>
      %scatter3A_653 = tpu.memref_squeeze %scatter3A_652 : memref<1x128x32xf32, #tpu.memory_space<vmem>> -> memref<128x32xf32, #tpu.memory_space<vmem>>
      tpu.vector_store_idx %scatter3A_653[%add3A_275, %broadcast_in_dim3A_649], %gather3A_647 : memref<128x32xf32, #tpu.memory_space<vmem>>[vector<16xi32>, vector<16xi32>], vector<16xf32>,
      %add3A_654 = arith.constant 27 : i32
      %add3A_655 = vector.broadcast %add3A_654 : i32 to vector<16xi32>
      %add3A_656 = arith.addi %get3A_278, %add3A_655 : vector<16xi32>
      %gather3A_657 = arith.constant 0 : i32
      %gather3A_658 = arith.constant 0 : i32
      %gather3A_659 = tpu.memref_slice %arg8[%scan3A_168, %gather3A_657, %gather3A_658] : memref<2x128x128xf32, #tpu.memory_space<vmem>> -> memref<1x128x128xf32, #tpu.memory_space<vmem>>
      %gather3A_660 = tpu.memref_squeeze %gather3A_659 : memref<1x128x128xf32, #tpu.memory_space<vmem>> -> memref<128x128xf32, #tpu.memory_space<vmem>>
      %gather3A_661 = tpu.vector_load_idx %gather3A_660[%add3A_275, %add3A_656] : memref<128x128xf32, #tpu.memory_space<vmem>>[vector<16xi32>, vector<16xi32>], vector<16xf32>,
      %broadcast_in_dim3A_662 = arith.constant 27 : i32
      %broadcast_in_dim3A_663 = vector.broadcast %broadcast_in_dim3A_662 : i32 to vector<16xi32>
      %scatter3A_664 = arith.constant 0 : i32
      %scatter3A_665 = arith.constant 0 : i32
      %scatter3A_666 = tpu.memref_slice %arg9[%scan3A_169, %scatter3A_664, %scatter3A_665] : memref<2x128x32xf32, #tpu.memory_space<vmem>> -> memref<1x128x32xf32, #tpu.memory_space<vmem>>
      %scatter3A_667 = tpu.memref_squeeze %scatter3A_666 : memref<1x128x32xf32, #tpu.memory_space<vmem>> -> memref<128x32xf32, #tpu.memory_space<vmem>>
      tpu.vector_store_idx %scatter3A_667[%add3A_275, %broadcast_in_dim3A_663], %gather3A_661 : memref<128x32xf32, #tpu.memory_space<vmem>>[vector<16xi32>, vector<16xi32>], vector<16xf32>,
      %add3A_668 = arith.constant 28 : i32
      %add3A_669 = vector.broadcast %add3A_668 : i32 to vector<16xi32>
      %add3A_670 = arith.addi %get3A_278, %add3A_669 : vector<16xi32>
      %gather3A_671 = arith.constant 0 : i32
      %gather3A_672 = arith.constant 0 : i32
      %gather3A_673 = tpu.memref_slice %arg8[%scan3A_168, %gather3A_671, %gather3A_672] : memref<2x128x128xf32, #tpu.memory_space<vmem>> -> memref<1x128x128xf32, #tpu.memory_space<vmem>>
      %gather3A_674 = tpu.memref_squeeze %gather3A_673 : memref<1x128x128xf32, #tpu.memory_space<vmem>> -> memref<128x128xf32, #tpu.memory_space<vmem>>
      %gather3A_675 = tpu.vector_load_idx %gather3A_674[%add3A_275, %add3A_670] : memref<128x128xf32, #tpu.memory_space<vmem>>[vector<16xi32>, vector<16xi32>], vector<16xf32>,
      %broadcast_in_dim3A_676 = arith.constant 28 : i32
      %broadcast_in_dim3A_677 = vector.broadcast %broadcast_in_dim3A_676 : i32 to vector<16xi32>
      %scatter3A_678 = arith.constant 0 : i32
      %scatter3A_679 = arith.constant 0 : i32
      %scatter3A_680 = tpu.memref_slice %arg9[%scan3A_169, %scatter3A_678, %scatter3A_679] : memref<2x128x32xf32, #tpu.memory_space<vmem>> -> memref<1x128x32xf32, #tpu.memory_space<vmem>>
      %scatter3A_681 = tpu.memref_squeeze %scatter3A_680 : memref<1x128x32xf32, #tpu.memory_space<vmem>> -> memref<128x32xf32, #tpu.memory_space<vmem>>
      tpu.vector_store_idx %scatter3A_681[%add3A_275, %broadcast_in_dim3A_677], %gather3A_675 : memref<128x32xf32, #tpu.memory_space<vmem>>[vector<16xi32>, vector<16xi32>], vector<16xf32>,
      %add3A_682 = arith.constant 29 : i32
      %add3A_683 = vector.broadcast %add3A_682 : i32 to vector<16xi32>
      %add3A_684 = arith.addi %get3A_278, %add3A_683 : vector<16xi32>
      %gather3A_685 = arith.constant 0 : i32
      %gather3A_686 = arith.constant 0 : i32
      %gather3A_687 = tpu.memref_slice %arg8[%scan3A_168, %gather3A_685, %gather3A_686] : memref<2x128x128xf32, #tpu.memory_space<vmem>> -> memref<1x128x128xf32, #tpu.memory_space<vmem>>
      %gather3A_688 = tpu.memref_squeeze %gather3A_687 : memref<1x128x128xf32, #tpu.memory_space<vmem>> -> memref<128x128xf32, #tpu.memory_space<vmem>>
      %gather3A_689 = tpu.vector_load_idx %gather3A_688[%add3A_275, %add3A_684] : memref<128x128xf32, #tpu.memory_space<vmem>>[vector<16xi32>, vector<16xi32>], vector<16xf32>,
      %broadcast_in_dim3A_690 = arith.constant 29 : i32
      %broadcast_in_dim3A_691 = vector.broadcast %broadcast_in_dim3A_690 : i32 to vector<16xi32>
      %scatter3A_692 = arith.constant 0 : i32
      %scatter3A_693 = arith.constant 0 : i32
      %scatter3A_694 = tpu.memref_slice %arg9[%scan3A_169, %scatter3A_692, %scatter3A_693] : memref<2x128x32xf32, #tpu.memory_space<vmem>> -> memref<1x128x32xf32, #tpu.memory_space<vmem>>
      %scatter3A_695 = tpu.memref_squeeze %scatter3A_694 : memref<1x128x32xf32, #tpu.memory_space<vmem>> -> memref<128x32xf32, #tpu.memory_space<vmem>>
      tpu.vector_store_idx %scatter3A_695[%add3A_275, %broadcast_in_dim3A_691], %gather3A_689 : memref<128x32xf32, #tpu.memory_space<vmem>>[vector<16xi32>, vector<16xi32>], vector<16xf32>,
      %add3A_696 = arith.constant 30 : i32
      %add3A_697 = vector.broadcast %add3A_696 : i32 to vector<16xi32>
      %add3A_698 = arith.addi %get3A_278, %add3A_697 : vector<16xi32>
      %gather3A_699 = arith.constant 0 : i32
      %gather3A_700 = arith.constant 0 : i32
      %gather3A_701 = tpu.memref_slice %arg8[%scan3A_168, %gather3A_699, %gather3A_700] : memref<2x128x128xf32, #tpu.memory_space<vmem>> -> memref<1x128x128xf32, #tpu.memory_space<vmem>>
      %gather3A_702 = tpu.memref_squeeze %gather3A_701 : memref<1x128x128xf32, #tpu.memory_space<vmem>> -> memref<128x128xf32, #tpu.memory_space<vmem>>
      %gather3A_703 = tpu.vector_load_idx %gather3A_702[%add3A_275, %add3A_698] : memref<128x128xf32, #tpu.memory_space<vmem>>[vector<16xi32>, vector<16xi32>], vector<16xf32>,
      %broadcast_in_dim3A_704 = arith.constant 30 : i32
      %broadcast_in_dim3A_705 = vector.broadcast %broadcast_in_dim3A_704 : i32 to vector<16xi32>
      %scatter3A_706 = arith.constant 0 : i32
      %scatter3A_707 = arith.constant 0 : i32
      %scatter3A_708 = tpu.memref_slice %arg9[%scan3A_169, %scatter3A_706, %scatter3A_707] : memref<2x128x32xf32, #tpu.memory_space<vmem>> -> memref<1x128x32xf32, #tpu.memory_space<vmem>>
      %scatter3A_709 = tpu.memref_squeeze %scatter3A_708 : memref<1x128x32xf32, #tpu.memory_space<vmem>> -> memref<128x32xf32, #tpu.memory_space<vmem>>
      tpu.vector_store_idx %scatter3A_709[%add3A_275, %broadcast_in_dim3A_705], %gather3A_703 : memref<128x32xf32, #tpu.memory_space<vmem>>[vector<16xi32>, vector<16xi32>], vector<16xf32>,
      %add3A_710 = arith.constant 31 : i32
      %add3A_711 = vector.broadcast %add3A_710 : i32 to vector<16xi32>
      %add3A_712 = arith.addi %get3A_278, %add3A_711 : vector<16xi32>
      %gather3A_713 = arith.constant 0 : i32
      %gather3A_714 = arith.constant 0 : i32
      %gather3A_715 = tpu.memref_slice %arg8[%scan3A_168, %gather3A_713, %gather3A_714] : memref<2x128x128xf32, #tpu.memory_space<vmem>> -> memref<1x128x128xf32, #tpu.memory_space<vmem>>
      %gather3A_716 = tpu.memref_squeeze %gather3A_715 : memref<1x128x128xf32, #tpu.memory_space<vmem>> -> memref<128x128xf32, #tpu.memory_space<vmem>>
      %gather3A_717 = tpu.vector_load_idx %gather3A_716[%add3A_275, %add3A_712] : memref<128x128xf32, #tpu.memory_space<vmem>>[vector<16xi32>, vector<16xi32>], vector<16xf32>,
      %broadcast_in_dim3A_718 = arith.constant 31 : i32
      %broadcast_in_dim3A_719 = vector.broadcast %broadcast_in_dim3A_718 : i32 to vector<16xi32>
      %scatter3A_720 = arith.constant 0 : i32
      %scatter3A_721 = arith.constant 0 : i32
      %scatter3A_722 = tpu.memref_slice %arg9[%scan3A_169, %scatter3A_720, %scatter3A_721] : memref<2x128x32xf32, #tpu.memory_space<vmem>> -> memref<1x128x32xf32, #tpu.memory_space<vmem>>
      %scatter3A_723 = tpu.memref_squeeze %scatter3A_722 : memref<1x128x32xf32, #tpu.memory_space<vmem>> -> memref<128x32xf32, #tpu.memory_space<vmem>>
      tpu.vector_store_idx %scatter3A_723[%add3A_275, %broadcast_in_dim3A_719], %gather3A_717 : memref<128x32xf32, #tpu.memory_space<vmem>>[vector<16xi32>, vector<16xi32>], vector<16xf32>,
    }
    %scan3A_174 = arith.constant 8 : i32
    %mul3A_175 = arith.constant 512 : i32
    %mul3A_176 = arith.muli %add3A, %mul3A_175 : i32
    %add3A_177 = arith.constant 256 : i32
    %add3A_178 = arith.addi %mul3A_176, %add3A_177 : i32
    %dma_start3A_179 = arith.constant 0 : i32
    %dma_start3A_180 = arith.constant 0 : i32
    %dma_start3A_181 = arith.constant 0 : i32
    %dma_start3A_182 = tpu.memref_slice %arg9[%dma_start3A_179, %dma_start3A_180, %dma_start3A_181] : memref<2x128x32xf32, #tpu.memory_space<vmem>> -> memref<1x128x32xf32, #tpu.memory_space<vmem>>
    %dma_start3A_183 = tpu.memref_squeeze %dma_start3A_182 : memref<1x128x32xf32, #tpu.memory_space<vmem>> -> memref<128x32xf32, #tpu.memory_space<vmem>>
    %dma_start3A_184 = arith.constant 0 : i32
    %dma_start3A_185 = tpu.memref_slice %arg5[%add3A_178, %dma_start3A_184] : memref<16384x32xf32, #tpu.memory_space<hbm>> -> memref<128x32xf32, #tpu.memory_space<hbm>>
    %dma_start3A_186 = arith.constant 0 : i32
    %dma_start3A_187 = tpu.memref_slice %arg5[%add3A_178, %dma_start3A_186] : memref<16384x32xf32, #tpu.memory_space<hbm>> -> memref<128x32xf32, #tpu.memory_space<hbm>>
    %dma_start3A_188 = arith.constant 0 : i32
    %dma_start3A_189 = arith.constant 0 : i32
    %dma_start3A_190 = tpu.memref_slice %arg9[%dma_start3A_179, %dma_start3A_188, %dma_start3A_189] : memref<2x128x32xf32, #tpu.memory_space<vmem>> -> memref<1x128x32xf32, #tpu.memory_space<vmem>>
    %dma_start3A_191 = tpu.memref_squeeze %dma_start3A_190 : memref<1x128x32xf32, #tpu.memory_space<vmem>> -> memref<128x32xf32, #tpu.memory_space<vmem>>
    tpu.enqueue_dma source(%dma_start3A_191 : memref<128x32xf32, #tpu.memory_space<vmem>>) target(%dma_start3A_187 : memref<128x32xf32, #tpu.memory_space<hbm>>) target_semaphore(%arg13 : memref<!tpu.dma_semaphore, #tpu.memory_space<semaphore_mem>>)
    %dma_wait3A_192 = arith.constant 1 : i32
    %dma_wait3A_193 = arith.constant 0 : i32
    %dma_wait3A_194 = arith.constant 0 : i32
    %dma_wait3A_195 = tpu.memref_slice %arg9[%dma_wait3A_192, %dma_wait3A_193, %dma_wait3A_194] : memref<2x128x32xf32, #tpu.memory_space<vmem>> -> memref<1x128x32xf32, #tpu.memory_space<vmem>>
    %dma_wait3A_196 = tpu.memref_squeeze %dma_wait3A_195 : memref<1x128x32xf32, #tpu.memory_space<vmem>> -> memref<128x32xf32, #tpu.memory_space<vmem>>
    %dma_wait3A_197 = arith.constant 0 : i32
    %dma_wait3A_198 = tpu.memref_slice %arg5[%add3A_129, %dma_wait3A_197] : memref<16384x32xf32, #tpu.memory_space<hbm>> -> memref<128x32xf32, #tpu.memory_space<hbm>>
    %dma_wait3A_199 = arith.constant 0 : i32
    %dma_wait3A_200 = tpu.memref_slice %arg5[%add3A_129, %dma_wait3A_199] : memref<16384x32xf32, #tpu.memory_space<hbm>> -> memref<128x32xf32, #tpu.memory_space<hbm>>
    %dma_wait3A_201 = arith.constant 0 : i32
    %dma_wait3A_202 = arith.constant 0 : i32
    %dma_wait3A_203 = tpu.memref_slice %arg9[%dma_wait3A_192, %dma_wait3A_201, %dma_wait3A_202] : memref<2x128x32xf32, #tpu.memory_space<vmem>> -> memref<1x128x32xf32, #tpu.memory_space<vmem>>
    %dma_wait3A_204 = tpu.memref_squeeze %dma_wait3A_203 : memref<1x128x32xf32, #tpu.memory_space<vmem>> -> memref<128x32xf32, #tpu.memory_space<vmem>>
    tpu.wait_dma2 semaphore(%arg14 : memref<!tpu.dma_semaphore, #tpu.memory_space<semaphore_mem>>) src(%dma_wait3A_204 : memref<128x32xf32, #tpu.memory_space<vmem>>) dst(%dma_wait3A_200 : memref<128x32xf32, #tpu.memory_space<hbm>>)
    %dma_wait3A_205 = arith.constant 3 : i32
    %dma_wait3A_206 = arith.constant 1 : i32
    %dma_wait3A_207 = arith.constant 0 : i32
    %dma_wait3A_208 = arith.constant 0 : i32
    %dma_wait3A_209 = tpu.memref_slice %arg8[%dma_wait3A_206, %dma_wait3A_207, %dma_wait3A_208] : memref<2x128x128xf32, #tpu.memory_space<vmem>> -> memref<1x128x128xf32, #tpu.memory_space<vmem>>
    %dma_wait3A_210 = tpu.memref_squeeze %dma_wait3A_209 : memref<1x128x128xf32, #tpu.memory_space<vmem>> -> memref<128x128xf32, #tpu.memory_space<vmem>>
    %dma_wait3A_211 = arith.constant 0 : i32
    %dma_wait3A_212 = tpu.memref_slice %arg6[%dma_wait3A_205, %dma_wait3A_211] : memref<4x128xi32, #tpu.memory_space<vmem>> -> memref<1x128xi32, #tpu.memory_space<vmem>>
    %dma_wait3A_213 = tpu.memref_squeeze %dma_wait3A_212 : memref<1x128xi32, #tpu.memory_space<vmem>> -> memref<128xi32, #tpu.memory_space<vmem>>
    %dma_wait3A_214 = arith.constant 0 : i32
    %dma_wait3A_215 = arith.constant 0 : i32
    %dma_wait3A_216 = tpu.memref_slice %arg2[%dma_wait3A_214, %dma_wait3A_215] : memref<251904x128xf32, #tpu.memory_space<hbm>> -> memref<251904x128xf32, #tpu.memory_space<hbm>>
    tpu.wait_indirect_dma semaphore(%arg12 : memref<!tpu.dma_semaphore, #tpu.memory_space<semaphore_mem>>) src(%dma_wait3A_216 : memref<251904x128xf32, #tpu.memory_space<hbm>>) dst(%dma_wait3A_210 : memref<128x128xf32, #tpu.memory_space<vmem>>)
    %scan3A_217 = arith.constant 1 : i32
    %scan3A_218 = arith.constant 1 : i32
    %scan3A_219 = arith.constant 0 : i32
    %scan3A_220 = arith.constant 8 : i32
    %scan3A_221 = arith.addi %scan3A_219, %scan3A_220 : i32
    %scan3A_222 = arith.constant 1 : i32
    scf.for %scan3A_267 = %scan3A_219 to %scan3A_221 step %scan3A_222  : i32 {
      %mul3A_268 = arith.constant 1 : i32
      %mul3A_269 = arith.muli %scan3A_267, %mul3A_268 : i32
      %add3A_270 = arith.constant 0 : i32
      %add3A_271 = arith.addi %add3A_270, %mul3A_269 : i32
      %mul3A_272 = arith.constant 16 : i32
      %mul3A_273 = arith.muli %add3A_271, %mul3A_272 : i32
      %add3A_274 = vector.broadcast %mul3A_273 : i32 to vector<16xi32>
      %add3A_275 = arith.addi %iota3A, %add3A_274 : vector<16xi32>
      %add3A_276 = arith.constant 384 : i32
      %add3A_277 = arith.addi %add3A_276, %mul3A_273 : i32
      %get3A = arith.index_cast %add3A_277 : i32 to index
      %get3A_278 = tpu.vector_load %arg7[%get3A] {strides = array<i32>} : memref<512xi32, #tpu.memory_space<vmem>>, vector<16xi32>,
      %add3A_279 = arith.constant 0 : i32
      %add3A_280 = vector.broadcast %add3A_279 : i32 to vector<16xi32>
      %add3A_281 = arith.addi %get3A_278, %add3A_280 : vector<16xi32>
      %gather3A = arith.constant 0 : i32
      %gather3A_282 = arith.constant 0 : i32
      %gather3A_283 = tpu.memref_slice %arg8[%scan3A_217, %gather3A, %gather3A_282] : memref<2x128x128xf32, #tpu.memory_space<vmem>> -> memref<1x128x128xf32, #tpu.memory_space<vmem>>
      %gather3A_284 = tpu.memref_squeeze %gather3A_283 : memref<1x128x128xf32, #tpu.memory_space<vmem>> -> memref<128x128xf32, #tpu.memory_space<vmem>>
      %gather3A_285 = tpu.vector_load_idx %gather3A_284[%add3A_275, %add3A_281] : memref<128x128xf32, #tpu.memory_space<vmem>>[vector<16xi32>, vector<16xi32>], vector<16xf32>,
      %broadcast_in_dim3A = arith.constant 0 : i32
      %broadcast_in_dim3A_286 = vector.broadcast %broadcast_in_dim3A : i32 to vector<16xi32>
      %scatter3A = arith.constant 0 : i32
      %scatter3A_287 = arith.constant 0 : i32
      %scatter3A_288 = tpu.memref_slice %arg9[%scan3A_218, %scatter3A, %scatter3A_287] : memref<2x128x32xf32, #tpu.memory_space<vmem>> -> memref<1x128x32xf32, #tpu.memory_space<vmem>>
      %scatter3A_289 = tpu.memref_squeeze %scatter3A_288 : memref<1x128x32xf32, #tpu.memory_space<vmem>> -> memref<128x32xf32, #tpu.memory_space<vmem>>
      tpu.vector_store_idx %scatter3A_289[%add3A_275, %broadcast_in_dim3A_286], %gather3A_285 : memref<128x32xf32, #tpu.memory_space<vmem>>[vector<16xi32>, vector<16xi32>], vector<16xf32>,
      %add3A_290 = arith.constant 1 : i32
      %add3A_291 = vector.broadcast %add3A_290 : i32 to vector<16xi32>
      %add3A_292 = arith.addi %get3A_278, %add3A_291 : vector<16xi32>
      %gather3A_293 = arith.constant 0 : i32
      %gather3A_294 = arith.constant 0 : i32
      %gather3A_295 = tpu.memref_slice %arg8[%scan3A_217, %gather3A_293, %gather3A_294] : memref<2x128x128xf32, #tpu.memory_space<vmem>> -> memref<1x128x128xf32, #tpu.memory_space<vmem>>
      %gather3A_296 = tpu.memref_squeeze %gather3A_295 : memref<1x128x128xf32, #tpu.memory_space<vmem>> -> memref<128x128xf32, #tpu.memory_space<vmem>>
      %gather3A_297 = tpu.vector_load_idx %gather3A_296[%add3A_275, %add3A_292] : memref<128x128xf32, #tpu.memory_space<vmem>>[vector<16xi32>, vector<16xi32>], vector<16xf32>,
      %broadcast_in_dim3A_298 = arith.constant 1 : i32
      %broadcast_in_dim3A_299 = vector.broadcast %broadcast_in_dim3A_298 : i32 to vector<16xi32>
      %scatter3A_300 = arith.constant 0 : i32
      %scatter3A_301 = arith.constant 0 : i32
      %scatter3A_302 = tpu.memref_slice %arg9[%scan3A_218, %scatter3A_300, %scatter3A_301] : memref<2x128x32xf32, #tpu.memory_space<vmem>> -> memref<1x128x32xf32, #tpu.memory_space<vmem>>
      %scatter3A_303 = tpu.memref_squeeze %scatter3A_302 : memref<1x128x32xf32, #tpu.memory_space<vmem>> -> memref<128x32xf32, #tpu.memory_space<vmem>>
      tpu.vector_store_idx %scatter3A_303[%add3A_275, %broadcast_in_dim3A_299], %gather3A_297 : memref<128x32xf32, #tpu.memory_space<vmem>>[vector<16xi32>, vector<16xi32>], vector<16xf32>,
      %add3A_304 = arith.constant 2 : i32
      %add3A_305 = vector.broadcast %add3A_304 : i32 to vector<16xi32>
      %add3A_306 = arith.addi %get3A_278, %add3A_305 : vector<16xi32>
      %gather3A_307 = arith.constant 0 : i32
      %gather3A_308 = arith.constant 0 : i32
      %gather3A_309 = tpu.memref_slice %arg8[%scan3A_217, %gather3A_307, %gather3A_308] : memref<2x128x128xf32, #tpu.memory_space<vmem>> -> memref<1x128x128xf32, #tpu.memory_space<vmem>>
      %gather3A_310 = tpu.memref_squeeze %gather3A_309 : memref<1x128x128xf32, #tpu.memory_space<vmem>> -> memref<128x128xf32, #tpu.memory_space<vmem>>
      %gather3A_311 = tpu.vector_load_idx %gather3A_310[%add3A_275, %add3A_306] : memref<128x128xf32, #tpu.memory_space<vmem>>[vector<16xi32>, vector<16xi32>], vector<16xf32>,
      %broadcast_in_dim3A_312 = arith.constant 2 : i32
      %broadcast_in_dim3A_313 = vector.broadcast %broadcast_in_dim3A_312 : i32 to vector<16xi32>
      %scatter3A_314 = arith.constant 0 : i32
      %scatter3A_315 = arith.constant 0 : i32
      %scatter3A_316 = tpu.memref_slice %arg9[%scan3A_218, %scatter3A_314, %scatter3A_315] : memref<2x128x32xf32, #tpu.memory_space<vmem>> -> memref<1x128x32xf32, #tpu.memory_space<vmem>>
      %scatter3A_317 = tpu.memref_squeeze %scatter3A_316 : memref<1x128x32xf32, #tpu.memory_space<vmem>> -> memref<128x32xf32, #tpu.memory_space<vmem>>
      tpu.vector_store_idx %scatter3A_317[%add3A_275, %broadcast_in_dim3A_313], %gather3A_311 : memref<128x32xf32, #tpu.memory_space<vmem>>[vector<16xi32>, vector<16xi32>], vector<16xf32>,
      %add3A_318 = arith.constant 3 : i32
      %add3A_319 = vector.broadcast %add3A_318 : i32 to vector<16xi32>
      %add3A_320 = arith.addi %get3A_278, %add3A_319 : vector<16xi32>
      %gather3A_321 = arith.constant 0 : i32
      %gather3A_322 = arith.constant 0 : i32
      %gather3A_323 = tpu.memref_slice %arg8[%scan3A_217, %gather3A_321, %gather3A_322] : memref<2x128x128xf32, #tpu.memory_space<vmem>> -> memref<1x128x128xf32, #tpu.memory_space<vmem>>
      %gather3A_324 = tpu.memref_squeeze %gather3A_323 : memref<1x128x128xf32, #tpu.memory_space<vmem>> -> memref<128x128xf32, #tpu.memory_space<vmem>>
      %gather3A_325 = tpu.vector_load_idx %gather3A_324[%add3A_275, %add3A_320] : memref<128x128xf32, #tpu.memory_space<vmem>>[vector<16xi32>, vector<16xi32>], vector<16xf32>,
      %broadcast_in_dim3A_326 = arith.constant 3 : i32
      %broadcast_in_dim3A_327 = vector.broadcast %broadcast_in_dim3A_326 : i32 to vector<16xi32>
      %scatter3A_328 = arith.constant 0 : i32
      %scatter3A_329 = arith.constant 0 : i32
      %scatter3A_330 = tpu.memref_slice %arg9[%scan3A_218, %scatter3A_328, %scatter3A_329] : memref<2x128x32xf32, #tpu.memory_space<vmem>> -> memref<1x128x32xf32, #tpu.memory_space<vmem>>
      %scatter3A_331 = tpu.memref_squeeze %scatter3A_330 : memref<1x128x32xf32, #tpu.memory_space<vmem>> -> memref<128x32xf32, #tpu.memory_space<vmem>>
      tpu.vector_store_idx %scatter3A_331[%add3A_275, %broadcast_in_dim3A_327], %gather3A_325 : memref<128x32xf32, #tpu.memory_space<vmem>>[vector<16xi32>, vector<16xi32>], vector<16xf32>,
      %add3A_332 = arith.constant 4 : i32
      %add3A_333 = vector.broadcast %add3A_332 : i32 to vector<16xi32>
      %add3A_334 = arith.addi %get3A_278, %add3A_333 : vector<16xi32>
      %gather3A_335 = arith.constant 0 : i32
      %gather3A_336 = arith.constant 0 : i32
      %gather3A_337 = tpu.memref_slice %arg8[%scan3A_217, %gather3A_335, %gather3A_336] : memref<2x128x128xf32, #tpu.memory_space<vmem>> -> memref<1x128x128xf32, #tpu.memory_space<vmem>>
      %gather3A_338 = tpu.memref_squeeze %gather3A_337 : memref<1x128x128xf32, #tpu.memory_space<vmem>> -> memref<128x128xf32, #tpu.memory_space<vmem>>
      %gather3A_339 = tpu.vector_load_idx %gather3A_338[%add3A_275, %add3A_334] : memref<128x128xf32, #tpu.memory_space<vmem>>[vector<16xi32>, vector<16xi32>], vector<16xf32>,
      %broadcast_in_dim3A_340 = arith.constant 4 : i32
      %broadcast_in_dim3A_341 = vector.broadcast %broadcast_in_dim3A_340 : i32 to vector<16xi32>
      %scatter3A_342 = arith.constant 0 : i32
      %scatter3A_343 = arith.constant 0 : i32
      %scatter3A_344 = tpu.memref_slice %arg9[%scan3A_218, %scatter3A_342, %scatter3A_343] : memref<2x128x32xf32, #tpu.memory_space<vmem>> -> memref<1x128x32xf32, #tpu.memory_space<vmem>>
      %scatter3A_345 = tpu.memref_squeeze %scatter3A_344 : memref<1x128x32xf32, #tpu.memory_space<vmem>> -> memref<128x32xf32, #tpu.memory_space<vmem>>
      tpu.vector_store_idx %scatter3A_345[%add3A_275, %broadcast_in_dim3A_341], %gather3A_339 : memref<128x32xf32, #tpu.memory_space<vmem>>[vector<16xi32>, vector<16xi32>], vector<16xf32>,
      %add3A_346 = arith.constant 5 : i32
      %add3A_347 = vector.broadcast %add3A_346 : i32 to vector<16xi32>
      %add3A_348 = arith.addi %get3A_278, %add3A_347 : vector<16xi32>
      %gather3A_349 = arith.constant 0 : i32
      %gather3A_350 = arith.constant 0 : i32
      %gather3A_351 = tpu.memref_slice %arg8[%scan3A_217, %gather3A_349, %gather3A_350] : memref<2x128x128xf32, #tpu.memory_space<vmem>> -> memref<1x128x128xf32, #tpu.memory_space<vmem>>
      %gather3A_352 = tpu.memref_squeeze %gather3A_351 : memref<1x128x128xf32, #tpu.memory_space<vmem>> -> memref<128x128xf32, #tpu.memory_space<vmem>>
      %gather3A_353 = tpu.vector_load_idx %gather3A_352[%add3A_275, %add3A_348] : memref<128x128xf32, #tpu.memory_space<vmem>>[vector<16xi32>, vector<16xi32>], vector<16xf32>,
      %broadcast_in_dim3A_354 = arith.constant 5 : i32
      %broadcast_in_dim3A_355 = vector.broadcast %broadcast_in_dim3A_354 : i32 to vector<16xi32>
      %scatter3A_356 = arith.constant 0 : i32
      %scatter3A_357 = arith.constant 0 : i32
      %scatter3A_358 = tpu.memref_slice %arg9[%scan3A_218, %scatter3A_356, %scatter3A_357] : memref<2x128x32xf32, #tpu.memory_space<vmem>> -> memref<1x128x32xf32, #tpu.memory_space<vmem>>
      %scatter3A_359 = tpu.memref_squeeze %scatter3A_358 : memref<1x128x32xf32, #tpu.memory_space<vmem>> -> memref<128x32xf32, #tpu.memory_space<vmem>>
      tpu.vector_store_idx %scatter3A_359[%add3A_275, %broadcast_in_dim3A_355], %gather3A_353 : memref<128x32xf32, #tpu.memory_space<vmem>>[vector<16xi32>, vector<16xi32>], vector<16xf32>,
      %add3A_360 = arith.constant 6 : i32
      %add3A_361 = vector.broadcast %add3A_360 : i32 to vector<16xi32>
      %add3A_362 = arith.addi %get3A_278, %add3A_361 : vector<16xi32>
      %gather3A_363 = arith.constant 0 : i32
      %gather3A_364 = arith.constant 0 : i32
      %gather3A_365 = tpu.memref_slice %arg8[%scan3A_217, %gather3A_363, %gather3A_364] : memref<2x128x128xf32, #tpu.memory_space<vmem>> -> memref<1x128x128xf32, #tpu.memory_space<vmem>>
      %gather3A_366 = tpu.memref_squeeze %gather3A_365 : memref<1x128x128xf32, #tpu.memory_space<vmem>> -> memref<128x128xf32, #tpu.memory_space<vmem>>
      %gather3A_367 = tpu.vector_load_idx %gather3A_366[%add3A_275, %add3A_362] : memref<128x128xf32, #tpu.memory_space<vmem>>[vector<16xi32>, vector<16xi32>], vector<16xf32>,
      %broadcast_in_dim3A_368 = arith.constant 6 : i32
      %broadcast_in_dim3A_369 = vector.broadcast %broadcast_in_dim3A_368 : i32 to vector<16xi32>
      %scatter3A_370 = arith.constant 0 : i32
      %scatter3A_371 = arith.constant 0 : i32
      %scatter3A_372 = tpu.memref_slice %arg9[%scan3A_218, %scatter3A_370, %scatter3A_371] : memref<2x128x32xf32, #tpu.memory_space<vmem>> -> memref<1x128x32xf32, #tpu.memory_space<vmem>>
      %scatter3A_373 = tpu.memref_squeeze %scatter3A_372 : memref<1x128x32xf32, #tpu.memory_space<vmem>> -> memref<128x32xf32, #tpu.memory_space<vmem>>
      tpu.vector_store_idx %scatter3A_373[%add3A_275, %broadcast_in_dim3A_369], %gather3A_367 : memref<128x32xf32, #tpu.memory_space<vmem>>[vector<16xi32>, vector<16xi32>], vector<16xf32>,
      %add3A_374 = arith.constant 7 : i32
      %add3A_375 = vector.broadcast %add3A_374 : i32 to vector<16xi32>
      %add3A_376 = arith.addi %get3A_278, %add3A_375 : vector<16xi32>
      %gather3A_377 = arith.constant 0 : i32
      %gather3A_378 = arith.constant 0 : i32
      %gather3A_379 = tpu.memref_slice %arg8[%scan3A_217, %gather3A_377, %gather3A_378] : memref<2x128x128xf32, #tpu.memory_space<vmem>> -> memref<1x128x128xf32, #tpu.memory_space<vmem>>
      %gather3A_380 = tpu.memref_squeeze %gather3A_379 : memref<1x128x128xf32, #tpu.memory_space<vmem>> -> memref<128x128xf32, #tpu.memory_space<vmem>>
      %gather3A_381 = tpu.vector_load_idx %gather3A_380[%add3A_275, %add3A_376] : memref<128x128xf32, #tpu.memory_space<vmem>>[vector<16xi32>, vector<16xi32>], vector<16xf32>,
      %broadcast_in_dim3A_382 = arith.constant 7 : i32
      %broadcast_in_dim3A_383 = vector.broadcast %broadcast_in_dim3A_382 : i32 to vector<16xi32>
      %scatter3A_384 = arith.constant 0 : i32
      %scatter3A_385 = arith.constant 0 : i32
      %scatter3A_386 = tpu.memref_slice %arg9[%scan3A_218, %scatter3A_384, %scatter3A_385] : memref<2x128x32xf32, #tpu.memory_space<vmem>> -> memref<1x128x32xf32, #tpu.memory_space<vmem>>
      %scatter3A_387 = tpu.memref_squeeze %scatter3A_386 : memref<1x128x32xf32, #tpu.memory_space<vmem>> -> memref<128x32xf32, #tpu.memory_space<vmem>>
      tpu.vector_store_idx %scatter3A_387[%add3A_275, %broadcast_in_dim3A_383], %gather3A_381 : memref<128x32xf32, #tpu.memory_space<vmem>>[vector<16xi32>, vector<16xi32>], vector<16xf32>,
      %add3A_388 = arith.constant 8 : i32
      %add3A_389 = vector.broadcast %add3A_388 : i32 to vector<16xi32>
      %add3A_390 = arith.addi %get3A_278, %add3A_389 : vector<16xi32>
      %gather3A_391 = arith.constant 0 : i32
      %gather3A_392 = arith.constant 0 : i32
      %gather3A_393 = tpu.memref_slice %arg8[%scan3A_217, %gather3A_391, %gather3A_392] : memref<2x128x128xf32, #tpu.memory_space<vmem>> -> memref<1x128x128xf32, #tpu.memory_space<vmem>>
      %gather3A_394 = tpu.memref_squeeze %gather3A_393 : memref<1x128x128xf32, #tpu.memory_space<vmem>> -> memref<128x128xf32, #tpu.memory_space<vmem>>
      %gather3A_395 = tpu.vector_load_idx %gather3A_394[%add3A_275, %add3A_390] : memref<128x128xf32, #tpu.memory_space<vmem>>[vector<16xi32>, vector<16xi32>], vector<16xf32>,
      %broadcast_in_dim3A_396 = arith.constant 8 : i32
      %broadcast_in_dim3A_397 = vector.broadcast %broadcast_in_dim3A_396 : i32 to vector<16xi32>
      %scatter3A_398 = arith.constant 0 : i32
      %scatter3A_399 = arith.constant 0 : i32
      %scatter3A_400 = tpu.memref_slice %arg9[%scan3A_218, %scatter3A_398, %scatter3A_399] : memref<2x128x32xf32, #tpu.memory_space<vmem>> -> memref<1x128x32xf32, #tpu.memory_space<vmem>>
      %scatter3A_401 = tpu.memref_squeeze %scatter3A_400 : memref<1x128x32xf32, #tpu.memory_space<vmem>> -> memref<128x32xf32, #tpu.memory_space<vmem>>
      tpu.vector_store_idx %scatter3A_401[%add3A_275, %broadcast_in_dim3A_397], %gather3A_395 : memref<128x32xf32, #tpu.memory_space<vmem>>[vector<16xi32>, vector<16xi32>], vector<16xf32>,
      %add3A_402 = arith.constant 9 : i32
      %add3A_403 = vector.broadcast %add3A_402 : i32 to vector<16xi32>
      %add3A_404 = arith.addi %get3A_278, %add3A_403 : vector<16xi32>
      %gather3A_405 = arith.constant 0 : i32
      %gather3A_406 = arith.constant 0 : i32
      %gather3A_407 = tpu.memref_slice %arg8[%scan3A_217, %gather3A_405, %gather3A_406] : memref<2x128x128xf32, #tpu.memory_space<vmem>> -> memref<1x128x128xf32, #tpu.memory_space<vmem>>
      %gather3A_408 = tpu.memref_squeeze %gather3A_407 : memref<1x128x128xf32, #tpu.memory_space<vmem>> -> memref<128x128xf32, #tpu.memory_space<vmem>>
      %gather3A_409 = tpu.vector_load_idx %gather3A_408[%add3A_275, %add3A_404] : memref<128x128xf32, #tpu.memory_space<vmem>>[vector<16xi32>, vector<16xi32>], vector<16xf32>,
      %broadcast_in_dim3A_410 = arith.constant 9 : i32
      %broadcast_in_dim3A_411 = vector.broadcast %broadcast_in_dim3A_410 : i32 to vector<16xi32>
      %scatter3A_412 = arith.constant 0 : i32
      %scatter3A_413 = arith.constant 0 : i32
      %scatter3A_414 = tpu.memref_slice %arg9[%scan3A_218, %scatter3A_412, %scatter3A_413] : memref<2x128x32xf32, #tpu.memory_space<vmem>> -> memref<1x128x32xf32, #tpu.memory_space<vmem>>
      %scatter3A_415 = tpu.memref_squeeze %scatter3A_414 : memref<1x128x32xf32, #tpu.memory_space<vmem>> -> memref<128x32xf32, #tpu.memory_space<vmem>>
      tpu.vector_store_idx %scatter3A_415[%add3A_275, %broadcast_in_dim3A_411], %gather3A_409 : memref<128x32xf32, #tpu.memory_space<vmem>>[vector<16xi32>, vector<16xi32>], vector<16xf32>,
      %add3A_416 = arith.constant 10 : i32
      %add3A_417 = vector.broadcast %add3A_416 : i32 to vector<16xi32>
      %add3A_418 = arith.addi %get3A_278, %add3A_417 : vector<16xi32>
      %gather3A_419 = arith.constant 0 : i32
      %gather3A_420 = arith.constant 0 : i32
      %gather3A_421 = tpu.memref_slice %arg8[%scan3A_217, %gather3A_419, %gather3A_420] : memref<2x128x128xf32, #tpu.memory_space<vmem>> -> memref<1x128x128xf32, #tpu.memory_space<vmem>>
      %gather3A_422 = tpu.memref_squeeze %gather3A_421 : memref<1x128x128xf32, #tpu.memory_space<vmem>> -> memref<128x128xf32, #tpu.memory_space<vmem>>
      %gather3A_423 = tpu.vector_load_idx %gather3A_422[%add3A_275, %add3A_418] : memref<128x128xf32, #tpu.memory_space<vmem>>[vector<16xi32>, vector<16xi32>], vector<16xf32>,
      %broadcast_in_dim3A_424 = arith.constant 10 : i32
      %broadcast_in_dim3A_425 = vector.broadcast %broadcast_in_dim3A_424 : i32 to vector<16xi32>
      %scatter3A_426 = arith.constant 0 : i32
      %scatter3A_427 = arith.constant 0 : i32
      %scatter3A_428 = tpu.memref_slice %arg9[%scan3A_218, %scatter3A_426, %scatter3A_427] : memref<2x128x32xf32, #tpu.memory_space<vmem>> -> memref<1x128x32xf32, #tpu.memory_space<vmem>>
      %scatter3A_429 = tpu.memref_squeeze %scatter3A_428 : memref<1x128x32xf32, #tpu.memory_space<vmem>> -> memref<128x32xf32, #tpu.memory_space<vmem>>
      tpu.vector_store_idx %scatter3A_429[%add3A_275, %broadcast_in_dim3A_425], %gather3A_423 : memref<128x32xf32, #tpu.memory_space<vmem>>[vector<16xi32>, vector<16xi32>], vector<16xf32>,
      %add3A_430 = arith.constant 11 : i32
      %add3A_431 = vector.broadcast %add3A_430 : i32 to vector<16xi32>
      %add3A_432 = arith.addi %get3A_278, %add3A_431 : vector<16xi32>
      %gather3A_433 = arith.constant 0 : i32
      %gather3A_434 = arith.constant 0 : i32
      %gather3A_435 = tpu.memref_slice %arg8[%scan3A_217, %gather3A_433, %gather3A_434] : memref<2x128x128xf32, #tpu.memory_space<vmem>> -> memref<1x128x128xf32, #tpu.memory_space<vmem>>
      %gather3A_436 = tpu.memref_squeeze %gather3A_435 : memref<1x128x128xf32, #tpu.memory_space<vmem>> -> memref<128x128xf32, #tpu.memory_space<vmem>>
      %gather3A_437 = tpu.vector_load_idx %gather3A_436[%add3A_275, %add3A_432] : memref<128x128xf32, #tpu.memory_space<vmem>>[vector<16xi32>, vector<16xi32>], vector<16xf32>,
      %broadcast_in_dim3A_438 = arith.constant 11 : i32
      %broadcast_in_dim3A_439 = vector.broadcast %broadcast_in_dim3A_438 : i32 to vector<16xi32>
      %scatter3A_440 = arith.constant 0 : i32
      %scatter3A_441 = arith.constant 0 : i32
      %scatter3A_442 = tpu.memref_slice %arg9[%scan3A_218, %scatter3A_440, %scatter3A_441] : memref<2x128x32xf32, #tpu.memory_space<vmem>> -> memref<1x128x32xf32, #tpu.memory_space<vmem>>
      %scatter3A_443 = tpu.memref_squeeze %scatter3A_442 : memref<1x128x32xf32, #tpu.memory_space<vmem>> -> memref<128x32xf32, #tpu.memory_space<vmem>>
      tpu.vector_store_idx %scatter3A_443[%add3A_275, %broadcast_in_dim3A_439], %gather3A_437 : memref<128x32xf32, #tpu.memory_space<vmem>>[vector<16xi32>, vector<16xi32>], vector<16xf32>,
      %add3A_444 = arith.constant 12 : i32
      %add3A_445 = vector.broadcast %add3A_444 : i32 to vector<16xi32>
      %add3A_446 = arith.addi %get3A_278, %add3A_445 : vector<16xi32>
      %gather3A_447 = arith.constant 0 : i32
      %gather3A_448 = arith.constant 0 : i32
      %gather3A_449 = tpu.memref_slice %arg8[%scan3A_217, %gather3A_447, %gather3A_448] : memref<2x128x128xf32, #tpu.memory_space<vmem>> -> memref<1x128x128xf32, #tpu.memory_space<vmem>>
      %gather3A_450 = tpu.memref_squeeze %gather3A_449 : memref<1x128x128xf32, #tpu.memory_space<vmem>> -> memref<128x128xf32, #tpu.memory_space<vmem>>
      %gather3A_451 = tpu.vector_load_idx %gather3A_450[%add3A_275, %add3A_446] : memref<128x128xf32, #tpu.memory_space<vmem>>[vector<16xi32>, vector<16xi32>], vector<16xf32>,
      %broadcast_in_dim3A_452 = arith.constant 12 : i32
      %broadcast_in_dim3A_453 = vector.broadcast %broadcast_in_dim3A_452 : i32 to vector<16xi32>
      %scatter3A_454 = arith.constant 0 : i32
      %scatter3A_455 = arith.constant 0 : i32
      %scatter3A_456 = tpu.memref_slice %arg9[%scan3A_218, %scatter3A_454, %scatter3A_455] : memref<2x128x32xf32, #tpu.memory_space<vmem>> -> memref<1x128x32xf32, #tpu.memory_space<vmem>>
      %scatter3A_457 = tpu.memref_squeeze %scatter3A_456 : memref<1x128x32xf32, #tpu.memory_space<vmem>> -> memref<128x32xf32, #tpu.memory_space<vmem>>
      tpu.vector_store_idx %scatter3A_457[%add3A_275, %broadcast_in_dim3A_453], %gather3A_451 : memref<128x32xf32, #tpu.memory_space<vmem>>[vector<16xi32>, vector<16xi32>], vector<16xf32>,
      %add3A_458 = arith.constant 13 : i32
      %add3A_459 = vector.broadcast %add3A_458 : i32 to vector<16xi32>
      %add3A_460 = arith.addi %get3A_278, %add3A_459 : vector<16xi32>
      %gather3A_461 = arith.constant 0 : i32
      %gather3A_462 = arith.constant 0 : i32
      %gather3A_463 = tpu.memref_slice %arg8[%scan3A_217, %gather3A_461, %gather3A_462] : memref<2x128x128xf32, #tpu.memory_space<vmem>> -> memref<1x128x128xf32, #tpu.memory_space<vmem>>
      %gather3A_464 = tpu.memref_squeeze %gather3A_463 : memref<1x128x128xf32, #tpu.memory_space<vmem>> -> memref<128x128xf32, #tpu.memory_space<vmem>>
      %gather3A_465 = tpu.vector_load_idx %gather3A_464[%add3A_275, %add3A_460] : memref<128x128xf32, #tpu.memory_space<vmem>>[vector<16xi32>, vector<16xi32>], vector<16xf32>,
      %broadcast_in_dim3A_466 = arith.constant 13 : i32
      %broadcast_in_dim3A_467 = vector.broadcast %broadcast_in_dim3A_466 : i32 to vector<16xi32>
      %scatter3A_468 = arith.constant 0 : i32
      %scatter3A_469 = arith.constant 0 : i32
      %scatter3A_470 = tpu.memref_slice %arg9[%scan3A_218, %scatter3A_468, %scatter3A_469] : memref<2x128x32xf32, #tpu.memory_space<vmem>> -> memref<1x128x32xf32, #tpu.memory_space<vmem>>
      %scatter3A_471 = tpu.memref_squeeze %scatter3A_470 : memref<1x128x32xf32, #tpu.memory_space<vmem>> -> memref<128x32xf32, #tpu.memory_space<vmem>>
      tpu.vector_store_idx %scatter3A_471[%add3A_275, %broadcast_in_dim3A_467], %gather3A_465 : memref<128x32xf32, #tpu.memory_space<vmem>>[vector<16xi32>, vector<16xi32>], vector<16xf32>,
      %add3A_472 = arith.constant 14 : i32
      %add3A_473 = vector.broadcast %add3A_472 : i32 to vector<16xi32>
      %add3A_474 = arith.addi %get3A_278, %add3A_473 : vector<16xi32>
      %gather3A_475 = arith.constant 0 : i32
      %gather3A_476 = arith.constant 0 : i32
      %gather3A_477 = tpu.memref_slice %arg8[%scan3A_217, %gather3A_475, %gather3A_476] : memref<2x128x128xf32, #tpu.memory_space<vmem>> -> memref<1x128x128xf32, #tpu.memory_space<vmem>>
      %gather3A_478 = tpu.memref_squeeze %gather3A_477 : memref<1x128x128xf32, #tpu.memory_space<vmem>> -> memref<128x128xf32, #tpu.memory_space<vmem>>
      %gather3A_479 = tpu.vector_load_idx %gather3A_478[%add3A_275, %add3A_474] : memref<128x128xf32, #tpu.memory_space<vmem>>[vector<16xi32>, vector<16xi32>], vector<16xf32>,
      %broadcast_in_dim3A_480 = arith.constant 14 : i32
      %broadcast_in_dim3A_481 = vector.broadcast %broadcast_in_dim3A_480 : i32 to vector<16xi32>
      %scatter3A_482 = arith.constant 0 : i32
      %scatter3A_483 = arith.constant 0 : i32
      %scatter3A_484 = tpu.memref_slice %arg9[%scan3A_218, %scatter3A_482, %scatter3A_483] : memref<2x128x32xf32, #tpu.memory_space<vmem>> -> memref<1x128x32xf32, #tpu.memory_space<vmem>>
      %scatter3A_485 = tpu.memref_squeeze %scatter3A_484 : memref<1x128x32xf32, #tpu.memory_space<vmem>> -> memref<128x32xf32, #tpu.memory_space<vmem>>
      tpu.vector_store_idx %scatter3A_485[%add3A_275, %broadcast_in_dim3A_481], %gather3A_479 : memref<128x32xf32, #tpu.memory_space<vmem>>[vector<16xi32>, vector<16xi32>], vector<16xf32>,
      %add3A_486 = arith.constant 15 : i32
      %add3A_487 = vector.broadcast %add3A_486 : i32 to vector<16xi32>
      %add3A_488 = arith.addi %get3A_278, %add3A_487 : vector<16xi32>
      %gather3A_489 = arith.constant 0 : i32
      %gather3A_490 = arith.constant 0 : i32
      %gather3A_491 = tpu.memref_slice %arg8[%scan3A_217, %gather3A_489, %gather3A_490] : memref<2x128x128xf32, #tpu.memory_space<vmem>> -> memref<1x128x128xf32, #tpu.memory_space<vmem>>
      %gather3A_492 = tpu.memref_squeeze %gather3A_491 : memref<1x128x128xf32, #tpu.memory_space<vmem>> -> memref<128x128xf32, #tpu.memory_space<vmem>>
      %gather3A_493 = tpu.vector_load_idx %gather3A_492[%add3A_275, %add3A_488] : memref<128x128xf32, #tpu.memory_space<vmem>>[vector<16xi32>, vector<16xi32>], vector<16xf32>,
      %broadcast_in_dim3A_494 = arith.constant 15 : i32
      %broadcast_in_dim3A_495 = vector.broadcast %broadcast_in_dim3A_494 : i32 to vector<16xi32>
      %scatter3A_496 = arith.constant 0 : i32
      %scatter3A_497 = arith.constant 0 : i32
      %scatter3A_498 = tpu.memref_slice %arg9[%scan3A_218, %scatter3A_496, %scatter3A_497] : memref<2x128x32xf32, #tpu.memory_space<vmem>> -> memref<1x128x32xf32, #tpu.memory_space<vmem>>
      %scatter3A_499 = tpu.memref_squeeze %scatter3A_498 : memref<1x128x32xf32, #tpu.memory_space<vmem>> -> memref<128x32xf32, #tpu.memory_space<vmem>>
      tpu.vector_store_idx %scatter3A_499[%add3A_275, %broadcast_in_dim3A_495], %gather3A_493 : memref<128x32xf32, #tpu.memory_space<vmem>>[vector<16xi32>, vector<16xi32>], vector<16xf32>,
      %add3A_500 = arith.constant 16 : i32
      %add3A_501 = vector.broadcast %add3A_500 : i32 to vector<16xi32>
      %add3A_502 = arith.addi %get3A_278, %add3A_501 : vector<16xi32>
      %gather3A_503 = arith.constant 0 : i32
      %gather3A_504 = arith.constant 0 : i32
      %gather3A_505 = tpu.memref_slice %arg8[%scan3A_217, %gather3A_503, %gather3A_504] : memref<2x128x128xf32, #tpu.memory_space<vmem>> -> memref<1x128x128xf32, #tpu.memory_space<vmem>>
      %gather3A_506 = tpu.memref_squeeze %gather3A_505 : memref<1x128x128xf32, #tpu.memory_space<vmem>> -> memref<128x128xf32, #tpu.memory_space<vmem>>
      %gather3A_507 = tpu.vector_load_idx %gather3A_506[%add3A_275, %add3A_502] : memref<128x128xf32, #tpu.memory_space<vmem>>[vector<16xi32>, vector<16xi32>], vector<16xf32>,
      %broadcast_in_dim3A_508 = arith.constant 16 : i32
      %broadcast_in_dim3A_509 = vector.broadcast %broadcast_in_dim3A_508 : i32 to vector<16xi32>
      %scatter3A_510 = arith.constant 0 : i32
      %scatter3A_511 = arith.constant 0 : i32
      %scatter3A_512 = tpu.memref_slice %arg9[%scan3A_218, %scatter3A_510, %scatter3A_511] : memref<2x128x32xf32, #tpu.memory_space<vmem>> -> memref<1x128x32xf32, #tpu.memory_space<vmem>>
      %scatter3A_513 = tpu.memref_squeeze %scatter3A_512 : memref<1x128x32xf32, #tpu.memory_space<vmem>> -> memref<128x32xf32, #tpu.memory_space<vmem>>
      tpu.vector_store_idx %scatter3A_513[%add3A_275, %broadcast_in_dim3A_509], %gather3A_507 : memref<128x32xf32, #tpu.memory_space<vmem>>[vector<16xi32>, vector<16xi32>], vector<16xf32>,
      %add3A_514 = arith.constant 17 : i32
      %add3A_515 = vector.broadcast %add3A_514 : i32 to vector<16xi32>
      %add3A_516 = arith.addi %get3A_278, %add3A_515 : vector<16xi32>
      %gather3A_517 = arith.constant 0 : i32
      %gather3A_518 = arith.constant 0 : i32
      %gather3A_519 = tpu.memref_slice %arg8[%scan3A_217, %gather3A_517, %gather3A_518] : memref<2x128x128xf32, #tpu.memory_space<vmem>> -> memref<1x128x128xf32, #tpu.memory_space<vmem>>
      %gather3A_520 = tpu.memref_squeeze %gather3A_519 : memref<1x128x128xf32, #tpu.memory_space<vmem>> -> memref<128x128xf32, #tpu.memory_space<vmem>>
      %gather3A_521 = tpu.vector_load_idx %gather3A_520[%add3A_275, %add3A_516] : memref<128x128xf32, #tpu.memory_space<vmem>>[vector<16xi32>, vector<16xi32>], vector<16xf32>,
      %broadcast_in_dim3A_522 = arith.constant 17 : i32
      %broadcast_in_dim3A_523 = vector.broadcast %broadcast_in_dim3A_522 : i32 to vector<16xi32>
      %scatter3A_524 = arith.constant 0 : i32
      %scatter3A_525 = arith.constant 0 : i32
      %scatter3A_526 = tpu.memref_slice %arg9[%scan3A_218, %scatter3A_524, %scatter3A_525] : memref<2x128x32xf32, #tpu.memory_space<vmem>> -> memref<1x128x32xf32, #tpu.memory_space<vmem>>
      %scatter3A_527 = tpu.memref_squeeze %scatter3A_526 : memref<1x128x32xf32, #tpu.memory_space<vmem>> -> memref<128x32xf32, #tpu.memory_space<vmem>>
      tpu.vector_store_idx %scatter3A_527[%add3A_275, %broadcast_in_dim3A_523], %gather3A_521 : memref<128x32xf32, #tpu.memory_space<vmem>>[vector<16xi32>, vector<16xi32>], vector<16xf32>,
      %add3A_528 = arith.constant 18 : i32
      %add3A_529 = vector.broadcast %add3A_528 : i32 to vector<16xi32>
      %add3A_530 = arith.addi %get3A_278, %add3A_529 : vector<16xi32>
      %gather3A_531 = arith.constant 0 : i32
      %gather3A_532 = arith.constant 0 : i32
      %gather3A_533 = tpu.memref_slice %arg8[%scan3A_217, %gather3A_531, %gather3A_532] : memref<2x128x128xf32, #tpu.memory_space<vmem>> -> memref<1x128x128xf32, #tpu.memory_space<vmem>>
      %gather3A_534 = tpu.memref_squeeze %gather3A_533 : memref<1x128x128xf32, #tpu.memory_space<vmem>> -> memref<128x128xf32, #tpu.memory_space<vmem>>
      %gather3A_535 = tpu.vector_load_idx %gather3A_534[%add3A_275, %add3A_530] : memref<128x128xf32, #tpu.memory_space<vmem>>[vector<16xi32>, vector<16xi32>], vector<16xf32>,
      %broadcast_in_dim3A_536 = arith.constant 18 : i32
      %broadcast_in_dim3A_537 = vector.broadcast %broadcast_in_dim3A_536 : i32 to vector<16xi32>
      %scatter3A_538 = arith.constant 0 : i32
      %scatter3A_539 = arith.constant 0 : i32
      %scatter3A_540 = tpu.memref_slice %arg9[%scan3A_218, %scatter3A_538, %scatter3A_539] : memref<2x128x32xf32, #tpu.memory_space<vmem>> -> memref<1x128x32xf32, #tpu.memory_space<vmem>>
      %scatter3A_541 = tpu.memref_squeeze %scatter3A_540 : memref<1x128x32xf32, #tpu.memory_space<vmem>> -> memref<128x32xf32, #tpu.memory_space<vmem>>
      tpu.vector_store_idx %scatter3A_541[%add3A_275, %broadcast_in_dim3A_537], %gather3A_535 : memref<128x32xf32, #tpu.memory_space<vmem>>[vector<16xi32>, vector<16xi32>], vector<16xf32>,
      %add3A_542 = arith.constant 19 : i32
      %add3A_543 = vector.broadcast %add3A_542 : i32 to vector<16xi32>
      %add3A_544 = arith.addi %get3A_278, %add3A_543 : vector<16xi32>
      %gather3A_545 = arith.constant 0 : i32
      %gather3A_546 = arith.constant 0 : i32
      %gather3A_547 = tpu.memref_slice %arg8[%scan3A_217, %gather3A_545, %gather3A_546] : memref<2x128x128xf32, #tpu.memory_space<vmem>> -> memref<1x128x128xf32, #tpu.memory_space<vmem>>
      %gather3A_548 = tpu.memref_squeeze %gather3A_547 : memref<1x128x128xf32, #tpu.memory_space<vmem>> -> memref<128x128xf32, #tpu.memory_space<vmem>>
      %gather3A_549 = tpu.vector_load_idx %gather3A_548[%add3A_275, %add3A_544] : memref<128x128xf32, #tpu.memory_space<vmem>>[vector<16xi32>, vector<16xi32>], vector<16xf32>,
      %broadcast_in_dim3A_550 = arith.constant 19 : i32
      %broadcast_in_dim3A_551 = vector.broadcast %broadcast_in_dim3A_550 : i32 to vector<16xi32>
      %scatter3A_552 = arith.constant 0 : i32
      %scatter3A_553 = arith.constant 0 : i32
      %scatter3A_554 = tpu.memref_slice %arg9[%scan3A_218, %scatter3A_552, %scatter3A_553] : memref<2x128x32xf32, #tpu.memory_space<vmem>> -> memref<1x128x32xf32, #tpu.memory_space<vmem>>
      %scatter3A_555 = tpu.memref_squeeze %scatter3A_554 : memref<1x128x32xf32, #tpu.memory_space<vmem>> -> memref<128x32xf32, #tpu.memory_space<vmem>>
      tpu.vector_store_idx %scatter3A_555[%add3A_275, %broadcast_in_dim3A_551], %gather3A_549 : memref<128x32xf32, #tpu.memory_space<vmem>>[vector<16xi32>, vector<16xi32>], vector<16xf32>,
      %add3A_556 = arith.constant 20 : i32
      %add3A_557 = vector.broadcast %add3A_556 : i32 to vector<16xi32>
      %add3A_558 = arith.addi %get3A_278, %add3A_557 : vector<16xi32>
      %gather3A_559 = arith.constant 0 : i32
      %gather3A_560 = arith.constant 0 : i32
      %gather3A_561 = tpu.memref_slice %arg8[%scan3A_217, %gather3A_559, %gather3A_560] : memref<2x128x128xf32, #tpu.memory_space<vmem>> -> memref<1x128x128xf32, #tpu.memory_space<vmem>>
      %gather3A_562 = tpu.memref_squeeze %gather3A_561 : memref<1x128x128xf32, #tpu.memory_space<vmem>> -> memref<128x128xf32, #tpu.memory_space<vmem>>
      %gather3A_563 = tpu.vector_load_idx %gather3A_562[%add3A_275, %add3A_558] : memref<128x128xf32, #tpu.memory_space<vmem>>[vector<16xi32>, vector<16xi32>], vector<16xf32>,
      %broadcast_in_dim3A_564 = arith.constant 20 : i32
      %broadcast_in_dim3A_565 = vector.broadcast %broadcast_in_dim3A_564 : i32 to vector<16xi32>
      %scatter3A_566 = arith.constant 0 : i32
      %scatter3A_567 = arith.constant 0 : i32
      %scatter3A_568 = tpu.memref_slice %arg9[%scan3A_218, %scatter3A_566, %scatter3A_567] : memref<2x128x32xf32, #tpu.memory_space<vmem>> -> memref<1x128x32xf32, #tpu.memory_space<vmem>>
      %scatter3A_569 = tpu.memref_squeeze %scatter3A_568 : memref<1x128x32xf32, #tpu.memory_space<vmem>> -> memref<128x32xf32, #tpu.memory_space<vmem>>
      tpu.vector_store_idx %scatter3A_569[%add3A_275, %broadcast_in_dim3A_565], %gather3A_563 : memref<128x32xf32, #tpu.memory_space<vmem>>[vector<16xi32>, vector<16xi32>], vector<16xf32>,
      %add3A_570 = arith.constant 21 : i32
      %add3A_571 = vector.broadcast %add3A_570 : i32 to vector<16xi32>
      %add3A_572 = arith.addi %get3A_278, %add3A_571 : vector<16xi32>
      %gather3A_573 = arith.constant 0 : i32
      %gather3A_574 = arith.constant 0 : i32
      %gather3A_575 = tpu.memref_slice %arg8[%scan3A_217, %gather3A_573, %gather3A_574] : memref<2x128x128xf32, #tpu.memory_space<vmem>> -> memref<1x128x128xf32, #tpu.memory_space<vmem>>
      %gather3A_576 = tpu.memref_squeeze %gather3A_575 : memref<1x128x128xf32, #tpu.memory_space<vmem>> -> memref<128x128xf32, #tpu.memory_space<vmem>>
      %gather3A_577 = tpu.vector_load_idx %gather3A_576[%add3A_275, %add3A_572] : memref<128x128xf32, #tpu.memory_space<vmem>>[vector<16xi32>, vector<16xi32>], vector<16xf32>,
      %broadcast_in_dim3A_578 = arith.constant 21 : i32
      %broadcast_in_dim3A_579 = vector.broadcast %broadcast_in_dim3A_578 : i32 to vector<16xi32>
      %scatter3A_580 = arith.constant 0 : i32
      %scatter3A_581 = arith.constant 0 : i32
      %scatter3A_582 = tpu.memref_slice %arg9[%scan3A_218, %scatter3A_580, %scatter3A_581] : memref<2x128x32xf32, #tpu.memory_space<vmem>> -> memref<1x128x32xf32, #tpu.memory_space<vmem>>
      %scatter3A_583 = tpu.memref_squeeze %scatter3A_582 : memref<1x128x32xf32, #tpu.memory_space<vmem>> -> memref<128x32xf32, #tpu.memory_space<vmem>>
      tpu.vector_store_idx %scatter3A_583[%add3A_275, %broadcast_in_dim3A_579], %gather3A_577 : memref<128x32xf32, #tpu.memory_space<vmem>>[vector<16xi32>, vector<16xi32>], vector<16xf32>,
      %add3A_584 = arith.constant 22 : i32
      %add3A_585 = vector.broadcast %add3A_584 : i32 to vector<16xi32>
      %add3A_586 = arith.addi %get3A_278, %add3A_585 : vector<16xi32>
      %gather3A_587 = arith.constant 0 : i32
      %gather3A_588 = arith.constant 0 : i32
      %gather3A_589 = tpu.memref_slice %arg8[%scan3A_217, %gather3A_587, %gather3A_588] : memref<2x128x128xf32, #tpu.memory_space<vmem>> -> memref<1x128x128xf32, #tpu.memory_space<vmem>>
      %gather3A_590 = tpu.memref_squeeze %gather3A_589 : memref<1x128x128xf32, #tpu.memory_space<vmem>> -> memref<128x128xf32, #tpu.memory_space<vmem>>
      %gather3A_591 = tpu.vector_load_idx %gather3A_590[%add3A_275, %add3A_586] : memref<128x128xf32, #tpu.memory_space<vmem>>[vector<16xi32>, vector<16xi32>], vector<16xf32>,
      %broadcast_in_dim3A_592 = arith.constant 22 : i32
      %broadcast_in_dim3A_593 = vector.broadcast %broadcast_in_dim3A_592 : i32 to vector<16xi32>
      %scatter3A_594 = arith.constant 0 : i32
      %scatter3A_595 = arith.constant 0 : i32
      %scatter3A_596 = tpu.memref_slice %arg9[%scan3A_218, %scatter3A_594, %scatter3A_595] : memref<2x128x32xf32, #tpu.memory_space<vmem>> -> memref<1x128x32xf32, #tpu.memory_space<vmem>>
      %scatter3A_597 = tpu.memref_squeeze %scatter3A_596 : memref<1x128x32xf32, #tpu.memory_space<vmem>> -> memref<128x32xf32, #tpu.memory_space<vmem>>
      tpu.vector_store_idx %scatter3A_597[%add3A_275, %broadcast_in_dim3A_593], %gather3A_591 : memref<128x32xf32, #tpu.memory_space<vmem>>[vector<16xi32>, vector<16xi32>], vector<16xf32>,
      %add3A_598 = arith.constant 23 : i32
      %add3A_599 = vector.broadcast %add3A_598 : i32 to vector<16xi32>
      %add3A_600 = arith.addi %get3A_278, %add3A_599 : vector<16xi32>
      %gather3A_601 = arith.constant 0 : i32
      %gather3A_602 = arith.constant 0 : i32
      %gather3A_603 = tpu.memref_slice %arg8[%scan3A_217, %gather3A_601, %gather3A_602] : memref<2x128x128xf32, #tpu.memory_space<vmem>> -> memref<1x128x128xf32, #tpu.memory_space<vmem>>
      %gather3A_604 = tpu.memref_squeeze %gather3A_603 : memref<1x128x128xf32, #tpu.memory_space<vmem>> -> memref<128x128xf32, #tpu.memory_space<vmem>>
      %gather3A_605 = tpu.vector_load_idx %gather3A_604[%add3A_275, %add3A_600] : memref<128x128xf32, #tpu.memory_space<vmem>>[vector<16xi32>, vector<16xi32>], vector<16xf32>,
      %broadcast_in_dim3A_606 = arith.constant 23 : i32
      %broadcast_in_dim3A_607 = vector.broadcast %broadcast_in_dim3A_606 : i32 to vector<16xi32>
      %scatter3A_608 = arith.constant 0 : i32
      %scatter3A_609 = arith.constant 0 : i32
      %scatter3A_610 = tpu.memref_slice %arg9[%scan3A_218, %scatter3A_608, %scatter3A_609] : memref<2x128x32xf32, #tpu.memory_space<vmem>> -> memref<1x128x32xf32, #tpu.memory_space<vmem>>
      %scatter3A_611 = tpu.memref_squeeze %scatter3A_610 : memref<1x128x32xf32, #tpu.memory_space<vmem>> -> memref<128x32xf32, #tpu.memory_space<vmem>>
      tpu.vector_store_idx %scatter3A_611[%add3A_275, %broadcast_in_dim3A_607], %gather3A_605 : memref<128x32xf32, #tpu.memory_space<vmem>>[vector<16xi32>, vector<16xi32>], vector<16xf32>,
      %add3A_612 = arith.constant 24 : i32
      %add3A_613 = vector.broadcast %add3A_612 : i32 to vector<16xi32>
      %add3A_614 = arith.addi %get3A_278, %add3A_613 : vector<16xi32>
      %gather3A_615 = arith.constant 0 : i32
      %gather3A_616 = arith.constant 0 : i32
      %gather3A_617 = tpu.memref_slice %arg8[%scan3A_217, %gather3A_615, %gather3A_616] : memref<2x128x128xf32, #tpu.memory_space<vmem>> -> memref<1x128x128xf32, #tpu.memory_space<vmem>>
      %gather3A_618 = tpu.memref_squeeze %gather3A_617 : memref<1x128x128xf32, #tpu.memory_space<vmem>> -> memref<128x128xf32, #tpu.memory_space<vmem>>
      %gather3A_619 = tpu.vector_load_idx %gather3A_618[%add3A_275, %add3A_614] : memref<128x128xf32, #tpu.memory_space<vmem>>[vector<16xi32>, vector<16xi32>], vector<16xf32>,
      %broadcast_in_dim3A_620 = arith.constant 24 : i32
      %broadcast_in_dim3A_621 = vector.broadcast %broadcast_in_dim3A_620 : i32 to vector<16xi32>
      %scatter3A_622 = arith.constant 0 : i32
      %scatter3A_623 = arith.constant 0 : i32
      %scatter3A_624 = tpu.memref_slice %arg9[%scan3A_218, %scatter3A_622, %scatter3A_623] : memref<2x128x32xf32, #tpu.memory_space<vmem>> -> memref<1x128x32xf32, #tpu.memory_space<vmem>>
      %scatter3A_625 = tpu.memref_squeeze %scatter3A_624 : memref<1x128x32xf32, #tpu.memory_space<vmem>> -> memref<128x32xf32, #tpu.memory_space<vmem>>
      tpu.vector_store_idx %scatter3A_625[%add3A_275, %broadcast_in_dim3A_621], %gather3A_619 : memref<128x32xf32, #tpu.memory_space<vmem>>[vector<16xi32>, vector<16xi32>], vector<16xf32>,
      %add3A_626 = arith.constant 25 : i32
      %add3A_627 = vector.broadcast %add3A_626 : i32 to vector<16xi32>
      %add3A_628 = arith.addi %get3A_278, %add3A_627 : vector<16xi32>
      %gather3A_629 = arith.constant 0 : i32
      %gather3A_630 = arith.constant 0 : i32
      %gather3A_631 = tpu.memref_slice %arg8[%scan3A_217, %gather3A_629, %gather3A_630] : memref<2x128x128xf32, #tpu.memory_space<vmem>> -> memref<1x128x128xf32, #tpu.memory_space<vmem>>
      %gather3A_632 = tpu.memref_squeeze %gather3A_631 : memref<1x128x128xf32, #tpu.memory_space<vmem>> -> memref<128x128xf32, #tpu.memory_space<vmem>>
      %gather3A_633 = tpu.vector_load_idx %gather3A_632[%add3A_275, %add3A_628] : memref<128x128xf32, #tpu.memory_space<vmem>>[vector<16xi32>, vector<16xi32>], vector<16xf32>,
      %broadcast_in_dim3A_634 = arith.constant 25 : i32
      %broadcast_in_dim3A_635 = vector.broadcast %broadcast_in_dim3A_634 : i32 to vector<16xi32>
      %scatter3A_636 = arith.constant 0 : i32
      %scatter3A_637 = arith.constant 0 : i32
      %scatter3A_638 = tpu.memref_slice %arg9[%scan3A_218, %scatter3A_636, %scatter3A_637] : memref<2x128x32xf32, #tpu.memory_space<vmem>> -> memref<1x128x32xf32, #tpu.memory_space<vmem>>
      %scatter3A_639 = tpu.memref_squeeze %scatter3A_638 : memref<1x128x32xf32, #tpu.memory_space<vmem>> -> memref<128x32xf32, #tpu.memory_space<vmem>>
      tpu.vector_store_idx %scatter3A_639[%add3A_275, %broadcast_in_dim3A_635], %gather3A_633 : memref<128x32xf32, #tpu.memory_space<vmem>>[vector<16xi32>, vector<16xi32>], vector<16xf32>,
      %add3A_640 = arith.constant 26 : i32
      %add3A_641 = vector.broadcast %add3A_640 : i32 to vector<16xi32>
      %add3A_642 = arith.addi %get3A_278, %add3A_641 : vector<16xi32>
      %gather3A_643 = arith.constant 0 : i32
      %gather3A_644 = arith.constant 0 : i32
      %gather3A_645 = tpu.memref_slice %arg8[%scan3A_217, %gather3A_643, %gather3A_644] : memref<2x128x128xf32, #tpu.memory_space<vmem>> -> memref<1x128x128xf32, #tpu.memory_space<vmem>>
      %gather3A_646 = tpu.memref_squeeze %gather3A_645 : memref<1x128x128xf32, #tpu.memory_space<vmem>> -> memref<128x128xf32, #tpu.memory_space<vmem>>
      %gather3A_647 = tpu.vector_load_idx %gather3A_646[%add3A_275, %add3A_642] : memref<128x128xf32, #tpu.memory_space<vmem>>[vector<16xi32>, vector<16xi32>], vector<16xf32>,
      %broadcast_in_dim3A_648 = arith.constant 26 : i32
      %broadcast_in_dim3A_649 = vector.broadcast %broadcast_in_dim3A_648 : i32 to vector<16xi32>
      %scatter3A_650 = arith.constant 0 : i32
      %scatter3A_651 = arith.constant 0 : i32
      %scatter3A_652 = tpu.memref_slice %arg9[%scan3A_218, %scatter3A_650, %scatter3A_651] : memref<2x128x32xf32, #tpu.memory_space<vmem>> -> memref<1x128x32xf32, #tpu.memory_space<vmem>>
      %scatter3A_653 = tpu.memref_squeeze %scatter3A_652 : memref<1x128x32xf32, #tpu.memory_space<vmem>> -> memref<128x32xf32, #tpu.memory_space<vmem>>
      tpu.vector_store_idx %scatter3A_653[%add3A_275, %broadcast_in_dim3A_649], %gather3A_647 : memref<128x32xf32, #tpu.memory_space<vmem>>[vector<16xi32>, vector<16xi32>], vector<16xf32>,
      %add3A_654 = arith.constant 27 : i32
      %add3A_655 = vector.broadcast %add3A_654 : i32 to vector<16xi32>
      %add3A_656 = arith.addi %get3A_278, %add3A_655 : vector<16xi32>
      %gather3A_657 = arith.constant 0 : i32
      %gather3A_658 = arith.constant 0 : i32
      %gather3A_659 = tpu.memref_slice %arg8[%scan3A_217, %gather3A_657, %gather3A_658] : memref<2x128x128xf32, #tpu.memory_space<vmem>> -> memref<1x128x128xf32, #tpu.memory_space<vmem>>
      %gather3A_660 = tpu.memref_squeeze %gather3A_659 : memref<1x128x128xf32, #tpu.memory_space<vmem>> -> memref<128x128xf32, #tpu.memory_space<vmem>>
      %gather3A_661 = tpu.vector_load_idx %gather3A_660[%add3A_275, %add3A_656] : memref<128x128xf32, #tpu.memory_space<vmem>>[vector<16xi32>, vector<16xi32>], vector<16xf32>,
      %broadcast_in_dim3A_662 = arith.constant 27 : i32
      %broadcast_in_dim3A_663 = vector.broadcast %broadcast_in_dim3A_662 : i32 to vector<16xi32>
      %scatter3A_664 = arith.constant 0 : i32
      %scatter3A_665 = arith.constant 0 : i32
      %scatter3A_666 = tpu.memref_slice %arg9[%scan3A_218, %scatter3A_664, %scatter3A_665] : memref<2x128x32xf32, #tpu.memory_space<vmem>> -> memref<1x128x32xf32, #tpu.memory_space<vmem>>
      %scatter3A_667 = tpu.memref_squeeze %scatter3A_666 : memref<1x128x32xf32, #tpu.memory_space<vmem>> -> memref<128x32xf32, #tpu.memory_space<vmem>>
      tpu.vector_store_idx %scatter3A_667[%add3A_275, %broadcast_in_dim3A_663], %gather3A_661 : memref<128x32xf32, #tpu.memory_space<vmem>>[vector<16xi32>, vector<16xi32>], vector<16xf32>,
      %add3A_668 = arith.constant 28 : i32
      %add3A_669 = vector.broadcast %add3A_668 : i32 to vector<16xi32>
      %add3A_670 = arith.addi %get3A_278, %add3A_669 : vector<16xi32>
      %gather3A_671 = arith.constant 0 : i32
      %gather3A_672 = arith.constant 0 : i32
      %gather3A_673 = tpu.memref_slice %arg8[%scan3A_217, %gather3A_671, %gather3A_672] : memref<2x128x128xf32, #tpu.memory_space<vmem>> -> memref<1x128x128xf32, #tpu.memory_space<vmem>>
      %gather3A_674 = tpu.memref_squeeze %gather3A_673 : memref<1x128x128xf32, #tpu.memory_space<vmem>> -> memref<128x128xf32, #tpu.memory_space<vmem>>
      %gather3A_675 = tpu.vector_load_idx %gather3A_674[%add3A_275, %add3A_670] : memref<128x128xf32, #tpu.memory_space<vmem>>[vector<16xi32>, vector<16xi32>], vector<16xf32>,
      %broadcast_in_dim3A_676 = arith.constant 28 : i32
      %broadcast_in_dim3A_677 = vector.broadcast %broadcast_in_dim3A_676 : i32 to vector<16xi32>
      %scatter3A_678 = arith.constant 0 : i32
      %scatter3A_679 = arith.constant 0 : i32
      %scatter3A_680 = tpu.memref_slice %arg9[%scan3A_218, %scatter3A_678, %scatter3A_679] : memref<2x128x32xf32, #tpu.memory_space<vmem>> -> memref<1x128x32xf32, #tpu.memory_space<vmem>>
      %scatter3A_681 = tpu.memref_squeeze %scatter3A_680 : memref<1x128x32xf32, #tpu.memory_space<vmem>> -> memref<128x32xf32, #tpu.memory_space<vmem>>
      tpu.vector_store_idx %scatter3A_681[%add3A_275, %broadcast_in_dim3A_677], %gather3A_675 : memref<128x32xf32, #tpu.memory_space<vmem>>[vector<16xi32>, vector<16xi32>], vector<16xf32>,
      %add3A_682 = arith.constant 29 : i32
      %add3A_683 = vector.broadcast %add3A_682 : i32 to vector<16xi32>
      %add3A_684 = arith.addi %get3A_278, %add3A_683 : vector<16xi32>
      %gather3A_685 = arith.constant 0 : i32
      %gather3A_686 = arith.constant 0 : i32
      %gather3A_687 = tpu.memref_slice %arg8[%scan3A_217, %gather3A_685, %gather3A_686] : memref<2x128x128xf32, #tpu.memory_space<vmem>> -> memref<1x128x128xf32, #tpu.memory_space<vmem>>
      %gather3A_688 = tpu.memref_squeeze %gather3A_687 : memref<1x128x128xf32, #tpu.memory_space<vmem>> -> memref<128x128xf32, #tpu.memory_space<vmem>>
      %gather3A_689 = tpu.vector_load_idx %gather3A_688[%add3A_275, %add3A_684] : memref<128x128xf32, #tpu.memory_space<vmem>>[vector<16xi32>, vector<16xi32>], vector<16xf32>,
      %broadcast_in_dim3A_690 = arith.constant 29 : i32
      %broadcast_in_dim3A_691 = vector.broadcast %broadcast_in_dim3A_690 : i32 to vector<16xi32>
      %scatter3A_692 = arith.constant 0 : i32
      %scatter3A_693 = arith.constant 0 : i32
      %scatter3A_694 = tpu.memref_slice %arg9[%scan3A_218, %scatter3A_692, %scatter3A_693] : memref<2x128x32xf32, #tpu.memory_space<vmem>> -> memref<1x128x32xf32, #tpu.memory_space<vmem>>
      %scatter3A_695 = tpu.memref_squeeze %scatter3A_694 : memref<1x128x32xf32, #tpu.memory_space<vmem>> -> memref<128x32xf32, #tpu.memory_space<vmem>>
      tpu.vector_store_idx %scatter3A_695[%add3A_275, %broadcast_in_dim3A_691], %gather3A_689 : memref<128x32xf32, #tpu.memory_space<vmem>>[vector<16xi32>, vector<16xi32>], vector<16xf32>,
      %add3A_696 = arith.constant 30 : i32
      %add3A_697 = vector.broadcast %add3A_696 : i32 to vector<16xi32>
      %add3A_698 = arith.addi %get3A_278, %add3A_697 : vector<16xi32>
      %gather3A_699 = arith.constant 0 : i32
      %gather3A_700 = arith.constant 0 : i32
      %gather3A_701 = tpu.memref_slice %arg8[%scan3A_217, %gather3A_699, %gather3A_700] : memref<2x128x128xf32, #tpu.memory_space<vmem>> -> memref<1x128x128xf32, #tpu.memory_space<vmem>>
      %gather3A_702 = tpu.memref_squeeze %gather3A_701 : memref<1x128x128xf32, #tpu.memory_space<vmem>> -> memref<128x128xf32, #tpu.memory_space<vmem>>
      %gather3A_703 = tpu.vector_load_idx %gather3A_702[%add3A_275, %add3A_698] : memref<128x128xf32, #tpu.memory_space<vmem>>[vector<16xi32>, vector<16xi32>], vector<16xf32>,
      %broadcast_in_dim3A_704 = arith.constant 30 : i32
      %broadcast_in_dim3A_705 = vector.broadcast %broadcast_in_dim3A_704 : i32 to vector<16xi32>
      %scatter3A_706 = arith.constant 0 : i32
      %scatter3A_707 = arith.constant 0 : i32
      %scatter3A_708 = tpu.memref_slice %arg9[%scan3A_218, %scatter3A_706, %scatter3A_707] : memref<2x128x32xf32, #tpu.memory_space<vmem>> -> memref<1x128x32xf32, #tpu.memory_space<vmem>>
      %scatter3A_709 = tpu.memref_squeeze %scatter3A_708 : memref<1x128x32xf32, #tpu.memory_space<vmem>> -> memref<128x32xf32, #tpu.memory_space<vmem>>
      tpu.vector_store_idx %scatter3A_709[%add3A_275, %broadcast_in_dim3A_705], %gather3A_703 : memref<128x32xf32, #tpu.memory_space<vmem>>[vector<16xi32>, vector<16xi32>], vector<16xf32>,
      %add3A_710 = arith.constant 31 : i32
      %add3A_711 = vector.broadcast %add3A_710 : i32 to vector<16xi32>
      %add3A_712 = arith.addi %get3A_278, %add3A_711 : vector<16xi32>
      %gather3A_713 = arith.constant 0 : i32
      %gather3A_714 = arith.constant 0 : i32
      %gather3A_715 = tpu.memref_slice %arg8[%scan3A_217, %gather3A_713, %gather3A_714] : memref<2x128x128xf32, #tpu.memory_space<vmem>> -> memref<1x128x128xf32, #tpu.memory_space<vmem>>
      %gather3A_716 = tpu.memref_squeeze %gather3A_715 : memref<1x128x128xf32, #tpu.memory_space<vmem>> -> memref<128x128xf32, #tpu.memory_space<vmem>>
      %gather3A_717 = tpu.vector_load_idx %gather3A_716[%add3A_275, %add3A_712] : memref<128x128xf32, #tpu.memory_space<vmem>>[vector<16xi32>, vector<16xi32>], vector<16xf32>,
      %broadcast_in_dim3A_718 = arith.constant 31 : i32
      %broadcast_in_dim3A_719 = vector.broadcast %broadcast_in_dim3A_718 : i32 to vector<16xi32>
      %scatter3A_720 = arith.constant 0 : i32
      %scatter3A_721 = arith.constant 0 : i32
      %scatter3A_722 = tpu.memref_slice %arg9[%scan3A_218, %scatter3A_720, %scatter3A_721] : memref<2x128x32xf32, #tpu.memory_space<vmem>> -> memref<1x128x32xf32, #tpu.memory_space<vmem>>
      %scatter3A_723 = tpu.memref_squeeze %scatter3A_722 : memref<1x128x32xf32, #tpu.memory_space<vmem>> -> memref<128x32xf32, #tpu.memory_space<vmem>>
      tpu.vector_store_idx %scatter3A_723[%add3A_275, %broadcast_in_dim3A_719], %gather3A_717 : memref<128x32xf32, #tpu.memory_space<vmem>>[vector<16xi32>, vector<16xi32>], vector<16xf32>,
    }
    %scan3A_223 = arith.constant 8 : i32
    %mul3A_224 = arith.constant 512 : i32
    %mul3A_225 = arith.muli %add3A, %mul3A_224 : i32
    %add3A_226 = arith.constant 384 : i32
    %add3A_227 = arith.addi %mul3A_225, %add3A_226 : i32
    %dma_start3A_228 = arith.constant 1 : i32
    %dma_start3A_229 = arith.constant 0 : i32
    %dma_start3A_230 = arith.constant 0 : i32
    %dma_start3A_231 = tpu.memref_slice %arg9[%dma_start3A_228, %dma_start3A_229, %dma_start3A_230] : memref<2x128x32xf32, #tpu.memory_space<vmem>> -> memref<1x128x32xf32, #tpu.memory_space<vmem>>
    %dma_start3A_232 = tpu.memref_squeeze %dma_start3A_231 : memref<1x128x32xf32, #tpu.memory_space<vmem>> -> memref<128x32xf32, #tpu.memory_space<vmem>>
    %dma_start3A_233 = arith.constant 0 : i32
    %dma_start3A_234 = tpu.memref_slice %arg5[%add3A_227, %dma_start3A_233] : memref<16384x32xf32, #tpu.memory_space<hbm>> -> memref<128x32xf32, #tpu.memory_space<hbm>>
    %dma_start3A_235 = arith.constant 0 : i32
    %dma_start3A_236 = tpu.memref_slice %arg5[%add3A_227, %dma_start3A_235] : memref<16384x32xf32, #tpu.memory_space<hbm>> -> memref<128x32xf32, #tpu.memory_space<hbm>>
    %dma_start3A_237 = arith.constant 0 : i32
    %dma_start3A_238 = arith.constant 0 : i32
    %dma_start3A_239 = tpu.memref_slice %arg9[%dma_start3A_228, %dma_start3A_237, %dma_start3A_238] : memref<2x128x32xf32, #tpu.memory_space<vmem>> -> memref<1x128x32xf32, #tpu.memory_space<vmem>>
    %dma_start3A_240 = tpu.memref_squeeze %dma_start3A_239 : memref<1x128x32xf32, #tpu.memory_space<vmem>> -> memref<128x32xf32, #tpu.memory_space<vmem>>
    tpu.enqueue_dma source(%dma_start3A_240 : memref<128x32xf32, #tpu.memory_space<vmem>>) target(%dma_start3A_236 : memref<128x32xf32, #tpu.memory_space<hbm>>) target_semaphore(%arg14 : memref<!tpu.dma_semaphore, #tpu.memory_space<semaphore_mem>>)
    %dma_wait3A_241 = arith.constant 0 : i32
    %dma_wait3A_242 = arith.constant 0 : i32
    %dma_wait3A_243 = arith.constant 0 : i32
    %dma_wait3A_244 = tpu.memref_slice %arg9[%dma_wait3A_241, %dma_wait3A_242, %dma_wait3A_243] : memref<2x128x32xf32, #tpu.memory_space<vmem>> -> memref<1x128x32xf32, #tpu.memory_space<vmem>>
    %dma_wait3A_245 = tpu.memref_squeeze %dma_wait3A_244 : memref<1x128x32xf32, #tpu.memory_space<vmem>> -> memref<128x32xf32, #tpu.memory_space<vmem>>
    %dma_wait3A_246 = arith.constant 0 : i32
    %dma_wait3A_247 = tpu.memref_slice %arg5[%add3A_178, %dma_wait3A_246] : memref<16384x32xf32, #tpu.memory_space<hbm>> -> memref<128x32xf32, #tpu.memory_space<hbm>>
    %dma_wait3A_248 = arith.constant 0 : i32
    %dma_wait3A_249 = tpu.memref_slice %arg5[%add3A_178, %dma_wait3A_248] : memref<16384x32xf32, #tpu.memory_space<hbm>> -> memref<128x32xf32, #tpu.memory_space<hbm>>
    %dma_wait3A_250 = arith.constant 0 : i32
    %dma_wait3A_251 = arith.constant 0 : i32
    %dma_wait3A_252 = tpu.memref_slice %arg9[%dma_wait3A_241, %dma_wait3A_250, %dma_wait3A_251] : memref<2x128x32xf32, #tpu.memory_space<vmem>> -> memref<1x128x32xf32, #tpu.memory_space<vmem>>
    %dma_wait3A_253 = tpu.memref_squeeze %dma_wait3A_252 : memref<1x128x32xf32, #tpu.memory_space<vmem>> -> memref<128x32xf32, #tpu.memory_space<vmem>>
    tpu.wait_dma2 semaphore(%arg13 : memref<!tpu.dma_semaphore, #tpu.memory_space<semaphore_mem>>) src(%dma_wait3A_253 : memref<128x32xf32, #tpu.memory_space<vmem>>) dst(%dma_wait3A_249 : memref<128x32xf32, #tpu.memory_space<hbm>>)
    %dma_wait3A_254 = arith.constant 1 : i32
    %dma_wait3A_255 = arith.constant 0 : i32
    %dma_wait3A_256 = arith.constant 0 : i32
    %dma_wait3A_257 = tpu.memref_slice %arg9[%dma_wait3A_254, %dma_wait3A_255, %dma_wait3A_256] : memref<2x128x32xf32, #tpu.memory_space<vmem>> -> memref<1x128x32xf32, #tpu.memory_space<vmem>>
    %dma_wait3A_258 = tpu.memref_squeeze %dma_wait3A_257 : memref<1x128x32xf32, #tpu.memory_space<vmem>> -> memref<128x32xf32, #tpu.memory_space<vmem>>
    %dma_wait3A_259 = arith.constant 0 : i32
    %dma_wait3A_260 = tpu.memref_slice %arg5[%add3A_227, %dma_wait3A_259] : memref<16384x32xf32, #tpu.memory_space<hbm>> -> memref<128x32xf32, #tpu.memory_space<hbm>>
    %dma_wait3A_261 = arith.constant 0 : i32
    %dma_wait3A_262 = tpu.memref_slice %arg5[%add3A_227, %dma_wait3A_261] : memref<16384x32xf32, #tpu.memory_space<hbm>> -> memref<128x32xf32, #tpu.memory_space<hbm>>
    %dma_wait3A_263 = arith.constant 0 : i32
    %dma_wait3A_264 = arith.constant 0 : i32
    %dma_wait3A_265 = tpu.memref_slice %arg9[%dma_wait3A_254, %dma_wait3A_263, %dma_wait3A_264] : memref<2x128x32xf32, #tpu.memory_space<vmem>> -> memref<1x128x32xf32, #tpu.memory_space<vmem>>
    %dma_wait3A_266 = tpu.memref_squeeze %dma_wait3A_265 : memref<1x128x32xf32, #tpu.memory_space<vmem>> -> memref<128x32xf32, #tpu.memory_space<vmem>>
    tpu.wait_dma2 semaphore(%arg14 : memref<!tpu.dma_semaphore, #tpu.memory_space<semaphore_mem>>) src(%dma_wait3A_266 : memref<128x32xf32, #tpu.memory_space<vmem>>) dst(%dma_wait3A_262 : memref<128x32xf32, #tpu.memory_space<hbm>>)
    return
  }
}

module attributes {stable_mosaic.version = 14 : i64} {
  func.func @body(%arg0: i32, %arg1: memref<32x8192xf32, #tpu.memory_space<vmem>>, %arg2: memref<2048x128xf32, #tpu.memory_space<vmem>>) attributes {dimension_semantics = [#tpu.dimension_semantics<arbitrary>], iteration_bounds = array<i64: 123>, scalar_prefetch = 0 : i64, scratch_operands = 0 : i64, tpu.core_type = #tpu.core_type<tc>, window_params = [{transform_indices = @transform_0, window_bounds = array<i64: 32, 8192>}, {transform_indices = @transform_1, window_bounds = array<i64: 2048, 128>}]} {
    %get3A = arith.constant 0 : index
    %get3A_0 = arith.constant 0 : index
    %get3A_1 = vector.load %arg1[%get3A, %get3A_0] : memref<32x8192xf32, #tpu.memory_space<vmem>>, vector<32x8192xf32>
    %transpose3A = tpu.transpose %get3A_1, [1, 0] : vector<32x8192xf32> -> vector<8192x32xf32>
    %slice3A = vector.extract_strided_slice %transpose3A {offsets = [0, 0], sizes = [2048, 32], strides = [1, 1]} : vector<8192x32xf32> to vector<2048x32xf32>
    %slice3A_2 = vector.extract_strided_slice %transpose3A {offsets = [2048, 0], sizes = [2048, 32], strides = [1, 1]} : vector<8192x32xf32> to vector<2048x32xf32>
    %slice3A_3 = vector.extract_strided_slice %transpose3A {offsets = [4096, 0], sizes = [2048, 32], strides = [1, 1]} : vector<8192x32xf32> to vector<2048x32xf32>
    %slice3A_4 = vector.extract_strided_slice %transpose3A {offsets = [6144, 0], sizes = [2048, 32], strides = [1, 1]} : vector<8192x32xf32> to vector<2048x32xf32>
    %concatenate3A = tpu.concatenate %slice3A, %slice3A_2, %slice3A_3, %slice3A_4 in 1 : vector<2048x32xf32>, vector<2048x32xf32>, vector<2048x32xf32>, vector<2048x32xf32> -> vector<2048x128xf32>
    %swap3A = arith.constant 0 : index
    %swap3A_5 = arith.constant 0 : index
    %swap3A_6 = vector.load %arg2[%swap3A, %swap3A_5] : memref<2048x128xf32, #tpu.memory_space<vmem>>, vector<2048x128xf32>
    tpu.vector_store %arg2[%swap3A, %swap3A_5], %concatenate3A {strides = array<i32>} : memref<2048x128xf32, #tpu.memory_space<vmem>>, vector<2048x128xf32>,
    return
  }
  func.func @transform_0(%arg0: i32) -> (i32, i32) {
    %c0_i32 = arith.constant 0 : i32
    %c0_i32_0 = arith.constant 0 : i32
    return %c0_i32, %arg0 : i32, i32
  }
  func.func @transform_1(%arg0: i32) -> (i32, i32) {
    %c0_i32 = arith.constant 0 : i32
    %c0_i32_0 = arith.constant 0 : i32
    return %arg0, %c0_i32 : i32, i32
  }
}

</mosaic_0001>

<sc_bundles>
// kernel: run.4.cloned.1.call-start
scs
__scs_entry_jumppad:
0x0: {  	(pc) =	sbr.rel $0x88, $3  }
0x1: {  	(tag) =	ssettag $0x0;
	lr =	simm.s32 $0x1  }
0x2: {  	[smem:$0x3F9E] =	sst lr;
	_ =	strace $0xD0000000  }
0x3: {  	_ = 	snop  }
0x4: {  	_ = 	snop  }
0x5: {  	_ = 	snop  }
0x6: {  	_ = 	snop  }
0x7: {  	_ = 	snop  }
__scs_overlays_trampoline_lowered:
0x8: {  	[smem:$0x3FAD] =	sst s0  }
0x9: {  	[smem:$0x3FAE] =	sst s1  }
0xa: {  	[smem:$0x3FAF] =	sst s2  }
0xb: {  	[smem:$0x3FB0] =	sst s3  }
0xc: {  	[smem:$0x3FB1] =	sst s4  }
0xd: {  	[smem:$0x3FB2] =	sst s5  }
0xe: {  	[smem:$0x3FB3] =	sst s6  }
0xf: {  	[smem:$0x3FB4] =	sst s7  }
0x10: {  	[smem:$0x3FB5] =	sst s8  }
0x11: {  	[smem:$0x3FB6] =	sst s9;
	s0 =	simm.s32 @!p0 $0x0  }
0x12: {  	s1 =	sld [smem:$0x3F9C];
	s0 =	simm.s32 @p0 $0x1  }
0x13: {  	[smem:$0x3FB7] =	sst s0;
	s0 =	simm.s32 @!p1 $0x0  }
0x14: {  	s2 =	sld [smem:$0x3F9B];
	s0 =	simm.s32 @p1 $0x1  }
0x15: {  	[smem:$0x3FB8] =	sst s0;
	s0 =	simm.s32 @!p2 $0x0  }
0x16: {  	s3 =	sld [smem:$0x3FDB];
	s0 =	simm.s32 @p2 $0x1  }
0x17: {  	s4 =	simm.s32 $0x1BF5;
	[smem:$0x3FBA] =	sst s0  }
0x18: {  	s0 =	sld [smem:$0x3F9D];
	_ =	swait.ge [sflag:s4], $0x0  }
0x19: {  	s7 =	sld [smem:$0x3F9E]  }
0x1a: {  	s8 =	sadd.s32 $0xFFFFE003, lr  }
0x1b: {  	s9 =	sadd.s32 $0xFFFFFEF7, lr;
	s5 =	simm.s32 $0xFFFFFFFF;
	p2 =	slt.u32 s8, $0xFFFFF086  }
0x1c: {  	p1 =	slt.u32 s9, $0xF7A;
	s5 =	simm.s32 @!p2 $0x0  }
0x1d: {  	s5 =	simm.s32 @p1 $0x1;
	p0 =	seq.s32 s7, s2  }
0x1e: {  	s7 =	smul.u32 @!p0 $0xF7A, s2;
	p2 =	seq.s32 @!p0 s5, $0x0  }
0x1f: {  	s9 =	smul.u32 $0xF7A, s1;
	s8 =	simm.s32 @!p0 $0x1BF5;
	p2 =	por !p2, p0  }
0x20: {  	[sflag:s8] =	ssyncset.s32 @!p0 $0xFFFFF086;
	s6 =	sadd.s32 @!p0 s3, s7;
	s7 =	simm.s32 @!p0 $0x108  }
0x21: {  	s3 =	sadd.s32 s3, s9;
	s6 =	sadd.s32 @!p0 $0x88, s6;
	s7 =	simm.s32 @p2 $0x1082  }
0x22: {  	[simem:s7], [sflag:s8] =	dma.local @!p0 [hbm:s6], $0xF7A  }
0x23: {  	s9 =	sor.u32 $0xD0000000, s2;
	s6 =	simm.s32 $0x108;
	_ =	swait.ge @!p0 [sflag:s8], $0x0  }
0x24: {  	s3 =	sadd.s32 $0x88, s3;
	s6 =	simm.s32 @!p1 $0x1082;
	[sflag:s4] =	ssyncset.s32 $0xFFFFF086  }
0x25: {  	[simem:s6], [sflag:s4] =	dma.local [hbm:s3], $0xF7A  }
0x26: {  	[smem:$0x3F9E] =	sst s1;
	(tag) =	ssettag s2;
	_ =	strace s9  }
0x27: {  	s1 =	sld [smem:$0x3FAE]  }
0x28: {  	s2 =	sld [smem:$0x3FAF]  }
0x29: {  	s4 =	sld [smem:$0x3FB1]  }
0x2a: {  	p0 =	seq.s32 s5, $0x0;
	s5 =	sld [smem:$0x3FB2]  }
0x2b: {  	s6 =	sld [smem:$0x3FB3]  }
0x2c: {  	s7 =	sld [smem:$0x3FB4]  }
0x2d: {  	s3 =	simm.s32 $0x108;
	s8 =	sld [smem:$0x3FB5]  }
0x2e: {  	s3 =	simm.s32 @!p0 $0x1082;
	s9 =	sld [smem:$0x3FB6]  }
0x2f: {  	lr =	sadd.s32 s0, s3;
	s0 =	sld [smem:$0x3FAD]  }
0x30: {  	s3 =	sld [smem:$0x3FB0]  }
0x31: {  	[smem:$0x3FB9] =	sst s10  }
0x32: {  	s10 =	sld [smem:$0x3FB7];
	_ =	sdelay $0x3  }
0x33: {  	p0 =	seq.s32 s10, $0x1;
	s10 =	sld [smem:$0x3FB9];
	_ =	sdelay $0x3  }
0x34: {  	[smem:$0x3FB9] =	sst s10  }
0x35: {  	s10 =	sld [smem:$0x3FB8];
	_ =	sdelay $0x3  }
0x36: {  	p1 =	seq.s32 s10, $0x1;
	s10 =	sld [smem:$0x3FB9];
	_ =	sdelay $0x3  }
0x37: {  	[smem:$0x3FB9] =	sst s10  }
0x38: {  	s10 =	sld [smem:$0x3FBA]  }
0x39: {  	_ = 	snop;
	(pc) =	sbr.ind lr, $3  }
0x3a: {  	_ = 	snop  }
0x3b: {  	_ = 	snop  }
0x3c: {  	p2 =	seq.s32 s10, $0x1;
	s10 =	sld [smem:$0x3FB9]  }
0x3d: {  	_ =	shalt  }
0x3e: {  	_ =	shalt  }
0x3f: {  	_ =	shalt  }
0x40: {  	_ =	shalt  }
0x41: {  	_ =	shalt  }
0x42: {  	_ =	shalt  }
0x43: {  	_ =	shalt  }
0x44: {  	_ =	shalt  }
0x45: {  	_ =	shalt  }
0x46: {  	_ =	shalt  }
0x47: {  	_ =	shalt  }
0x48: {  	_ =	shalt  }
0x49: {  	_ =	shalt  }
0x4a: {  	_ =	shalt  }
0x4b: {  	_ =	shalt  }
0x4c: {  	_ =	shalt  }
0x4d: {  	_ =	shalt  }
0x4e: {  	_ =	shalt  }
0x4f: {  	_ =	shalt  }
0x50: {  	_ =	shalt  }
0x51: {  	_ =	shalt  }
0x52: {  	_ =	shalt  }
0x53: {  	_ =	shalt  }
0x54: {  	_ =	shalt  }
0x55: {  	_ =	shalt  }
0x56: {  	_ =	shalt  }
0x57: {  	_ =	shalt  }
0x58: {  	_ =	shalt  }
0x59: {  	_ =	shalt  }
0x5a: {  	_ =	shalt  }
0x5b: {  	_ =	shalt  }
0x5c: {  	_ =	shalt  }
0x5d: {  	_ =	shalt  }
0x5e: {  	_ =	shalt  }
0x5f: {  	_ =	shalt  }
0x60: {  	_ =	shalt  }
0x61: {  	_ =	shalt  }
0x62: {  	_ =	shalt  }
0x63: {  	_ =	shalt  }
0x64: {  	_ =	shalt  }
0x65: {  	_ =	shalt  }
0x66: {  	_ =	shalt  }
0x67: {  	_ =	shalt  }
0x68: {  	_ =	shalt  }
0x69: {  	_ =	shalt  }
0x6a: {  	_ =	shalt  }
0x6b: {  	_ =	shalt  }
0x6c: {  	_ =	shalt  }
0x6d: {  	_ =	shalt  }
0x6e: {  	_ =	shalt  }
0x6f: {  	_ =	shalt  }
0x70: {  	_ =	shalt  }
0x71: {  	_ =	shalt  }
0x72: {  	_ =	shalt  }
0x73: {  	_ =	shalt  }
0x74: {  	_ =	shalt  }
0x75: {  	_ =	shalt  }
0x76: {  	_ =	shalt  }
0x77: {  	_ =	shalt  }
0x78: {  	_ =	shalt  }
0x79: {  	_ =	shalt  }
0x7a: {  	_ =	shalt  }
0x7b: {  	_ =	shalt  }
0x7c: {  	_ =	shalt  }
0x7d: {  	_ =	shalt  }
0x7e: {  	_ =	shalt  }
0x7f: {  	_ =	shalt  }
0x80: {  	_ =	shalt  }
0x81: {  	_ =	shalt  }
0x82: {  	_ =	shalt  }
0x83: {  	_ =	shalt  }
0x84: {  	_ =	shalt  }
0x85: {  	_ =	shalt  }
0x86: {  	_ =	shalt  }
0x87: {  	_ =	shalt  }
.Lfunc_end0:
.L_simem_size_0:
called_computation_lowered:
.L_overlay_start_0:
0x88: {  	s2 =	sld [smem:$0x3FD9]  }
0x89: {  	s3 =	sld [smem:$0x3FFE];
	_ =	sdelay $0x1  }
0x8a: {  	s1 =	srdreg.scid  }
0x8b: {  	s0 =	sand.u32 $0x1, s1  }
0x8c: {  	s17 =	sshll.u32 s0, $0xA;
	s2 =	sadd.s32 s3, s2  }
0x8d: {  	s2 =	sadd.s32 s2, s17  }
0x8e: {  	[smem:$0x3FC5] =	sst s2  }
0x8f: {  	_ = 	snop  }
0x90: {  	s2 =	sld [smem:$0x3FC8]  }
0x91: {  	s18 =	sld [smem:$0x3FC7];
	(tm) =	ssettm $0x1  }
0x92: {  	s4 =	sld [smem:$0x3FFB];
	_ =	sdelay $0x3  }
0x93: {  	_ =	strace s4  }
0x94: {  	s4 =	sld [smem:$0x3FFC];
	_ =	sdelay $0x3  }
0x95: {  	_ =	strace s4  }
0x96: {  	s4 =	sld [smem:$0x3FFD];
	_ =	sdelay $0x3  }
0x97: {  	_ =	strace s4  }
0x98: {  	_ =	strace $0x8FFFFFFF  }
0x99: {  	s19 =	sld [smem:$0x3FDB];
	_ =	sdelay $0x1  }
0x9a: {  	s5 =	simm.s32 $_scs_section_size  }
0x9b: {  	s6 =	simm.s32 $_size__tile_overlayer_lowered;
	s7 =	simm.s32 $_tile_overlayer_lowered  }
0x9c: {  	s22 =	simm.s32 $0x1BFF;
	s21 =	sshll.u32 s7, $0x1;
	s4 =	sadd.s32 s5, s19  }
0x9d: {  	s8 =	simm.s32 $0x0;
	s20 =	sshll.u32 s6, $0x1;
	s6 =	sadd.s32 s21, s4  }
0x9e: {  	[timem:s8], [sflag:s22] =	dma.local [hbm:s6], s20  }
0x9f: {  	_ =	swait.ge [sflag:s22], s20  }
0xa0: {  	s5 =	ssub.s32 $0x0, s20;
	[sflag:s22] =	ssyncset.done $0x0  }
0xa1: {  	[sflag:s22] =	ssyncadd.s32 s5;
	_ =	sdelay $0x1  }
0xa2: {  	s23 =	simm.s32 $0x1B8B  }
0xa3: {  	_ =	swait.ge [sflag:s23], $0x1  }
0xa4: {  	[sflag:s23] =	ssyncset.done $0x0  }
0xa5: {  	s25 =	simm.s32 $0x1B8E;
	s24 =	sld [smem:$0x3FFE];
	[sflag:s23] =	ssyncadd.s32 $0xFFFFFFFF  }
0xa6: {  	s26 =	simm.s32 $execute0_lowered;
	[smem:$0x3FD2] =	sst s25  }
0xa7: {  	s6 =	sshll.u32 s26, $0x1;
	_ =	strace $0x80000046;
	[dreg:$0x1] =	wrdreg $0xFFFFFFFF  }
0xa8: {  	s28 =	simm.s32 $_size_execute0_lowered;
	s4 =	sadd.s32 s4, s6;
	[dreg:$0x0] =	wrdreg $0x0  }
0xa9: {  	s6 =	sshll.u32 s28, $0x1;
	[dreg:$0x2] =	wrdreg s4  }
0xaa: {  	[dreg:$0x3] =	wrdreg s6  }
0xab: {  	[dreg:$0x4] =	wrdreg $0xC0  }
0xac: {  	_ =	task [dreg:s8], $0x5FFFF  }
0xad: {  	[dreg:$0x1] =	wrdreg $0xFFFFFFFF  }
0xae: {  	[dreg:$0x0] =	wrdreg $0x60  }
0xaf: {  	[dreg:$0x2] =	wrdreg s24  }
0xb0: {  	[dreg:$0x3] =	wrdreg s2  }
0xb1: {  	[dreg:$0x4] =	wrdreg s18  }
0xb2: {  	[dreg:$0x5] =	wrdreg $0x9  }
0xb3: {  	_ =	task.clear_ibuf [dreg:s8], $0x6FFFF;
	_ =	strace $0x90000046  }
0xb4: {  	s29 =	simm.s32 $0x9;
	_ =	strace $0x80000048  }
0xb5: {  	_ =	swait.ge [sflag:s29], $0x1  }
0xb6: {  	[sflag:s29] =	ssyncadd.s32 $0xFFFFFFFF  }
0xb7: {  	_ =	strace $0x90000048  }
0xb8: {  	_ =	sfence  }
0xb9: {  	s30 =	sld [smem:$0x0];
	_ =	sdelay $0x2  }
0xba: {  	s31 =	sshll.u32 s1, $0xD;
	s1 =	sshrl.u32 s1, $0x2  }
0xbb: {  	s3 =	sand.u32 $0x4000, s31;
	s1 =	sadd.s32 s1, s30  }
0xbc: {  	s0 =	sor.u32 s3, s0;
	s1 =	sshll.u32 s1, $0x11  }
0xbd: {  	s0 =	sor.u32 s1, s0  }
0xbe: {  	s0 =	sadd.s32 $0x8F2B, s0  }
0xbf: {  	[sflag:s0] =	ssyncadd.remote.s32 $0x1  }
0xc0: {  	_ =	sfence.sel $0xFFFF  }
0xc1: {  	[dreg:$0x0] =	wrdreg $0xFFFFFFFF;
	(pc) =	sbr.abs _section_cstart, $3  }
0xc2: {  	[dreg:$0x1] =	wrdreg $0xFFFFFFFF  }
0xc3: {  	_ =	task.clear_ibuf [dreg:s8], $0x2FFFF;
	_ =	strace $0x9FFFFFFF  }
0xc4: {  	(tm) =	ssettm $0x7FFFFFFF  }
0xc5: {  	_ =	shalt  }
tec
execute0_lowered:
.L_overlay_start_1:
0x0: {  	(tag) =	ssettag $0x1  }
0x1: {  	s4 =	rddreg [dreg:$0x0]  }
0x2: {  	s5 =	rddreg [dreg:$0x1]  }
0x3: {  	s6 =	rddreg [dreg:$0x2]  }
0x4: {  	s0 =	rddreg [dreg:$0x3];
	s2 =	simm.s32 $0x0;
	s3 =	srdreg.scid  }
0x5: {  	s1 =	stileid.u32;
	s13 =	simm.s32 $0x1;
	s14 =	simm.s32 $0x4400  }
0x6: {  	s15 =	simm.s32 $0x2;
	s16 =	simm.s32 $0x8400;
	s17 =	simm.s32 $0x100  }
0x7: {  	s18 =	simm.s32 $0x3;
	s19 =	simm.s32 $0xC400;
	s20 =	simm.s32 $0x180  }
0x8: {  	s21 =	simm.s32 $0x4;
	s22 =	simm.s32 $0x5;
	s23 =	simm.s32 $0x0  }
0x9: {  	[smem:$0x7FF] =	sst s2;
	s7 =	sand.u32 $0x1, s3;
	s28 =	sshll.u32 s1, $0x1  }
0xa: {  	s3 =	sadd.s32 $0x400, s4;
	_ =	strace $0x80000047;
	s8 =	sor.u32 s7, s28  }
0xb: {  	s10 =	ssub.s32 $0x2, s7;
	s7 =	sshll.u32 s7, $0x9;
	s9 =	sshll.u32 s8, $0xD  }
0xc: {  	s29 =	sshrl.u32 s10, $0x1;
	s11 =	sshll.u32 s8, $0x9;
	s8 =	sshll.u32 s8, $0x7  }
0xd: {  	s9 =	sadd.s32 s9, s4;
	s12 =	sand.u32 $0x3C00, s11;
	s11 =	sand.u32 $0x3000, s11  }
0xe: {  	s8 =	sand.u32 $0x380, s8;
	s10 =	ssub.s32 s10, s29;
	s7 =	sor.u32 s7, s12  }
0xf: {  	s31 =	sor.u32 s8, s11;
	s8 =	sadd.s32 $0x3D9400, s9;
	s10 =	smax.u32 s10, $0x1  }
0x10: {  	s11 =	simm.s32 $0x80;
	s12 =	simm.s32 $0x400;
	s30 =	sshrl.u32 s7, $0x3  }
0x11: {  	v0 =	vlaneseq.u32;
	s7 =	sshrl.u32 s31, $0x3;
	s4 =	sadd.s32 s5, s30;
	s5 =	sadd.s32 $0x3D8400, s9  }
0x12: {  	v0 =	vmul.u32 $0x80, v0;
	s6 =	sadd.s32 s6, s7;
	s7 =	sadd.s32 $0x3D8C00, s9;
	s9 =	sadd.s32 $0x3D9C00, s9  }
.LBB2_1:
0x13: {  	[tilespmem:s2], [sflag:$0x1] =	stream.linear.gather [hbm4b:s4+s2], $0x200, $0x38;
	[tilespmem:$0x10400] =	vst v63  }
0x14: {  	s24 =	simm.s32 $0x200  }
0x15: {  	[tilespmem:s24], [sflag:$0x1] =	stream.strided.gather [hbm4b:s6+s11], $0x200, s12, s11, $0x38;
	[tilespmem:$0x10400] =	vst v63  }
0x16: {  	_ =	swait.ge [sflag:s13], $0x200  }
0x17: {  	[sflag:s13] =	ssyncset.done $0x0  }
0x18: {  	[sflag:s13] =	ssyncadd.s32 $0xFFFFFE00  }
0x19: {  	_ =	swait.ge [sflag:s13], $0x200  }
0x1a: {  	[sflag:s13] =	ssyncset.done $0x0  }
0x1b: {  	[sflag:s13] =	ssyncadd.s32 $0xFFFFFE00  }
0x1c: {  	[tilespmem:s12], [sflag:$0x2] =	stream.indirect.gather [hbm4b:s3+s11], $0x80, s2, s11, $0xb8;
	[tilespmem:$0x10400] =	vst v63  }
0x1d: {  	_ = 	snop  }
0x1e: {  	[tilespmem:s14], [sflag:$0x3] =	stream.indirect.gather [hbm4b:s3+s11], $0x80, s11, s11, $0xb8;
	[tilespmem:$0x10400] =	vst v63  }
0x1f: {  	_ =	swait.ge [sflag:s15], $0x4000  }
0x20: {  	[sflag:s15] =	ssyncset.done $0x0  }
0x21: {  	[sflag:s15] =	ssyncadd.s32 $0xFFFFC000  }
0x22: {  	v2 =	vld [tilespmem:s24+$0x0];
	_ =	sdelay $0x2  }
0x23: {  	v1 =	vmov s2  }
0x24: {  	v1 =	vshll.u32 v1, $0x7  }
0x25: {  	v1 =	vor.u32 v0, v1;
	v3 =	vand.u32 $0xFFFFFF80, v2  }
0x26: {  	v4 =	vand.u32 $0x7F, v2;
	v3 =	vadd.s32 v1, v3  }
0x27: {  	v3 =	vor.u32 v4, v3;
	_ =	sdelay $0x2  }
0x28: {  	v16 =	vadd.s32 $0x1, v2  }
0x29: {  	v5 =	vand.u32 $0xFFFFFF80, v16  }
0x2a: {  	v5 =	vadd.s32 v1, v5;
	v4 =	vand.u32 $0x7F, v16;
	v3 =	vld.idx.msk [tilespmem:v3+s12+$0x0], $0xffff  }
0x2b: {  	v4 =	vor.u32 v4, v5;
	_ =	sdelay $0x2  }
0x2c: {  	v17 =	vadd.s32 $0x2, v2  }
0x2d: {  	v6 =	vand.u32 $0xFFFFFF80, v17;
	[tilespmem:v1+s16+$0x0] =	vst.idx.msk $0xffff, v3  }
0x2e: {  	v18 =	vor.u32 $0x1, v1;
	v5 =	vand.u32 $0x7F, v17;
	v3 =	vadd.s32 v1, v6;
	v4 =	vld.idx.msk [tilespmem:v4+s12+$0x0], $0xffff  }
0x2f: {  	v3 =	vor.u32 v5, v3;
	_ =	sdelay $0x2  }
0x30: {  	v19 =	vadd.s32 $0x3, v2  }
0x31: {  	v7 =	vand.u32 $0xFFFFFF80, v19;
	[tilespmem:v18+s16+$0x0] =	vst.idx.msk $0xffff, v4  }
0x32: {  	v21 =	vor.u32 $0x2, v1;
	v20 =	vadd.s32 v1, v7;
	v5 =	vand.u32 $0x7F, v19;
	v3 =	vld.idx.msk [tilespmem:v3+s12+$0x0], $0xffff  }
0x33: {  	v4 =	vor.u32 v5, v20;
	_ =	sdelay $0x2  }
0x34: {  	v22 =	vadd.s32 $0x4, v2  }
0x35: {  	v23 =	vand.u32 $0xFFFFFF80, v22;
	[tilespmem:v21+s16+$0x0] =	vst.idx.msk $0xffff, v3  }
0x36: {  	v24 =	vor.u32 $0x3, v1;
	v5 =	vand.u32 $0x7F, v22;
	v3 =	vadd.s32 v1, v23;
	v4 =	vld.idx.msk [tilespmem:v4+s12+$0x0], $0xffff  }
0x37: {  	v3 =	vor.u32 v5, v3;
	_ =	sdelay $0x2  }
0x38: {  	v25 =	vadd.s32 $0x5, v2  }
0x39: {  	v26 =	vand.u32 $0xFFFFFF80, v25;
	[tilespmem:v24+s16+$0x0] =	vst.idx.msk $0xffff, v4  }
0x3a: {  	v28 =	vor.u32 $0x4, v1;
	v27 =	vadd.s32 v1, v26;
	v5 =	vand.u32 $0x7F, v25;
	v3 =	vld.idx.msk [tilespmem:v3+s12+$0x0], $0xffff  }
0x3b: {  	v4 =	vor.u32 v5, v27;
	_ =	sdelay $0x2  }
0x3c: {  	v29 =	vadd.s32 $0x6, v2  }
0x3d: {  	v30 =	vand.u32 $0xFFFFFF80, v29;
	[tilespmem:v28+s16+$0x0] =	vst.idx.msk $0xffff, v3  }
0x3e: {  	v31 =	vor.u32 $0x5, v1;
	v5 =	vand.u32 $0x7F, v29;
	v3 =	vadd.s32 v1, v30;
	v4 =	vld.idx.msk [tilespmem:v4+s12+$0x0], $0xffff  }
0x3f: {  	v3 =	vor.u32 v5, v3;
	_ =	sdelay $0x2  }
0x40: {  	v32 =	vadd.s32 $0x7, v2  }
0x41: {  	v33 =	vand.u32 $0xFFFFFF80, v32;
	[tilespmem:v31+s16+$0x0] =	vst.idx.msk $0xffff, v4  }
0x42: {  	v35 =	vor.u32 $0x6, v1;
	v34 =	vadd.s32 v1, v33;
	v5 =	vand.u32 $0x7F, v32;
	v3 =	vld.idx.msk [tilespmem:v3+s12+$0x0], $0xffff  }
0x43: {  	v4 =	vor.u32 v5, v34;
	_ =	sdelay $0x2  }
0x44: {  	v36 =	vadd.s32 $0x8, v2  }
0x45: {  	v37 =	vand.u32 $0xFFFFFF80, v36;
	[tilespmem:v35+s16+$0x0] =	vst.idx.msk $0xffff, v3  }
0x46: {  	v38 =	vor.u32 $0x7, v1;
	v5 =	vand.u32 $0x7F, v36;
	v3 =	vadd.s32 v1, v37;
	v4 =	vld.idx.msk [tilespmem:v4+s12+$0x0], $0xffff  }
0x47: {  	v3 =	vor.u32 v5, v3;
	_ =	sdelay $0x2  }
0x48: {  	v39 =	vadd.s32 $0x9, v2  }
0x49: {  	v40 =	vand.u32 $0xFFFFFF80, v39;
	[tilespmem:v38+s16+$0x0] =	vst.idx.msk $0xffff, v4  }
0x4a: {  	v42 =	vor.u32 $0x8, v1;
	v41 =	vadd.s32 v1, v40;
	v5 =	vand.u32 $0x7F, v39;
	v3 =	vld.idx.msk [tilespmem:v3+s12+$0x0], $0xffff  }
0x4b: {  	v4 =	vor.u32 v5, v41;
	_ =	sdelay $0x2  }
0x4c: {  	v43 =	vadd.s32 $0xA, v2  }
0x4d: {  	v44 =	vand.u32 $0xFFFFFF80, v43;
	[tilespmem:v42+s16+$0x0] =	vst.idx.msk $0xffff, v3  }
0x4e: {  	v45 =	vor.u32 $0x9, v1;
	v5 =	vand.u32 $0x7F, v43;
	v3 =	vadd.s32 v1, v44;
	v4 =	vld.idx.msk [tilespmem:v4+s12+$0x0], $0xffff  }
0x4f: {  	v3 =	vor.u32 v5, v3;
	_ =	sdelay $0x2  }
0x50: {  	v46 =	vadd.s32 $0xB, v2  }
0x51: {  	v47 =	vand.u32 $0xFFFFFF80, v46;
	[tilespmem:v45+s16+$0x0] =	vst.idx.msk $0xffff, v4  }
0x52: {  	v49 =	vor.u32 $0xA, v1;
	v48 =	vadd.s32 v1, v47;
	v5 =	vand.u32 $0x7F, v46;
	v3 =	vld.idx.msk [tilespmem:v3+s12+$0x0], $0xffff  }
0x53: {  	v4 =	vor.u32 v5, v48;
	_ =	sdelay $0x2  }
0x54: {  	v50 =	vadd.s32 $0xC, v2  }
0x55: {  	v51 =	vand.u32 $0xFFFFFF80, v50;
	[tilespmem:v49+s16+$0x0] =	vst.idx.msk $0xffff, v3  }
0x56: {  	v52 =	vor.u32 $0xB, v1;
	v5 =	vand.u32 $0x7F, v50;
	v3 =	vadd.s32 v1, v51;
	v4 =	vld.idx.msk [tilespmem:v4+s12+$0x0], $0xffff  }
0x57: {  	v3 =	vor.u32 v5, v3;
	_ =	sdelay $0x2  }
0x58: {  	v53 =	vadd.s32 $0xD, v2  }
0x59: {  	v54 =	vand.u32 $0xFFFFFF80, v53;
	[tilespmem:v52+s16+$0x0] =	vst.idx.msk $0xffff, v4  }
0x5a: {  	v56 =	vor.u32 $0xC, v1;
	v55 =	vadd.s32 v1, v54;
	v5 =	vand.u32 $0x7F, v53;
	v3 =	vld.idx.msk [tilespmem:v3+s12+$0x0], $0xffff  }
0x5b: {  	v4 =	vor.u32 v5, v55;
	_ =	sdelay $0x2  }
0x5c: {  	v57 =	vadd.s32 $0xE, v2  }
0x5d: {  	v58 =	vand.u32 $0xFFFFFF80, v57;
	[tilespmem:v56+s16+$0x0] =	vst.idx.msk $0xffff, v3  }
0x5e: {  	v59 =	vor.u32 $0xD, v1;
	v5 =	vand.u32 $0x7F, v57;
	v3 =	vadd.s32 v1, v58;
	v4 =	vld.idx.msk [tilespmem:v4+s12+$0x0], $0xffff  }
0x5f: {  	v3 =	vor.u32 v5, v3;
	_ =	sdelay $0x2  }
0x60: {  	v60 =	vadd.s32 $0xF, v2  }
0x61: {  	v61 =	vand.u32 $0xFFFFFF80, v60;
	[tilespmem:v59+s16+$0x0] =	vst.idx.msk $0xffff, v4  }
0x62: {  	v63 =	vor.u32 $0xE, v1;
	v62 =	vadd.s32 v1, v61;
	v5 =	vand.u32 $0x7F, v60;
	v3 =	vld.idx.msk [tilespmem:v3+s12+$0x0], $0xffff  }
0x63: {  	v4 =	vor.u32 v5, v62;
	_ =	sdelay $0x2  }
0x64: {  	v9 =	vadd.s32 $0x10, v2  }
0x65: {  	v10 =	vand.u32 $0xFFFFFF80, v9;
	[tilespmem:v63+s16+$0x0] =	vst.idx.msk $0xffff, v3  }
0x66: {  	v11 =	vor.u32 $0xF, v1;
	v5 =	vand.u32 $0x7F, v9;
	v3 =	vadd.s32 v1, v10;
	v4 =	vld.idx.msk [tilespmem:v4+s12+$0x0], $0xffff  }
0x67: {  	v3 =	vor.u32 v5, v3;
	_ =	sdelay $0x2  }
0x68: {  	v12 =	vadd.s32 $0x11, v2  }
0x69: {  	v13 =	vand.u32 $0xFFFFFF80, v12;
	[tilespmem:v11+s16+$0x0] =	vst.idx.msk $0xffff, v4  }
0x6a: {  	v15 =	vor.u32 $0x10, v1;
	v14 =	vadd.s32 v1, v13;
	v5 =	vand.u32 $0x7F, v12;
	v3 =	vld.idx.msk [tilespmem:v3+s12+$0x0], $0xffff  }
0x6b: {  	v4 =	vor.u32 v5, v14;
	_ =	sdelay $0x2  }
0x6c: {  	v16 =	vadd.s32 $0x12, v2  }
0x6d: {  	v17 =	vand.u32 $0xFFFFFF80, v16;
	[tilespmem:v15+s16+$0x0] =	vst.idx.msk $0xffff, v3  }
0x6e: {  	v18 =	vor.u32 $0x11, v1;
	v5 =	vand.u32 $0x7F, v16;
	v3 =	vadd.s32 v1, v17;
	v4 =	vld.idx.msk [tilespmem:v4+s12+$0x0], $0xffff  }
0x6f: {  	v3 =	vor.u32 v5, v3;
	_ =	sdelay $0x2  }
0x70: {  	v19 =	vadd.s32 $0x13, v2  }
0x71: {  	v20 =	vand.u32 $0xFFFFFF80, v19;
	[tilespmem:v18+s16+$0x0] =	vst.idx.msk $0xffff, v4  }
0x72: {  	v22 =	vor.u32 $0x12, v1;
	v21 =	vadd.s32 v1, v20;
	v5 =	vand.u32 $0x7F, v19;
	v3 =	vld.idx.msk [tilespmem:v3+s12+$0x0], $0xffff  }
0x73: {  	v4 =	vor.u32 v5, v21;
	_ =	sdelay $0x2  }
0x74: {  	v23 =	vadd.s32 $0x14, v2  }
0x75: {  	v24 =	vand.u32 $0xFFFFFF80, v23;
	[tilespmem:v22+s16+$0x0] =	vst.idx.msk $0xffff, v3  }
0x76: {  	v25 =	vor.u32 $0x13, v1;
	v5 =	vand.u32 $0x7F, v23;
	v3 =	vadd.s32 v1, v24;
	v4 =	vld.idx.msk [tilespmem:v4+s12+$0x0], $0xffff  }
0x77: {  	v3 =	vor.u32 v5, v3;
	_ =	sdelay $0x2  }
0x78: {  	v26 =	vadd.s32 $0x15, v2  }
0x79: {  	v27 =	vand.u32 $0xFFFFFF80, v26;
	[tilespmem:v25+s16+$0x0] =	vst.idx.msk $0xffff, v4  }
0x7a: {  	v29 =	vor.u32 $0x14, v1;
	v28 =	vadd.s32 v1, v27;
	v5 =	vand.u32 $0x7F, v26;
	v3 =	vld.idx.msk [tilespmem:v3+s12+$0x0], $0xffff  }
0x7b: {  	v4 =	vor.u32 v5, v28;
	_ =	sdelay $0x2  }
0x7c: {  	v30 =	vadd.s32 $0x16, v2  }
0x7d: {  	v31 =	vand.u32 $0xFFFFFF80, v30;
	[tilespmem:v29+s16+$0x0] =	vst.idx.msk $0xffff, v3  }
0x7e: {  	v32 =	vor.u32 $0x15, v1;
	v5 =	vand.u32 $0x7F, v30;
	v3 =	vadd.s32 v1, v31;
	v4 =	vld.idx.msk [tilespmem:v4+s12+$0x0], $0xffff  }
0x7f: {  	v3 =	vor.u32 v5, v3;
	_ =	sdelay $0x2  }
0x80: {  	v33 =	vadd.s32 $0x17, v2  }
0x81: {  	v34 =	vand.u32 $0xFFFFFF80, v33;
	[tilespmem:v32+s16+$0x0] =	vst.idx.msk $0xffff, v4  }
0x82: {  	v36 =	vor.u32 $0x16, v1;
	v35 =	vadd.s32 v1, v34;
	v5 =	vand.u32 $0x7F, v33;
	v3 =	vld.idx.msk [tilespmem:v3+s12+$0x0], $0xffff  }
0x83: {  	v4 =	vor.u32 v5, v35;
	_ =	sdelay $0x2  }
0x84: {  	v37 =	vadd.s32 $0x18, v2  }
0x85: {  	v38 =	vand.u32 $0xFFFFFF80, v37;
	[tilespmem:v36+s16+$0x0] =	vst.idx.msk $0xffff, v3  }
0x86: {  	v39 =	vor.u32 $0x17, v1;
	v5 =	vand.u32 $0x7F, v37;
	v3 =	vadd.s32 v1, v38;
	v4 =	vld.idx.msk [tilespmem:v4+s12+$0x0], $0xffff  }
0x87: {  	v3 =	vor.u32 v5, v3;
	_ =	sdelay $0x2  }
0x88: {  	v40 =	vadd.s32 $0x19, v2  }
0x89: {  	v41 =	vand.u32 $0xFFFFFF80, v40;
	[tilespmem:v39+s16+$0x0] =	vst.idx.msk $0xffff, v4  }
0x8a: {  	v43 =	vor.u32 $0x18, v1;
	v42 =	vadd.s32 v1, v41;
	v5 =	vand.u32 $0x7F, v40;
	v3 =	vld.idx.msk [tilespmem:v3+s12+$0x0], $0xffff  }
0x8b: {  	v4 =	vor.u32 v5, v42;
	_ =	sdelay $0x2  }
0x8c: {  	v44 =	vadd.s32 $0x1A, v2  }
0x8d: {  	v45 =	vand.u32 $0xFFFFFF80, v44;
	[tilespmem:v43+s16+$0x0] =	vst.idx.msk $0xffff, v3  }
0x8e: {  	v46 =	vor.u32 $0x19, v1;
	v5 =	vand.u32 $0x7F, v44;
	v3 =	vadd.s32 v1, v45;
	v4 =	vld.idx.msk [tilespmem:v4+s12+$0x0], $0xffff  }
0x8f: {  	v3 =	vor.u32 v5, v3;
	_ =	sdelay $0x2  }
0x90: {  	v47 =	vadd.s32 $0x1B, v2  }
0x91: {  	v48 =	vand.u32 $0xFFFFFF80, v47;
	[tilespmem:v46+s16+$0x0] =	vst.idx.msk $0xffff, v4  }
0x92: {  	v50 =	vor.u32 $0x1A, v1;
	v49 =	vadd.s32 v1, v48;
	v5 =	vand.u32 $0x7F, v47;
	v3 =	vld.idx.msk [tilespmem:v3+s12+$0x0], $0xffff  }
0x93: {  	v4 =	vor.u32 v5, v49;
	_ =	sdelay $0x2  }
0x94: {  	v51 =	vadd.s32 $0x1C, v2  }
0x95: {  	v52 =	vand.u32 $0xFFFFFF80, v51;
	[tilespmem:v50+s16+$0x0] =	vst.idx.msk $0xffff, v3  }
0x96: {  	v53 =	vor.u32 $0x1B, v1;
	v5 =	vand.u32 $0x7F, v51;
	v3 =	vadd.s32 v1, v52;
	v4 =	vld.idx.msk [tilespmem:v4+s12+$0x0], $0xffff  }
0x97: {  	v3 =	vor.u32 v5, v3;
	_ =	sdelay $0x2  }
0x98: {  	v54 =	vadd.s32 $0x1D, v2  }
0x99: {  	v55 =	vand.u32 $0xFFFFFF80, v54;
	[tilespmem:v53+s16+$0x0] =	vst.idx.msk $0xffff, v4  }
0x9a: {  	v57 =	vor.u32 $0x1C, v1;
	v56 =	vadd.s32 v1, v55;
	v5 =	vand.u32 $0x7F, v54;
	v3 =	vld.idx.msk [tilespmem:v3+s12+$0x0], $0xffff  }
0x9b: {  	v4 =	vor.u32 v5, v56;
	_ =	sdelay $0x2  }
0x9c: {  	v58 =	vadd.s32 $0x1E, v2  }
0x9d: {  	v59 =	vand.u32 $0xFFFFFF80, v58;
	[tilespmem:v57+s16+$0x0] =	vst.idx.msk $0xffff, v3  }
0x9e: {  	v60 =	vor.u32 $0x1D, v1;
	v5 =	vand.u32 $0x7F, v58;
	v3 =	vadd.s32 v1, v59;
	v4 =	vld.idx.msk [tilespmem:v4+s12+$0x0], $0xffff  }
0x9f: {  	v3 =	vor.u32 v5, v3;
	_ =	sdelay $0x2  }
0xa0: {  	v2 =	vadd.s32 $0x1F, v2  }
0xa1: {  	v61 =	vand.u32 $0xFFFFFF80, v2;
	[tilespmem:v60+s16+$0x0] =	vst.idx.msk $0xffff, v4  }
0xa2: {  	v2 =	vand.u32 $0x7F, v2;
	v62 =	vadd.s32 v1, v61;
	v63 =	vor.u32 $0x1E, v1;
	v3 =	vld.idx.msk [tilespmem:v3+s12+$0x0], $0xffff  }
0xa3: {  	v2 =	vor.u32 v2, v62;
	_ =	sdelay $0x3  }
0xa4: {  	[tilespmem:v63+s16+$0x0] =	vst.idx.msk $0xffff, v3  }
0xa5: {  	s25 =	simm.s32 $0x10;
	v1 =	vor.u32 $0x1F, v1;
	v2 =	vld.idx.msk [tilespmem:v2+s12+$0x0], $0xffff  }
.LBB2_2:
0xa6: {  	_ =	sdelay $0x2  }
0xa7: {  	p0 =	sne.s32 s25, $0x70  }
0xa8: {  	s24 =	sadd.s32 $0x10, s24;
	s26 =	smov.u32 s25;
	s25 =	sadd.s32 $0x10, s25;
	[tilespmem:v1+s16+$0x0] =	vst.idx.msk $0xffff, v2  }
0xa9: {  	v2 =	vld [tilespmem:s24+$0x0];
	_ =	sdelay $0x2  }
0xaa: {  	v1 =	vmov s26  }
0xab: {  	v1 =	vshll.u32 v1, $0x7  }
0xac: {  	v1 =	vor.u32 v0, v1;
	v3 =	vand.u32 $0xFFFFFF80, v2;
	v5 =	vadd.s32 $0x1, v2  }
0xad: {  	v4 =	vand.u32 $0x7F, v2;
	v3 =	vadd.s32 v1, v3;
	v6 =	vand.u32 $0xFFFFFF80, v5  }
0xae: {  	v7 =	vadd.s32 $0x2, v2;
	v3 =	vor.u32 v4, v3;
	v6 =	vadd.s32 v1, v6  }
0xaf: {  	v8 =	vadd.s32 $0x3, v2;
	v9 =	vadd.s32 $0x4, v2;
	v4 =	vand.u32 $0xFFFFFF80, v7  }
0xb0: {  	v11 =	vand.u32 $0xFFFFFF80, v9;
	v10 =	vadd.s32 v1, v4;
	v4 =	vand.u32 $0xFFFFFF80, v8  }
0xb1: {  	v11 =	vadd.s32 v1, v11;
	v12 =	vadd.s32 v1, v4;
	v4 =	vadd.s32 $0x5, v2  }
0xb2: {  	v52 =	vadd.s32 $0x6, v2;
	v48 =	vadd.s32 $0x7, v2;
	v13 =	vand.u32 $0xFFFFFF80, v4  }
0xb3: {  	v14 =	vand.u32 $0xFFFFFF80, v48;
	v54 =	vadd.s32 v1, v13;
	v13 =	vand.u32 $0xFFFFFF80, v52;
	v3 =	vld.idx.msk [tilespmem:v3+s12+$0x0], $0xffff  }
0xb4: {  	v5 =	vand.u32 $0x7F, v5;
	v51 =	vadd.s32 v1, v14;
	v53 =	vadd.s32 v1, v13  }
0xb5: {  	v49 =	vadd.s32 $0x8, v2;
	v46 =	vadd.s32 $0x9, v2;
	v5 =	vor.u32 v5, v6  }
0xb6: {  	v43 =	vadd.s32 $0xA, v2;
	v6 =	vand.u32 $0xFFFFFF80, v49;
	v13 =	vand.u32 $0xFFFFFF80, v46  }
0xb7: {  	v50 =	vadd.s32 v1, v6;
	v6 =	vand.u32 $0xFFFFFF80, v43;
	v47 =	vadd.s32 v1, v13  }
0xb8: {  	v42 =	vadd.s32 $0xB, v2;
	v39 =	vadd.s32 $0xC, v2;
	v45 =	vadd.s32 v1, v6  }
0xb9: {  	v36 =	vadd.s32 $0xD, v2;
	v6 =	vand.u32 $0xFFFFFF80, v39;
	[tilespmem:v1+s16+$0x0] =	vst.idx.msk $0xffff, v3;
	v3 =	vand.u32 $0xFFFFFF80, v42  }
0xba: {  	v41 =	vadd.s32 v1, v6;
	v5 =	vld.idx.msk [tilespmem:v5+s12+$0x0], $0xffff;
	v44 =	vadd.s32 v1, v3;
	v3 =	vand.u32 $0xFFFFFF80, v36  }
0xbb: {  	v7 =	vand.u32 $0x7F, v7;
	v6 =	vor.u32 $0x1, v1;
	v40 =	vadd.s32 v1, v3  }
0xbc: {  	v37 =	vadd.s32 $0xE, v2;
	v34 =	vadd.s32 $0xF, v2;
	v3 =	vor.u32 v7, v10  }
0xbd: {  	v31 =	vadd.s32 $0x10, v2;
	v7 =	vand.u32 $0xFFFFFF80, v37;
	v10 =	vand.u32 $0xFFFFFF80, v34  }
0xbe: {  	v38 =	vadd.s32 v1, v7;
	v35 =	vadd.s32 v1, v10;
	v7 =	vand.u32 $0xFFFFFF80, v31  }
0xbf: {  	v30 =	vadd.s32 $0x11, v2;
	v27 =	vadd.s32 $0x12, v2;
	v33 =	vadd.s32 v1, v7  }
0xc0: {  	v24 =	vadd.s32 $0x13, v2;
	[tilespmem:v6+s16+$0x0] =	vst.idx.msk $0xffff, v5;
	v5 =	vand.u32 $0xFFFFFF80, v30;
	v6 =	vand.u32 $0xFFFFFF80, v27  }
0xc1: {  	v3 =	vld.idx.msk [tilespmem:v3+s12+$0x0], $0xffff;
	v32 =	vadd.s32 v1, v5;
	v29 =	vadd.s32 v1, v6;
	v5 =	vand.u32 $0xFFFFFF80, v24  }
0xc2: {  	v7 =	vand.u32 $0x7F, v8;
	v6 =	vor.u32 $0x2, v1;
	v28 =	vadd.s32 v1, v5  }
0xc3: {  	v25 =	vadd.s32 $0x14, v2;
	v22 =	vadd.s32 $0x15, v2;
	v5 =	vor.u32 v7, v12  }
0xc4: {  	v19 =	vadd.s32 $0x16, v2;
	v8 =	vand.u32 $0xFFFFFF80, v22;
	v7 =	vand.u32 $0xFFFFFF80, v25  }
0xc5: {  	v23 =	vadd.s32 v1, v8;
	v26 =	vadd.s32 v1, v7;
	v7 =	vand.u32 $0xFFFFFF80, v19  }
0xc6: {  	v18 =	vadd.s32 $0x17, v2;
	v15 =	vadd.s32 $0x18, v2;
	v21 =	vadd.s32 v1, v7  }
0xc7: {  	v12 =	vadd.s32 $0x19, v2;
	[tilespmem:v6+s16+$0x0] =	vst.idx.msk $0xffff, v3;
	v3 =	vand.u32 $0xFFFFFF80, v18;
	v6 =	vand.u32 $0xFFFFFF80, v15  }
0xc8: {  	v5 =	vld.idx.msk [tilespmem:v5+s12+$0x0], $0xffff;
	v20 =	vadd.s32 v1, v3;
	v17 =	vadd.s32 v1, v6;
	v3 =	vand.u32 $0xFFFFFF80, v12  }
0xc9: {  	v8 =	vor.u32 $0x3, v1;
	v6 =	vand.u32 $0x7F, v9;
	v16 =	vadd.s32 v1, v3  }
0xca: {  	v13 =	vadd.s32 $0x1A, v2;
	v10 =	vadd.s32 $0x1B, v2;
	v55 =	vor.u32 v6, v11  }
0xcb: {  	v7 =	vadd.s32 $0x1C, v2;
	v3 =	vand.u32 $0xFFFFFF80, v13;
	v6 =	vand.u32 $0xFFFFFF80, v10  }
0xcc: {  	v14 =	vadd.s32 v1, v3;
	v11 =	vadd.s32 v1, v6;
	v3 =	vand.u32 $0xFFFFFF80, v7  }
0xcd: {  	v6 =	vadd.s32 $0x1D, v2;
	v9 =	vadd.s32 v1, v3;
	v3 =	vadd.s32 $0x1E, v2  }
0xce: {  	v2 =	vadd.s32 $0x1F, v2;
	v56 =	vand.u32 $0xFFFFFF80, v3;
	[tilespmem:v8+s16+$0x0] =	vst.idx.msk $0xffff, v5;
	v5 =	vand.u32 $0xFFFFFF80, v6  }
0xcf: {  	v55 =	vld.idx.msk [tilespmem:v55+s12+$0x0], $0xffff;
	v8 =	vadd.s32 v1, v5;
	v5 =	vadd.s32 v1, v56;
	v56 =	vand.u32 $0xFFFFFF80, v2  }
0xd0: {  	v57 =	vor.u32 $0x4, v1;
	v58 =	vand.u32 $0x7F, v4;
	v4 =	vadd.s32 v1, v56  }
0xd1: {  	v54 =	vor.u32 v58, v54;
	_ =	sdelay $0x3  }
0xd2: {  	[tilespmem:v57+s16+$0x0] =	vst.idx.msk $0xffff, v55  }
0xd3: {  	v54 =	vld.idx.msk [tilespmem:v54+s12+$0x0], $0xffff  }
0xd4: {  	v52 =	vand.u32 $0x7F, v52;
	v55 =	vor.u32 $0x5, v1  }
0xd5: {  	v52 =	vor.u32 v52, v53;
	_ =	sdelay $0x3  }
0xd6: {  	[tilespmem:v55+s16+$0x0] =	vst.idx.msk $0xffff, v54  }
0xd7: {  	v52 =	vld.idx.msk [tilespmem:v52+s12+$0x0], $0xffff  }
0xd8: {  	v48 =	vand.u32 $0x7F, v48;
	v53 =	vor.u32 $0x6, v1  }
0xd9: {  	v48 =	vor.u32 v48, v51;
	_ =	sdelay $0x3  }
0xda: {  	[tilespmem:v53+s16+$0x0] =	vst.idx.msk $0xffff, v52  }
0xdb: {  	v48 =	vld.idx.msk [tilespmem:v48+s12+$0x0], $0xffff  }
0xdc: {  	v51 =	vor.u32 $0x7, v1;
	v49 =	vand.u32 $0x7F, v49  }
0xdd: {  	v49 =	vor.u32 v49, v50;
	_ =	sdelay $0x3  }
0xde: {  	[tilespmem:v51+s16+$0x0] =	vst.idx.msk $0xffff, v48  }
0xdf: {  	v48 =	vld.idx.msk [tilespmem:v49+s12+$0x0], $0xffff  }
0xe0: {  	v46 =	vand.u32 $0x7F, v46;
	v49 =	vor.u32 $0x8, v1  }
0xe1: {  	v46 =	vor.u32 v46, v47;
	_ =	sdelay $0x3  }
0xe2: {  	[tilespmem:v49+s16+$0x0] =	vst.idx.msk $0xffff, v48  }
0xe3: {  	v46 =	vld.idx.msk [tilespmem:v46+s12+$0x0], $0xffff  }
0xe4: {  	v43 =	vand.u32 $0x7F, v43;
	v47 =	vor.u32 $0x9, v1  }
0xe5: {  	v43 =	vor.u32 v43, v45;
	_ =	sdelay $0x3  }
0xe6: {  	[tilespmem:v47+s16+$0x0] =	vst.idx.msk $0xffff, v46  }
0xe7: {  	v43 =	vld.idx.msk [tilespmem:v43+s12+$0x0], $0xffff  }
0xe8: {  	v45 =	vor.u32 $0xA, v1;
	v42 =	vand.u32 $0x7F, v42  }
0xe9: {  	v42 =	vor.u32 v42, v44;
	_ =	sdelay $0x3  }
0xea: {  	[tilespmem:v45+s16+$0x0] =	vst.idx.msk $0xffff, v43  }
0xeb: {  	v42 =	vld.idx.msk [tilespmem:v42+s12+$0x0], $0xffff  }
0xec: {  	v39 =	vand.u32 $0x7F, v39;
	v43 =	vor.u32 $0xB, v1  }
0xed: {  	v39 =	vor.u32 v39, v41;
	_ =	sdelay $0x3  }
0xee: {  	[tilespmem:v43+s16+$0x0] =	vst.idx.msk $0xffff, v42  }
0xef: {  	v39 =	vld.idx.msk [tilespmem:v39+s12+$0x0], $0xffff  }
0xf0: {  	v41 =	vor.u32 $0xC, v1;
	v36 =	vand.u32 $0x7F, v36  }
0xf1: {  	v36 =	vor.u32 v36, v40;
	_ =	sdelay $0x3  }
0xf2: {  	[tilespmem:v41+s16+$0x0] =	vst.idx.msk $0xffff, v39  }
0xf3: {  	v36 =	vld.idx.msk [tilespmem:v36+s12+$0x0], $0xffff  }
0xf4: {  	v37 =	vand.u32 $0x7F, v37;
	v39 =	vor.u32 $0xD, v1  }
0xf5: {  	v37 =	vor.u32 v37, v38;
	_ =	sdelay $0x3  }
0xf6: {  	[tilespmem:v39+s16+$0x0] =	vst.idx.msk $0xffff, v36  }
0xf7: {  	v36 =	vld.idx.msk [tilespmem:v37+s12+$0x0], $0xffff  }
0xf8: {  	v34 =	vand.u32 $0x7F, v34;
	v37 =	vor.u32 $0xE, v1  }
0xf9: {  	v34 =	vor.u32 v34, v35;
	_ =	sdelay $0x3  }
0xfa: {  	[tilespmem:v37+s16+$0x0] =	vst.idx.msk $0xffff, v36  }
0xfb: {  	v34 =	vld.idx.msk [tilespmem:v34+s12+$0x0], $0xffff  }
0xfc: {  	v31 =	vand.u32 $0x7F, v31;
	v35 =	vor.u32 $0xF, v1  }
0xfd: {  	v31 =	vor.u32 v31, v33;
	_ =	sdelay $0x3  }
0xfe: {  	[tilespmem:v35+s16+$0x0] =	vst.idx.msk $0xffff, v34  }
0xff: {  	v31 =	vld.idx.msk [tilespmem:v31+s12+$0x0], $0xffff  }
0x100: {  	v33 =	vor.u32 $0x10, v1;
	v30 =	vand.u32 $0x7F, v30  }
0x101: {  	v30 =	vor.u32 v30, v32;
	_ =	sdelay $0x3  }
0x102: {  	[tilespmem:v33+s16+$0x0] =	vst.idx.msk $0xffff, v31  }
0x103: {  	v30 =	vld.idx.msk [tilespmem:v30+s12+$0x0], $0xffff  }
0x104: {  	v27 =	vand.u32 $0x7F, v27;
	v31 =	vor.u32 $0x11, v1  }
0x105: {  	v27 =	vor.u32 v27, v29;
	_ =	sdelay $0x3  }
0x106: {  	[tilespmem:v31+s16+$0x0] =	vst.idx.msk $0xffff, v30  }
0x107: {  	v27 =	vld.idx.msk [tilespmem:v27+s12+$0x0], $0xffff  }
0x108: {  	v24 =	vand.u32 $0x7F, v24;
	v29 =	vor.u32 $0x12, v1  }
0x109: {  	v24 =	vor.u32 v24, v28;
	_ =	sdelay $0x3  }
0x10a: {  	[tilespmem:v29+s16+$0x0] =	vst.idx.msk $0xffff, v27  }
0x10b: {  	v24 =	vld.idx.msk [tilespmem:v24+s12+$0x0], $0xffff  }
0x10c: {  	v25 =	vand.u32 $0x7F, v25;
	v27 =	vor.u32 $0x13, v1  }
0x10d: {  	v25 =	vor.u32 v25, v26;
	_ =	sdelay $0x3  }
0x10e: {  	[tilespmem:v27+s16+$0x0] =	vst.idx.msk $0xffff, v24  }
0x10f: {  	v24 =	vld.idx.msk [tilespmem:v25+s12+$0x0], $0xffff  }
0x110: {  	v22 =	vand.u32 $0x7F, v22;
	v25 =	vor.u32 $0x14, v1  }
0x111: {  	v22 =	vor.u32 v22, v23;
	_ =	sdelay $0x3  }
0x112: {  	[tilespmem:v25+s16+$0x0] =	vst.idx.msk $0xffff, v24  }
0x113: {  	v22 =	vld.idx.msk [tilespmem:v22+s12+$0x0], $0xffff  }
0x114: {  	v23 =	vor.u32 $0x15, v1;
	v19 =	vand.u32 $0x7F, v19  }
0x115: {  	v19 =	vor.u32 v19, v21;
	_ =	sdelay $0x3  }
0x116: {  	[tilespmem:v23+s16+$0x0] =	vst.idx.msk $0xffff, v22  }
0x117: {  	v19 =	vld.idx.msk [tilespmem:v19+s12+$0x0], $0xffff  }
0x118: {  	v21 =	vor.u32 $0x16, v1;
	v18 =	vand.u32 $0x7F, v18  }
0x119: {  	v18 =	vor.u32 v18, v20;
	_ =	sdelay $0x3  }
0x11a: {  	[tilespmem:v21+s16+$0x0] =	vst.idx.msk $0xffff, v19  }
0x11b: {  	v18 =	vld.idx.msk [tilespmem:v18+s12+$0x0], $0xffff  }
0x11c: {  	v15 =	vand.u32 $0x7F, v15;
	v19 =	vor.u32 $0x17, v1  }
0x11d: {  	v15 =	vor.u32 v15, v17;
	_ =	sdelay $0x3  }
0x11e: {  	[tilespmem:v19+s16+$0x0] =	vst.idx.msk $0xffff, v18  }
0x11f: {  	v15 =	vld.idx.msk [tilespmem:v15+s12+$0x0], $0xffff  }
0x120: {  	v12 =	vand.u32 $0x7F, v12;
	v17 =	vor.u32 $0x18, v1  }
0x121: {  	v12 =	vor.u32 v12, v16;
	_ =	sdelay $0x3  }
0x122: {  	[tilespmem:v17+s16+$0x0] =	vst.idx.msk $0xffff, v15  }
0x123: {  	v12 =	vld.idx.msk [tilespmem:v12+s12+$0x0], $0xffff  }
0x124: {  	v13 =	vand.u32 $0x7F, v13;
	v15 =	vor.u32 $0x19, v1  }
0x125: {  	v13 =	vor.u32 v13, v14;
	_ =	sdelay $0x3  }
0x126: {  	[tilespmem:v15+s16+$0x0] =	vst.idx.msk $0xffff, v12  }
0x127: {  	v12 =	vld.idx.msk [tilespmem:v13+s12+$0x0], $0xffff  }
0x128: {  	v10 =	vand.u32 $0x7F, v10;
	v13 =	vor.u32 $0x1A, v1  }
0x129: {  	v10 =	vor.u32 v10, v11;
	_ =	sdelay $0x3  }
0x12a: {  	[tilespmem:v13+s16+$0x0] =	vst.idx.msk $0xffff, v12  }
0x12b: {  	v10 =	vld.idx.msk [tilespmem:v10+s12+$0x0], $0xffff  }
0x12c: {  	v7 =	vand.u32 $0x7F, v7;
	v11 =	vor.u32 $0x1B, v1  }
0x12d: {  	v7 =	vor.u32 v7, v9;
	_ =	sdelay $0x3  }
0x12e: {  	[tilespmem:v11+s16+$0x0] =	vst.idx.msk $0xffff, v10  }
0x12f: {  	v7 =	vld.idx.msk [tilespmem:v7+s12+$0x0], $0xffff  }
0x130: {  	v9 =	vor.u32 $0x1C, v1;
	v6 =	vand.u32 $0x7F, v6  }
0x131: {  	v6 =	vor.u32 v6, v8;
	_ =	sdelay $0x3  }
0x132: {  	[tilespmem:v9+s16+$0x0] =	vst.idx.msk $0xffff, v7  }
0x133: {  	v6 =	vld.idx.msk [tilespmem:v6+s12+$0x0], $0xffff  }
0x134: {  	v3 =	vand.u32 $0x7F, v3;
	v7 =	vor.u32 $0x1D, v1  }
0x135: {  	v3 =	vor.u32 v3, v5;
	_ =	sdelay $0x3  }
0x136: {  	[tilespmem:v7+s16+$0x0] =	vst.idx.msk $0xffff, v6  }
0x137: {  	v3 =	vld.idx.msk [tilespmem:v3+s12+$0x0], $0xffff  }
0x138: {  	v2 =	vand.u32 $0x7F, v2;
	v5 =	vor.u32 $0x1E, v1  }
0x139: {  	v2 =	vor.u32 v2, v4;
	_ =	sdelay $0x1  }
.Ltmp0:
0x13a: {  	(pc) =	sbr.rel @p0 .LBB2_2-.Ltmp0, $4  }
0x13b: {  	_ = 	snop  }
0x13c: {  	[tilespmem:v5+s16+$0x0] =	vst.idx.msk $0xffff, v3  }
0x13d: {  	v2 =	vld.idx.msk [tilespmem:v2+s12+$0x0], $0xffff  }
0x13e: {  	v1 =	vor.u32 $0x1F, v1  }
0x13f: {  	_ =	sdelay $0x3  }
0x140: {  	[tilespmem:v1+s16+$0x0] =	vst.idx.msk $0xffff, v2  }
0x141: {  	[tilespmem:s12], [sflag:$0x2] =	stream.indirect.gather [hbm4b:s3+s11], $0x80, s17, s11, $0xb8;
	[tilespmem:$0x10400] =	vst v63  }
0x142: {  	s25 =	simm.s32 $0x0  }
0x143: {  	[hbm4b:s5+s25] =	stream.linear.scatter [tilespmem:s16], [sflag:$0x4], $0x4000, $0x38;
	[tilespmem:$0x10400] =	vst v63  }
0x144: {  	_ =	swait.ge [sflag:s18], $0x4000  }
0x145: {  	[sflag:s18] =	ssyncset.done $0x0  }
0x146: {  	s24 =	simm.s32 $0x280;
	[sflag:s18] =	ssyncadd.s32 $0xFFFFC000  }
0x147: {  	v2 =	vld [tilespmem:s24+$0x0];
	_ =	sdelay $0x2  }
0x148: {  	v1 =	vmov s25  }
0x149: {  	v1 =	vshll.u32 v1, $0x7  }
0x14a: {  	v1 =	vor.u32 v0, v1;
	v3 =	vand.u32 $0xFFFFFF80, v2  }
0x14b: {  	v4 =	vand.u32 $0x7F, v2;
	v3 =	vadd.s32 v1, v3  }
0x14c: {  	v3 =	vor.u32 v4, v3;
	_ =	sdelay $0x2  }
0x14d: {  	v16 =	vadd.s32 $0x1, v2  }
0x14e: {  	v5 =	vand.u32 $0xFFFFFF80, v16  }
0x14f: {  	v5 =	vadd.s32 v1, v5;
	v4 =	vand.u32 $0x7F, v16;
	v3 =	vld.idx.msk [tilespmem:v3+s14+$0x0], $0xffff  }
0x150: {  	v4 =	vor.u32 v4, v5;
	_ =	sdelay $0x2  }
0x151: {  	v17 =	vadd.s32 $0x2, v2  }
0x152: {  	v6 =	vand.u32 $0xFFFFFF80, v17;
	[tilespmem:v1+s19+$0x0] =	vst.idx.msk $0xffff, v3  }
0x153: {  	v18 =	vor.u32 $0x1, v1;
	v5 =	vand.u32 $0x7F, v17;
	v3 =	vadd.s32 v1, v6;
	v4 =	vld.idx.msk [tilespmem:v4+s14+$0x0], $0xffff  }
0x154: {  	v3 =	vor.u32 v5, v3;
	_ =	sdelay $0x2  }
0x155: {  	v19 =	vadd.s32 $0x3, v2  }
0x156: {  	v7 =	vand.u32 $0xFFFFFF80, v19;
	[tilespmem:v18+s19+$0x0] =	vst.idx.msk $0xffff, v4  }
0x157: {  	v21 =	vor.u32 $0x2, v1;
	v20 =	vadd.s32 v1, v7;
	v5 =	vand.u32 $0x7F, v19;
	v3 =	vld.idx.msk [tilespmem:v3+s14+$0x0], $0xffff  }
0x158: {  	v4 =	vor.u32 v5, v20;
	_ =	sdelay $0x2  }
0x159: {  	v22 =	vadd.s32 $0x4, v2  }
0x15a: {  	v23 =	vand.u32 $0xFFFFFF80, v22;
	[tilespmem:v21+s19+$0x0] =	vst.idx.msk $0xffff, v3  }
0x15b: {  	v24 =	vor.u32 $0x3, v1;
	v5 =	vand.u32 $0x7F, v22;
	v3 =	vadd.s32 v1, v23;
	v4 =	vld.idx.msk [tilespmem:v4+s14+$0x0], $0xffff  }
0x15c: {  	v3 =	vor.u32 v5, v3;
	_ =	sdelay $0x2  }
0x15d: {  	v25 =	vadd.s32 $0x5, v2  }
0x15e: {  	v26 =	vand.u32 $0xFFFFFF80, v25;
	[tilespmem:v24+s19+$0x0] =	vst.idx.msk $0xffff, v4  }
0x15f: {  	v28 =	vor.u32 $0x4, v1;
	v27 =	vadd.s32 v1, v26;
	v5 =	vand.u32 $0x7F, v25;
	v3 =	vld.idx.msk [tilespmem:v3+s14+$0x0], $0xffff  }
0x160: {  	v4 =	vor.u32 v5, v27;
	_ =	sdelay $0x2  }
0x161: {  	v29 =	vadd.s32 $0x6, v2  }
0x162: {  	v30 =	vand.u32 $0xFFFFFF80, v29;
	[tilespmem:v28+s19+$0x0] =	vst.idx.msk $0xffff, v3  }
0x163: {  	v31 =	vor.u32 $0x5, v1;
	v5 =	vand.u32 $0x7F, v29;
	v3 =	vadd.s32 v1, v30;
	v4 =	vld.idx.msk [tilespmem:v4+s14+$0x0], $0xffff  }
0x164: {  	v3 =	vor.u32 v5, v3;
	_ =	sdelay $0x2  }
0x165: {  	v32 =	vadd.s32 $0x7, v2  }
0x166: {  	v33 =	vand.u32 $0xFFFFFF80, v32;
	[tilespmem:v31+s19+$0x0] =	vst.idx.msk $0xffff, v4  }
0x167: {  	v35 =	vor.u32 $0x6, v1;
	v34 =	vadd.s32 v1, v33;
	v5 =	vand.u32 $0x7F, v32;
	v3 =	vld.idx.msk [tilespmem:v3+s14+$0x0], $0xffff  }
0x168: {  	v4 =	vor.u32 v5, v34;
	_ =	sdelay $0x2  }
0x169: {  	v36 =	vadd.s32 $0x8, v2  }
0x16a: {  	v37 =	vand.u32 $0xFFFFFF80, v36;
	[tilespmem:v35+s19+$0x0] =	vst.idx.msk $0xffff, v3  }
0x16b: {  	v38 =	vor.u32 $0x7, v1;
	v5 =	vand.u32 $0x7F, v36;
	v3 =	vadd.s32 v1, v37;
	v4 =	vld.idx.msk [tilespmem:v4+s14+$0x0], $0xffff  }
0x16c: {  	v3 =	vor.u32 v5, v3;
	_ =	sdelay $0x2  }
0x16d: {  	v39 =	vadd.s32 $0x9, v2  }
0x16e: {  	v40 =	vand.u32 $0xFFFFFF80, v39;
	[tilespmem:v38+s19+$0x0] =	vst.idx.msk $0xffff, v4  }
0x16f: {  	v42 =	vor.u32 $0x8, v1;
	v41 =	vadd.s32 v1, v40;
	v5 =	vand.u32 $0x7F, v39;
	v3 =	vld.idx.msk [tilespmem:v3+s14+$0x0], $0xffff  }
0x170: {  	v4 =	vor.u32 v5, v41;
	_ =	sdelay $0x2  }
0x171: {  	v43 =	vadd.s32 $0xA, v2  }
0x172: {  	v44 =	vand.u32 $0xFFFFFF80, v43;
	[tilespmem:v42+s19+$0x0] =	vst.idx.msk $0xffff, v3  }
0x173: {  	v45 =	vor.u32 $0x9, v1;
	v5 =	vand.u32 $0x7F, v43;
	v3 =	vadd.s32 v1, v44;
	v4 =	vld.idx.msk [tilespmem:v4+s14+$0x0], $0xffff  }
0x174: {  	v3 =	vor.u32 v5, v3;
	_ =	sdelay $0x2  }
0x175: {  	v46 =	vadd.s32 $0xB, v2  }
0x176: {  	v47 =	vand.u32 $0xFFFFFF80, v46;
	[tilespmem:v45+s19+$0x0] =	vst.idx.msk $0xffff, v4  }
0x177: {  	v49 =	vor.u32 $0xA, v1;
	v48 =	vadd.s32 v1, v47;
	v5 =	vand.u32 $0x7F, v46;
	v3 =	vld.idx.msk [tilespmem:v3+s14+$0x0], $0xffff  }
0x178: {  	v4 =	vor.u32 v5, v48;
	_ =	sdelay $0x2  }
0x179: {  	v50 =	vadd.s32 $0xC, v2  }
0x17a: {  	v51 =	vand.u32 $0xFFFFFF80, v50;
	[tilespmem:v49+s19+$0x0] =	vst.idx.msk $0xffff, v3  }
0x17b: {  	v52 =	vor.u32 $0xB, v1;
	v5 =	vand.u32 $0x7F, v50;
	v3 =	vadd.s32 v1, v51;
	v4 =	vld.idx.msk [tilespmem:v4+s14+$0x0], $0xffff  }
0x17c: {  	v3 =	vor.u32 v5, v3;
	_ =	sdelay $0x2  }
0x17d: {  	v53 =	vadd.s32 $0xD, v2  }
0x17e: {  	v54 =	vand.u32 $0xFFFFFF80, v53;
	[tilespmem:v52+s19+$0x0] =	vst.idx.msk $0xffff, v4  }
0x17f: {  	v56 =	vor.u32 $0xC, v1;
	v55 =	vadd.s32 v1, v54;
	v5 =	vand.u32 $0x7F, v53;
	v3 =	vld.idx.msk [tilespmem:v3+s14+$0x0], $0xffff  }
0x180: {  	v4 =	vor.u32 v5, v55;
	_ =	sdelay $0x2  }
0x181: {  	v57 =	vadd.s32 $0xE, v2  }
0x182: {  	v58 =	vand.u32 $0xFFFFFF80, v57;
	[tilespmem:v56+s19+$0x0] =	vst.idx.msk $0xffff, v3  }
0x183: {  	v59 =	vor.u32 $0xD, v1;
	v5 =	vand.u32 $0x7F, v57;
	v3 =	vadd.s32 v1, v58;
	v4 =	vld.idx.msk [tilespmem:v4+s14+$0x0], $0xffff  }
0x184: {  	v3 =	vor.u32 v5, v3;
	_ =	sdelay $0x2  }
0x185: {  	v60 =	vadd.s32 $0xF, v2  }
0x186: {  	v61 =	vand.u32 $0xFFFFFF80, v60;
	[tilespmem:v59+s19+$0x0] =	vst.idx.msk $0xffff, v4  }
0x187: {  	v63 =	vor.u32 $0xE, v1;
	v62 =	vadd.s32 v1, v61;
	v5 =	vand.u32 $0x7F, v60;
	v3 =	vld.idx.msk [tilespmem:v3+s14+$0x0], $0xffff  }
0x188: {  	v4 =	vor.u32 v5, v62;
	_ =	sdelay $0x2  }
0x189: {  	v9 =	vadd.s32 $0x10, v2  }
0x18a: {  	v10 =	vand.u32 $0xFFFFFF80, v9;
	[tilespmem:v63+s19+$0x0] =	vst.idx.msk $0xffff, v3  }
0x18b: {  	v11 =	vor.u32 $0xF, v1;
	v5 =	vand.u32 $0x7F, v9;
	v3 =	vadd.s32 v1, v10;
	v4 =	vld.idx.msk [tilespmem:v4+s14+$0x0], $0xffff  }
0x18c: {  	v3 =	vor.u32 v5, v3;
	_ =	sdelay $0x2  }
0x18d: {  	v12 =	vadd.s32 $0x11, v2  }
0x18e: {  	v13 =	vand.u32 $0xFFFFFF80, v12;
	[tilespmem:v11+s19+$0x0] =	vst.idx.msk $0xffff, v4  }
0x18f: {  	v15 =	vor.u32 $0x10, v1;
	v14 =	vadd.s32 v1, v13;
	v5 =	vand.u32 $0x7F, v12;
	v3 =	vld.idx.msk [tilespmem:v3+s14+$0x0], $0xffff  }
0x190: {  	v4 =	vor.u32 v5, v14;
	_ =	sdelay $0x2  }
0x191: {  	v16 =	vadd.s32 $0x12, v2  }
0x192: {  	v17 =	vand.u32 $0xFFFFFF80, v16;
	[tilespmem:v15+s19+$0x0] =	vst.idx.msk $0xffff, v3  }
0x193: {  	v18 =	vor.u32 $0x11, v1;
	v5 =	vand.u32 $0x7F, v16;
	v3 =	vadd.s32 v1, v17;
	v4 =	vld.idx.msk [tilespmem:v4+s14+$0x0], $0xffff  }
0x194: {  	v3 =	vor.u32 v5, v3;
	_ =	sdelay $0x2  }
0x195: {  	v19 =	vadd.s32 $0x13, v2  }
0x196: {  	v20 =	vand.u32 $0xFFFFFF80, v19;
	[tilespmem:v18+s19+$0x0] =	vst.idx.msk $0xffff, v4  }
0x197: {  	v22 =	vor.u32 $0x12, v1;
	v21 =	vadd.s32 v1, v20;
	v5 =	vand.u32 $0x7F, v19;
	v3 =	vld.idx.msk [tilespmem:v3+s14+$0x0], $0xffff  }
0x198: {  	v4 =	vor.u32 v5, v21;
	_ =	sdelay $0x2  }
0x199: {  	v23 =	vadd.s32 $0x14, v2  }
0x19a: {  	v24 =	vand.u32 $0xFFFFFF80, v23;
	[tilespmem:v22+s19+$0x0] =	vst.idx.msk $0xffff, v3  }
0x19b: {  	v25 =	vor.u32 $0x13, v1;
	v5 =	vand.u32 $0x7F, v23;
	v3 =	vadd.s32 v1, v24;
	v4 =	vld.idx.msk [tilespmem:v4+s14+$0x0], $0xffff  }
0x19c: {  	v3 =	vor.u32 v5, v3;
	_ =	sdelay $0x2  }
0x19d: {  	v26 =	vadd.s32 $0x15, v2  }
0x19e: {  	v27 =	vand.u32 $0xFFFFFF80, v26;
	[tilespmem:v25+s19+$0x0] =	vst.idx.msk $0xffff, v4  }
0x19f: {  	v29 =	vor.u32 $0x14, v1;
	v28 =	vadd.s32 v1, v27;
	v5 =	vand.u32 $0x7F, v26;
	v3 =	vld.idx.msk [tilespmem:v3+s14+$0x0], $0xffff  }
0x1a0: {  	v4 =	vor.u32 v5, v28;
	_ =	sdelay $0x2  }
0x1a1: {  	v30 =	vadd.s32 $0x16, v2  }
0x1a2: {  	v31 =	vand.u32 $0xFFFFFF80, v30;
	[tilespmem:v29+s19+$0x0] =	vst.idx.msk $0xffff, v3  }
0x1a3: {  	v32 =	vor.u32 $0x15, v1;
	v5 =	vand.u32 $0x7F, v30;
	v3 =	vadd.s32 v1, v31;
	v4 =	vld.idx.msk [tilespmem:v4+s14+$0x0], $0xffff  }
0x1a4: {  	v3 =	vor.u32 v5, v3;
	_ =	sdelay $0x2  }
0x1a5: {  	v33 =	vadd.s32 $0x17, v2  }
0x1a6: {  	v34 =	vand.u32 $0xFFFFFF80, v33;
	[tilespmem:v32+s19+$0x0] =	vst.idx.msk $0xffff, v4  }
0x1a7: {  	v36 =	vor.u32 $0x16, v1;
	v35 =	vadd.s32 v1, v34;
	v5 =	vand.u32 $0x7F, v33;
	v3 =	vld.idx.msk [tilespmem:v3+s14+$0x0], $0xffff  }
0x1a8: {  	v4 =	vor.u32 v5, v35;
	_ =	sdelay $0x2  }
0x1a9: {  	v37 =	vadd.s32 $0x18, v2  }
0x1aa: {  	v38 =	vand.u32 $0xFFFFFF80, v37;
	[tilespmem:v36+s19+$0x0] =	vst.idx.msk $0xffff, v3  }
0x1ab: {  	v39 =	vor.u32 $0x17, v1;
	v5 =	vand.u32 $0x7F, v37;
	v3 =	vadd.s32 v1, v38;
	v4 =	vld.idx.msk [tilespmem:v4+s14+$0x0], $0xffff  }
0x1ac: {  	v3 =	vor.u32 v5, v3;
	_ =	sdelay $0x2  }
0x1ad: {  	v40 =	vadd.s32 $0x19, v2  }
0x1ae: {  	v41 =	vand.u32 $0xFFFFFF80, v40;
	[tilespmem:v39+s19+$0x0] =	vst.idx.msk $0xffff, v4  }
0x1af: {  	v43 =	vor.u32 $0x18, v1;
	v42 =	vadd.s32 v1, v41;
	v5 =	vand.u32 $0x7F, v40;
	v3 =	vld.idx.msk [tilespmem:v3+s14+$0x0], $0xffff  }
0x1b0: {  	v4 =	vor.u32 v5, v42;
	_ =	sdelay $0x2  }
0x1b1: {  	v44 =	vadd.s32 $0x1A, v2  }
0x1b2: {  	v45 =	vand.u32 $0xFFFFFF80, v44;
	[tilespmem:v43+s19+$0x0] =	vst.idx.msk $0xffff, v3  }
0x1b3: {  	v46 =	vor.u32 $0x19, v1;
	v5 =	vand.u32 $0x7F, v44;
	v3 =	vadd.s32 v1, v45;
	v4 =	vld.idx.msk [tilespmem:v4+s14+$0x0], $0xffff  }
0x1b4: {  	v3 =	vor.u32 v5, v3;
	_ =	sdelay $0x2  }
0x1b5: {  	v47 =	vadd.s32 $0x1B, v2  }
0x1b6: {  	v48 =	vand.u32 $0xFFFFFF80, v47;
	[tilespmem:v46+s19+$0x0] =	vst.idx.msk $0xffff, v4  }
0x1b7: {  	v50 =	vor.u32 $0x1A, v1;
	v49 =	vadd.s32 v1, v48;
	v5 =	vand.u32 $0x7F, v47;
	v3 =	vld.idx.msk [tilespmem:v3+s14+$0x0], $0xffff  }
0x1b8: {  	v4 =	vor.u32 v5, v49;
	_ =	sdelay $0x2  }
0x1b9: {  	v51 =	vadd.s32 $0x1C, v2  }
0x1ba: {  	v52 =	vand.u32 $0xFFFFFF80, v51;
	[tilespmem:v50+s19+$0x0] =	vst.idx.msk $0xffff, v3  }
0x1bb: {  	v53 =	vor.u32 $0x1B, v1;
	v5 =	vand.u32 $0x7F, v51;
	v3 =	vadd.s32 v1, v52;
	v4 =	vld.idx.msk [tilespmem:v4+s14+$0x0], $0xffff  }
0x1bc: {  	v3 =	vor.u32 v5, v3;
	_ =	sdelay $0x2  }
0x1bd: {  	v54 =	vadd.s32 $0x1D, v2  }
0x1be: {  	v55 =	vand.u32 $0xFFFFFF80, v54;
	[tilespmem:v53+s19+$0x0] =	vst.idx.msk $0xffff, v4  }
0x1bf: {  	v57 =	vor.u32 $0x1C, v1;
	v56 =	vadd.s32 v1, v55;
	v5 =	vand.u32 $0x7F, v54;
	v3 =	vld.idx.msk [tilespmem:v3+s14+$0x0], $0xffff  }
0x1c0: {  	v4 =	vor.u32 v5, v56;
	_ =	sdelay $0x2  }
0x1c1: {  	v58 =	vadd.s32 $0x1E, v2  }
0x1c2: {  	v59 =	vand.u32 $0xFFFFFF80, v58;
	[tilespmem:v57+s19+$0x0] =	vst.idx.msk $0xffff, v3  }
0x1c3: {  	v60 =	vor.u32 $0x1D, v1;
	v5 =	vand.u32 $0x7F, v58;
	v3 =	vadd.s32 v1, v59;
	v4 =	vld.idx.msk [tilespmem:v4+s14+$0x0], $0xffff  }
0x1c4: {  	v3 =	vor.u32 v5, v3;
	_ =	sdelay $0x2  }
0x1c5: {  	v2 =	vadd.s32 $0x1F, v2  }
0x1c6: {  	v61 =	vand.u32 $0xFFFFFF80, v2;
	[tilespmem:v60+s19+$0x0] =	vst.idx.msk $0xffff, v4  }
0x1c7: {  	v2 =	vand.u32 $0x7F, v2;
	v62 =	vadd.s32 v1, v61;
	v63 =	vor.u32 $0x1E, v1;
	v3 =	vld.idx.msk [tilespmem:v3+s14+$0x0], $0xffff  }
0x1c8: {  	v2 =	vor.u32 v2, v62;
	_ =	sdelay $0x3  }
0x1c9: {  	[tilespmem:v63+s19+$0x0] =	vst.idx.msk $0xffff, v3  }
0x1ca: {  	s25 =	simm.s32 $0x10;
	v1 =	vor.u32 $0x1F, v1;
	v2 =	vld.idx.msk [tilespmem:v2+s14+$0x0], $0xffff  }
.LBB2_4:
0x1cb: {  	_ =	sdelay $0x2  }
0x1cc: {  	p0 =	sne.s32 s25, $0x70  }
0x1cd: {  	s24 =	sadd.s32 $0x10, s24;
	s26 =	smov.u32 s25;
	s25 =	sadd.s32 $0x10, s25;
	[tilespmem:v1+s19+$0x0] =	vst.idx.msk $0xffff, v2  }
0x1ce: {  	v2 =	vld [tilespmem:s24+$0x0];
	_ =	sdelay $0x2  }
0x1cf: {  	v1 =	vmov s26  }
0x1d0: {  	v1 =	vshll.u32 v1, $0x7  }
0x1d1: {  	v1 =	vor.u32 v0, v1;
	v3 =	vand.u32 $0xFFFFFF80, v2;
	v5 =	vadd.s32 $0x1, v2  }
0x1d2: {  	v4 =	vand.u32 $0x7F, v2;
	v3 =	vadd.s32 v1, v3;
	v6 =	vand.u32 $0xFFFFFF80, v5  }
0x1d3: {  	v7 =	vadd.s32 $0x2, v2;
	v3 =	vor.u32 v4, v3;
	v6 =	vadd.s32 v1, v6  }
0x1d4: {  	v8 =	vadd.s32 $0x3, v2;
	v9 =	vadd.s32 $0x4, v2;
	v4 =	vand.u32 $0xFFFFFF80, v7  }
0x1d5: {  	v11 =	vand.u32 $0xFFFFFF80, v9;
	v10 =	vadd.s32 v1, v4;
	v4 =	vand.u32 $0xFFFFFF80, v8  }
0x1d6: {  	v11 =	vadd.s32 v1, v11;
	v12 =	vadd.s32 v1, v4;
	v4 =	vadd.s32 $0x5, v2  }
0x1d7: {  	v52 =	vadd.s32 $0x6, v2;
	v48 =	vadd.s32 $0x7, v2;
	v13 =	vand.u32 $0xFFFFFF80, v4  }
0x1d8: {  	v14 =	vand.u32 $0xFFFFFF80, v48;
	v54 =	vadd.s32 v1, v13;
	v13 =	vand.u32 $0xFFFFFF80, v52;
	v3 =	vld.idx.msk [tilespmem:v3+s14+$0x0], $0xffff  }
0x1d9: {  	v5 =	vand.u32 $0x7F, v5;
	v51 =	vadd.s32 v1, v14;
	v53 =	vadd.s32 v1, v13  }
0x1da: {  	v49 =	vadd.s32 $0x8, v2;
	v46 =	vadd.s32 $0x9, v2;
	v5 =	vor.u32 v5, v6  }
0x1db: {  	v43 =	vadd.s32 $0xA, v2;
	v6 =	vand.u32 $0xFFFFFF80, v49;
	v13 =	vand.u32 $0xFFFFFF80, v46  }
0x1dc: {  	v50 =	vadd.s32 v1, v6;
	v6 =	vand.u32 $0xFFFFFF80, v43;
	v47 =	vadd.s32 v1, v13  }
0x1dd: {  	v42 =	vadd.s32 $0xB, v2;
	v39 =	vadd.s32 $0xC, v2;
	v45 =	vadd.s32 v1, v6  }
0x1de: {  	v36 =	vadd.s32 $0xD, v2;
	v6 =	vand.u32 $0xFFFFFF80, v39;
	[tilespmem:v1+s19+$0x0] =	vst.idx.msk $0xffff, v3;
	v3 =	vand.u32 $0xFFFFFF80, v42  }
0x1df: {  	v41 =	vadd.s32 v1, v6;
	v5 =	vld.idx.msk [tilespmem:v5+s14+$0x0], $0xffff;
	v44 =	vadd.s32 v1, v3;
	v3 =	vand.u32 $0xFFFFFF80, v36  }
0x1e0: {  	v7 =	vand.u32 $0x7F, v7;
	v6 =	vor.u32 $0x1, v1;
	v40 =	vadd.s32 v1, v3  }
0x1e1: {  	v37 =	vadd.s32 $0xE, v2;
	v34 =	vadd.s32 $0xF, v2;
	v3 =	vor.u32 v7, v10  }
0x1e2: {  	v31 =	vadd.s32 $0x10, v2;
	v7 =	vand.u32 $0xFFFFFF80, v37;
	v10 =	vand.u32 $0xFFFFFF80, v34  }
0x1e3: {  	v38 =	vadd.s32 v1, v7;
	v35 =	vadd.s32 v1, v10;
	v7 =	vand.u32 $0xFFFFFF80, v31  }
0x1e4: {  	v30 =	vadd.s32 $0x11, v2;
	v27 =	vadd.s32 $0x12, v2;
	v33 =	vadd.s32 v1, v7  }
0x1e5: {  	v24 =	vadd.s32 $0x13, v2;
	[tilespmem:v6+s19+$0x0] =	vst.idx.msk $0xffff, v5;
	v5 =	vand.u32 $0xFFFFFF80, v30;
	v6 =	vand.u32 $0xFFFFFF80, v27  }
0x1e6: {  	v3 =	vld.idx.msk [tilespmem:v3+s14+$0x0], $0xffff;
	v32 =	vadd.s32 v1, v5;
	v29 =	vadd.s32 v1, v6;
	v5 =	vand.u32 $0xFFFFFF80, v24  }
0x1e7: {  	v7 =	vand.u32 $0x7F, v8;
	v6 =	vor.u32 $0x2, v1;
	v28 =	vadd.s32 v1, v5  }
0x1e8: {  	v25 =	vadd.s32 $0x14, v2;
	v22 =	vadd.s32 $0x15, v2;
	v5 =	vor.u32 v7, v12  }
0x1e9: {  	v19 =	vadd.s32 $0x16, v2;
	v8 =	vand.u32 $0xFFFFFF80, v22;
	v7 =	vand.u32 $0xFFFFFF80, v25  }
0x1ea: {  	v23 =	vadd.s32 v1, v8;
	v26 =	vadd.s32 v1, v7;
	v7 =	vand.u32 $0xFFFFFF80, v19  }
0x1eb: {  	v18 =	vadd.s32 $0x17, v2;
	v15 =	vadd.s32 $0x18, v2;
	v21 =	vadd.s32 v1, v7  }
0x1ec: {  	v12 =	vadd.s32 $0x19, v2;
	[tilespmem:v6+s19+$0x0] =	vst.idx.msk $0xffff, v3;
	v3 =	vand.u32 $0xFFFFFF80, v18;
	v6 =	vand.u32 $0xFFFFFF80, v15  }
0x1ed: {  	v5 =	vld.idx.msk [tilespmem:v5+s14+$0x0], $0xffff;
	v20 =	vadd.s32 v1, v3;
	v17 =	vadd.s32 v1, v6;
	v3 =	vand.u32 $0xFFFFFF80, v12  }
0x1ee: {  	v8 =	vor.u32 $0x3, v1;
	v6 =	vand.u32 $0x7F, v9;
	v16 =	vadd.s32 v1, v3  }
0x1ef: {  	v13 =	vadd.s32 $0x1A, v2;
	v10 =	vadd.s32 $0x1B, v2;
	v55 =	vor.u32 v6, v11  }
0x1f0: {  	v7 =	vadd.s32 $0x1C, v2;
	v3 =	vand.u32 $0xFFFFFF80, v13;
	v6 =	vand.u32 $0xFFFFFF80, v10  }
0x1f1: {  	v14 =	vadd.s32 v1, v3;
	v11 =	vadd.s32 v1, v6;
	v3 =	vand.u32 $0xFFFFFF80, v7  }
0x1f2: {  	v6 =	vadd.s32 $0x1D, v2;
	v9 =	vadd.s32 v1, v3;
	v3 =	vadd.s32 $0x1E, v2  }
0x1f3: {  	v2 =	vadd.s32 $0x1F, v2;
	v56 =	vand.u32 $0xFFFFFF80, v3;
	[tilespmem:v8+s19+$0x0] =	vst.idx.msk $0xffff, v5;
	v5 =	vand.u32 $0xFFFFFF80, v6  }
0x1f4: {  	v55 =	vld.idx.msk [tilespmem:v55+s14+$0x0], $0xffff;
	v8 =	vadd.s32 v1, v5;
	v5 =	vadd.s32 v1, v56;
	v56 =	vand.u32 $0xFFFFFF80, v2  }
0x1f5: {  	v57 =	vor.u32 $0x4, v1;
	v58 =	vand.u32 $0x7F, v4;
	v4 =	vadd.s32 v1, v56  }
0x1f6: {  	v54 =	vor.u32 v58, v54;
	_ =	sdelay $0x3  }
0x1f7: {  	[tilespmem:v57+s19+$0x0] =	vst.idx.msk $0xffff, v55  }
0x1f8: {  	v54 =	vld.idx.msk [tilespmem:v54+s14+$0x0], $0xffff  }
0x1f9: {  	v52 =	vand.u32 $0x7F, v52;
	v55 =	vor.u32 $0x5, v1  }
0x1fa: {  	v52 =	vor.u32 v52, v53;
	_ =	sdelay $0x3  }
0x1fb: {  	[tilespmem:v55+s19+$0x0] =	vst.idx.msk $0xffff, v54  }
0x1fc: {  	v52 =	vld.idx.msk [tilespmem:v52+s14+$0x0], $0xffff  }
0x1fd: {  	v48 =	vand.u32 $0x7F, v48;
	v53 =	vor.u32 $0x6, v1  }
0x1fe: {  	v48 =	vor.u32 v48, v51;
	_ =	sdelay $0x3  }
0x1ff: {  	[tilespmem:v53+s19+$0x0] =	vst.idx.msk $0xffff, v52  }
0x200: {  	v48 =	vld.idx.msk [tilespmem:v48+s14+$0x0], $0xffff  }
0x201: {  	v51 =	vor.u32 $0x7, v1;
	v49 =	vand.u32 $0x7F, v49  }
0x202: {  	v49 =	vor.u32 v49, v50;
	_ =	sdelay $0x3  }
0x203: {  	[tilespmem:v51+s19+$0x0] =	vst.idx.msk $0xffff, v48  }
0x204: {  	v48 =	vld.idx.msk [tilespmem:v49+s14+$0x0], $0xffff  }
0x205: {  	v46 =	vand.u32 $0x7F, v46;
	v49 =	vor.u32 $0x8, v1  }
0x206: {  	v46 =	vor.u32 v46, v47;
	_ =	sdelay $0x3  }
0x207: {  	[tilespmem:v49+s19+$0x0] =	vst.idx.msk $0xffff, v48  }
0x208: {  	v46 =	vld.idx.msk [tilespmem:v46+s14+$0x0], $0xffff  }
0x209: {  	v43 =	vand.u32 $0x7F, v43;
	v47 =	vor.u32 $0x9, v1  }
0x20a: {  	v43 =	vor.u32 v43, v45;
	_ =	sdelay $0x3  }
0x20b: {  	[tilespmem:v47+s19+$0x0] =	vst.idx.msk $0xffff, v46  }
0x20c: {  	v43 =	vld.idx.msk [tilespmem:v43+s14+$0x0], $0xffff  }
0x20d: {  	v45 =	vor.u32 $0xA, v1;
	v42 =	vand.u32 $0x7F, v42  }
0x20e: {  	v42 =	vor.u32 v42, v44;
	_ =	sdelay $0x3  }
0x20f: {  	[tilespmem:v45+s19+$0x0] =	vst.idx.msk $0xffff, v43  }
0x210: {  	v42 =	vld.idx.msk [tilespmem:v42+s14+$0x0], $0xffff  }
0x211: {  	v39 =	vand.u32 $0x7F, v39;
	v43 =	vor.u32 $0xB, v1  }
0x212: {  	v39 =	vor.u32 v39, v41;
	_ =	sdelay $0x3  }
0x213: {  	[tilespmem:v43+s19+$0x0] =	vst.idx.msk $0xffff, v42  }
0x214: {  	v39 =	vld.idx.msk [tilespmem:v39+s14+$0x0], $0xffff  }
0x215: {  	v41 =	vor.u32 $0xC, v1;
	v36 =	vand.u32 $0x7F, v36  }
0x216: {  	v36 =	vor.u32 v36, v40;
	_ =	sdelay $0x3  }
0x217: {  	[tilespmem:v41+s19+$0x0] =	vst.idx.msk $0xffff, v39  }
0x218: {  	v36 =	vld.idx.msk [tilespmem:v36+s14+$0x0], $0xffff  }
0x219: {  	v37 =	vand.u32 $0x7F, v37;
	v39 =	vor.u32 $0xD, v1  }
0x21a: {  	v37 =	vor.u32 v37, v38;
	_ =	sdelay $0x3  }
0x21b: {  	[tilespmem:v39+s19+$0x0] =	vst.idx.msk $0xffff, v36  }
0x21c: {  	v36 =	vld.idx.msk [tilespmem:v37+s14+$0x0], $0xffff  }
0x21d: {  	v34 =	vand.u32 $0x7F, v34;
	v37 =	vor.u32 $0xE, v1  }
0x21e: {  	v34 =	vor.u32 v34, v35;
	_ =	sdelay $0x3  }
0x21f: {  	[tilespmem:v37+s19+$0x0] =	vst.idx.msk $0xffff, v36  }
0x220: {  	v34 =	vld.idx.msk [tilespmem:v34+s14+$0x0], $0xffff  }
0x221: {  	v31 =	vand.u32 $0x7F, v31;
	v35 =	vor.u32 $0xF, v1  }
0x222: {  	v31 =	vor.u32 v31, v33;
	_ =	sdelay $0x3  }
0x223: {  	[tilespmem:v35+s19+$0x0] =	vst.idx.msk $0xffff, v34  }
0x224: {  	v31 =	vld.idx.msk [tilespmem:v31+s14+$0x0], $0xffff  }
0x225: {  	v33 =	vor.u32 $0x10, v1;
	v30 =	vand.u32 $0x7F, v30  }
0x226: {  	v30 =	vor.u32 v30, v32;
	_ =	sdelay $0x3  }
0x227: {  	[tilespmem:v33+s19+$0x0] =	vst.idx.msk $0xffff, v31  }
0x228: {  	v30 =	vld.idx.msk [tilespmem:v30+s14+$0x0], $0xffff  }
0x229: {  	v27 =	vand.u32 $0x7F, v27;
	v31 =	vor.u32 $0x11, v1  }
0x22a: {  	v27 =	vor.u32 v27, v29;
	_ =	sdelay $0x3  }
0x22b: {  	[tilespmem:v31+s19+$0x0] =	vst.idx.msk $0xffff, v30  }
0x22c: {  	v27 =	vld.idx.msk [tilespmem:v27+s14+$0x0], $0xffff  }
0x22d: {  	v24 =	vand.u32 $0x7F, v24;
	v29 =	vor.u32 $0x12, v1  }
0x22e: {  	v24 =	vor.u32 v24, v28;
	_ =	sdelay $0x3  }
0x22f: {  	[tilespmem:v29+s19+$0x0] =	vst.idx.msk $0xffff, v27  }
0x230: {  	v24 =	vld.idx.msk [tilespmem:v24+s14+$0x0], $0xffff  }
0x231: {  	v25 =	vand.u32 $0x7F, v25;
	v27 =	vor.u32 $0x13, v1  }
0x232: {  	v25 =	vor.u32 v25, v26;
	_ =	sdelay $0x3  }
0x233: {  	[tilespmem:v27+s19+$0x0] =	vst.idx.msk $0xffff, v24  }
0x234: {  	v24 =	vld.idx.msk [tilespmem:v25+s14+$0x0], $0xffff  }
0x235: {  	v22 =	vand.u32 $0x7F, v22;
	v25 =	vor.u32 $0x14, v1  }
0x236: {  	v22 =	vor.u32 v22, v23;
	_ =	sdelay $0x3  }
0x237: {  	[tilespmem:v25+s19+$0x0] =	vst.idx.msk $0xffff, v24  }
0x238: {  	v22 =	vld.idx.msk [tilespmem:v22+s14+$0x0], $0xffff  }
0x239: {  	v23 =	vor.u32 $0x15, v1;
	v19 =	vand.u32 $0x7F, v19  }
0x23a: {  	v19 =	vor.u32 v19, v21;
	_ =	sdelay $0x3  }
0x23b: {  	[tilespmem:v23+s19+$0x0] =	vst.idx.msk $0xffff, v22  }
0x23c: {  	v19 =	vld.idx.msk [tilespmem:v19+s14+$0x0], $0xffff  }
0x23d: {  	v21 =	vor.u32 $0x16, v1;
	v18 =	vand.u32 $0x7F, v18  }
0x23e: {  	v18 =	vor.u32 v18, v20;
	_ =	sdelay $0x3  }
0x23f: {  	[tilespmem:v21+s19+$0x0] =	vst.idx.msk $0xffff, v19  }
0x240: {  	v18 =	vld.idx.msk [tilespmem:v18+s14+$0x0], $0xffff  }
0x241: {  	v15 =	vand.u32 $0x7F, v15;
	v19 =	vor.u32 $0x17, v1  }
0x242: {  	v15 =	vor.u32 v15, v17;
	_ =	sdelay $0x3  }
0x243: {  	[tilespmem:v19+s19+$0x0] =	vst.idx.msk $0xffff, v18  }
0x244: {  	v15 =	vld.idx.msk [tilespmem:v15+s14+$0x0], $0xffff  }
0x245: {  	v12 =	vand.u32 $0x7F, v12;
	v17 =	vor.u32 $0x18, v1  }
0x246: {  	v12 =	vor.u32 v12, v16;
	_ =	sdelay $0x3  }
0x247: {  	[tilespmem:v17+s19+$0x0] =	vst.idx.msk $0xffff, v15  }
0x248: {  	v12 =	vld.idx.msk [tilespmem:v12+s14+$0x0], $0xffff  }
0x249: {  	v13 =	vand.u32 $0x7F, v13;
	v15 =	vor.u32 $0x19, v1  }
0x24a: {  	v13 =	vor.u32 v13, v14;
	_ =	sdelay $0x3  }
0x24b: {  	[tilespmem:v15+s19+$0x0] =	vst.idx.msk $0xffff, v12  }
0x24c: {  	v12 =	vld.idx.msk [tilespmem:v13+s14+$0x0], $0xffff  }
0x24d: {  	v10 =	vand.u32 $0x7F, v10;
	v13 =	vor.u32 $0x1A, v1  }
0x24e: {  	v10 =	vor.u32 v10, v11;
	_ =	sdelay $0x3  }
0x24f: {  	[tilespmem:v13+s19+$0x0] =	vst.idx.msk $0xffff, v12  }
0x250: {  	v10 =	vld.idx.msk [tilespmem:v10+s14+$0x0], $0xffff  }
0x251: {  	v7 =	vand.u32 $0x7F, v7;
	v11 =	vor.u32 $0x1B, v1  }
0x252: {  	v7 =	vor.u32 v7, v9;
	_ =	sdelay $0x3  }
0x253: {  	[tilespmem:v11+s19+$0x0] =	vst.idx.msk $0xffff, v10  }
0x254: {  	v7 =	vld.idx.msk [tilespmem:v7+s14+$0x0], $0xffff  }
0x255: {  	v9 =	vor.u32 $0x1C, v1;
	v6 =	vand.u32 $0x7F, v6  }
0x256: {  	v6 =	vor.u32 v6, v8;
	_ =	sdelay $0x3  }
0x257: {  	[tilespmem:v9+s19+$0x0] =	vst.idx.msk $0xffff, v7  }
0x258: {  	v6 =	vld.idx.msk [tilespmem:v6+s14+$0x0], $0xffff  }
0x259: {  	v3 =	vand.u32 $0x7F, v3;
	v7 =	vor.u32 $0x1D, v1  }
0x25a: {  	v3 =	vor.u32 v3, v5;
	_ =	sdelay $0x3  }
0x25b: {  	[tilespmem:v7+s19+$0x0] =	vst.idx.msk $0xffff, v6  }
0x25c: {  	v3 =	vld.idx.msk [tilespmem:v3+s14+$0x0], $0xffff  }
0x25d: {  	v2 =	vand.u32 $0x7F, v2;
	v5 =	vor.u32 $0x1E, v1  }
0x25e: {  	v2 =	vor.u32 v2, v4;
	_ =	sdelay $0x1  }
.Ltmp1:
0x25f: {  	(pc) =	sbr.rel @p0 .LBB2_4-.Ltmp1, $4  }
0x260: {  	_ = 	snop  }
0x261: {  	[tilespmem:v5+s19+$0x0] =	vst.idx.msk $0xffff, v3  }
0x262: {  	v2 =	vld.idx.msk [tilespmem:v2+s14+$0x0], $0xffff  }
0x263: {  	v1 =	vor.u32 $0x1F, v1  }
0x264: {  	_ =	sdelay $0x3  }
0x265: {  	[tilespmem:v1+s19+$0x0] =	vst.idx.msk $0xffff, v2  }
0x266: {  	[tilespmem:s14], [sflag:$0x3] =	stream.indirect.gather [hbm4b:s3+s11], $0x80, s20, s11, $0xb8;
	[tilespmem:$0x10400] =	vst v63  }
0x267: {  	s25 =	simm.s32 $0x0  }
0x268: {  	[hbm4b:s7+s25] =	stream.linear.scatter [tilespmem:s19], [sflag:$0x5], $0x4000, $0x38;
	[tilespmem:$0x10400] =	vst v63  }
0x269: {  	_ =	swait.ge [sflag:s21], $0x4000  }
0x26a: {  	[sflag:s21] =	ssyncset.done $0x0  }
0x26b: {  	[sflag:s21] =	ssyncadd.s32 $0xFFFFC000  }
0x26c: {  	_ =	swait.ge [sflag:s15], $0x4000  }
0x26d: {  	[sflag:s15] =	ssyncset.done $0x0  }
0x26e: {  	s24 =	simm.s32 $0x300;
	[sflag:s15] =	ssyncadd.s32 $0xFFFFC000  }
0x26f: {  	v2 =	vld [tilespmem:s24+$0x0];
	_ =	sdelay $0x2  }
0x270: {  	v1 =	vmov s25  }
0x271: {  	v1 =	vshll.u32 v1, $0x7  }
0x272: {  	v1 =	vor.u32 v0, v1;
	v3 =	vand.u32 $0xFFFFFF80, v2  }
0x273: {  	v4 =	vand.u32 $0x7F, v2;
	v3 =	vadd.s32 v1, v3  }
0x274: {  	v3 =	vor.u32 v4, v3;
	_ =	sdelay $0x2  }
0x275: {  	v16 =	vadd.s32 $0x1, v2  }
0x276: {  	v5 =	vand.u32 $0xFFFFFF80, v16  }
0x277: {  	v5 =	vadd.s32 v1, v5;
	v4 =	vand.u32 $0x7F, v16;
	v3 =	vld.idx.msk [tilespmem:v3+s12+$0x0], $0xffff  }
0x278: {  	v4 =	vor.u32 v4, v5;
	_ =	sdelay $0x2  }
0x279: {  	v17 =	vadd.s32 $0x2, v2  }
0x27a: {  	v6 =	vand.u32 $0xFFFFFF80, v17;
	[tilespmem:v1+s16+$0x0] =	vst.idx.msk $0xffff, v3  }
0x27b: {  	v18 =	vor.u32 $0x1, v1;
	v5 =	vand.u32 $0x7F, v17;
	v3 =	vadd.s32 v1, v6;
	v4 =	vld.idx.msk [tilespmem:v4+s12+$0x0], $0xffff  }
0x27c: {  	v3 =	vor.u32 v5, v3;
	_ =	sdelay $0x2  }
0x27d: {  	v19 =	vadd.s32 $0x3, v2  }
0x27e: {  	v7 =	vand.u32 $0xFFFFFF80, v19;
	[tilespmem:v18+s16+$0x0] =	vst.idx.msk $0xffff, v4  }
0x27f: {  	v21 =	vor.u32 $0x2, v1;
	v20 =	vadd.s32 v1, v7;
	v5 =	vand.u32 $0x7F, v19;
	v3 =	vld.idx.msk [tilespmem:v3+s12+$0x0], $0xffff  }
0x280: {  	v4 =	vor.u32 v5, v20;
	_ =	sdelay $0x2  }
0x281: {  	v22 =	vadd.s32 $0x4, v2  }
0x282: {  	v23 =	vand.u32 $0xFFFFFF80, v22;
	[tilespmem:v21+s16+$0x0] =	vst.idx.msk $0xffff, v3  }
0x283: {  	v24 =	vor.u32 $0x3, v1;
	v5 =	vand.u32 $0x7F, v22;
	v3 =	vadd.s32 v1, v23;
	v4 =	vld.idx.msk [tilespmem:v4+s12+$0x0], $0xffff  }
0x284: {  	v3 =	vor.u32 v5, v3;
	_ =	sdelay $0x2  }
0x285: {  	v25 =	vadd.s32 $0x5, v2  }
0x286: {  	v26 =	vand.u32 $0xFFFFFF80, v25;
	[tilespmem:v24+s16+$0x0] =	vst.idx.msk $0xffff, v4  }
0x287: {  	v28 =	vor.u32 $0x4, v1;
	v27 =	vadd.s32 v1, v26;
	v5 =	vand.u32 $0x7F, v25;
	v3 =	vld.idx.msk [tilespmem:v3+s12+$0x0], $0xffff  }
0x288: {  	v4 =	vor.u32 v5, v27;
	_ =	sdelay $0x2  }
0x289: {  	v29 =	vadd.s32 $0x6, v2  }
0x28a: {  	v30 =	vand.u32 $0xFFFFFF80, v29;
	[tilespmem:v28+s16+$0x0] =	vst.idx.msk $0xffff, v3  }
0x28b: {  	v31 =	vor.u32 $0x5, v1;
	v5 =	vand.u32 $0x7F, v29;
	v3 =	vadd.s32 v1, v30;
	v4 =	vld.idx.msk [tilespmem:v4+s12+$0x0], $0xffff  }
0x28c: {  	v3 =	vor.u32 v5, v3;
	_ =	sdelay $0x2  }
0x28d: {  	v32 =	vadd.s32 $0x7, v2  }
0x28e: {  	v33 =	vand.u32 $0xFFFFFF80, v32;
	[tilespmem:v31+s16+$0x0] =	vst.idx.msk $0xffff, v4  }
0x28f: {  	v35 =	vor.u32 $0x6, v1;
	v34 =	vadd.s32 v1, v33;
	v5 =	vand.u32 $0x7F, v32;
	v3 =	vld.idx.msk [tilespmem:v3+s12+$0x0], $0xffff  }
0x290: {  	v4 =	vor.u32 v5, v34;
	_ =	sdelay $0x2  }
0x291: {  	v36 =	vadd.s32 $0x8, v2  }
0x292: {  	v37 =	vand.u32 $0xFFFFFF80, v36;
	[tilespmem:v35+s16+$0x0] =	vst.idx.msk $0xffff, v3  }
0x293: {  	v38 =	vor.u32 $0x7, v1;
	v5 =	vand.u32 $0x7F, v36;
	v3 =	vadd.s32 v1, v37;
	v4 =	vld.idx.msk [tilespmem:v4+s12+$0x0], $0xffff  }
0x294: {  	v3 =	vor.u32 v5, v3;
	_ =	sdelay $0x2  }
0x295: {  	v39 =	vadd.s32 $0x9, v2  }
0x296: {  	v40 =	vand.u32 $0xFFFFFF80, v39;
	[tilespmem:v38+s16+$0x0] =	vst.idx.msk $0xffff, v4  }
0x297: {  	v42 =	vor.u32 $0x8, v1;
	v41 =	vadd.s32 v1, v40;
	v5 =	vand.u32 $0x7F, v39;
	v3 =	vld.idx.msk [tilespmem:v3+s12+$0x0], $0xffff  }
0x298: {  	v4 =	vor.u32 v5, v41;
	_ =	sdelay $0x2  }
0x299: {  	v43 =	vadd.s32 $0xA, v2  }
0x29a: {  	v44 =	vand.u32 $0xFFFFFF80, v43;
	[tilespmem:v42+s16+$0x0] =	vst.idx.msk $0xffff, v3  }
0x29b: {  	v45 =	vor.u32 $0x9, v1;
	v5 =	vand.u32 $0x7F, v43;
	v3 =	vadd.s32 v1, v44;
	v4 =	vld.idx.msk [tilespmem:v4+s12+$0x0], $0xffff  }
0x29c: {  	v3 =	vor.u32 v5, v3;
	_ =	sdelay $0x2  }
0x29d: {  	v46 =	vadd.s32 $0xB, v2  }
0x29e: {  	v47 =	vand.u32 $0xFFFFFF80, v46;
	[tilespmem:v45+s16+$0x0] =	vst.idx.msk $0xffff, v4  }
0x29f: {  	v49 =	vor.u32 $0xA, v1;
	v48 =	vadd.s32 v1, v47;
	v5 =	vand.u32 $0x7F, v46;
	v3 =	vld.idx.msk [tilespmem:v3+s12+$0x0], $0xffff  }
0x2a0: {  	v4 =	vor.u32 v5, v48;
	_ =	sdelay $0x2  }
0x2a1: {  	v50 =	vadd.s32 $0xC, v2  }
0x2a2: {  	v51 =	vand.u32 $0xFFFFFF80, v50;
	[tilespmem:v49+s16+$0x0] =	vst.idx.msk $0xffff, v3  }
0x2a3: {  	v52 =	vor.u32 $0xB, v1;
	v5 =	vand.u32 $0x7F, v50;
	v3 =	vadd.s32 v1, v51;
	v4 =	vld.idx.msk [tilespmem:v4+s12+$0x0], $0xffff  }
0x2a4: {  	v3 =	vor.u32 v5, v3;
	_ =	sdelay $0x2  }
0x2a5: {  	v53 =	vadd.s32 $0xD, v2  }
0x2a6: {  	v54 =	vand.u32 $0xFFFFFF80, v53;
	[tilespmem:v52+s16+$0x0] =	vst.idx.msk $0xffff, v4  }
0x2a7: {  	v56 =	vor.u32 $0xC, v1;
	v55 =	vadd.s32 v1, v54;
	v5 =	vand.u32 $0x7F, v53;
	v3 =	vld.idx.msk [tilespmem:v3+s12+$0x0], $0xffff  }
0x2a8: {  	v4 =	vor.u32 v5, v55;
	_ =	sdelay $0x2  }
0x2a9: {  	v57 =	vadd.s32 $0xE, v2  }
0x2aa: {  	v58 =	vand.u32 $0xFFFFFF80, v57;
	[tilespmem:v56+s16+$0x0] =	vst.idx.msk $0xffff, v3  }
0x2ab: {  	v59 =	vor.u32 $0xD, v1;
	v5 =	vand.u32 $0x7F, v57;
	v3 =	vadd.s32 v1, v58;
	v4 =	vld.idx.msk [tilespmem:v4+s12+$0x0], $0xffff  }
0x2ac: {  	v3 =	vor.u32 v5, v3;
	_ =	sdelay $0x2  }
0x2ad: {  	v60 =	vadd.s32 $0xF, v2  }
0x2ae: {  	v61 =	vand.u32 $0xFFFFFF80, v60;
	[tilespmem:v59+s16+$0x0] =	vst.idx.msk $0xffff, v4  }
0x2af: {  	v63 =	vor.u32 $0xE, v1;
	v62 =	vadd.s32 v1, v61;
	v5 =	vand.u32 $0x7F, v60;
	v3 =	vld.idx.msk [tilespmem:v3+s12+$0x0], $0xffff  }
0x2b0: {  	v4 =	vor.u32 v5, v62;
	_ =	sdelay $0x2  }
0x2b1: {  	v9 =	vadd.s32 $0x10, v2  }
0x2b2: {  	v10 =	vand.u32 $0xFFFFFF80, v9;
	[tilespmem:v63+s16+$0x0] =	vst.idx.msk $0xffff, v3  }
0x2b3: {  	v11 =	vor.u32 $0xF, v1;
	v5 =	vand.u32 $0x7F, v9;
	v3 =	vadd.s32 v1, v10;
	v4 =	vld.idx.msk [tilespmem:v4+s12+$0x0], $0xffff  }
0x2b4: {  	v3 =	vor.u32 v5, v3;
	_ =	sdelay $0x2  }
0x2b5: {  	v12 =	vadd.s32 $0x11, v2  }
0x2b6: {  	v13 =	vand.u32 $0xFFFFFF80, v12;
	[tilespmem:v11+s16+$0x0] =	vst.idx.msk $0xffff, v4  }
0x2b7: {  	v15 =	vor.u32 $0x10, v1;
	v14 =	vadd.s32 v1, v13;
	v5 =	vand.u32 $0x7F, v12;
	v3 =	vld.idx.msk [tilespmem:v3+s12+$0x0], $0xffff  }
0x2b8: {  	v4 =	vor.u32 v5, v14;
	_ =	sdelay $0x2  }
0x2b9: {  	v16 =	vadd.s32 $0x12, v2  }
0x2ba: {  	v17 =	vand.u32 $0xFFFFFF80, v16;
	[tilespmem:v15+s16+$0x0] =	vst.idx.msk $0xffff, v3  }
0x2bb: {  	v18 =	vor.u32 $0x11, v1;
	v5 =	vand.u32 $0x7F, v16;
	v3 =	vadd.s32 v1, v17;
	v4 =	vld.idx.msk [tilespmem:v4+s12+$0x0], $0xffff  }
0x2bc: {  	v3 =	vor.u32 v5, v3;
	_ =	sdelay $0x2  }
0x2bd: {  	v19 =	vadd.s32 $0x13, v2  }
0x2be: {  	v20 =	vand.u32 $0xFFFFFF80, v19;
	[tilespmem:v18+s16+$0x0] =	vst.idx.msk $0xffff, v4  }
0x2bf: {  	v22 =	vor.u32 $0x12, v1;
	v21 =	vadd.s32 v1, v20;
	v5 =	vand.u32 $0x7F, v19;
	v3 =	vld.idx.msk [tilespmem:v3+s12+$0x0], $0xffff  }
0x2c0: {  	v4 =	vor.u32 v5, v21;
	_ =	sdelay $0x2  }
0x2c1: {  	v23 =	vadd.s32 $0x14, v2  }
0x2c2: {  	v24 =	vand.u32 $0xFFFFFF80, v23;
	[tilespmem:v22+s16+$0x0] =	vst.idx.msk $0xffff, v3  }
0x2c3: {  	v25 =	vor.u32 $0x13, v1;
	v5 =	vand.u32 $0x7F, v23;
	v3 =	vadd.s32 v1, v24;
	v4 =	vld.idx.msk [tilespmem:v4+s12+$0x0], $0xffff  }
0x2c4: {  	v3 =	vor.u32 v5, v3;
	_ =	sdelay $0x2  }
0x2c5: {  	v26 =	vadd.s32 $0x15, v2  }
0x2c6: {  	v27 =	vand.u32 $0xFFFFFF80, v26;
	[tilespmem:v25+s16+$0x0] =	vst.idx.msk $0xffff, v4  }
0x2c7: {  	v29 =	vor.u32 $0x14, v1;
	v28 =	vadd.s32 v1, v27;
	v5 =	vand.u32 $0x7F, v26;
	v3 =	vld.idx.msk [tilespmem:v3+s12+$0x0], $0xffff  }
0x2c8: {  	v4 =	vor.u32 v5, v28;
	_ =	sdelay $0x2  }
0x2c9: {  	v30 =	vadd.s32 $0x16, v2  }
0x2ca: {  	v31 =	vand.u32 $0xFFFFFF80, v30;
	[tilespmem:v29+s16+$0x0] =	vst.idx.msk $0xffff, v3  }
0x2cb: {  	v32 =	vor.u32 $0x15, v1;
	v5 =	vand.u32 $0x7F, v30;
	v3 =	vadd.s32 v1, v31;
	v4 =	vld.idx.msk [tilespmem:v4+s12+$0x0], $0xffff  }
0x2cc: {  	v3 =	vor.u32 v5, v3;
	_ =	sdelay $0x2  }
0x2cd: {  	v33 =	vadd.s32 $0x17, v2  }
0x2ce: {  	v34 =	vand.u32 $0xFFFFFF80, v33;
	[tilespmem:v32+s16+$0x0] =	vst.idx.msk $0xffff, v4  }
0x2cf: {  	v36 =	vor.u32 $0x16, v1;
	v35 =	vadd.s32 v1, v34;
	v5 =	vand.u32 $0x7F, v33;
	v3 =	vld.idx.msk [tilespmem:v3+s12+$0x0], $0xffff  }
0x2d0: {  	v4 =	vor.u32 v5, v35;
	_ =	sdelay $0x2  }
0x2d1: {  	v37 =	vadd.s32 $0x18, v2  }
0x2d2: {  	v38 =	vand.u32 $0xFFFFFF80, v37;
	[tilespmem:v36+s16+$0x0] =	vst.idx.msk $0xffff, v3  }
0x2d3: {  	v39 =	vor.u32 $0x17, v1;
	v5 =	vand.u32 $0x7F, v37;
	v3 =	vadd.s32 v1, v38;
	v4 =	vld.idx.msk [tilespmem:v4+s12+$0x0], $0xffff  }
0x2d4: {  	v3 =	vor.u32 v5, v3;
	_ =	sdelay $0x2  }
0x2d5: {  	v40 =	vadd.s32 $0x19, v2  }
0x2d6: {  	v41 =	vand.u32 $0xFFFFFF80, v40;
	[tilespmem:v39+s16+$0x0] =	vst.idx.msk $0xffff, v4  }
0x2d7: {  	v43 =	vor.u32 $0x18, v1;
	v42 =	vadd.s32 v1, v41;
	v5 =	vand.u32 $0x7F, v40;
	v3 =	vld.idx.msk [tilespmem:v3+s12+$0x0], $0xffff  }
0x2d8: {  	v4 =	vor.u32 v5, v42;
	_ =	sdelay $0x2  }
0x2d9: {  	v44 =	vadd.s32 $0x1A, v2  }
0x2da: {  	v45 =	vand.u32 $0xFFFFFF80, v44;
	[tilespmem:v43+s16+$0x0] =	vst.idx.msk $0xffff, v3  }
0x2db: {  	v46 =	vor.u32 $0x19, v1;
	v5 =	vand.u32 $0x7F, v44;
	v3 =	vadd.s32 v1, v45;
	v4 =	vld.idx.msk [tilespmem:v4+s12+$0x0], $0xffff  }
0x2dc: {  	v3 =	vor.u32 v5, v3;
	_ =	sdelay $0x2  }
0x2dd: {  	v47 =	vadd.s32 $0x1B, v2  }
0x2de: {  	v48 =	vand.u32 $0xFFFFFF80, v47;
	[tilespmem:v46+s16+$0x0] =	vst.idx.msk $0xffff, v4  }
0x2df: {  	v50 =	vor.u32 $0x1A, v1;
	v49 =	vadd.s32 v1, v48;
	v5 =	vand.u32 $0x7F, v47;
	v3 =	vld.idx.msk [tilespmem:v3+s12+$0x0], $0xffff  }
0x2e0: {  	v4 =	vor.u32 v5, v49;
	_ =	sdelay $0x2  }
0x2e1: {  	v51 =	vadd.s32 $0x1C, v2  }
0x2e2: {  	v52 =	vand.u32 $0xFFFFFF80, v51;
	[tilespmem:v50+s16+$0x0] =	vst.idx.msk $0xffff, v3  }
0x2e3: {  	v53 =	vor.u32 $0x1B, v1;
	v5 =	vand.u32 $0x7F, v51;
	v3 =	vadd.s32 v1, v52;
	v4 =	vld.idx.msk [tilespmem:v4+s12+$0x0], $0xffff  }
0x2e4: {  	v3 =	vor.u32 v5, v3;
	_ =	sdelay $0x2  }
0x2e5: {  	v54 =	vadd.s32 $0x1D, v2  }
0x2e6: {  	v55 =	vand.u32 $0xFFFFFF80, v54;
	[tilespmem:v53+s16+$0x0] =	vst.idx.msk $0xffff, v4  }
0x2e7: {  	v57 =	vor.u32 $0x1C, v1;
	v56 =	vadd.s32 v1, v55;
	v5 =	vand.u32 $0x7F, v54;
	v3 =	vld.idx.msk [tilespmem:v3+s12+$0x0], $0xffff  }
0x2e8: {  	v4 =	vor.u32 v5, v56;
	_ =	sdelay $0x2  }
0x2e9: {  	v58 =	vadd.s32 $0x1E, v2  }
0x2ea: {  	v59 =	vand.u32 $0xFFFFFF80, v58;
	[tilespmem:v57+s16+$0x0] =	vst.idx.msk $0xffff, v3  }
0x2eb: {  	v60 =	vor.u32 $0x1D, v1;
	v5 =	vand.u32 $0x7F, v58;
	v3 =	vadd.s32 v1, v59;
	v4 =	vld.idx.msk [tilespmem:v4+s12+$0x0], $0xffff  }
0x2ec: {  	v3 =	vor.u32 v5, v3;
	_ =	sdelay $0x2  }
0x2ed: {  	v2 =	vadd.s32 $0x1F, v2  }
0x2ee: {  	v61 =	vand.u32 $0xFFFFFF80, v2;
	[tilespmem:v60+s16+$0x0] =	vst.idx.msk $0xffff, v4  }
0x2ef: {  	v2 =	vand.u32 $0x7F, v2;
	v62 =	vadd.s32 v1, v61;
	v63 =	vor.u32 $0x1E, v1;
	v3 =	vld.idx.msk [tilespmem:v3+s12+$0x0], $0xffff  }
0x2f0: {  	v2 =	vor.u32 v2, v62;
	_ =	sdelay $0x3  }
0x2f1: {  	[tilespmem:v63+s16+$0x0] =	vst.idx.msk $0xffff, v3  }
0x2f2: {  	s25 =	simm.s32 $0x10;
	v1 =	vor.u32 $0x1F, v1;
	v2 =	vld.idx.msk [tilespmem:v2+s12+$0x0], $0xffff  }
.LBB2_6:
0x2f3: {  	_ =	sdelay $0x2  }
0x2f4: {  	p0 =	sne.s32 s25, $0x70  }
0x2f5: {  	s24 =	sadd.s32 $0x10, s24;
	s26 =	smov.u32 s25;
	s25 =	sadd.s32 $0x10, s25;
	[tilespmem:v1+s16+$0x0] =	vst.idx.msk $0xffff, v2  }
0x2f6: {  	v2 =	vld [tilespmem:s24+$0x0];
	_ =	sdelay $0x2  }
0x2f7: {  	v1 =	vmov s26  }
0x2f8: {  	v1 =	vshll.u32 v1, $0x7  }
0x2f9: {  	v1 =	vor.u32 v0, v1;
	v3 =	vand.u32 $0xFFFFFF80, v2;
	v5 =	vadd.s32 $0x1, v2  }
0x2fa: {  	v4 =	vand.u32 $0x7F, v2;
	v3 =	vadd.s32 v1, v3;
	v6 =	vand.u32 $0xFFFFFF80, v5  }
0x2fb: {  	v7 =	vadd.s32 $0x2, v2;
	v3 =	vor.u32 v4, v3;
	v6 =	vadd.s32 v1, v6  }
0x2fc: {  	v8 =	vadd.s32 $0x3, v2;
	v9 =	vadd.s32 $0x4, v2;
	v4 =	vand.u32 $0xFFFFFF80, v7  }
0x2fd: {  	v11 =	vand.u32 $0xFFFFFF80, v9;
	v10 =	vadd.s32 v1, v4;
	v4 =	vand.u32 $0xFFFFFF80, v8  }
0x2fe: {  	v11 =	vadd.s32 v1, v11;
	v12 =	vadd.s32 v1, v4;
	v4 =	vadd.s32 $0x5, v2  }
0x2ff: {  	v52 =	vadd.s32 $0x6, v2;
	v48 =	vadd.s32 $0x7, v2;
	v13 =	vand.u32 $0xFFFFFF80, v4  }
0x300: {  	v14 =	vand.u32 $0xFFFFFF80, v48;
	v54 =	vadd.s32 v1, v13;
	v13 =	vand.u32 $0xFFFFFF80, v52;
	v3 =	vld.idx.msk [tilespmem:v3+s12+$0x0], $0xffff  }
0x301: {  	v5 =	vand.u32 $0x7F, v5;
	v51 =	vadd.s32 v1, v14;
	v53 =	vadd.s32 v1, v13  }
0x302: {  	v49 =	vadd.s32 $0x8, v2;
	v46 =	vadd.s32 $0x9, v2;
	v5 =	vor.u32 v5, v6  }
0x303: {  	v43 =	vadd.s32 $0xA, v2;
	v6 =	vand.u32 $0xFFFFFF80, v49;
	v13 =	vand.u32 $0xFFFFFF80, v46  }
0x304: {  	v50 =	vadd.s32 v1, v6;
	v6 =	vand.u32 $0xFFFFFF80, v43;
	v47 =	vadd.s32 v1, v13  }
0x305: {  	v42 =	vadd.s32 $0xB, v2;
	v39 =	vadd.s32 $0xC, v2;
	v45 =	vadd.s32 v1, v6  }
0x306: {  	v36 =	vadd.s32 $0xD, v2;
	v6 =	vand.u32 $0xFFFFFF80, v39;
	[tilespmem:v1+s16+$0x0] =	vst.idx.msk $0xffff, v3;
	v3 =	vand.u32 $0xFFFFFF80, v42  }
0x307: {  	v41 =	vadd.s32 v1, v6;
	v5 =	vld.idx.msk [tilespmem:v5+s12+$0x0], $0xffff;
	v44 =	vadd.s32 v1, v3;
	v3 =	vand.u32 $0xFFFFFF80, v36  }
0x308: {  	v7 =	vand.u32 $0x7F, v7;
	v6 =	vor.u32 $0x1, v1;
	v40 =	vadd.s32 v1, v3  }
0x309: {  	v37 =	vadd.s32 $0xE, v2;
	v34 =	vadd.s32 $0xF, v2;
	v3 =	vor.u32 v7, v10  }
0x30a: {  	v31 =	vadd.s32 $0x10, v2;
	v7 =	vand.u32 $0xFFFFFF80, v37;
	v10 =	vand.u32 $0xFFFFFF80, v34  }
0x30b: {  	v38 =	vadd.s32 v1, v7;
	v35 =	vadd.s32 v1, v10;
	v7 =	vand.u32 $0xFFFFFF80, v31  }
0x30c: {  	v30 =	vadd.s32 $0x11, v2;
	v27 =	vadd.s32 $0x12, v2;
	v33 =	vadd.s32 v1, v7  }
0x30d: {  	v24 =	vadd.s32 $0x13, v2;
	[tilespmem:v6+s16+$0x0] =	vst.idx.msk $0xffff, v5;
	v5 =	vand.u32 $0xFFFFFF80, v30;
	v6 =	vand.u32 $0xFFFFFF80, v27  }
0x30e: {  	v3 =	vld.idx.msk [tilespmem:v3+s12+$0x0], $0xffff;
	v32 =	vadd.s32 v1, v5;
	v29 =	vadd.s32 v1, v6;
	v5 =	vand.u32 $0xFFFFFF80, v24  }
0x30f: {  	v7 =	vand.u32 $0x7F, v8;
	v6 =	vor.u32 $0x2, v1;
	v28 =	vadd.s32 v1, v5  }
0x310: {  	v25 =	vadd.s32 $0x14, v2;
	v22 =	vadd.s32 $0x15, v2;
	v5 =	vor.u32 v7, v12  }
0x311: {  	v19 =	vadd.s32 $0x16, v2;
	v8 =	vand.u32 $0xFFFFFF80, v22;
	v7 =	vand.u32 $0xFFFFFF80, v25  }
0x312: {  	v23 =	vadd.s32 v1, v8;
	v26 =	vadd.s32 v1, v7;
	v7 =	vand.u32 $0xFFFFFF80, v19  }
0x313: {  	v18 =	vadd.s32 $0x17, v2;
	v15 =	vadd.s32 $0x18, v2;
	v21 =	vadd.s32 v1, v7  }
0x314: {  	v12 =	vadd.s32 $0x19, v2;
	[tilespmem:v6+s16+$0x0] =	vst.idx.msk $0xffff, v3;
	v3 =	vand.u32 $0xFFFFFF80, v18;
	v6 =	vand.u32 $0xFFFFFF80, v15  }
0x315: {  	v5 =	vld.idx.msk [tilespmem:v5+s12+$0x0], $0xffff;
	v20 =	vadd.s32 v1, v3;
	v17 =	vadd.s32 v1, v6;
	v3 =	vand.u32 $0xFFFFFF80, v12  }
0x316: {  	v8 =	vor.u32 $0x3, v1;
	v6 =	vand.u32 $0x7F, v9;
	v16 =	vadd.s32 v1, v3  }
0x317: {  	v13 =	vadd.s32 $0x1A, v2;
	v10 =	vadd.s32 $0x1B, v2;
	v55 =	vor.u32 v6, v11  }
0x318: {  	v7 =	vadd.s32 $0x1C, v2;
	v3 =	vand.u32 $0xFFFFFF80, v13;
	v6 =	vand.u32 $0xFFFFFF80, v10  }
0x319: {  	v14 =	vadd.s32 v1, v3;
	v11 =	vadd.s32 v1, v6;
	v3 =	vand.u32 $0xFFFFFF80, v7  }
0x31a: {  	v6 =	vadd.s32 $0x1D, v2;
	v9 =	vadd.s32 v1, v3;
	v3 =	vadd.s32 $0x1E, v2  }
0x31b: {  	v2 =	vadd.s32 $0x1F, v2;
	v56 =	vand.u32 $0xFFFFFF80, v3;
	[tilespmem:v8+s16+$0x0] =	vst.idx.msk $0xffff, v5;
	v5 =	vand.u32 $0xFFFFFF80, v6  }
0x31c: {  	v55 =	vld.idx.msk [tilespmem:v55+s12+$0x0], $0xffff;
	v8 =	vadd.s32 v1, v5;
	v5 =	vadd.s32 v1, v56;
	v56 =	vand.u32 $0xFFFFFF80, v2  }
0x31d: {  	v57 =	vor.u32 $0x4, v1;
	v58 =	vand.u32 $0x7F, v4;
	v4 =	vadd.s32 v1, v56  }
0x31e: {  	v54 =	vor.u32 v58, v54;
	_ =	sdelay $0x3  }
0x31f: {  	[tilespmem:v57+s16+$0x0] =	vst.idx.msk $0xffff, v55  }
0x320: {  	v54 =	vld.idx.msk [tilespmem:v54+s12+$0x0], $0xffff  }
0x321: {  	v52 =	vand.u32 $0x7F, v52;
	v55 =	vor.u32 $0x5, v1  }
0x322: {  	v52 =	vor.u32 v52, v53;
	_ =	sdelay $0x3  }
0x323: {  	[tilespmem:v55+s16+$0x0] =	vst.idx.msk $0xffff, v54  }
0x324: {  	v52 =	vld.idx.msk [tilespmem:v52+s12+$0x0], $0xffff  }
0x325: {  	v48 =	vand.u32 $0x7F, v48;
	v53 =	vor.u32 $0x6, v1  }
0x326: {  	v48 =	vor.u32 v48, v51;
	_ =	sdelay $0x3  }
0x327: {  	[tilespmem:v53+s16+$0x0] =	vst.idx.msk $0xffff, v52  }
0x328: {  	v48 =	vld.idx.msk [tilespmem:v48+s12+$0x0], $0xffff  }
0x329: {  	v51 =	vor.u32 $0x7, v1;
	v49 =	vand.u32 $0x7F, v49  }
0x32a: {  	v49 =	vor.u32 v49, v50;
	_ =	sdelay $0x3  }
0x32b: {  	[tilespmem:v51+s16+$0x0] =	vst.idx.msk $0xffff, v48  }
0x32c: {  	v48 =	vld.idx.msk [tilespmem:v49+s12+$0x0], $0xffff  }
0x32d: {  	v46 =	vand.u32 $0x7F, v46;
	v49 =	vor.u32 $0x8, v1  }
0x32e: {  	v46 =	vor.u32 v46, v47;
	_ =	sdelay $0x3  }
0x32f: {  	[tilespmem:v49+s16+$0x0] =	vst.idx.msk $0xffff, v48  }
0x330: {  	v46 =	vld.idx.msk [tilespmem:v46+s12+$0x0], $0xffff  }
0x331: {  	v43 =	vand.u32 $0x7F, v43;
	v47 =	vor.u32 $0x9, v1  }
0x332: {  	v43 =	vor.u32 v43, v45;
	_ =	sdelay $0x3  }
0x333: {  	[tilespmem:v47+s16+$0x0] =	vst.idx.msk $0xffff, v46  }
0x334: {  	v43 =	vld.idx.msk [tilespmem:v43+s12+$0x0], $0xffff  }
0x335: {  	v45 =	vor.u32 $0xA, v1;
	v42 =	vand.u32 $0x7F, v42  }
0x336: {  	v42 =	vor.u32 v42, v44;
	_ =	sdelay $0x3  }
0x337: {  	[tilespmem:v45+s16+$0x0] =	vst.idx.msk $0xffff, v43  }
0x338: {  	v42 =	vld.idx.msk [tilespmem:v42+s12+$0x0], $0xffff  }
0x339: {  	v39 =	vand.u32 $0x7F, v39;
	v43 =	vor.u32 $0xB, v1  }
0x33a: {  	v39 =	vor.u32 v39, v41;
	_ =	sdelay $0x3  }
0x33b: {  	[tilespmem:v43+s16+$0x0] =	vst.idx.msk $0xffff, v42  }
0x33c: {  	v39 =	vld.idx.msk [tilespmem:v39+s12+$0x0], $0xffff  }
0x33d: {  	v41 =	vor.u32 $0xC, v1;
	v36 =	vand.u32 $0x7F, v36  }
0x33e: {  	v36 =	vor.u32 v36, v40;
	_ =	sdelay $0x3  }
0x33f: {  	[tilespmem:v41+s16+$0x0] =	vst.idx.msk $0xffff, v39  }
0x340: {  	v36 =	vld.idx.msk [tilespmem:v36+s12+$0x0], $0xffff  }
0x341: {  	v37 =	vand.u32 $0x7F, v37;
	v39 =	vor.u32 $0xD, v1  }
0x342: {  	v37 =	vor.u32 v37, v38;
	_ =	sdelay $0x3  }
0x343: {  	[tilespmem:v39+s16+$0x0] =	vst.idx.msk $0xffff, v36  }
0x344: {  	v36 =	vld.idx.msk [tilespmem:v37+s12+$0x0], $0xffff  }
0x345: {  	v34 =	vand.u32 $0x7F, v34;
	v37 =	vor.u32 $0xE, v1  }
0x346: {  	v34 =	vor.u32 v34, v35;
	_ =	sdelay $0x3  }
0x347: {  	[tilespmem:v37+s16+$0x0] =	vst.idx.msk $0xffff, v36  }
0x348: {  	v34 =	vld.idx.msk [tilespmem:v34+s12+$0x0], $0xffff  }
0x349: {  	v31 =	vand.u32 $0x7F, v31;
	v35 =	vor.u32 $0xF, v1  }
0x34a: {  	v31 =	vor.u32 v31, v33;
	_ =	sdelay $0x3  }
0x34b: {  	[tilespmem:v35+s16+$0x0] =	vst.idx.msk $0xffff, v34  }
0x34c: {  	v31 =	vld.idx.msk [tilespmem:v31+s12+$0x0], $0xffff  }
0x34d: {  	v33 =	vor.u32 $0x10, v1;
	v30 =	vand.u32 $0x7F, v30  }
0x34e: {  	v30 =	vor.u32 v30, v32;
	_ =	sdelay $0x3  }
0x34f: {  	[tilespmem:v33+s16+$0x0] =	vst.idx.msk $0xffff, v31  }
0x350: {  	v30 =	vld.idx.msk [tilespmem:v30+s12+$0x0], $0xffff  }
0x351: {  	v27 =	vand.u32 $0x7F, v27;
	v31 =	vor.u32 $0x11, v1  }
0x352: {  	v27 =	vor.u32 v27, v29;
	_ =	sdelay $0x3  }
0x353: {  	[tilespmem:v31+s16+$0x0] =	vst.idx.msk $0xffff, v30  }
0x354: {  	v27 =	vld.idx.msk [tilespmem:v27+s12+$0x0], $0xffff  }
0x355: {  	v24 =	vand.u32 $0x7F, v24;
	v29 =	vor.u32 $0x12, v1  }
0x356: {  	v24 =	vor.u32 v24, v28;
	_ =	sdelay $0x3  }
0x357: {  	[tilespmem:v29+s16+$0x0] =	vst.idx.msk $0xffff, v27  }
0x358: {  	v24 =	vld.idx.msk [tilespmem:v24+s12+$0x0], $0xffff  }
0x359: {  	v25 =	vand.u32 $0x7F, v25;
	v27 =	vor.u32 $0x13, v1  }
0x35a: {  	v25 =	vor.u32 v25, v26;
	_ =	sdelay $0x3  }
0x35b: {  	[tilespmem:v27+s16+$0x0] =	vst.idx.msk $0xffff, v24  }
0x35c: {  	v24 =	vld.idx.msk [tilespmem:v25+s12+$0x0], $0xffff  }
0x35d: {  	v22 =	vand.u32 $0x7F, v22;
	v25 =	vor.u32 $0x14, v1  }
0x35e: {  	v22 =	vor.u32 v22, v23;
	_ =	sdelay $0x3  }
0x35f: {  	[tilespmem:v25+s16+$0x0] =	vst.idx.msk $0xffff, v24  }
0x360: {  	v22 =	vld.idx.msk [tilespmem:v22+s12+$0x0], $0xffff  }
0x361: {  	v23 =	vor.u32 $0x15, v1;
	v19 =	vand.u32 $0x7F, v19  }
0x362: {  	v19 =	vor.u32 v19, v21;
	_ =	sdelay $0x3  }
0x363: {  	[tilespmem:v23+s16+$0x0] =	vst.idx.msk $0xffff, v22  }
0x364: {  	v19 =	vld.idx.msk [tilespmem:v19+s12+$0x0], $0xffff  }
0x365: {  	v21 =	vor.u32 $0x16, v1;
	v18 =	vand.u32 $0x7F, v18  }
0x366: {  	v18 =	vor.u32 v18, v20;
	_ =	sdelay $0x3  }
0x367: {  	[tilespmem:v21+s16+$0x0] =	vst.idx.msk $0xffff, v19  }
0x368: {  	v18 =	vld.idx.msk [tilespmem:v18+s12+$0x0], $0xffff  }
0x369: {  	v15 =	vand.u32 $0x7F, v15;
	v19 =	vor.u32 $0x17, v1  }
0x36a: {  	v15 =	vor.u32 v15, v17;
	_ =	sdelay $0x3  }
0x36b: {  	[tilespmem:v19+s16+$0x0] =	vst.idx.msk $0xffff, v18  }
0x36c: {  	v15 =	vld.idx.msk [tilespmem:v15+s12+$0x0], $0xffff  }
0x36d: {  	v12 =	vand.u32 $0x7F, v12;
	v17 =	vor.u32 $0x18, v1  }
0x36e: {  	v12 =	vor.u32 v12, v16;
	_ =	sdelay $0x3  }
0x36f: {  	[tilespmem:v17+s16+$0x0] =	vst.idx.msk $0xffff, v15  }
0x370: {  	v12 =	vld.idx.msk [tilespmem:v12+s12+$0x0], $0xffff  }
0x371: {  	v13 =	vand.u32 $0x7F, v13;
	v15 =	vor.u32 $0x19, v1  }
0x372: {  	v13 =	vor.u32 v13, v14;
	_ =	sdelay $0x3  }
0x373: {  	[tilespmem:v15+s16+$0x0] =	vst.idx.msk $0xffff, v12  }
0x374: {  	v12 =	vld.idx.msk [tilespmem:v13+s12+$0x0], $0xffff  }
0x375: {  	v10 =	vand.u32 $0x7F, v10;
	v13 =	vor.u32 $0x1A, v1  }
0x376: {  	v10 =	vor.u32 v10, v11;
	_ =	sdelay $0x3  }
0x377: {  	[tilespmem:v13+s16+$0x0] =	vst.idx.msk $0xffff, v12  }
0x378: {  	v10 =	vld.idx.msk [tilespmem:v10+s12+$0x0], $0xffff  }
0x379: {  	v7 =	vand.u32 $0x7F, v7;
	v11 =	vor.u32 $0x1B, v1  }
0x37a: {  	v7 =	vor.u32 v7, v9;
	_ =	sdelay $0x3  }
0x37b: {  	[tilespmem:v11+s16+$0x0] =	vst.idx.msk $0xffff, v10  }
0x37c: {  	v7 =	vld.idx.msk [tilespmem:v7+s12+$0x0], $0xffff  }
0x37d: {  	v9 =	vor.u32 $0x1C, v1;
	v6 =	vand.u32 $0x7F, v6  }
0x37e: {  	v6 =	vor.u32 v6, v8;
	_ =	sdelay $0x3  }
0x37f: {  	[tilespmem:v9+s16+$0x0] =	vst.idx.msk $0xffff, v7  }
0x380: {  	v6 =	vld.idx.msk [tilespmem:v6+s12+$0x0], $0xffff  }
0x381: {  	v3 =	vand.u32 $0x7F, v3;
	v7 =	vor.u32 $0x1D, v1  }
0x382: {  	v3 =	vor.u32 v3, v5;
	_ =	sdelay $0x3  }
0x383: {  	[tilespmem:v7+s16+$0x0] =	vst.idx.msk $0xffff, v6  }
0x384: {  	v3 =	vld.idx.msk [tilespmem:v3+s12+$0x0], $0xffff  }
0x385: {  	v2 =	vand.u32 $0x7F, v2;
	v5 =	vor.u32 $0x1E, v1  }
0x386: {  	v2 =	vor.u32 v2, v4;
	_ =	sdelay $0x1  }
.Ltmp2:
0x387: {  	(pc) =	sbr.rel @p0 .LBB2_6-.Ltmp2, $4  }
0x388: {  	_ = 	snop  }
0x389: {  	[tilespmem:v5+s16+$0x0] =	vst.idx.msk $0xffff, v3  }
0x38a: {  	v2 =	vld.idx.msk [tilespmem:v2+s12+$0x0], $0xffff  }
0x38b: {  	v1 =	vor.u32 $0x1F, v1  }
0x38c: {  	_ =	sdelay $0x3  }
0x38d: {  	s25 =	simm.s32 $0x0;
	[tilespmem:v1+s16+$0x0] =	vst.idx.msk $0xffff, v2  }
0x38e: {  	[hbm4b:s8+s25] =	stream.linear.scatter [tilespmem:s16], [sflag:$0x4], $0x4000, $0x38;
	[tilespmem:$0x10400] =	vst v63  }
0x38f: {  	_ =	swait.ge [sflag:s22], $0x4000  }
0x390: {  	[sflag:s22] =	ssyncset.done $0x0  }
0x391: {  	[sflag:s22] =	ssyncadd.s32 $0xFFFFC000  }
0x392: {  	_ =	swait.ge [sflag:s18], $0x4000  }
0x393: {  	[sflag:s18] =	ssyncset.done $0x0  }
0x394: {  	s24 =	simm.s32 $0x380;
	[sflag:s18] =	ssyncadd.s32 $0xFFFFC000  }
0x395: {  	v2 =	vld [tilespmem:s24+$0x0];
	_ =	sdelay $0x2  }
0x396: {  	v1 =	vmov s25  }
0x397: {  	v1 =	vshll.u32 v1, $0x7  }
0x398: {  	v1 =	vor.u32 v0, v1;
	v3 =	vand.u32 $0xFFFFFF80, v2  }
0x399: {  	v4 =	vand.u32 $0x7F, v2;
	v3 =	vadd.s32 v1, v3  }
0x39a: {  	v3 =	vor.u32 v4, v3;
	_ =	sdelay $0x2  }
0x39b: {  	v16 =	vadd.s32 $0x1, v2  }
0x39c: {  	v5 =	vand.u32 $0xFFFFFF80, v16  }
0x39d: {  	v5 =	vadd.s32 v1, v5;
	v4 =	vand.u32 $0x7F, v16;
	v3 =	vld.idx.msk [tilespmem:v3+s14+$0x0], $0xffff  }
0x39e: {  	v4 =	vor.u32 v4, v5;
	_ =	sdelay $0x2  }
0x39f: {  	v17 =	vadd.s32 $0x2, v2  }
0x3a0: {  	v6 =	vand.u32 $0xFFFFFF80, v17;
	[tilespmem:v1+s19+$0x0] =	vst.idx.msk $0xffff, v3  }
0x3a1: {  	v18 =	vor.u32 $0x1, v1;
	v5 =	vand.u32 $0x7F, v17;
	v3 =	vadd.s32 v1, v6;
	v4 =	vld.idx.msk [tilespmem:v4+s14+$0x0], $0xffff  }
0x3a2: {  	v3 =	vor.u32 v5, v3;
	_ =	sdelay $0x2  }
0x3a3: {  	v19 =	vadd.s32 $0x3, v2  }
0x3a4: {  	v7 =	vand.u32 $0xFFFFFF80, v19;
	[tilespmem:v18+s19+$0x0] =	vst.idx.msk $0xffff, v4  }
0x3a5: {  	v21 =	vor.u32 $0x2, v1;
	v20 =	vadd.s32 v1, v7;
	v5 =	vand.u32 $0x7F, v19;
	v3 =	vld.idx.msk [tilespmem:v3+s14+$0x0], $0xffff  }
0x3a6: {  	v4 =	vor.u32 v5, v20;
	_ =	sdelay $0x2  }
0x3a7: {  	v22 =	vadd.s32 $0x4, v2  }
0x3a8: {  	v23 =	vand.u32 $0xFFFFFF80, v22;
	[tilespmem:v21+s19+$0x0] =	vst.idx.msk $0xffff, v3  }
0x3a9: {  	v24 =	vor.u32 $0x3, v1;
	v5 =	vand.u32 $0x7F, v22;
	v3 =	vadd.s32 v1, v23;
	v4 =	vld.idx.msk [tilespmem:v4+s14+$0x0], $0xffff  }
0x3aa: {  	v3 =	vor.u32 v5, v3;
	_ =	sdelay $0x2  }
0x3ab: {  	v25 =	vadd.s32 $0x5, v2  }
0x3ac: {  	v26 =	vand.u32 $0xFFFFFF80, v25;
	[tilespmem:v24+s19+$0x0] =	vst.idx.msk $0xffff, v4  }
0x3ad: {  	v28 =	vor.u32 $0x4, v1;
	v27 =	vadd.s32 v1, v26;
	v5 =	vand.u32 $0x7F, v25;
	v3 =	vld.idx.msk [tilespmem:v3+s14+$0x0], $0xffff  }
0x3ae: {  	v4 =	vor.u32 v5, v27;
	_ =	sdelay $0x2  }
0x3af: {  	v29 =	vadd.s32 $0x6, v2  }
0x3b0: {  	v30 =	vand.u32 $0xFFFFFF80, v29;
	[tilespmem:v28+s19+$0x0] =	vst.idx.msk $0xffff, v3  }
0x3b1: {  	v31 =	vor.u32 $0x5, v1;
	v5 =	vand.u32 $0x7F, v29;
	v3 =	vadd.s32 v1, v30;
	v4 =	vld.idx.msk [tilespmem:v4+s14+$0x0], $0xffff  }
0x3b2: {  	v3 =	vor.u32 v5, v3;
	_ =	sdelay $0x2  }
0x3b3: {  	v32 =	vadd.s32 $0x7, v2  }
0x3b4: {  	v33 =	vand.u32 $0xFFFFFF80, v32;
	[tilespmem:v31+s19+$0x0] =	vst.idx.msk $0xffff, v4  }
0x3b5: {  	v35 =	vor.u32 $0x6, v1;
	v34 =	vadd.s32 v1, v33;
	v5 =	vand.u32 $0x7F, v32;
	v3 =	vld.idx.msk [tilespmem:v3+s14+$0x0], $0xffff  }
0x3b6: {  	v4 =	vor.u32 v5, v34;
	_ =	sdelay $0x2  }
0x3b7: {  	v36 =	vadd.s32 $0x8, v2  }
0x3b8: {  	v37 =	vand.u32 $0xFFFFFF80, v36;
	[tilespmem:v35+s19+$0x0] =	vst.idx.msk $0xffff, v3  }
0x3b9: {  	v38 =	vor.u32 $0x7, v1;
	v5 =	vand.u32 $0x7F, v36;
	v3 =	vadd.s32 v1, v37;
	v4 =	vld.idx.msk [tilespmem:v4+s14+$0x0], $0xffff  }
0x3ba: {  	v3 =	vor.u32 v5, v3;
	_ =	sdelay $0x2  }
0x3bb: {  	v39 =	vadd.s32 $0x9, v2  }
0x3bc: {  	v40 =	vand.u32 $0xFFFFFF80, v39;
	[tilespmem:v38+s19+$0x0] =	vst.idx.msk $0xffff, v4  }
0x3bd: {  	v42 =	vor.u32 $0x8, v1;
	v41 =	vadd.s32 v1, v40;
	v5 =	vand.u32 $0x7F, v39;
	v3 =	vld.idx.msk [tilespmem:v3+s14+$0x0], $0xffff  }
0x3be: {  	v4 =	vor.u32 v5, v41;
	_ =	sdelay $0x2  }
0x3bf: {  	v43 =	vadd.s32 $0xA, v2  }
0x3c0: {  	v44 =	vand.u32 $0xFFFFFF80, v43;
	[tilespmem:v42+s19+$0x0] =	vst.idx.msk $0xffff, v3  }
0x3c1: {  	v45 =	vor.u32 $0x9, v1;
	v5 =	vand.u32 $0x7F, v43;
	v3 =	vadd.s32 v1, v44;
	v4 =	vld.idx.msk [tilespmem:v4+s14+$0x0], $0xffff  }
0x3c2: {  	v3 =	vor.u32 v5, v3;
	_ =	sdelay $0x2  }
0x3c3: {  	v46 =	vadd.s32 $0xB, v2  }
0x3c4: {  	v47 =	vand.u32 $0xFFFFFF80, v46;
	[tilespmem:v45+s19+$0x0] =	vst.idx.msk $0xffff, v4  }
0x3c5: {  	v49 =	vor.u32 $0xA, v1;
	v48 =	vadd.s32 v1, v47;
	v5 =	vand.u32 $0x7F, v46;
	v3 =	vld.idx.msk [tilespmem:v3+s14+$0x0], $0xffff  }
0x3c6: {  	v4 =	vor.u32 v5, v48;
	_ =	sdelay $0x2  }
0x3c7: {  	v50 =	vadd.s32 $0xC, v2  }
0x3c8: {  	v51 =	vand.u32 $0xFFFFFF80, v50;
	[tilespmem:v49+s19+$0x0] =	vst.idx.msk $0xffff, v3  }
0x3c9: {  	v52 =	vor.u32 $0xB, v1;
	v5 =	vand.u32 $0x7F, v50;
	v3 =	vadd.s32 v1, v51;
	v4 =	vld.idx.msk [tilespmem:v4+s14+$0x0], $0xffff  }
0x3ca: {  	v3 =	vor.u32 v5, v3;
	_ =	sdelay $0x2  }
0x3cb: {  	v53 =	vadd.s32 $0xD, v2  }
0x3cc: {  	v54 =	vand.u32 $0xFFFFFF80, v53;
	[tilespmem:v52+s19+$0x0] =	vst.idx.msk $0xffff, v4  }
0x3cd: {  	v56 =	vor.u32 $0xC, v1;
	v55 =	vadd.s32 v1, v54;
	v5 =	vand.u32 $0x7F, v53;
	v3 =	vld.idx.msk [tilespmem:v3+s14+$0x0], $0xffff  }
0x3ce: {  	v4 =	vor.u32 v5, v55;
	_ =	sdelay $0x2  }
0x3cf: {  	v57 =	vadd.s32 $0xE, v2  }
0x3d0: {  	v58 =	vand.u32 $0xFFFFFF80, v57;
	[tilespmem:v56+s19+$0x0] =	vst.idx.msk $0xffff, v3  }
0x3d1: {  	v59 =	vor.u32 $0xD, v1;
	v5 =	vand.u32 $0x7F, v57;
	v3 =	vadd.s32 v1, v58;
	v4 =	vld.idx.msk [tilespmem:v4+s14+$0x0], $0xffff  }
0x3d2: {  	v3 =	vor.u32 v5, v3;
	_ =	sdelay $0x2  }
0x3d3: {  	v60 =	vadd.s32 $0xF, v2  }
0x3d4: {  	v61 =	vand.u32 $0xFFFFFF80, v60;
	[tilespmem:v59+s19+$0x0] =	vst.idx.msk $0xffff, v4  }
0x3d5: {  	v63 =	vor.u32 $0xE, v1;
	v62 =	vadd.s32 v1, v61;
	v5 =	vand.u32 $0x7F, v60;
	v3 =	vld.idx.msk [tilespmem:v3+s14+$0x0], $0xffff  }
0x3d6: {  	v4 =	vor.u32 v5, v62;
	_ =	sdelay $0x2  }
0x3d7: {  	v9 =	vadd.s32 $0x10, v2  }
0x3d8: {  	v10 =	vand.u32 $0xFFFFFF80, v9;
	[tilespmem:v63+s19+$0x0] =	vst.idx.msk $0xffff, v3  }
0x3d9: {  	v11 =	vor.u32 $0xF, v1;
	v5 =	vand.u32 $0x7F, v9;
	v3 =	vadd.s32 v1, v10;
	v4 =	vld.idx.msk [tilespmem:v4+s14+$0x0], $0xffff  }
0x3da: {  	v3 =	vor.u32 v5, v3;
	_ =	sdelay $0x2  }
0x3db: {  	v12 =	vadd.s32 $0x11, v2  }
0x3dc: {  	v13 =	vand.u32 $0xFFFFFF80, v12;
	[tilespmem:v11+s19+$0x0] =	vst.idx.msk $0xffff, v4  }
0x3dd: {  	v15 =	vor.u32 $0x10, v1;
	v14 =	vadd.s32 v1, v13;
	v5 =	vand.u32 $0x7F, v12;
	v3 =	vld.idx.msk [tilespmem:v3+s14+$0x0], $0xffff  }
0x3de: {  	v4 =	vor.u32 v5, v14;
	_ =	sdelay $0x2  }
0x3df: {  	v16 =	vadd.s32 $0x12, v2  }
0x3e0: {  	v17 =	vand.u32 $0xFFFFFF80, v16;
	[tilespmem:v15+s19+$0x0] =	vst.idx.msk $0xffff, v3  }
0x3e1: {  	v18 =	vor.u32 $0x11, v1;
	v5 =	vand.u32 $0x7F, v16;
	v3 =	vadd.s32 v1, v17;
	v4 =	vld.idx.msk [tilespmem:v4+s14+$0x0], $0xffff  }
0x3e2: {  	v3 =	vor.u32 v5, v3;
	_ =	sdelay $0x2  }
0x3e3: {  	v19 =	vadd.s32 $0x13, v2  }
0x3e4: {  	v20 =	vand.u32 $0xFFFFFF80, v19;
	[tilespmem:v18+s19+$0x0] =	vst.idx.msk $0xffff, v4  }
0x3e5: {  	v22 =	vor.u32 $0x12, v1;
	v21 =	vadd.s32 v1, v20;
	v5 =	vand.u32 $0x7F, v19;
	v3 =	vld.idx.msk [tilespmem:v3+s14+$0x0], $0xffff  }
0x3e6: {  	v4 =	vor.u32 v5, v21;
	_ =	sdelay $0x2  }
0x3e7: {  	v23 =	vadd.s32 $0x14, v2  }
0x3e8: {  	v24 =	vand.u32 $0xFFFFFF80, v23;
	[tilespmem:v22+s19+$0x0] =	vst.idx.msk $0xffff, v3  }
0x3e9: {  	v25 =	vor.u32 $0x13, v1;
	v5 =	vand.u32 $0x7F, v23;
	v3 =	vadd.s32 v1, v24;
	v4 =	vld.idx.msk [tilespmem:v4+s14+$0x0], $0xffff  }
0x3ea: {  	v3 =	vor.u32 v5, v3;
	_ =	sdelay $0x2  }
0x3eb: {  	v26 =	vadd.s32 $0x15, v2  }
0x3ec: {  	v27 =	vand.u32 $0xFFFFFF80, v26;
	[tilespmem:v25+s19+$0x0] =	vst.idx.msk $0xffff, v4  }
0x3ed: {  	v29 =	vor.u32 $0x14, v1;
	v28 =	vadd.s32 v1, v27;
	v5 =	vand.u32 $0x7F, v26;
	v3 =	vld.idx.msk [tilespmem:v3+s14+$0x0], $0xffff  }
0x3ee: {  	v4 =	vor.u32 v5, v28;
	_ =	sdelay $0x2  }
0x3ef: {  	v30 =	vadd.s32 $0x16, v2  }
0x3f0: {  	v31 =	vand.u32 $0xFFFFFF80, v30;
	[tilespmem:v29+s19+$0x0] =	vst.idx.msk $0xffff, v3  }
0x3f1: {  	v32 =	vor.u32 $0x15, v1;
	v5 =	vand.u32 $0x7F, v30;
	v3 =	vadd.s32 v1, v31;
	v4 =	vld.idx.msk [tilespmem:v4+s14+$0x0], $0xffff  }
0x3f2: {  	v3 =	vor.u32 v5, v3;
	_ =	sdelay $0x2  }
0x3f3: {  	v33 =	vadd.s32 $0x17, v2  }
0x3f4: {  	v34 =	vand.u32 $0xFFFFFF80, v33;
	[tilespmem:v32+s19+$0x0] =	vst.idx.msk $0xffff, v4  }
0x3f5: {  	v36 =	vor.u32 $0x16, v1;
	v35 =	vadd.s32 v1, v34;
	v5 =	vand.u32 $0x7F, v33;
	v3 =	vld.idx.msk [tilespmem:v3+s14+$0x0], $0xffff  }
0x3f6: {  	v4 =	vor.u32 v5, v35;
	_ =	sdelay $0x2  }
0x3f7: {  	v37 =	vadd.s32 $0x18, v2  }
0x3f8: {  	v38 =	vand.u32 $0xFFFFFF80, v37;
	[tilespmem:v36+s19+$0x0] =	vst.idx.msk $0xffff, v3  }
0x3f9: {  	v39 =	vor.u32 $0x17, v1;
	v5 =	vand.u32 $0x7F, v37;
	v3 =	vadd.s32 v1, v38;
	v4 =	vld.idx.msk [tilespmem:v4+s14+$0x0], $0xffff  }
0x3fa: {  	v3 =	vor.u32 v5, v3;
	_ =	sdelay $0x2  }
0x3fb: {  	v40 =	vadd.s32 $0x19, v2  }
0x3fc: {  	v41 =	vand.u32 $0xFFFFFF80, v40;
	[tilespmem:v39+s19+$0x0] =	vst.idx.msk $0xffff, v4  }
0x3fd: {  	v43 =	vor.u32 $0x18, v1;
	v42 =	vadd.s32 v1, v41;
	v5 =	vand.u32 $0x7F, v40;
	v3 =	vld.idx.msk [tilespmem:v3+s14+$0x0], $0xffff  }
0x3fe: {  	v4 =	vor.u32 v5, v42;
	_ =	sdelay $0x2  }
0x3ff: {  	v44 =	vadd.s32 $0x1A, v2  }
0x400: {  	v45 =	vand.u32 $0xFFFFFF80, v44;
	[tilespmem:v43+s19+$0x0] =	vst.idx.msk $0xffff, v3  }
0x401: {  	v46 =	vor.u32 $0x19, v1;
	v5 =	vand.u32 $0x7F, v44;
	v3 =	vadd.s32 v1, v45;
	v4 =	vld.idx.msk [tilespmem:v4+s14+$0x0], $0xffff  }
0x402: {  	v3 =	vor.u32 v5, v3;
	_ =	sdelay $0x2  }
0x403: {  	v47 =	vadd.s32 $0x1B, v2  }
0x404: {  	v48 =	vand.u32 $0xFFFFFF80, v47;
	[tilespmem:v46+s19+$0x0] =	vst.idx.msk $0xffff, v4  }
0x405: {  	v50 =	vor.u32 $0x1A, v1;
	v49 =	vadd.s32 v1, v48;
	v5 =	vand.u32 $0x7F, v47;
	v3 =	vld.idx.msk [tilespmem:v3+s14+$0x0], $0xffff  }
0x406: {  	v4 =	vor.u32 v5, v49;
	_ =	sdelay $0x2  }
0x407: {  	v51 =	vadd.s32 $0x1C, v2  }
0x408: {  	v52 =	vand.u32 $0xFFFFFF80, v51;
	[tilespmem:v50+s19+$0x0] =	vst.idx.msk $0xffff, v3  }
0x409: {  	v53 =	vor.u32 $0x1B, v1;
	v5 =	vand.u32 $0x7F, v51;
	v3 =	vadd.s32 v1, v52;
	v4 =	vld.idx.msk [tilespmem:v4+s14+$0x0], $0xffff  }
0x40a: {  	v3 =	vor.u32 v5, v3;
	_ =	sdelay $0x2  }
0x40b: {  	v54 =	vadd.s32 $0x1D, v2  }
0x40c: {  	v55 =	vand.u32 $0xFFFFFF80, v54;
	[tilespmem:v53+s19+$0x0] =	vst.idx.msk $0xffff, v4  }
0x40d: {  	v57 =	vor.u32 $0x1C, v1;
	v56 =	vadd.s32 v1, v55;
	v5 =	vand.u32 $0x7F, v54;
	v3 =	vld.idx.msk [tilespmem:v3+s14+$0x0], $0xffff  }
0x40e: {  	v4 =	vor.u32 v5, v56;
	_ =	sdelay $0x2  }
0x40f: {  	v58 =	vadd.s32 $0x1E, v2  }
0x410: {  	v59 =	vand.u32 $0xFFFFFF80, v58;
	[tilespmem:v57+s19+$0x0] =	vst.idx.msk $0xffff, v3  }
0x411: {  	v60 =	vor.u32 $0x1D, v1;
	v5 =	vand.u32 $0x7F, v58;
	v3 =	vadd.s32 v1, v59;
	v4 =	vld.idx.msk [tilespmem:v4+s14+$0x0], $0xffff  }
0x412: {  	v3 =	vor.u32 v5, v3;
	_ =	sdelay $0x2  }
0x413: {  	v2 =	vadd.s32 $0x1F, v2  }
0x414: {  	v61 =	vand.u32 $0xFFFFFF80, v2;
	[tilespmem:v60+s19+$0x0] =	vst.idx.msk $0xffff, v4  }
0x415: {  	v2 =	vand.u32 $0x7F, v2;
	v62 =	vadd.s32 v1, v61;
	v63 =	vor.u32 $0x1E, v1;
	v3 =	vld.idx.msk [tilespmem:v3+s14+$0x0], $0xffff  }
0x416: {  	v2 =	vor.u32 v2, v62;
	_ =	sdelay $0x3  }
0x417: {  	[tilespmem:v63+s19+$0x0] =	vst.idx.msk $0xffff, v3  }
0x418: {  	s25 =	simm.s32 $0x10;
	v1 =	vor.u32 $0x1F, v1;
	v2 =	vld.idx.msk [tilespmem:v2+s14+$0x0], $0xffff  }
.LBB2_8:
0x419: {  	_ =	sdelay $0x2  }
0x41a: {  	p0 =	sne.s32 s25, $0x70  }
0x41b: {  	s24 =	sadd.s32 $0x10, s24;
	s26 =	smov.u32 s25;
	s25 =	sadd.s32 $0x10, s25;
	[tilespmem:v1+s19+$0x0] =	vst.idx.msk $0xffff, v2  }
0x41c: {  	v2 =	vld [tilespmem:s24+$0x0];
	_ =	sdelay $0x2  }
0x41d: {  	v1 =	vmov s26  }
0x41e: {  	v1 =	vshll.u32 v1, $0x7  }
0x41f: {  	v1 =	vor.u32 v0, v1;
	v3 =	vand.u32 $0xFFFFFF80, v2;
	v5 =	vadd.s32 $0x1, v2  }
0x420: {  	v4 =	vand.u32 $0x7F, v2;
	v3 =	vadd.s32 v1, v3;
	v6 =	vand.u32 $0xFFFFFF80, v5  }
0x421: {  	v7 =	vadd.s32 $0x2, v2;
	v3 =	vor.u32 v4, v3;
	v6 =	vadd.s32 v1, v6  }
0x422: {  	v8 =	vadd.s32 $0x3, v2;
	v9 =	vadd.s32 $0x4, v2;
	v4 =	vand.u32 $0xFFFFFF80, v7  }
0x423: {  	v11 =	vand.u32 $0xFFFFFF80, v9;
	v10 =	vadd.s32 v1, v4;
	v4 =	vand.u32 $0xFFFFFF80, v8  }
0x424: {  	v11 =	vadd.s32 v1, v11;
	v12 =	vadd.s32 v1, v4;
	v4 =	vadd.s32 $0x5, v2  }
0x425: {  	v52 =	vadd.s32 $0x6, v2;
	v48 =	vadd.s32 $0x7, v2;
	v13 =	vand.u32 $0xFFFFFF80, v4  }
0x426: {  	v14 =	vand.u32 $0xFFFFFF80, v48;
	v54 =	vadd.s32 v1, v13;
	v13 =	vand.u32 $0xFFFFFF80, v52;
	v3 =	vld.idx.msk [tilespmem:v3+s14+$0x0], $0xffff  }
0x427: {  	v5 =	vand.u32 $0x7F, v5;
	v51 =	vadd.s32 v1, v14;
	v53 =	vadd.s32 v1, v13  }
0x428: {  	v49 =	vadd.s32 $0x8, v2;
	v46 =	vadd.s32 $0x9, v2;
	v5 =	vor.u32 v5, v6  }
0x429: {  	v43 =	vadd.s32 $0xA, v2;
	v6 =	vand.u32 $0xFFFFFF80, v49;
	v13 =	vand.u32 $0xFFFFFF80, v46  }
0x42a: {  	v50 =	vadd.s32 v1, v6;
	v6 =	vand.u32 $0xFFFFFF80, v43;
	v47 =	vadd.s32 v1, v13  }
0x42b: {  	v42 =	vadd.s32 $0xB, v2;
	v39 =	vadd.s32 $0xC, v2;
	v45 =	vadd.s32 v1, v6  }
0x42c: {  	v36 =	vadd.s32 $0xD, v2;
	v6 =	vand.u32 $0xFFFFFF80, v39;
	[tilespmem:v1+s19+$0x0] =	vst.idx.msk $0xffff, v3;
	v3 =	vand.u32 $0xFFFFFF80, v42  }
0x42d: {  	v41 =	vadd.s32 v1, v6;
	v5 =	vld.idx.msk [tilespmem:v5+s14+$0x0], $0xffff;
	v44 =	vadd.s32 v1, v3;
	v3 =	vand.u32 $0xFFFFFF80, v36  }
0x42e: {  	v7 =	vand.u32 $0x7F, v7;
	v6 =	vor.u32 $0x1, v1;
	v40 =	vadd.s32 v1, v3  }
0x42f: {  	v37 =	vadd.s32 $0xE, v2;
	v34 =	vadd.s32 $0xF, v2;
	v3 =	vor.u32 v7, v10  }
0x430: {  	v31 =	vadd.s32 $0x10, v2;
	v7 =	vand.u32 $0xFFFFFF80, v37;
	v10 =	vand.u32 $0xFFFFFF80, v34  }
0x431: {  	v38 =	vadd.s32 v1, v7;
	v35 =	vadd.s32 v1, v10;
	v7 =	vand.u32 $0xFFFFFF80, v31  }
0x432: {  	v30 =	vadd.s32 $0x11, v2;
	v27 =	vadd.s32 $0x12, v2;
	v33 =	vadd.s32 v1, v7  }
0x433: {  	v24 =	vadd.s32 $0x13, v2;
	[tilespmem:v6+s19+$0x0] =	vst.idx.msk $0xffff, v5;
	v5 =	vand.u32 $0xFFFFFF80, v30;
	v6 =	vand.u32 $0xFFFFFF80, v27  }
0x434: {  	v3 =	vld.idx.msk [tilespmem:v3+s14+$0x0], $0xffff;
	v32 =	vadd.s32 v1, v5;
	v29 =	vadd.s32 v1, v6;
	v5 =	vand.u32 $0xFFFFFF80, v24  }
0x435: {  	v7 =	vand.u32 $0x7F, v8;
	v6 =	vor.u32 $0x2, v1;
	v28 =	vadd.s32 v1, v5  }
0x436: {  	v25 =	vadd.s32 $0x14, v2;
	v22 =	vadd.s32 $0x15, v2;
	v5 =	vor.u32 v7, v12  }
0x437: {  	v19 =	vadd.s32 $0x16, v2;
	v8 =	vand.u32 $0xFFFFFF80, v22;
	v7 =	vand.u32 $0xFFFFFF80, v25  }
0x438: {  	v23 =	vadd.s32 v1, v8;
	v26 =	vadd.s32 v1, v7;
	v7 =	vand.u32 $0xFFFFFF80, v19  }
0x439: {  	v18 =	vadd.s32 $0x17, v2;
	v15 =	vadd.s32 $0x18, v2;
	v21 =	vadd.s32 v1, v7  }
0x43a: {  	v12 =	vadd.s32 $0x19, v2;
	[tilespmem:v6+s19+$0x0] =	vst.idx.msk $0xffff, v3;
	v3 =	vand.u32 $0xFFFFFF80, v18;
	v6 =	vand.u32 $0xFFFFFF80, v15  }
0x43b: {  	v5 =	vld.idx.msk [tilespmem:v5+s14+$0x0], $0xffff;
	v20 =	vadd.s32 v1, v3;
	v17 =	vadd.s32 v1, v6;
	v3 =	vand.u32 $0xFFFFFF80, v12  }
0x43c: {  	v8 =	vor.u32 $0x3, v1;
	v6 =	vand.u32 $0x7F, v9;
	v16 =	vadd.s32 v1, v3  }
0x43d: {  	v13 =	vadd.s32 $0x1A, v2;
	v10 =	vadd.s32 $0x1B, v2;
	v55 =	vor.u32 v6, v11  }
0x43e: {  	v7 =	vadd.s32 $0x1C, v2;
	v3 =	vand.u32 $0xFFFFFF80, v13;
	v6 =	vand.u32 $0xFFFFFF80, v10  }
0x43f: {  	v14 =	vadd.s32 v1, v3;
	v11 =	vadd.s32 v1, v6;
	v3 =	vand.u32 $0xFFFFFF80, v7  }
0x440: {  	v6 =	vadd.s32 $0x1D, v2;
	v9 =	vadd.s32 v1, v3;
	v3 =	vadd.s32 $0x1E, v2  }
0x441: {  	v2 =	vadd.s32 $0x1F, v2;
	v56 =	vand.u32 $0xFFFFFF80, v3;
	[tilespmem:v8+s19+$0x0] =	vst.idx.msk $0xffff, v5;
	v5 =	vand.u32 $0xFFFFFF80, v6  }
0x442: {  	v55 =	vld.idx.msk [tilespmem:v55+s14+$0x0], $0xffff;
	v8 =	vadd.s32 v1, v5;
	v5 =	vadd.s32 v1, v56;
	v56 =	vand.u32 $0xFFFFFF80, v2  }
0x443: {  	v57 =	vor.u32 $0x4, v1;
	v58 =	vand.u32 $0x7F, v4;
	v4 =	vadd.s32 v1, v56  }
0x444: {  	v54 =	vor.u32 v58, v54;
	_ =	sdelay $0x3  }
0x445: {  	[tilespmem:v57+s19+$0x0] =	vst.idx.msk $0xffff, v55  }
0x446: {  	v54 =	vld.idx.msk [tilespmem:v54+s14+$0x0], $0xffff  }
0x447: {  	v52 =	vand.u32 $0x7F, v52;
	v55 =	vor.u32 $0x5, v1  }
0x448: {  	v52 =	vor.u32 v52, v53;
	_ =	sdelay $0x3  }
0x449: {  	[tilespmem:v55+s19+$0x0] =	vst.idx.msk $0xffff, v54  }
0x44a: {  	v52 =	vld.idx.msk [tilespmem:v52+s14+$0x0], $0xffff  }
0x44b: {  	v48 =	vand.u32 $0x7F, v48;
	v53 =	vor.u32 $0x6, v1  }
0x44c: {  	v48 =	vor.u32 v48, v51;
	_ =	sdelay $0x3  }
0x44d: {  	[tilespmem:v53+s19+$0x0] =	vst.idx.msk $0xffff, v52  }
0x44e: {  	v48 =	vld.idx.msk [tilespmem:v48+s14+$0x0], $0xffff  }
0x44f: {  	v51 =	vor.u32 $0x7, v1;
	v49 =	vand.u32 $0x7F, v49  }
0x450: {  	v49 =	vor.u32 v49, v50;
	_ =	sdelay $0x3  }
0x451: {  	[tilespmem:v51+s19+$0x0] =	vst.idx.msk $0xffff, v48  }
0x452: {  	v48 =	vld.idx.msk [tilespmem:v49+s14+$0x0], $0xffff  }
0x453: {  	v46 =	vand.u32 $0x7F, v46;
	v49 =	vor.u32 $0x8, v1  }
0x454: {  	v46 =	vor.u32 v46, v47;
	_ =	sdelay $0x3  }
0x455: {  	[tilespmem:v49+s19+$0x0] =	vst.idx.msk $0xffff, v48  }
0x456: {  	v46 =	vld.idx.msk [tilespmem:v46+s14+$0x0], $0xffff  }
0x457: {  	v43 =	vand.u32 $0x7F, v43;
	v47 =	vor.u32 $0x9, v1  }
0x458: {  	v43 =	vor.u32 v43, v45;
	_ =	sdelay $0x3  }
0x459: {  	[tilespmem:v47+s19+$0x0] =	vst.idx.msk $0xffff, v46  }
0x45a: {  	v43 =	vld.idx.msk [tilespmem:v43+s14+$0x0], $0xffff  }
0x45b: {  	v45 =	vor.u32 $0xA, v1;
	v42 =	vand.u32 $0x7F, v42  }
0x45c: {  	v42 =	vor.u32 v42, v44;
	_ =	sdelay $0x3  }
0x45d: {  	[tilespmem:v45+s19+$0x0] =	vst.idx.msk $0xffff, v43  }
0x45e: {  	v42 =	vld.idx.msk [tilespmem:v42+s14+$0x0], $0xffff  }
0x45f: {  	v39 =	vand.u32 $0x7F, v39;
	v43 =	vor.u32 $0xB, v1  }
0x460: {  	v39 =	vor.u32 v39, v41;
	_ =	sdelay $0x3  }
0x461: {  	[tilespmem:v43+s19+$0x0] =	vst.idx.msk $0xffff, v42  }
0x462: {  	v39 =	vld.idx.msk [tilespmem:v39+s14+$0x0], $0xffff  }
0x463: {  	v41 =	vor.u32 $0xC, v1;
	v36 =	vand.u32 $0x7F, v36  }
0x464: {  	v36 =	vor.u32 v36, v40;
	_ =	sdelay $0x3  }
0x465: {  	[tilespmem:v41+s19+$0x0] =	vst.idx.msk $0xffff, v39  }
0x466: {  	v36 =	vld.idx.msk [tilespmem:v36+s14+$0x0], $0xffff  }
0x467: {  	v37 =	vand.u32 $0x7F, v37;
	v39 =	vor.u32 $0xD, v1  }
0x468: {  	v37 =	vor.u32 v37, v38;
	_ =	sdelay $0x3  }
0x469: {  	[tilespmem:v39+s19+$0x0] =	vst.idx.msk $0xffff, v36  }
0x46a: {  	v36 =	vld.idx.msk [tilespmem:v37+s14+$0x0], $0xffff  }
0x46b: {  	v34 =	vand.u32 $0x7F, v34;
	v37 =	vor.u32 $0xE, v1  }
0x46c: {  	v34 =	vor.u32 v34, v35;
	_ =	sdelay $0x3  }
0x46d: {  	[tilespmem:v37+s19+$0x0] =	vst.idx.msk $0xffff, v36  }
0x46e: {  	v34 =	vld.idx.msk [tilespmem:v34+s14+$0x0], $0xffff  }
0x46f: {  	v31 =	vand.u32 $0x7F, v31;
	v35 =	vor.u32 $0xF, v1  }
0x470: {  	v31 =	vor.u32 v31, v33;
	_ =	sdelay $0x3  }
0x471: {  	[tilespmem:v35+s19+$0x0] =	vst.idx.msk $0xffff, v34  }
0x472: {  	v31 =	vld.idx.msk [tilespmem:v31+s14+$0x0], $0xffff  }
0x473: {  	v33 =	vor.u32 $0x10, v1;
	v30 =	vand.u32 $0x7F, v30  }
0x474: {  	v30 =	vor.u32 v30, v32;
	_ =	sdelay $0x3  }
0x475: {  	[tilespmem:v33+s19+$0x0] =	vst.idx.msk $0xffff, v31  }
0x476: {  	v30 =	vld.idx.msk [tilespmem:v30+s14+$0x0], $0xffff  }
0x477: {  	v27 =	vand.u32 $0x7F, v27;
	v31 =	vor.u32 $0x11, v1  }
0x478: {  	v27 =	vor.u32 v27, v29;
	_ =	sdelay $0x3  }
0x479: {  	[tilespmem:v31+s19+$0x0] =	vst.idx.msk $0xffff, v30  }
0x47a: {  	v27 =	vld.idx.msk [tilespmem:v27+s14+$0x0], $0xffff  }
0x47b: {  	v24 =	vand.u32 $0x7F, v24;
	v29 =	vor.u32 $0x12, v1  }
0x47c: {  	v24 =	vor.u32 v24, v28;
	_ =	sdelay $0x3  }
0x47d: {  	[tilespmem:v29+s19+$0x0] =	vst.idx.msk $0xffff, v27  }
0x47e: {  	v24 =	vld.idx.msk [tilespmem:v24+s14+$0x0], $0xffff  }
0x47f: {  	v25 =	vand.u32 $0x7F, v25;
	v27 =	vor.u32 $0x13, v1  }
0x480: {  	v25 =	vor.u32 v25, v26;
	_ =	sdelay $0x3  }
0x481: {  	[tilespmem:v27+s19+$0x0] =	vst.idx.msk $0xffff, v24  }
0x482: {  	v24 =	vld.idx.msk [tilespmem:v25+s14+$0x0], $0xffff  }
0x483: {  	v22 =	vand.u32 $0x7F, v22;
	v25 =	vor.u32 $0x14, v1  }
0x484: {  	v22 =	vor.u32 v22, v23;
	_ =	sdelay $0x3  }
0x485: {  	[tilespmem:v25+s19+$0x0] =	vst.idx.msk $0xffff, v24  }
0x486: {  	v22 =	vld.idx.msk [tilespmem:v22+s14+$0x0], $0xffff  }
0x487: {  	v23 =	vor.u32 $0x15, v1;
	v19 =	vand.u32 $0x7F, v19  }
0x488: {  	v19 =	vor.u32 v19, v21;
	_ =	sdelay $0x3  }
0x489: {  	[tilespmem:v23+s19+$0x0] =	vst.idx.msk $0xffff, v22  }
0x48a: {  	v19 =	vld.idx.msk [tilespmem:v19+s14+$0x0], $0xffff  }
0x48b: {  	v21 =	vor.u32 $0x16, v1;
	v18 =	vand.u32 $0x7F, v18  }
0x48c: {  	v18 =	vor.u32 v18, v20;
	_ =	sdelay $0x3  }
0x48d: {  	[tilespmem:v21+s19+$0x0] =	vst.idx.msk $0xffff, v19  }
0x48e: {  	v18 =	vld.idx.msk [tilespmem:v18+s14+$0x0], $0xffff  }
0x48f: {  	v15 =	vand.u32 $0x7F, v15;
	v19 =	vor.u32 $0x17, v1  }
0x490: {  	v15 =	vor.u32 v15, v17;
	_ =	sdelay $0x3  }
0x491: {  	[tilespmem:v19+s19+$0x0] =	vst.idx.msk $0xffff, v18  }
0x492: {  	v15 =	vld.idx.msk [tilespmem:v15+s14+$0x0], $0xffff  }
0x493: {  	v12 =	vand.u32 $0x7F, v12;
	v17 =	vor.u32 $0x18, v1  }
0x494: {  	v12 =	vor.u32 v12, v16;
	_ =	sdelay $0x3  }
0x495: {  	[tilespmem:v17+s19+$0x0] =	vst.idx.msk $0xffff, v15  }
0x496: {  	v12 =	vld.idx.msk [tilespmem:v12+s14+$0x0], $0xffff  }
0x497: {  	v13 =	vand.u32 $0x7F, v13;
	v15 =	vor.u32 $0x19, v1  }
0x498: {  	v13 =	vor.u32 v13, v14;
	_ =	sdelay $0x3  }
0x499: {  	[tilespmem:v15+s19+$0x0] =	vst.idx.msk $0xffff, v12  }
0x49a: {  	v12 =	vld.idx.msk [tilespmem:v13+s14+$0x0], $0xffff  }
0x49b: {  	v10 =	vand.u32 $0x7F, v10;
	v13 =	vor.u32 $0x1A, v1  }
0x49c: {  	v10 =	vor.u32 v10, v11;
	_ =	sdelay $0x3  }
0x49d: {  	[tilespmem:v13+s19+$0x0] =	vst.idx.msk $0xffff, v12  }
0x49e: {  	v10 =	vld.idx.msk [tilespmem:v10+s14+$0x0], $0xffff  }
0x49f: {  	v7 =	vand.u32 $0x7F, v7;
	v11 =	vor.u32 $0x1B, v1  }
0x4a0: {  	v7 =	vor.u32 v7, v9;
	_ =	sdelay $0x3  }
0x4a1: {  	[tilespmem:v11+s19+$0x0] =	vst.idx.msk $0xffff, v10  }
0x4a2: {  	v7 =	vld.idx.msk [tilespmem:v7+s14+$0x0], $0xffff  }
0x4a3: {  	v9 =	vor.u32 $0x1C, v1;
	v6 =	vand.u32 $0x7F, v6  }
0x4a4: {  	v6 =	vor.u32 v6, v8;
	_ =	sdelay $0x3  }
0x4a5: {  	[tilespmem:v9+s19+$0x0] =	vst.idx.msk $0xffff, v7  }
0x4a6: {  	v6 =	vld.idx.msk [tilespmem:v6+s14+$0x0], $0xffff  }
0x4a7: {  	v3 =	vand.u32 $0x7F, v3;
	v7 =	vor.u32 $0x1D, v1  }
0x4a8: {  	v3 =	vor.u32 v3, v5;
	_ =	sdelay $0x3  }
0x4a9: {  	[tilespmem:v7+s19+$0x0] =	vst.idx.msk $0xffff, v6  }
0x4aa: {  	v3 =	vld.idx.msk [tilespmem:v3+s14+$0x0], $0xffff  }
0x4ab: {  	v2 =	vand.u32 $0x7F, v2;
	v5 =	vor.u32 $0x1E, v1  }
0x4ac: {  	v2 =	vor.u32 v2, v4;
	_ =	sdelay $0x1  }
.Ltmp3:
0x4ad: {  	(pc) =	sbr.rel @p0 .LBB2_8-.Ltmp3, $4  }
0x4ae: {  	_ = 	snop  }
0x4af: {  	[tilespmem:v5+s19+$0x0] =	vst.idx.msk $0xffff, v3  }
0x4b0: {  	v2 =	vld.idx.msk [tilespmem:v2+s14+$0x0], $0xffff  }
0x4b1: {  	v1 =	vor.u32 $0x1F, v1  }
0x4b2: {  	_ =	sdelay $0x3  }
0x4b3: {  	s23 =	sadd.s32 $0x1, s23;
	[tilespmem:v1+s19+$0x0] =	vst.idx.msk $0xffff, v2  }
0x4b4: {  	[hbm4b:s9+s2] =	stream.linear.scatter [tilespmem:s19], [sflag:$0x5], $0x4000, $0x38;
	[tilespmem:$0x10400] =	vst v63  }
0x4b5: {  	p0 =	sne.s32 s23, s10;
	_ =	swait.ge [sflag:s21], $0x4000  }
.Ltmp4:
0x4b6: {  	[sflag:s21] =	ssyncset.done $0x0;
	(pc) =	sbr.rel @p0 .LBB2_1-.Ltmp4, $4  }
0x4b7: {  	[sflag:s21] =	ssyncadd.s32 $0xFFFFC000  }
0x4b8: {  	_ =	swait.ge [sflag:s22], $0x4000  }
0x4b9: {  	[sflag:s22] =	ssyncset.done $0x0  }
0x4ba: {  	[sflag:s22] =	ssyncadd.s32 $0xFFFFC000  }
0x4bb: {  	_ =	sfence.sel $0x180000  }
0x4bc: {  	[bflag:$0x0] =	sbarrier.arrive $0xFFFF  }
0x4bd: {  	p0 =	sne.s32 s1, $0x0;
	_ =	strace $0x90000047  }
0x4be: {  	s0 =	sadd.s32 @!p0 $0x100000, s0;
	[bflag:$0x2] =	sbarrier.arrive $0xFFFF  }
0x4bf: {  	[sflag:s0] =	ssyncadd.tile.s32 @!p0 $0x1;
	_ =	shalt  }
.Lfunc_end2:
_tile_overlayer_lowered:
.L_overlay_start_2:
0x4c0: {  	(tag) =	ssettag $0x2  }
0x4c1: {  	s0 =	rddreg [dreg:$0x0];
	s2 =	stileid.u32  }
0x4c2: {  	s1 =	rddreg [dreg:$0x1];
	p0 =	sne.s32 s2, $0x0  }
0x4c3: {  	s3 =	rddreg [dreg:$0x2];
	[bflag:$0x3] =	sbarrier.arrive $0xFFFF;
	s2 =	simm.s32 @!p0 $0x1C06  }
0x4c4: {  	[timem:s3], [sflag:s2] =	dma.local @!p0 [hbm:s0], s1  }
0x4c5: {  	s0 =	simm.s32 @!p0 $0x6  }
0x4c6: {  	_ =	swait.ge @!p0 [sflag:s0], s1  }
0x4c7: {  	s1 =	ssub.s32 @!p0 $0x0, s1;
	[sflag:s0] =	ssyncset.done @!p0 $0x0  }
0x4c8: {  	[sflag:s0] =	ssyncadd.s32 @!p0 s1  }
0x4c9: {  	[bflag:$0x3] =	sbarrier.arrive $0xFFFF  }
0x4ca: {  	_ =	shalt  }

</sc_bundles>
